<compile_context>
chip_gen: v7x
topology: tpu7x:2x2x1
jax: 0.10.2.dev20260603
libtpu: 0.0.44.dev20260713+nightly
codegen_flags: <defaults>
</compile_context>

<pallas_src>
import functools

import jax
import jax.numpy as jnp
from jax import lax
from jax.experimental import pallas as pl
from jax.experimental.pallas import tpu as pltpu
from jax.experimental.pallas import tpu_sc as plsc

N = 10000
M = 2000
D = 128
E_HE = 64000
E_NH = 192000

NW = 32
CH = 128

MP = 2048
NP = 12032
EHE_P = NW * 16 * CH
ENH_P = NW * 48 * CH
NOUT_P = 10240



def _xl_body(x_ref, w_ref, o_ref):
    o_ref[...] = jnp.dot(x_ref[...], w_ref[...],
                         preferred_element_type=jnp.float32)


def _xe_body(h_ref, xl_ref, o_ref):
    h = h_ref[...]
    acc = jnp.dot(h, xl_ref[...], preferred_element_type=jnp.float32)
    rs = jnp.sum(h, axis=1, keepdims=True)
    o_ref[...] = acc / (rs + 0.01)


def _xh_body(xe_ref, g0_ref, g1_ref, cntp_ref, wct_ref, wcb_ref, o_ref):
    xe = xe_ref[...]
    g = g0_ref[...] + g1_ref[...]
    cnt = jnp.sum(cntp_ref[...], axis=1, keepdims=True)
    gm = g / jnp.maximum(cnt, 1.0)
    val = jnp.dot(xe, wct_ref[...], preferred_element_type=jnp.float32) \
        + jnp.dot(gm, wcb_ref[...], preferred_element_type=jnp.float32)
    o_ref[...] = jnp.where(cnt > 0.0, val, 0.0)


def _red_body(xc_ref, sp_ref, cdp_ref, csp_ref, s_ref, r_ref):
    i = pl.program_id(0)
    xc = xc_ref[...]
    s = sp_ref[0] + sp_ref[1]
    cd = jnp.sum(cdp_ref[...], axis=1, keepdims=True)
    cs = jnp.sum(csp_ref[...], axis=1, keepdims=True)
    s_ref[...] = s

    @pl.when(i == 0)
    def _():
        r_ref[...] = jnp.zeros_like(r_ref)

    xc2 = xc * xc
    r_ref[0:1, :] += jnp.sum(xc * s, axis=0, keepdims=True)
    r_ref[1:2, :] += jnp.sum(cd * xc2, axis=0, keepdims=True)
    r_ref[2:3, :] += jnp.sum(cs * xc2, axis=0, keepdims=True)


def _xv_body(s_ref, cdp_ref, r_ref, o_ref):
    eps = 1e-8
    num = r_ref[0:1, :]
    den = jnp.maximum(jnp.sqrt(r_ref[1:2, :]), eps) * \
        jnp.maximum(jnp.sqrt(r_ref[2:3, :]), eps)
    one_m_cos = 1.0 - num / den
    cd = jnp.sum(cdp_ref[...], axis=1, keepdims=True)
    o_ref[...] = one_m_cos * s_ref[...] / jnp.maximum(cd, 1.0)



def _make_segsum(table_rows, chunks, nhist, ch=64, xh_rows=0, xh_chunks=0,
                 chunks1=None):
    tp16 = table_rows // 16
    mesh = plsc.VectorSubcoreMesh(core_axis_name="c", subcore_axis_name="s")
    out_type = [jax.ShapeDtypeStruct((2, table_rows, 128), jnp.float32)]
    if nhist:
        out_type.append(
            jax.ShapeDtypeStruct((nhist, NW, table_rows), jnp.float32))
    if xh_rows:
        out_type.append(
            jax.ShapeDtypeStruct((2, NW, xh_rows), jnp.float32))
    scratch = [
        pltpu.VMEM((4, 2, ch), jnp.int32),
        pltpu.VMEM((4, ch, 128), jnp.float32),
    ] + [pltpu.VMEM((table_rows,), jnp.float32) for _ in range(nhist)] + ([
        pltpu.VMEM((xh_chunks, 2, ch), jnp.int32),
        pltpu.VMEM((xh_rows,), jnp.float32),
        pltpu.VMEM((xh_rows,), jnp.float32),
    ] if xh_rows else []) + [
        pltpu.VMEM_SHARED((table_rows, 128), jnp.float32),
    ] + [pltpu.SemaphoreType.DMA] * 8

    @functools.partial(pl.kernel, mesh=mesh, out_type=out_type,
                       scratch_types=scratch,
                       compiler_params=pltpu.CompilerParams(
                           needs_layout_passes=False))
    def k(table, sd_h, *rest):
        if xh_rows:
            sd2_h, rest = rest[0], rest[1:]
        zeros_h, s_out = rest[:2]
        rest = rest[2:]
        if nhist:
            h_out, rest = rest[0], rest[1:]
        if xh_rows:
            xh_out, rest = rest[0], rest[1:]
        ibuf, rows = rest[:2]
        hists = rest[2:2 + nhist]
        rest = rest[2 + nhist:]
        if xh_rows:
            sd2, xh0, xh1 = rest[:3]
            rest = rest[3:]
        acc = rest[0]
        isem = rest[1:5]
        gsem = rest[5:9]
        c = lax.axis_index("c")
        s = lax.axis_index("s")
        wid = c * 16 + s
        if chunks1 is None:
            base = wid * chunks
            nquads = chunks // 4
        else:
            base = jnp.where(c == 0, s * chunks, 16 * chunks + s * chunks1)
            nquads = jnp.where(c == 0, chunks // 4, chunks1 // 4)
        rsl = pl.ds(s * tp16, tp16)
        pltpu.sync_copy(zeros_h.at[rsl], acc.at[rsl])
        if xh_rows:
            pltpu.sync_copy(sd2_h.at[pl.ds(wid * xh_chunks, xh_chunks)], sd2)
        z16 = jnp.zeros((16,), jnp.float32)
        if nhist:
            def zloop(i, _):
                for h in range(nhist):
                    hists[h][pl.ds(i * 16, 16)] = z16
                return 0
            lax.fori_loop(0, table_rows // 16, zloop, 0)
        if xh_rows:
            def z2loop(i, _):
                xh0[pl.ds(i * 16, 16)] = z16
                xh1[pl.ds(i * 16, 16)] = z16
                return 0
            lax.fori_loop(0, xh_rows // 16, z2loop, 0)
        plsc.subcore_barrier()

        ones = jnp.full((16,), 1.0, jnp.float32)

        def hist_update(b):
            for v in range(ch // 16):
                dv = ibuf[b, 1, pl.ds(v * 16, 16)]
                plsc.addupdate_scatter(hists[0], [dv], ones)
                if nhist == 2:
                    sv = ibuf[b, 0, pl.ds(v * 16, 16)]
                    plsc.addupdate_scatter(hists[1], [sv], ones)

        xh_per = xh_chunks // chunks if xh_rows else 0

        def xhist_update(j):
            def xrow(i, _):
                for v in range(ch // 16):
                    dv = sd2[i, 1, pl.ds(v * 16, 16)]
                    plsc.addupdate_scatter(xh0, [dv], ones)
                    sv = sd2[i, 0, pl.ds(v * 16, 16)]
                    plsc.addupdate_scatter(xh1, [sv], ones)
                return 0
            lax.fori_loop(j * xh_per, (j + 1) * xh_per, xrow, 0)

        def idx_wait(b):
            pltpu.make_async_copy(sd_h.at[base], ibuf.at[b], isem[b]).wait()

        def gth(b):
            pltpu.async_copy(table.at[ibuf.at[b, 0]], rows.at[b], gsem[b])

        def gth_wait(b):
            pltpu.make_async_copy(table.at[ibuf.at[b, 0]],
                                  rows.at[b], gsem[b]).wait()

        for b in range(4):
            pltpu.async_copy(sd_h.at[base + b], ibuf.at[b], isem[b])
        idx_wait(0)
        gth(0)

        def body(q, _):
            j0 = 4 * q
            for b in range(1, 4):
                idx_wait(b)
                gth(b)
            for b in range(4):
                gth_wait(b)
                pltpu.sync_copy(rows.at[b], acc.at[ibuf.at[b, 1]], add=True)
                if nhist:
                    hist_update(b)
                if xh_rows:
                    xhist_update(j0 + b)

                @pl.when(q + 1 < nquads)
                def _():
                    pltpu.async_copy(sd_h.at[base + j0 + 4 + b],
                                     ibuf.at[b], isem[b])
                    if b == 0:
                        idx_wait(0)
                        gth(0)
            return 0
        lax.fori_loop(0, nquads, body, 0)

        for h in range(nhist):
            pltpu.sync_copy(hists[h], h_out.at[h, wid])
        if xh_rows:
            pltpu.sync_copy(xh0, xh_out.at[0, wid])
            pltpu.sync_copy(xh1, xh_out.at[1, wid])
        plsc.subcore_barrier()
        pltpu.sync_copy(acc.at[rsl], s_out.at[c, rsl])

    return k


def _make_out_gather():
    mesh = plsc.VectorSubcoreMesh(core_axis_name="c", subcore_axis_name="s")
    out_type = jax.ShapeDtypeStruct((NOUT_P, 128), jnp.float32)
    scratch = [
        pltpu.VMEM((4, 80), jnp.int32),
        pltpu.VMEM((320, 128), jnp.float32),
        pltpu.VMEM((320, 128), jnp.float32),
        pltpu.SemaphoreType.DMA,
    ]

    @functools.partial(pl.kernel, mesh=mesh, out_type=out_type,
                       scratch_types=scratch,
                       compiler_params=pltpu.CompilerParams(
                           needs_layout_passes=False))
    def k(xv_h, idx_h, xl_h, o_h, idx, rows, xlb, sem):
        c = lax.axis_index("c")
        s = lax.axis_index("s")
        wid = c * 16 + s
        pltpu.sync_copy(idx_h.at[pl.ds(wid * 4, 4)], idx)
        cps = [pltpu.async_copy(xv_h.at[idx.at[j]],
                                rows.at[pl.ds(j * 80, 80)], sem)
               for j in range(4)]
        cps.append(pltpu.async_copy(xl_h.at[pl.ds(wid * 320, 320)], xlb, sem))
        for cp in cps:
            cp.wait()

        def body(r, _):
            for v in range(8):
                sl = pl.ds(v * 16, 16)
                rows[r, sl] += xlb[r, sl]
            return 0
        lax.fori_loop(0, 320, body, 0)
        pltpu.sync_copy(rows, o_h.at[pl.ds(wid * 320, 320)])

    return k


_segsum_he = _make_segsum(MP, 32, 1, xh_rows=NP, xh_chunks=96)
_segsum_nh = _make_segsum(NP, 84, 0, chunks1=108)
_out_gather = _make_out_gather()



def kernel(X, H, E, edge_node_he, index, W, Wc):
    f32 = jnp.float32
    X = X.astype(f32)
    H = H.astype(f32)
    W = W.astype(f32)
    Wc = Wc.astype(f32)

    Xl = pl.pallas_call(
        _xl_body,
        grid=(25,),
        in_specs=[pl.BlockSpec((400, 128), lambda i: (i, 0)),
                  pl.BlockSpec((128, 128), lambda i: (0, 0))],
        out_specs=pl.BlockSpec((400, 128), lambda i: (i, 0)),
        out_shape=jax.ShapeDtypeStruct((N, 128), f32),
    )(X, W)

    Xe = pl.pallas_call(
        _xe_body,
        grid=(10,),
        in_specs=[pl.BlockSpec((200, N), lambda i: (i, 0)),
                  pl.BlockSpec((N, 128), lambda i: (0, 0))],
        out_specs=pl.BlockSpec((200, 128), lambda i: (i, 0)),
        out_shape=jax.ShapeDtypeStruct((M, 128), f32),
    )(H, Xl)

    Xe_pad = jnp.pad(Xe, ((0, MP - M), (0, 0)))

    src = jnp.pad(E[0].astype(jnp.int32), (0, EHE_P - E_HE))
    dst = jnp.pad(E[1].astype(jnp.int32), (0, EHE_P - E_HE),
                  constant_values=M + 8)
    s2 = jnp.pad(edge_node_he[0].astype(jnp.int32), (0, ENH_P - E_NH))
    d2 = jnp.pad(edge_node_he[1].astype(jnp.int32), (0, ENH_P - E_NH),
                 constant_values=N + M + 8)
    sd_nh = jnp.stack([s2.reshape(-1, 64), d2.reshape(-1, 64)], axis=1)
    sd_he = jnp.stack([src.reshape(-1, 64), dst.reshape(-1, 64)], axis=1)
    g_part, cnth_part, cnt_part = _segsum_he(
        Xe_pad, sd_he, sd_nh, jnp.zeros((MP, 128), f32))
    cnth_t = jnp.swapaxes(cnth_part[0], 0, 1)

    Xh_pad = pl.pallas_call(
        _xh_body,
        grid=(4,),
        in_specs=[pl.BlockSpec((512, 128), lambda i: (i, 0)),
                  pl.BlockSpec((512, 128), lambda i: (i, 0)),
                  pl.BlockSpec((512, 128), lambda i: (i, 0)),
                  pl.BlockSpec((512, NW), lambda i: (i, 0)),
                  pl.BlockSpec((D, 128), lambda i: (0, 0)),
                  pl.BlockSpec((D, 128), lambda i: (0, 0))],
        out_specs=pl.BlockSpec((512, 128), lambda i: (i, 0)),
        out_shape=jax.ShapeDtypeStruct((MP, 128), f32),
    )(Xe_pad, g_part[0], g_part[1], cnth_t,
      Wc[:D] + jnp.eye(D, dtype=f32), Wc[D:])

    Xc = jnp.concatenate(
        [Xl, Xh_pad[:M], jnp.zeros((NP - N - M, 128), f32)], axis=0)

    (s_part,) = _segsum_nh(Xc, sd_nh, jnp.zeros((NP, 128), f32))
    cd_t = jnp.swapaxes(cnt_part[0], 0, 1)
    cs_t = jnp.swapaxes(cnt_part[1], 0, 1)

    S_tot, red = pl.pallas_call(
        _red_body,
        grid=(94,),
        in_specs=[pl.BlockSpec((128, 128), lambda i: (i, 0)),
                  pl.BlockSpec((2, 128, 128), lambda i: (0, i, 0)),
                  pl.BlockSpec((128, NW), lambda i: (i, 0)),
                  pl.BlockSpec((128, NW), lambda i: (i, 0))],
        out_specs=[pl.BlockSpec((128, 128), lambda i: (i, 0)),
                   pl.BlockSpec((8, 128), lambda i: (0, 0))],
        out_shape=[jax.ShapeDtypeStruct((NP, 128), f32),
                   jax.ShapeDtypeStruct((8, 128), f32)],
    )(Xc, s_part, cd_t, cs_t)

    Xv = pl.pallas_call(
        _xv_body,
        grid=(94,),
        in_specs=[pl.BlockSpec((128, 128), lambda i: (i, 0)),
                  pl.BlockSpec((128, NW), lambda i: (i, 0)),
                  pl.BlockSpec((8, 128), lambda i: (0, 0))],
        out_specs=pl.BlockSpec((128, 128), lambda i: (i, 0)),
        out_shape=jax.ShapeDtypeStruct((NP, 128), f32),
    )(S_tot, cd_t, red)

    idxp = jnp.pad(index.astype(jnp.int32), (0, NOUT_P - N)).reshape(-1, 80)
    Xl_pad = jnp.pad(Xl, ((0, NOUT_P - N), (0, 0)))
    out = _out_gather(Xv, idxp, Xl_pad)
    return out[:N]

# --- scband reference (transcript-rebuilt; emitter-appended) ---
"""Pipeline reference for scband-uni-sageconv2-25048249270509 (READ-ONLY COPY).

The authoritative reference and input builder live on the scoring server;
editing this copy changes nothing except your own understanding.
"""

import jax, jax.numpy as jnp
import numpy as np

N = 10000
M = 2000
IN_CH = 128
HEADS = 8
OUT_CH = 16
D = HEADS * OUT_CH  # 128
E_HE = 64000
E_NH = 192000


def segment_mean(data, segment_ids, num_segments):
    s = jax.ops.segment_sum(data, segment_ids, num_segments=num_segments)
    cnt = jax.ops.segment_sum(jnp.ones((data.shape[0], 1), dtype=data.dtype), segment_ids, num_segments=num_segments)
    return s / jnp.maximum(cnt, 1.0)


def setup_inputs(seed: int = 0) -> dict:
    key = jax.random.key(seed)
    k1, k2, k3, k4, k5, k6, k7 = jax.random.split(key, 7)
    X = jax.random.normal(k1, (N, IN_CH), dtype=jnp.float32)
    H = jax.random.uniform(k2, (M, N), dtype=jnp.float32)
    E = jax.random.randint(k3, (2, E_HE), 0, M, dtype=jnp.int64)
    edge_node_he = jax.random.randint(k4, (2, E_NH), 0, N + M, dtype=jnp.int64)
    index = jax.random.randint(k5, (N,), 0, N + M, dtype=jnp.int64)
    # learned params
    W = jax.random.normal(k6, (IN_CH, D), dtype=jnp.float32) * (1.0 / np.sqrt(IN_CH))
    Wc = jax.random.normal(k7, (2 * D, D), dtype=jnp.float32) * (1.0 / np.sqrt(2 * D))
    return {"X": X, "H": H, "E": E, "edge_node_he": edge_node_he, "index": index, "W": W, "Wc": Wc}


def reference(X, H, E, edge_node_he, index, W, Wc):
    # X = self.W(X)
    Xl = X @ W  # [N, D]
    # Xe = H @ X / (row-sum(H) + 0.01)
    Xe = (H @ Xl) / (jnp.sum(H, axis=1, keepdims=True) + 0.01)  # [M, D]
    # ContrastConv (mean aggregation): x_j = src, x_i = dst
    src, dst = E[0], E[1]
    x_j = Xe[src]
    x_i = Xe[dst]
    msg = jnp.concatenate([x_i, x_j], axis=-1) @ Wc + x_i
    Xh = segment_mean(msg, dst, M)  # [M, D]
    # Xc = cat(X, Xh)
    Xc = jnp.concatenate([Xl, Xh], axis=0)  # [N+M, D]
    # Att_Agg: cosine similarity computed over dim=0 (edge dim), per feature column
    s2, d2 = edge_node_he[0], edge_node_he[1]
    a_j = Xc[s2]  # [E_NH, D]
    a_i = Xc[d2]  # [E_NH, D]
    eps = 1e-8
    num = jnp.sum(a_i * a_j, axis=0)  # [D]
    den = jnp.maximum(jnp.linalg.norm(a_i, axis=0), eps) * jnp.maximum(jnp.linalg.norm(a_j, axis=0), eps)
    cos = num / den  # [D]
    t = (1.0 - cos)[None, :] * a_j  # [E_NH, D]
    Xv = segment_mean(t, d2, N + M)  # [N+M, D]
    Xn = jnp.take(Xv, index, axis=0)  # [N, D]
    return Xl + Xn

if __name__ == "__main__":
    import jax
    _d = setup_inputs()
    print(jax.jit(kernel)(*tuple(_d.values())))

</pallas_src>

<mosaic_0001>
#map = affine_map<(d0, d1) -> (0, 0)>
module attributes {stable_mosaic.version = 14 : i64} {
  func.func @k(%arg0: i32, %arg1: i32, %arg2: memref<12032x128xf32, #tpu.memory_space<hbm>>, %arg3: memref<128x80xi32, #tpu.memory_space<hbm>>, %arg4: memref<10240x128xf32, #tpu.memory_space<hbm>>, %arg5: memref<10240x128xf32, #tpu.memory_space<hbm>>, %arg6: memref<4x80xi32, #tpu.memory_space<vmem>>, %arg7: memref<320x128xf32, #tpu.memory_space<vmem>>, %arg8: memref<320x128xf32, #tpu.memory_space<vmem>>, %arg9: memref<!tpu.dma_semaphore, #tpu.memory_space<semaphore_mem>>) attributes {dimension_semantics = [#tpu.dimension_semantics<core_parallel>, #tpu.dimension_semantics<subcore_parallel>], iteration_bounds = array<i64: 2, 16>, scalar_prefetch = 0 : i64, scratch_operands = 4 : i64, tpu.core_type = #tpu.core_type<sc_vector_subcore>, window_params = [{transform_indices = #map}, {transform_indices = #map}, {transform_indices = #map}, {transform_indices = #map}]} {
    %mul3A = arith.constant 16 : i32
    %mul3A_0 = arith.muli %arg0, %mul3A : i32
    %add3A = arith.addi %mul3A_0, %arg1 : i32
    %mul3A_1 = arith.constant 4 : i32
    %mul3A_2 = arith.muli %add3A, %mul3A_1 : i32
    "tpu.region"() ({
      %run_scoped3A = tpu.sem_alloc : memref<!tpu.dma_semaphore, #tpu.memory_space<semaphore_mem>>
      %dma_start3A_99 = arith.constant 0 : i32
      %dma_start3A_100 = tpu.memref_slice %arg3[%mul3A_2, %dma_start3A_99] : memref<128x80xi32, #tpu.memory_space<hbm>> -> memref<4x80xi32, #tpu.memory_space<hbm>>
      %dma_start3A_101 = arith.constant 0 : i32
      %dma_start3A_102 = tpu.memref_slice %arg3[%mul3A_2, %dma_start3A_101] : memref<128x80xi32, #tpu.memory_space<hbm>> -> memref<4x80xi32, #tpu.memory_space<hbm>>
      tpu.enqueue_dma source(%dma_start3A_102 : memref<4x80xi32, #tpu.memory_space<hbm>>) target(%arg6 : memref<4x80xi32, #tpu.memory_space<vmem>>) target_semaphore(%run_scoped3A : memref<!tpu.dma_semaphore, #tpu.memory_space<semaphore_mem>>)
      %dma_wait3A_103 = arith.constant 0 : i32
      %dma_wait3A_104 = tpu.memref_slice %arg3[%mul3A_2, %dma_wait3A_103] : memref<128x80xi32, #tpu.memory_space<hbm>> -> memref<4x80xi32, #tpu.memory_space<hbm>>
      %dma_wait3A_105 = arith.constant 0 : i32
      %dma_wait3A_106 = tpu.memref_slice %arg3[%mul3A_2, %dma_wait3A_105] : memref<128x80xi32, #tpu.memory_space<hbm>> -> memref<4x80xi32, #tpu.memory_space<hbm>>
      tpu.wait_dma2 semaphore(%run_scoped3A : memref<!tpu.dma_semaphore, #tpu.memory_space<semaphore_mem>>) src(%dma_wait3A_106 : memref<4x80xi32, #tpu.memory_space<hbm>>) dst(%arg6 : memref<4x80xi32, #tpu.memory_space<vmem>>)
      tpu.yield
    }) : () -> ()
    %dma_start3A = arith.constant 0 : i32
    %dma_start3A_3 = arith.constant 0 : i32
    %dma_start3A_4 = arith.constant 0 : i32
    %dma_start3A_5 = tpu.memref_slice %arg7[%dma_start3A_3, %dma_start3A_4] : memref<320x128xf32, #tpu.memory_space<vmem>> -> memref<80x128xf32, #tpu.memory_space<vmem>>
    %dma_start3A_6 = arith.constant 0 : i32
    %dma_start3A_7 = tpu.memref_slice %arg6[%dma_start3A, %dma_start3A_6] : memref<4x80xi32, #tpu.memory_space<vmem>> -> memref<1x80xi32, #tpu.memory_space<vmem>>
    %dma_start3A_8 = tpu.memref_squeeze %dma_start3A_7 : memref<1x80xi32, #tpu.memory_space<vmem>> -> memref<80xi32, #tpu.memory_space<vmem>>
    %dma_start3A_9 = arith.constant 0 : i32
    %dma_start3A_10 = arith.constant 0 : i32
    %dma_start3A_11 = tpu.memref_slice %arg2[%dma_start3A_9, %dma_start3A_10] : memref<12032x128xf32, #tpu.memory_space<hbm>> -> memref<12032x128xf32, #tpu.memory_space<hbm>>
    tpu.enqueue_indirect_dma source(%dma_start3A_11 : memref<12032x128xf32, #tpu.memory_space<hbm>>) target(%dma_start3A_5 : memref<80x128xf32, #tpu.memory_space<vmem>>) offsets(%dma_start3A_8 : memref<80xi32, #tpu.memory_space<vmem>>) semaphore(%arg9 : memref<!tpu.dma_semaphore, #tpu.memory_space<semaphore_mem>>)
    %dma_start3A_12 = arith.constant 1 : i32
    %dma_start3A_13 = arith.constant 80 : i32
    %dma_start3A_14 = arith.constant 0 : i32
    %dma_start3A_15 = tpu.memref_slice %arg7[%dma_start3A_13, %dma_start3A_14] : memref<320x128xf32, #tpu.memory_space<vmem>> -> memref<80x128xf32, #tpu.memory_space<vmem>>
    %dma_start3A_16 = arith.constant 0 : i32
    %dma_start3A_17 = tpu.memref_slice %arg6[%dma_start3A_12, %dma_start3A_16] : memref<4x80xi32, #tpu.memory_space<vmem>> -> memref<1x80xi32, #tpu.memory_space<vmem>>
    %dma_start3A_18 = tpu.memref_squeeze %dma_start3A_17 : memref<1x80xi32, #tpu.memory_space<vmem>> -> memref<80xi32, #tpu.memory_space<vmem>>
    %dma_start3A_19 = arith.constant 0 : i32
    %dma_start3A_20 = arith.constant 0 : i32
    %dma_start3A_21 = tpu.memref_slice %arg2[%dma_start3A_19, %dma_start3A_20] : memref<12032x128xf32, #tpu.memory_space<hbm>> -> memref<12032x128xf32, #tpu.memory_space<hbm>>
    tpu.enqueue_indirect_dma source(%dma_start3A_21 : memref<12032x128xf32, #tpu.memory_space<hbm>>) target(%dma_start3A_15 : memref<80x128xf32, #tpu.memory_space<vmem>>) offsets(%dma_start3A_18 : memref<80xi32, #tpu.memory_space<vmem>>) semaphore(%arg9 : memref<!tpu.dma_semaphore, #tpu.memory_space<semaphore_mem>>)
    %dma_start3A_22 = arith.constant 2 : i32
    %dma_start3A_23 = arith.constant 160 : i32
    %dma_start3A_24 = arith.constant 0 : i32
    %dma_start3A_25 = tpu.memref_slice %arg7[%dma_start3A_23, %dma_start3A_24] : memref<320x128xf32, #tpu.memory_space<vmem>> -> memref<80x128xf32, #tpu.memory_space<vmem>>
    %dma_start3A_26 = arith.constant 0 : i32
    %dma_start3A_27 = tpu.memref_slice %arg6[%dma_start3A_22, %dma_start3A_26] : memref<4x80xi32, #tpu.memory_space<vmem>> -> memref<1x80xi32, #tpu.memory_space<vmem>>
    %dma_start3A_28 = tpu.memref_squeeze %dma_start3A_27 : memref<1x80xi32, #tpu.memory_space<vmem>> -> memref<80xi32, #tpu.memory_space<vmem>>
    %dma_start3A_29 = arith.constant 0 : i32
    %dma_start3A_30 = arith.constant 0 : i32
    %dma_start3A_31 = tpu.memref_slice %arg2[%dma_start3A_29, %dma_start3A_30] : memref<12032x128xf32, #tpu.memory_space<hbm>> -> memref<12032x128xf32, #tpu.memory_space<hbm>>
    tpu.enqueue_indirect_dma source(%dma_start3A_31 : memref<12032x128xf32, #tpu.memory_space<hbm>>) target(%dma_start3A_25 : memref<80x128xf32, #tpu.memory_space<vmem>>) offsets(%dma_start3A_28 : memref<80xi32, #tpu.memory_space<vmem>>) semaphore(%arg9 : memref<!tpu.dma_semaphore, #tpu.memory_space<semaphore_mem>>)
    %dma_start3A_32 = arith.constant 3 : i32
    %dma_start3A_33 = arith.constant 240 : i32
    %dma_start3A_34 = arith.constant 0 : i32
    %dma_start3A_35 = tpu.memref_slice %arg7[%dma_start3A_33, %dma_start3A_34] : memref<320x128xf32, #tpu.memory_space<vmem>> -> memref<80x128xf32, #tpu.memory_space<vmem>>
    %dma_start3A_36 = arith.constant 0 : i32
    %dma_start3A_37 = tpu.memref_slice %arg6[%dma_start3A_32, %dma_start3A_36] : memref<4x80xi32, #tpu.memory_space<vmem>> -> memref<1x80xi32, #tpu.memory_space<vmem>>
    %dma_start3A_38 = tpu.memref_squeeze %dma_start3A_37 : memref<1x80xi32, #tpu.memory_space<vmem>> -> memref<80xi32, #tpu.memory_space<vmem>>
    %dma_start3A_39 = arith.constant 0 : i32
    %dma_start3A_40 = arith.constant 0 : i32
    %dma_start3A_41 = tpu.memref_slice %arg2[%dma_start3A_39, %dma_start3A_40] : memref<12032x128xf32, #tpu.memory_space<hbm>> -> memref<12032x128xf32, #tpu.memory_space<hbm>>
    tpu.enqueue_indirect_dma source(%dma_start3A_41 : memref<12032x128xf32, #tpu.memory_space<hbm>>) target(%dma_start3A_35 : memref<80x128xf32, #tpu.memory_space<vmem>>) offsets(%dma_start3A_38 : memref<80xi32, #tpu.memory_space<vmem>>) semaphore(%arg9 : memref<!tpu.dma_semaphore, #tpu.memory_space<semaphore_mem>>)
    %mul3A_42 = arith.constant 320 : i32
    %mul3A_43 = arith.muli %add3A, %mul3A_42 : i32
    %dma_start3A_44 = arith.constant 0 : i32
    %dma_start3A_45 = tpu.memref_slice %arg4[%mul3A_43, %dma_start3A_44] : memref<10240x128xf32, #tpu.memory_space<hbm>> -> memref<320x128xf32, #tpu.memory_space<hbm>>
    %dma_start3A_46 = arith.constant 0 : i32
    %dma_start3A_47 = tpu.memref_slice %arg4[%mul3A_43, %dma_start3A_46] : memref<10240x128xf32, #tpu.memory_space<hbm>> -> memref<320x128xf32, #tpu.memory_space<hbm>>
    tpu.enqueue_dma source(%dma_start3A_47 : memref<320x128xf32, #tpu.memory_space<hbm>>) target(%arg8 : memref<320x128xf32, #tpu.memory_space<vmem>>) target_semaphore(%arg9 : memref<!tpu.dma_semaphore, #tpu.memory_space<semaphore_mem>>)
    %dma_wait3A = arith.constant 0 : i32
    %dma_wait3A_48 = arith.constant 0 : i32
    %dma_wait3A_49 = arith.constant 0 : i32
    %dma_wait3A_50 = tpu.memref_slice %arg7[%dma_wait3A_48, %dma_wait3A_49] : memref<320x128xf32, #tpu.memory_space<vmem>> -> memref<80x128xf32, #tpu.memory_space<vmem>>
    %dma_wait3A_51 = arith.constant 0 : i32
    %dma_wait3A_52 = tpu.memref_slice %arg6[%dma_wait3A, %dma_wait3A_51] : memref<4x80xi32, #tpu.memory_space<vmem>> -> memref<1x80xi32, #tpu.memory_space<vmem>>
    %dma_wait3A_53 = tpu.memref_squeeze %dma_wait3A_52 : memref<1x80xi32, #tpu.memory_space<vmem>> -> memref<80xi32, #tpu.memory_space<vmem>>
    %dma_wait3A_54 = arith.constant 0 : i32
    %dma_wait3A_55 = arith.constant 0 : i32
    %dma_wait3A_56 = tpu.memref_slice %arg2[%dma_wait3A_54, %dma_wait3A_55] : memref<12032x128xf32, #tpu.memory_space<hbm>> -> memref<12032x128xf32, #tpu.memory_space<hbm>>
    tpu.wait_indirect_dma semaphore(%arg9 : memref<!tpu.dma_semaphore, #tpu.memory_space<semaphore_mem>>) src(%dma_wait3A_56 : memref<12032x128xf32, #tpu.memory_space<hbm>>) dst(%dma_wait3A_50 : memref<80x128xf32, #tpu.memory_space<vmem>>)
    %dma_wait3A_57 = arith.constant 1 : i32
    %dma_wait3A_58 = arith.constant 80 : i32
    %dma_wait3A_59 = arith.constant 0 : i32
    %dma_wait3A_60 = tpu.memref_slice %arg7[%dma_wait3A_58, %dma_wait3A_59] : memref<320x128xf32, #tpu.memory_space<vmem>> -> memref<80x128xf32, #tpu.memory_space<vmem>>
    %dma_wait3A_61 = arith.constant 0 : i32
    %dma_wait3A_62 = tpu.memref_slice %arg6[%dma_wait3A_57, %dma_wait3A_61] : memref<4x80xi32, #tpu.memory_space<vmem>> -> memref<1x80xi32, #tpu.memory_space<vmem>>
    %dma_wait3A_63 = tpu.memref_squeeze %dma_wait3A_62 : memref<1x80xi32, #tpu.memory_space<vmem>> -> memref<80xi32, #tpu.memory_space<vmem>>
    %dma_wait3A_64 = arith.constant 0 : i32
    %dma_wait3A_65 = arith.constant 0 : i32
    %dma_wait3A_66 = tpu.memref_slice %arg2[%dma_wait3A_64, %dma_wait3A_65] : memref<12032x128xf32, #tpu.memory_space<hbm>> -> memref<12032x128xf32, #tpu.memory_space<hbm>>
    tpu.wait_indirect_dma semaphore(%arg9 : memref<!tpu.dma_semaphore, #tpu.memory_space<semaphore_mem>>) src(%dma_wait3A_66 : memref<12032x128xf32, #tpu.memory_space<hbm>>) dst(%dma_wait3A_60 : memref<80x128xf32, #tpu.memory_space<vmem>>)
    %dma_wait3A_67 = arith.constant 2 : i32
    %dma_wait3A_68 = arith.constant 160 : i32
    %dma_wait3A_69 = arith.constant 0 : i32
    %dma_wait3A_70 = tpu.memref_slice %arg7[%dma_wait3A_68, %dma_wait3A_69] : memref<320x128xf32, #tpu.memory_space<vmem>> -> memref<80x128xf32, #tpu.memory_space<vmem>>
    %dma_wait3A_71 = arith.constant 0 : i32
    %dma_wait3A_72 = tpu.memref_slice %arg6[%dma_wait3A_67, %dma_wait3A_71] : memref<4x80xi32, #tpu.memory_space<vmem>> -> memref<1x80xi32, #tpu.memory_space<vmem>>
    %dma_wait3A_73 = tpu.memref_squeeze %dma_wait3A_72 : memref<1x80xi32, #tpu.memory_space<vmem>> -> memref<80xi32, #tpu.memory_space<vmem>>
    %dma_wait3A_74 = arith.constant 0 : i32
    %dma_wait3A_75 = arith.constant 0 : i32
    %dma_wait3A_76 = tpu.memref_slice %arg2[%dma_wait3A_74, %dma_wait3A_75] : memref<12032x128xf32, #tpu.memory_space<hbm>> -> memref<12032x128xf32, #tpu.memory_space<hbm>>
    tpu.wait_indirect_dma semaphore(%arg9 : memref<!tpu.dma_semaphore, #tpu.memory_space<semaphore_mem>>) src(%dma_wait3A_76 : memref<12032x128xf32, #tpu.memory_space<hbm>>) dst(%dma_wait3A_70 : memref<80x128xf32, #tpu.memory_space<vmem>>)
    %dma_wait3A_77 = arith.constant 3 : i32
    %dma_wait3A_78 = arith.constant 240 : i32
    %dma_wait3A_79 = arith.constant 0 : i32
    %dma_wait3A_80 = tpu.memref_slice %arg7[%dma_wait3A_78, %dma_wait3A_79] : memref<320x128xf32, #tpu.memory_space<vmem>> -> memref<80x128xf32, #tpu.memory_space<vmem>>
    %dma_wait3A_81 = arith.constant 0 : i32
    %dma_wait3A_82 = tpu.memref_slice %arg6[%dma_wait3A_77, %dma_wait3A_81] : memref<4x80xi32, #tpu.memory_space<vmem>> -> memref<1x80xi32, #tpu.memory_space<vmem>>
    %dma_wait3A_83 = tpu.memref_squeeze %dma_wait3A_82 : memref<1x80xi32, #tpu.memory_space<vmem>> -> memref<80xi32, #tpu.memory_space<vmem>>
    %dma_wait3A_84 = arith.constant 0 : i32
    %dma_wait3A_85 = arith.constant 0 : i32
    %dma_wait3A_86 = tpu.memref_slice %arg2[%dma_wait3A_84, %dma_wait3A_85] : memref<12032x128xf32, #tpu.memory_space<hbm>> -> memref<12032x128xf32, #tpu.memory_space<hbm>>
    tpu.wait_indirect_dma semaphore(%arg9 : memref<!tpu.dma_semaphore, #tpu.memory_space<semaphore_mem>>) src(%dma_wait3A_86 : memref<12032x128xf32, #tpu.memory_space<hbm>>) dst(%dma_wait3A_80 : memref<80x128xf32, #tpu.memory_space<vmem>>)
    %dma_wait3A_87 = arith.constant 0 : i32
    %dma_wait3A_88 = tpu.memref_slice %arg4[%mul3A_43, %dma_wait3A_87] : memref<10240x128xf32, #tpu.memory_space<hbm>> -> memref<320x128xf32, #tpu.memory_space<hbm>>
    %dma_wait3A_89 = arith.constant 0 : i32
    %dma_wait3A_90 = tpu.memref_slice %arg4[%mul3A_43, %dma_wait3A_89] : memref<10240x128xf32, #tpu.memory_space<hbm>> -> memref<320x128xf32, #tpu.memory_space<hbm>>
    tpu.wait_dma2 semaphore(%arg9 : memref<!tpu.dma_semaphore, #tpu.memory_space<semaphore_mem>>) src(%dma_wait3A_90 : memref<320x128xf32, #tpu.memory_space<hbm>>) dst(%arg8 : memref<320x128xf32, #tpu.memory_space<vmem>>)
    %scan3A = arith.constant 0 : i32
    %scan3A_91 = arith.constant 0 : i32
    %scan3A_92 = arith.constant 320 : i32
    %scan3A_93 = arith.addi %scan3A_91, %scan3A_92 : i32
    %scan3A_94 = arith.constant 1 : i32
    %scan3A_95 = scf.for %scan3A_99 = %scan3A_91 to %scan3A_93 step %scan3A_94 iter_args(%scan3A_100 = %scan3A) -> (i32)  : i32 {
      %get3A = arith.index_cast %scan3A_99 : i32 to index
      %get3A_101 = arith.constant 0 : index
      %get3A_102 = tpu.vector_load %arg7[%get3A, %get3A_101] {strides = array<i32>} : memref<320x128xf32, #tpu.memory_space<vmem>>, vector<16xf32>,
      %get3A_103 = arith.index_cast %scan3A_99 : i32 to index
      %get3A_104 = arith.constant 0 : index
      %get3A_105 = tpu.vector_load %arg8[%get3A_103, %get3A_104] {strides = array<i32>} : memref<320x128xf32, #tpu.memory_space<vmem>>, vector<16xf32>,
      %add3A_106 = arith.addf %get3A_102, %get3A_105 : vector<16xf32>
      %swap3A = arith.index_cast %scan3A_99 : i32 to index
      %swap3A_107 = arith.constant 0 : index
      %swap3A_108 = tpu.vector_load %arg7[%swap3A, %swap3A_107] {strides = array<i32>} : memref<320x128xf32, #tpu.memory_space<vmem>>, vector<16xf32>,
      tpu.vector_store %arg7[%swap3A, %swap3A_107], %add3A_106 {strides = array<i32>} : memref<320x128xf32, #tpu.memory_space<vmem>>, vector<16xf32>,
      %get3A_109 = arith.index_cast %scan3A_99 : i32 to index
      %get3A_110 = arith.constant 16 : index
      %get3A_111 = tpu.vector_load %arg7[%get3A_109, %get3A_110] {strides = array<i32>} : memref<320x128xf32, #tpu.memory_space<vmem>>, vector<16xf32>,
      %get3A_112 = arith.index_cast %scan3A_99 : i32 to index
      %get3A_113 = arith.constant 16 : index
      %get3A_114 = tpu.vector_load %arg8[%get3A_112, %get3A_113] {strides = array<i32>} : memref<320x128xf32, #tpu.memory_space<vmem>>, vector<16xf32>,
      %add3A_115 = arith.addf %get3A_111, %get3A_114 : vector<16xf32>
      %swap3A_116 = arith.index_cast %scan3A_99 : i32 to index
      %swap3A_117 = arith.constant 16 : index
      %swap3A_118 = tpu.vector_load %arg7[%swap3A_116, %swap3A_117] {strides = array<i32>} : memref<320x128xf32, #tpu.memory_space<vmem>>, vector<16xf32>,
      tpu.vector_store %arg7[%swap3A_116, %swap3A_117], %add3A_115 {strides = array<i32>} : memref<320x128xf32, #tpu.memory_space<vmem>>, vector<16xf32>,
      %get3A_119 = arith.index_cast %scan3A_99 : i32 to index
      %get3A_120 = arith.constant 32 : index
      %get3A_121 = tpu.vector_load %arg7[%get3A_119, %get3A_120] {strides = array<i32>} : memref<320x128xf32, #tpu.memory_space<vmem>>, vector<16xf32>,
      %get3A_122 = arith.index_cast %scan3A_99 : i32 to index
      %get3A_123 = arith.constant 32 : index
      %get3A_124 = tpu.vector_load %arg8[%get3A_122, %get3A_123] {strides = array<i32>} : memref<320x128xf32, #tpu.memory_space<vmem>>, vector<16xf32>,
      %add3A_125 = arith.addf %get3A_121, %get3A_124 : vector<16xf32>
      %swap3A_126 = arith.index_cast %scan3A_99 : i32 to index
      %swap3A_127 = arith.constant 32 : index
      %swap3A_128 = tpu.vector_load %arg7[%swap3A_126, %swap3A_127] {strides = array<i32>} : memref<320x128xf32, #tpu.memory_space<vmem>>, vector<16xf32>,
      tpu.vector_store %arg7[%swap3A_126, %swap3A_127], %add3A_125 {strides = array<i32>} : memref<320x128xf32, #tpu.memory_space<vmem>>, vector<16xf32>,
      %get3A_129 = arith.index_cast %scan3A_99 : i32 to index
      %get3A_130 = arith.constant 48 : index
      %get3A_131 = tpu.vector_load %arg7[%get3A_129, %get3A_130] {strides = array<i32>} : memref<320x128xf32, #tpu.memory_space<vmem>>, vector<16xf32>,
      %get3A_132 = arith.index_cast %scan3A_99 : i32 to index
      %get3A_133 = arith.constant 48 : index
      %get3A_134 = tpu.vector_load %arg8[%get3A_132, %get3A_133] {strides = array<i32>} : memref<320x128xf32, #tpu.memory_space<vmem>>, vector<16xf32>,
      %add3A_135 = arith.addf %get3A_131, %get3A_134 : vector<16xf32>
      %swap3A_136 = arith.index_cast %scan3A_99 : i32 to index
      %swap3A_137 = arith.constant 48 : index
      %swap3A_138 = tpu.vector_load %arg7[%swap3A_136, %swap3A_137] {strides = array<i32>} : memref<320x128xf32, #tpu.memory_space<vmem>>, vector<16xf32>,
      tpu.vector_store %arg7[%swap3A_136, %swap3A_137], %add3A_135 {strides = array<i32>} : memref<320x128xf32, #tpu.memory_space<vmem>>, vector<16xf32>,
      %get3A_139 = arith.index_cast %scan3A_99 : i32 to index
      %get3A_140 = arith.constant 64 : index
      %get3A_141 = tpu.vector_load %arg7[%get3A_139, %get3A_140] {strides = array<i32>} : memref<320x128xf32, #tpu.memory_space<vmem>>, vector<16xf32>,
      %get3A_142 = arith.index_cast %scan3A_99 : i32 to index
      %get3A_143 = arith.constant 64 : index
      %get3A_144 = tpu.vector_load %arg8[%get3A_142, %get3A_143] {strides = array<i32>} : memref<320x128xf32, #tpu.memory_space<vmem>>, vector<16xf32>,
      %add3A_145 = arith.addf %get3A_141, %get3A_144 : vector<16xf32>
      %swap3A_146 = arith.index_cast %scan3A_99 : i32 to index
      %swap3A_147 = arith.constant 64 : index
      %swap3A_148 = tpu.vector_load %arg7[%swap3A_146, %swap3A_147] {strides = array<i32>} : memref<320x128xf32, #tpu.memory_space<vmem>>, vector<16xf32>,
      tpu.vector_store %arg7[%swap3A_146, %swap3A_147], %add3A_145 {strides = array<i32>} : memref<320x128xf32, #tpu.memory_space<vmem>>, vector<16xf32>,
      %get3A_149 = arith.index_cast %scan3A_99 : i32 to index
      %get3A_150 = arith.constant 80 : index
      %get3A_151 = tpu.vector_load %arg7[%get3A_149, %get3A_150] {strides = array<i32>} : memref<320x128xf32, #tpu.memory_space<vmem>>, vector<16xf32>,
      %get3A_152 = arith.index_cast %scan3A_99 : i32 to index
      %get3A_153 = arith.constant 80 : index
      %get3A_154 = tpu.vector_load %arg8[%get3A_152, %get3A_153] {strides = array<i32>} : memref<320x128xf32, #tpu.memory_space<vmem>>, vector<16xf32>,
      %add3A_155 = arith.addf %get3A_151, %get3A_154 : vector<16xf32>
      %swap3A_156 = arith.index_cast %scan3A_99 : i32 to index
      %swap3A_157 = arith.constant 80 : index
      %swap3A_158 = tpu.vector_load %arg7[%swap3A_156, %swap3A_157] {strides = array<i32>} : memref<320x128xf32, #tpu.memory_space<vmem>>, vector<16xf32>,
      tpu.vector_store %arg7[%swap3A_156, %swap3A_157], %add3A_155 {strides = array<i32>} : memref<320x128xf32, #tpu.memory_space<vmem>>, vector<16xf32>,
      %get3A_159 = arith.index_cast %scan3A_99 : i32 to index
      %get3A_160 = arith.constant 96 : index
      %get3A_161 = tpu.vector_load %arg7[%get3A_159, %get3A_160] {strides = array<i32>} : memref<320x128xf32, #tpu.memory_space<vmem>>, vector<16xf32>,
      %get3A_162 = arith.index_cast %scan3A_99 : i32 to index
      %get3A_163 = arith.constant 96 : index
      %get3A_164 = tpu.vector_load %arg8[%get3A_162, %get3A_163] {strides = array<i32>} : memref<320x128xf32, #tpu.memory_space<vmem>>, vector<16xf32>,
      %add3A_165 = arith.addf %get3A_161, %get3A_164 : vector<16xf32>
      %swap3A_166 = arith.index_cast %scan3A_99 : i32 to index
      %swap3A_167 = arith.constant 96 : index
      %swap3A_168 = tpu.vector_load %arg7[%swap3A_166, %swap3A_167] {strides = array<i32>} : memref<320x128xf32, #tpu.memory_space<vmem>>, vector<16xf32>,
      tpu.vector_store %arg7[%swap3A_166, %swap3A_167], %add3A_165 {strides = array<i32>} : memref<320x128xf32, #tpu.memory_space<vmem>>, vector<16xf32>,
      %get3A_169 = arith.index_cast %scan3A_99 : i32 to index
      %get3A_170 = arith.constant 112 : index
      %get3A_171 = tpu.vector_load %arg7[%get3A_169, %get3A_170] {strides = array<i32>} : memref<320x128xf32, #tpu.memory_space<vmem>>, vector<16xf32>,
      %get3A_172 = arith.index_cast %scan3A_99 : i32 to index
      %get3A_173 = arith.constant 112 : index
      %get3A_174 = tpu.vector_load %arg8[%get3A_172, %get3A_173] {strides = array<i32>} : memref<320x128xf32, #tpu.memory_space<vmem>>, vector<16xf32>,
      %add3A_175 = arith.addf %get3A_171, %get3A_174 : vector<16xf32>
      %swap3A_176 = arith.index_cast %scan3A_99 : i32 to index
      %swap3A_177 = arith.constant 112 : index
      %swap3A_178 = tpu.vector_load %arg7[%swap3A_176, %swap3A_177] {strides = array<i32>} : memref<320x128xf32, #tpu.memory_space<vmem>>, vector<16xf32>,
      tpu.vector_store %arg7[%swap3A_176, %swap3A_177], %add3A_175 {strides = array<i32>} : memref<320x128xf32, #tpu.memory_space<vmem>>, vector<16xf32>,
      %scan3A_179 = arith.constant 0 : i32
      scf.yield %scan3A_179 : i32
    }
    %scan3A_96 = arith.constant 320 : i32
    %mul3A_97 = arith.constant 320 : i32
    %mul3A_98 = arith.muli %add3A, %mul3A_97 : i32
    "tpu.region"() ({
      %run_scoped3A = tpu.sem_alloc : memref<!tpu.dma_semaphore, #tpu.memory_space<semaphore_mem>>
      %dma_start3A_99 = arith.constant 0 : i32
      %dma_start3A_100 = tpu.memref_slice %arg5[%mul3A_98, %dma_start3A_99] : memref<10240x128xf32, #tpu.memory_space<hbm>> -> memref<320x128xf32, #tpu.memory_space<hbm>>
      %dma_start3A_101 = arith.constant 0 : i32
      %dma_start3A_102 = tpu.memref_slice %arg5[%mul3A_98, %dma_start3A_101] : memref<10240x128xf32, #tpu.memory_space<hbm>> -> memref<320x128xf32, #tpu.memory_space<hbm>>
      tpu.enqueue_dma source(%arg7 : memref<320x128xf32, #tpu.memory_space<vmem>>) target(%dma_start3A_102 : memref<320x128xf32, #tpu.memory_space<hbm>>) target_semaphore(%run_scoped3A : memref<!tpu.dma_semaphore, #tpu.memory_space<semaphore_mem>>)
      %dma_wait3A_103 = arith.constant 0 : i32
      %dma_wait3A_104 = tpu.memref_slice %arg5[%mul3A_98, %dma_wait3A_103] : memref<10240x128xf32, #tpu.memory_space<hbm>> -> memref<320x128xf32, #tpu.memory_space<hbm>>
      %dma_wait3A_105 = arith.constant 0 : i32
      %dma_wait3A_106 = tpu.memref_slice %arg5[%mul3A_98, %dma_wait3A_105] : memref<10240x128xf32, #tpu.memory_space<hbm>> -> memref<320x128xf32, #tpu.memory_space<hbm>>
      tpu.wait_dma2 semaphore(%run_scoped3A : memref<!tpu.dma_semaphore, #tpu.memory_space<semaphore_mem>>) src(%arg7 : memref<320x128xf32, #tpu.memory_space<vmem>>) dst(%dma_wait3A_106 : memref<320x128xf32, #tpu.memory_space<hbm>>)
      tpu.yield
    }) : () -> ()
    return
  }
}

#map = affine_map<(d0, d1) -> (0, 0)>
#map1 = affine_map<(d0, d1) -> (0, 0, 0)>
module attributes {stable_mosaic.version = 14 : i64} {
  func.func @k(%arg0: i32, %arg1: i32, %arg2: memref<12032x128xf32, #tpu.memory_space<hbm>>, %arg3: memref<3072x2x64xi32, #tpu.memory_space<hbm>>, %arg4: memref<12032x128xf32, #tpu.memory_space<hbm>>, %arg5: memref<2x12032x128xf32, #tpu.memory_space<hbm>>, %arg6: memref<4x2x64xi32, #tpu.memory_space<vmem>>, %arg7: memref<4x64x128xf32, #tpu.memory_space<vmem>>, %arg8: memref<12032x128xf32, #tpu.memory_space<vmem_shared>>, %arg9: memref<!tpu.dma_semaphore, #tpu.memory_space<semaphore_mem>>, %arg10: memref<!tpu.dma_semaphore, #tpu.memory_space<semaphore_mem>>, %arg11: memref<!tpu.dma_semaphore, #tpu.memory_space<semaphore_mem>>, %arg12: memref<!tpu.dma_semaphore, #tpu.memory_space<semaphore_mem>>, %arg13: memref<!tpu.dma_semaphore, #tpu.memory_space<semaphore_mem>>, %arg14: memref<!tpu.dma_semaphore, #tpu.memory_space<semaphore_mem>>, %arg15: memref<!tpu.dma_semaphore, #tpu.memory_space<semaphore_mem>>, %arg16: memref<!tpu.dma_semaphore, #tpu.memory_space<semaphore_mem>>) attributes {dimension_semantics = [#tpu.dimension_semantics<core_parallel>, #tpu.dimension_semantics<subcore_parallel>], iteration_bounds = array<i64: 2, 16>, scalar_prefetch = 0 : i64, scratch_operands = 11 : i64, tpu.core_type = #tpu.core_type<sc_vector_subcore>, window_params = [{transform_indices = #map}, {transform_indices = #map1}, {transform_indices = #map}, {transform_indices = #map1}]} {
    %mul3A = arith.constant 16 : i32
    %mul3A_0 = arith.muli %arg0, %mul3A : i32
    %add3A = arith.addi %mul3A_0, %arg1 : i32
    %eq3A = arith.constant 0 : i32
    %eq3A_1 = arith.cmpi eq, %arg0, %eq3A : i32
    %mul3A_2 = arith.constant 84 : i32
    %mul3A_3 = arith.muli %arg1, %mul3A_2 : i32
    %mul3A_4 = arith.constant 108 : i32
    %mul3A_5 = arith.muli %arg1, %mul3A_4 : i32
    %add3A_6 = arith.constant 1344 : i32
    %add3A_7 = arith.addi %add3A_6, %mul3A_5 : i32
    %select_n3A = arith.select %eq3A_1, %mul3A_3, %add3A_7 : i32
    %eq3A_8 = arith.constant 0 : i32
    %eq3A_9 = arith.cmpi eq, %arg0, %eq3A_8 : i32
    %jit3A = arith.constant 21 : i32
    %jit3A_10 = arith.constant 27 : i32
    %select_n3A_11 = arith.select %eq3A_9, %jit3A, %jit3A_10 : i32
    %mul3A_12 = arith.constant 752 : i32
    %mul3A_13 = arith.muli %arg1, %mul3A_12 : i32
    "tpu.region"() ({
      %run_scoped3A = tpu.sem_alloc : memref<!tpu.dma_semaphore, #tpu.memory_space<semaphore_mem>>
      %dma_start3A_133 = arith.constant 0 : i32
      %dma_start3A_134 = tpu.memref_slice %arg8[%mul3A_13, %dma_start3A_133] : memref<12032x128xf32, #tpu.memory_space<vmem_shared>> -> memref<752x128xf32, #tpu.memory_space<vmem_shared>>
      %dma_start3A_135 = arith.constant 0 : i32
      %dma_start3A_136 = tpu.memref_slice %arg4[%mul3A_13, %dma_start3A_135] : memref<12032x128xf32, #tpu.memory_space<hbm>> -> memref<752x128xf32, #tpu.memory_space<hbm>>
      tpu.enqueue_dma source(%dma_start3A_136 : memref<752x128xf32, #tpu.memory_space<hbm>>) target(%dma_start3A_134 : memref<752x128xf32, #tpu.memory_space<vmem_shared>>) target_semaphore(%run_scoped3A : memref<!tpu.dma_semaphore, #tpu.memory_space<semaphore_mem>>)
      %dma_wait3A_137 = arith.constant 0 : i32
      %dma_wait3A_138 = tpu.memref_slice %arg8[%mul3A_13, %dma_wait3A_137] : memref<12032x128xf32, #tpu.memory_space<vmem_shared>> -> memref<752x128xf32, #tpu.memory_space<vmem_shared>>
      %dma_wait3A_139 = arith.constant 0 : i32
      %dma_wait3A_140 = tpu.memref_slice %arg4[%mul3A_13, %dma_wait3A_139] : memref<12032x128xf32, #tpu.memory_space<hbm>> -> memref<752x128xf32, #tpu.memory_space<hbm>>
      tpu.wait_dma2 semaphore(%run_scoped3A : memref<!tpu.dma_semaphore, #tpu.memory_space<semaphore_mem>>) src(%dma_wait3A_140 : memref<752x128xf32, #tpu.memory_space<hbm>>) dst(%dma_wait3A_138 : memref<752x128xf32, #tpu.memory_space<vmem_shared>>)
      tpu.yield
    }) : () -> ()
    %broadcast_in_dim3A = arith.constant 0.000000e+00 : f32
    %broadcast_in_dim3A_14 = vector.broadcast %broadcast_in_dim3A : f32 to vector<16xf32>
    %barrier3A = arith.constant 0 : index
    tpu.barrier barrier_id(%barrier3A)
    %broadcast_in_dim3A_15 = arith.constant 1.000000e+00 : f32
    %broadcast_in_dim3A_16 = vector.broadcast %broadcast_in_dim3A_15 : f32 to vector<16xf32>
    %add3A_17 = arith.constant 0 : i32
    %add3A_18 = arith.addi %select_n3A, %add3A_17 : i32
    %dma_start3A = arith.constant 0 : i32
    %dma_start3A_19 = arith.constant 0 : i32
    %dma_start3A_20 = arith.constant 0 : i32
    %dma_start3A_21 = tpu.memref_slice %arg6[%dma_start3A, %dma_start3A_19, %dma_start3A_20] : memref<4x2x64xi32, #tpu.memory_space<vmem>> -> memref<1x2x64xi32, #tpu.memory_space<vmem>>
    %dma_start3A_22 = tpu.memref_squeeze %dma_start3A_21 : memref<1x2x64xi32, #tpu.memory_space<vmem>> -> memref<2x64xi32, #tpu.memory_space<vmem>>
    %dma_start3A_23 = arith.constant 0 : i32
    %dma_start3A_24 = arith.constant 0 : i32
    %dma_start3A_25 = tpu.memref_slice %arg3[%add3A_18, %dma_start3A_23, %dma_start3A_24] : memref<3072x2x64xi32, #tpu.memory_space<hbm>> -> memref<1x2x64xi32, #tpu.memory_space<hbm>>
    %dma_start3A_26 = tpu.memref_squeeze %dma_start3A_25 : memref<1x2x64xi32, #tpu.memory_space<hbm>> -> memref<2x64xi32, #tpu.memory_space<hbm>>
    %dma_start3A_27 = arith.constant 0 : i32
    %dma_start3A_28 = arith.constant 0 : i32
    %dma_start3A_29 = tpu.memref_slice %arg6[%dma_start3A, %dma_start3A_27, %dma_start3A_28] : memref<4x2x64xi32, #tpu.memory_space<vmem>> -> memref<1x2x64xi32, #tpu.memory_space<vmem>>
    %dma_start3A_30 = tpu.memref_squeeze %dma_start3A_29 : memref<1x2x64xi32, #tpu.memory_space<vmem>> -> memref<2x64xi32, #tpu.memory_space<vmem>>
    %dma_start3A_31 = arith.constant 0 : i32
    %dma_start3A_32 = arith.constant 0 : i32
    %dma_start3A_33 = tpu.memref_slice %arg3[%add3A_18, %dma_start3A_31, %dma_start3A_32] : memref<3072x2x64xi32, #tpu.memory_space<hbm>> -> memref<1x2x64xi32, #tpu.memory_space<hbm>>
    %dma_start3A_34 = tpu.memref_squeeze %dma_start3A_33 : memref<1x2x64xi32, #tpu.memory_space<hbm>> -> memref<2x64xi32, #tpu.memory_space<hbm>>
    tpu.enqueue_dma source(%dma_start3A_34 : memref<2x64xi32, #tpu.memory_space<hbm>>) target(%dma_start3A_30 : memref<2x64xi32, #tpu.memory_space<vmem>>) target_semaphore(%arg9 : memref<!tpu.dma_semaphore, #tpu.memory_space<semaphore_mem>>)
    %add3A_35 = arith.constant 1 : i32
    %add3A_36 = arith.addi %select_n3A, %add3A_35 : i32
    %dma_start3A_37 = arith.constant 1 : i32
    %dma_start3A_38 = arith.constant 0 : i32
    %dma_start3A_39 = arith.constant 0 : i32
    %dma_start3A_40 = tpu.memref_slice %arg6[%dma_start3A_37, %dma_start3A_38, %dma_start3A_39] : memref<4x2x64xi32, #tpu.memory_space<vmem>> -> memref<1x2x64xi32, #tpu.memory_space<vmem>>
    %dma_start3A_41 = tpu.memref_squeeze %dma_start3A_40 : memref<1x2x64xi32, #tpu.memory_space<vmem>> -> memref<2x64xi32, #tpu.memory_space<vmem>>
    %dma_start3A_42 = arith.constant 0 : i32
    %dma_start3A_43 = arith.constant 0 : i32
    %dma_start3A_44 = tpu.memref_slice %arg3[%add3A_36, %dma_start3A_42, %dma_start3A_43] : memref<3072x2x64xi32, #tpu.memory_space<hbm>> -> memref<1x2x64xi32, #tpu.memory_space<hbm>>
    %dma_start3A_45 = tpu.memref_squeeze %dma_start3A_44 : memref<1x2x64xi32, #tpu.memory_space<hbm>> -> memref<2x64xi32, #tpu.memory_space<hbm>>
    %dma_start3A_46 = arith.constant 0 : i32
    %dma_start3A_47 = arith.constant 0 : i32
    %dma_start3A_48 = tpu.memref_slice %arg6[%dma_start3A_37, %dma_start3A_46, %dma_start3A_47] : memref<4x2x64xi32, #tpu.memory_space<vmem>> -> memref<1x2x64xi32, #tpu.memory_space<vmem>>
    %dma_start3A_49 = tpu.memref_squeeze %dma_start3A_48 : memref<1x2x64xi32, #tpu.memory_space<vmem>> -> memref<2x64xi32, #tpu.memory_space<vmem>>
    %dma_start3A_50 = arith.constant 0 : i32
    %dma_start3A_51 = arith.constant 0 : i32
    %dma_start3A_52 = tpu.memref_slice %arg3[%add3A_36, %dma_start3A_50, %dma_start3A_51] : memref<3072x2x64xi32, #tpu.memory_space<hbm>> -> memref<1x2x64xi32, #tpu.memory_space<hbm>>
    %dma_start3A_53 = tpu.memref_squeeze %dma_start3A_52 : memref<1x2x64xi32, #tpu.memory_space<hbm>> -> memref<2x64xi32, #tpu.memory_space<hbm>>
    tpu.enqueue_dma source(%dma_start3A_53 : memref<2x64xi32, #tpu.memory_space<hbm>>) target(%dma_start3A_49 : memref<2x64xi32, #tpu.memory_space<vmem>>) target_semaphore(%arg10 : memref<!tpu.dma_semaphore, #tpu.memory_space<semaphore_mem>>)
    %add3A_54 = arith.constant 2 : i32
    %add3A_55 = arith.addi %select_n3A, %add3A_54 : i32
    %dma_start3A_56 = arith.constant 2 : i32
    %dma_start3A_57 = arith.constant 0 : i32
    %dma_start3A_58 = arith.constant 0 : i32
    %dma_start3A_59 = tpu.memref_slice %arg6[%dma_start3A_56, %dma_start3A_57, %dma_start3A_58] : memref<4x2x64xi32, #tpu.memory_space<vmem>> -> memref<1x2x64xi32, #tpu.memory_space<vmem>>
    %dma_start3A_60 = tpu.memref_squeeze %dma_start3A_59 : memref<1x2x64xi32, #tpu.memory_space<vmem>> -> memref<2x64xi32, #tpu.memory_space<vmem>>
    %dma_start3A_61 = arith.constant 0 : i32
    %dma_start3A_62 = arith.constant 0 : i32
    %dma_start3A_63 = tpu.memref_slice %arg3[%add3A_55, %dma_start3A_61, %dma_start3A_62] : memref<3072x2x64xi32, #tpu.memory_space<hbm>> -> memref<1x2x64xi32, #tpu.memory_space<hbm>>
    %dma_start3A_64 = tpu.memref_squeeze %dma_start3A_63 : memref<1x2x64xi32, #tpu.memory_space<hbm>> -> memref<2x64xi32, #tpu.memory_space<hbm>>
    %dma_start3A_65 = arith.constant 0 : i32
    %dma_start3A_66 = arith.constant 0 : i32
    %dma_start3A_67 = tpu.memref_slice %arg6[%dma_start3A_56, %dma_start3A_65, %dma_start3A_66] : memref<4x2x64xi32, #tpu.memory_space<vmem>> -> memref<1x2x64xi32, #tpu.memory_space<vmem>>
    %dma_start3A_68 = tpu.memref_squeeze %dma_start3A_67 : memref<1x2x64xi32, #tpu.memory_space<vmem>> -> memref<2x64xi32, #tpu.memory_space<vmem>>
    %dma_start3A_69 = arith.constant 0 : i32
    %dma_start3A_70 = arith.constant 0 : i32
    %dma_start3A_71 = tpu.memref_slice %arg3[%add3A_55, %dma_start3A_69, %dma_start3A_70] : memref<3072x2x64xi32, #tpu.memory_space<hbm>> -> memref<1x2x64xi32, #tpu.memory_space<hbm>>
    %dma_start3A_72 = tpu.memref_squeeze %dma_start3A_71 : memref<1x2x64xi32, #tpu.memory_space<hbm>> -> memref<2x64xi32, #tpu.memory_space<hbm>>
    tpu.enqueue_dma source(%dma_start3A_72 : memref<2x64xi32, #tpu.memory_space<hbm>>) target(%dma_start3A_68 : memref<2x64xi32, #tpu.memory_space<vmem>>) target_semaphore(%arg11 : memref<!tpu.dma_semaphore, #tpu.memory_space<semaphore_mem>>)
    %add3A_73 = arith.constant 3 : i32
    %add3A_74 = arith.addi %select_n3A, %add3A_73 : i32
    %dma_start3A_75 = arith.constant 3 : i32
    %dma_start3A_76 = arith.constant 0 : i32
    %dma_start3A_77 = arith.constant 0 : i32
    %dma_start3A_78 = tpu.memref_slice %arg6[%dma_start3A_75, %dma_start3A_76, %dma_start3A_77] : memref<4x2x64xi32, #tpu.memory_space<vmem>> -> memref<1x2x64xi32, #tpu.memory_space<vmem>>
    %dma_start3A_79 = tpu.memref_squeeze %dma_start3A_78 : memref<1x2x64xi32, #tpu.memory_space<vmem>> -> memref<2x64xi32, #tpu.memory_space<vmem>>
    %dma_start3A_80 = arith.constant 0 : i32
    %dma_start3A_81 = arith.constant 0 : i32
    %dma_start3A_82 = tpu.memref_slice %arg3[%add3A_74, %dma_start3A_80, %dma_start3A_81] : memref<3072x2x64xi32, #tpu.memory_space<hbm>> -> memref<1x2x64xi32, #tpu.memory_space<hbm>>
    %dma_start3A_83 = tpu.memref_squeeze %dma_start3A_82 : memref<1x2x64xi32, #tpu.memory_space<hbm>> -> memref<2x64xi32, #tpu.memory_space<hbm>>
    %dma_start3A_84 = arith.constant 0 : i32
    %dma_start3A_85 = arith.constant 0 : i32
    %dma_start3A_86 = tpu.memref_slice %arg6[%dma_start3A_75, %dma_start3A_84, %dma_start3A_85] : memref<4x2x64xi32, #tpu.memory_space<vmem>> -> memref<1x2x64xi32, #tpu.memory_space<vmem>>
    %dma_start3A_87 = tpu.memref_squeeze %dma_start3A_86 : memref<1x2x64xi32, #tpu.memory_space<vmem>> -> memref<2x64xi32, #tpu.memory_space<vmem>>
    %dma_start3A_88 = arith.constant 0 : i32
    %dma_start3A_89 = arith.constant 0 : i32
    %dma_start3A_90 = tpu.memref_slice %arg3[%add3A_74, %dma_start3A_88, %dma_start3A_89] : memref<3072x2x64xi32, #tpu.memory_space<hbm>> -> memref<1x2x64xi32, #tpu.memory_space<hbm>>
    %dma_start3A_91 = tpu.memref_squeeze %dma_start3A_90 : memref<1x2x64xi32, #tpu.memory_space<hbm>> -> memref<2x64xi32, #tpu.memory_space<hbm>>
    tpu.enqueue_dma source(%dma_start3A_91 : memref<2x64xi32, #tpu.memory_space<hbm>>) target(%dma_start3A_87 : memref<2x64xi32, #tpu.memory_space<vmem>>) target_semaphore(%arg12 : memref<!tpu.dma_semaphore, #tpu.memory_space<semaphore_mem>>)
    %dma_wait3A = arith.constant 0 : i32
    %dma_wait3A_92 = arith.constant 0 : i32
    %dma_wait3A_93 = arith.constant 0 : i32
    %dma_wait3A_94 = tpu.memref_slice %arg6[%dma_wait3A, %dma_wait3A_92, %dma_wait3A_93] : memref<4x2x64xi32, #tpu.memory_space<vmem>> -> memref<1x2x64xi32, #tpu.memory_space<vmem>>
    %dma_wait3A_95 = tpu.memref_squeeze %dma_wait3A_94 : memref<1x2x64xi32, #tpu.memory_space<vmem>> -> memref<2x64xi32, #tpu.memory_space<vmem>>
    %dma_wait3A_96 = arith.constant 0 : i32
    %dma_wait3A_97 = arith.constant 0 : i32
    %dma_wait3A_98 = tpu.memref_slice %arg3[%select_n3A, %dma_wait3A_96, %dma_wait3A_97] : memref<3072x2x64xi32, #tpu.memory_space<hbm>> -> memref<1x2x64xi32, #tpu.memory_space<hbm>>
    %dma_wait3A_99 = tpu.memref_squeeze %dma_wait3A_98 : memref<1x2x64xi32, #tpu.memory_space<hbm>> -> memref<2x64xi32, #tpu.memory_space<hbm>>
    %dma_wait3A_100 = arith.constant 0 : i32
    %dma_wait3A_101 = arith.constant 0 : i32
    %dma_wait3A_102 = tpu.memref_slice %arg6[%dma_wait3A, %dma_wait3A_100, %dma_wait3A_101] : memref<4x2x64xi32, #tpu.memory_space<vmem>> -> memref<1x2x64xi32, #tpu.memory_space<vmem>>
    %dma_wait3A_103 = tpu.memref_squeeze %dma_wait3A_102 : memref<1x2x64xi32, #tpu.memory_space<vmem>> -> memref<2x64xi32, #tpu.memory_space<vmem>>
    %dma_wait3A_104 = arith.constant 0 : i32
    %dma_wait3A_105 = arith.constant 0 : i32
    %dma_wait3A_106 = tpu.memref_slice %arg3[%select_n3A, %dma_wait3A_104, %dma_wait3A_105] : memref<3072x2x64xi32, #tpu.memory_space<hbm>> -> memref<1x2x64xi32, #tpu.memory_space<hbm>>
    %dma_wait3A_107 = tpu.memref_squeeze %dma_wait3A_106 : memref<1x2x64xi32, #tpu.memory_space<hbm>> -> memref<2x64xi32, #tpu.memory_space<hbm>>
    tpu.wait_dma2 semaphore(%arg9 : memref<!tpu.dma_semaphore, #tpu.memory_space<semaphore_mem>>) src(%dma_wait3A_107 : memref<2x64xi32, #tpu.memory_space<hbm>>) dst(%dma_wait3A_103 : memref<2x64xi32, #tpu.memory_space<vmem>>)
    %dma_start3A_108 = arith.constant 0 : i32
    %dma_start3A_109 = arith.constant 0 : i32
    %dma_start3A_110 = arith.constant 0 : i32
    %dma_start3A_111 = arith.constant 0 : i32
    %dma_start3A_112 = arith.constant 0 : i32
    %dma_start3A_113 = tpu.memref_slice %arg7[%dma_start3A_110, %dma_start3A_111, %dma_start3A_112] : memref<4x64x128xf32, #tpu.memory_space<vmem>> -> memref<1x64x128xf32, #tpu.memory_space<vmem>>
    %dma_start3A_114 = tpu.memref_squeeze %dma_start3A_113 : memref<1x64x128xf32, #tpu.memory_space<vmem>> -> memref<64x128xf32, #tpu.memory_space<vmem>>
    %dma_start3A_115 = arith.constant 0 : i32
    %dma_start3A_116 = tpu.memref_slice %arg6[%dma_start3A_108, %dma_start3A_109, %dma_start3A_115] : memref<4x2x64xi32, #tpu.memory_space<vmem>> -> memref<1x1x64xi32, #tpu.memory_space<vmem>>
    %dma_start3A_117 = tpu.memref_squeeze %dma_start3A_116 : memref<1x1x64xi32, #tpu.memory_space<vmem>> -> memref<64xi32, #tpu.memory_space<vmem>>
    %dma_start3A_118 = arith.constant 0 : i32
    %dma_start3A_119 = arith.constant 0 : i32
    %dma_start3A_120 = tpu.memref_slice %arg2[%dma_start3A_118, %dma_start3A_119] : memref<12032x128xf32, #tpu.memory_space<hbm>> -> memref<12032x128xf32, #tpu.memory_space<hbm>>
    tpu.enqueue_indirect_dma source(%dma_start3A_120 : memref<12032x128xf32, #tpu.memory_space<hbm>>) target(%dma_start3A_114 : memref<64x128xf32, #tpu.memory_space<vmem>>) offsets(%dma_start3A_117 : memref<64xi32, #tpu.memory_space<vmem>>) semaphore(%arg13 : memref<!tpu.dma_semaphore, #tpu.memory_space<semaphore_mem>>)
    %while3A = arith.constant 0 : i32
    %while3A_121 = arith.constant 0 : i32
    %while3A_122 = arith.subi %select_n3A_11, %while3A : i32
    %while3A_123 = arith.addi %while3A, %while3A_122 : i32
    %while3A_124 = arith.constant 1 : i32
    %while3A_125 = arith.divsi %while3A_122, %while3A_124 : i32
    %while3A_126 = arith.muli %while3A_125, %while3A_124 : i32
    %while3A_127 = arith.addi %while3A, %while3A_126 : i32
    %while3A_128 = arith.constant 1 : i32
    %while3A_129 = scf.for %while3A_133 = %while3A to %while3A_127 step %while3A_128 iter_args(%while3A_134 = %while3A_121) -> (i32)  : i32 {
      %mul3A_135 = arith.constant 4 : i32
      %mul3A_136 = arith.muli %mul3A_135, %while3A_133 : i32
      %dma_wait3A_137 = arith.constant 1 : i32
      %dma_wait3A_138 = arith.constant 0 : i32
      %dma_wait3A_139 = arith.constant 0 : i32
      %dma_wait3A_140 = tpu.memref_slice %arg6[%dma_wait3A_137, %dma_wait3A_138, %dma_wait3A_139] : memref<4x2x64xi32, #tpu.memory_space<vmem>> -> memref<1x2x64xi32, #tpu.memory_space<vmem>>
      %dma_wait3A_141 = tpu.memref_squeeze %dma_wait3A_140 : memref<1x2x64xi32, #tpu.memory_space<vmem>> -> memref<2x64xi32, #tpu.memory_space<vmem>>
      %dma_wait3A_142 = arith.constant 0 : i32
      %dma_wait3A_143 = arith.constant 0 : i32
      %dma_wait3A_144 = tpu.memref_slice %arg3[%select_n3A, %dma_wait3A_142, %dma_wait3A_143] : memref<3072x2x64xi32, #tpu.memory_space<hbm>> -> memref<1x2x64xi32, #tpu.memory_space<hbm>>
      %dma_wait3A_145 = tpu.memref_squeeze %dma_wait3A_144 : memref<1x2x64xi32, #tpu.memory_space<hbm>> -> memref<2x64xi32, #tpu.memory_space<hbm>>
      %dma_wait3A_146 = arith.constant 0 : i32
      %dma_wait3A_147 = arith.constant 0 : i32
      %dma_wait3A_148 = tpu.memref_slice %arg6[%dma_wait3A_137, %dma_wait3A_146, %dma_wait3A_147] : memref<4x2x64xi32, #tpu.memory_space<vmem>> -> memref<1x2x64xi32, #tpu.memory_space<vmem>>
      %dma_wait3A_149 = tpu.memref_squeeze %dma_wait3A_148 : memref<1x2x64xi32, #tpu.memory_space<vmem>> -> memref<2x64xi32, #tpu.memory_space<vmem>>
      %dma_wait3A_150 = arith.constant 0 : i32
      %dma_wait3A_151 = arith.constant 0 : i32
      %dma_wait3A_152 = tpu.memref_slice %arg3[%select_n3A, %dma_wait3A_150, %dma_wait3A_151] : memref<3072x2x64xi32, #tpu.memory_space<hbm>> -> memref<1x2x64xi32, #tpu.memory_space<hbm>>
      %dma_wait3A_153 = tpu.memref_squeeze %dma_wait3A_152 : memref<1x2x64xi32, #tpu.memory_space<hbm>> -> memref<2x64xi32, #tpu.memory_space<hbm>>
      tpu.wait_dma2 semaphore(%arg10 : memref<!tpu.dma_semaphore, #tpu.memory_space<semaphore_mem>>) src(%dma_wait3A_153 : memref<2x64xi32, #tpu.memory_space<hbm>>) dst(%dma_wait3A_149 : memref<2x64xi32, #tpu.memory_space<vmem>>)
      %dma_start3A_154 = arith.constant 1 : i32
      %dma_start3A_155 = arith.constant 0 : i32
      %dma_start3A_156 = arith.constant 1 : i32
      %dma_start3A_157 = arith.constant 0 : i32
      %dma_start3A_158 = arith.constant 0 : i32
      %dma_start3A_159 = tpu.memref_slice %arg7[%dma_start3A_156, %dma_start3A_157, %dma_start3A_158] : memref<4x64x128xf32, #tpu.memory_space<vmem>> -> memref<1x64x128xf32, #tpu.memory_space<vmem>>
      %dma_start3A_160 = tpu.memref_squeeze %dma_start3A_159 : memref<1x64x128xf32, #tpu.memory_space<vmem>> -> memref<64x128xf32, #tpu.memory_space<vmem>>
      %dma_start3A_161 = arith.constant 0 : i32
      %dma_start3A_162 = tpu.memref_slice %arg6[%dma_start3A_154, %dma_start3A_155, %dma_start3A_161] : memref<4x2x64xi32, #tpu.memory_space<vmem>> -> memref<1x1x64xi32, #tpu.memory_space<vmem>>
      %dma_start3A_163 = tpu.memref_squeeze %dma_start3A_162 : memref<1x1x64xi32, #tpu.memory_space<vmem>> -> memref<64xi32, #tpu.memory_space<vmem>>
      %dma_start3A_164 = arith.constant 0 : i32
      %dma_start3A_165 = arith.constant 0 : i32
      %dma_start3A_166 = tpu.memref_slice %arg2[%dma_start3A_164, %dma_start3A_165] : memref<12032x128xf32, #tpu.memory_space<hbm>> -> memref<12032x128xf32, #tpu.memory_space<hbm>>
      tpu.enqueue_indirect_dma source(%dma_start3A_166 : memref<12032x128xf32, #tpu.memory_space<hbm>>) target(%dma_start3A_160 : memref<64x128xf32, #tpu.memory_space<vmem>>) offsets(%dma_start3A_163 : memref<64xi32, #tpu.memory_space<vmem>>) semaphore(%arg14 : memref<!tpu.dma_semaphore, #tpu.memory_space<semaphore_mem>>)
      %dma_wait3A_167 = arith.constant 2 : i32
      %dma_wait3A_168 = arith.constant 0 : i32
      %dma_wait3A_169 = arith.constant 0 : i32
      %dma_wait3A_170 = tpu.memref_slice %arg6[%dma_wait3A_167, %dma_wait3A_168, %dma_wait3A_169] : memref<4x2x64xi32, #tpu.memory_space<vmem>> -> memref<1x2x64xi32, #tpu.memory_space<vmem>>
      %dma_wait3A_171 = tpu.memref_squeeze %dma_wait3A_170 : memref<1x2x64xi32, #tpu.memory_space<vmem>> -> memref<2x64xi32, #tpu.memory_space<vmem>>
      %dma_wait3A_172 = arith.constant 0 : i32
      %dma_wait3A_173 = arith.constant 0 : i32
      %dma_wait3A_174 = tpu.memref_slice %arg3[%select_n3A, %dma_wait3A_172, %dma_wait3A_173] : memref<3072x2x64xi32, #tpu.memory_space<hbm>> -> memref<1x2x64xi32, #tpu.memory_space<hbm>>
      %dma_wait3A_175 = tpu.memref_squeeze %dma_wait3A_174 : memref<1x2x64xi32, #tpu.memory_space<hbm>> -> memref<2x64xi32, #tpu.memory_space<hbm>>
      %dma_wait3A_176 = arith.constant 0 : i32
      %dma_wait3A_177 = arith.constant 0 : i32
      %dma_wait3A_178 = tpu.memref_slice %arg6[%dma_wait3A_167, %dma_wait3A_176, %dma_wait3A_177] : memref<4x2x64xi32, #tpu.memory_space<vmem>> -> memref<1x2x64xi32, #tpu.memory_space<vmem>>
      %dma_wait3A_179 = tpu.memref_squeeze %dma_wait3A_178 : memref<1x2x64xi32, #tpu.memory_space<vmem>> -> memref<2x64xi32, #tpu.memory_space<vmem>>
      %dma_wait3A_180 = arith.constant 0 : i32
      %dma_wait3A_181 = arith.constant 0 : i32
      %dma_wait3A_182 = tpu.memref_slice %arg3[%select_n3A, %dma_wait3A_180, %dma_wait3A_181] : memref<3072x2x64xi32, #tpu.memory_space<hbm>> -> memref<1x2x64xi32, #tpu.memory_space<hbm>>
      %dma_wait3A_183 = tpu.memref_squeeze %dma_wait3A_182 : memref<1x2x64xi32, #tpu.memory_space<hbm>> -> memref<2x64xi32, #tpu.memory_space<hbm>>
      tpu.wait_dma2 semaphore(%arg11 : memref<!tpu.dma_semaphore, #tpu.memory_space<semaphore_mem>>) src(%dma_wait3A_183 : memref<2x64xi32, #tpu.memory_space<hbm>>) dst(%dma_wait3A_179 : memref<2x64xi32, #tpu.memory_space<vmem>>)
      %dma_start3A_184 = arith.constant 2 : i32
      %dma_start3A_185 = arith.constant 0 : i32
      %dma_start3A_186 = arith.constant 2 : i32
      %dma_start3A_187 = arith.constant 0 : i32
      %dma_start3A_188 = arith.constant 0 : i32
      %dma_start3A_189 = tpu.memref_slice %arg7[%dma_start3A_186, %dma_start3A_187, %dma_start3A_188] : memref<4x64x128xf32, #tpu.memory_space<vmem>> -> memref<1x64x128xf32, #tpu.memory_space<vmem>>
      %dma_start3A_190 = tpu.memref_squeeze %dma_start3A_189 : memref<1x64x128xf32, #tpu.memory_space<vmem>> -> memref<64x128xf32, #tpu.memory_space<vmem>>
      %dma_start3A_191 = arith.constant 0 : i32
      %dma_start3A_192 = tpu.memref_slice %arg6[%dma_start3A_184, %dma_start3A_185, %dma_start3A_191] : memref<4x2x64xi32, #tpu.memory_space<vmem>> -> memref<1x1x64xi32, #tpu.memory_space<vmem>>
      %dma_start3A_193 = tpu.memref_squeeze %dma_start3A_192 : memref<1x1x64xi32, #tpu.memory_space<vmem>> -> memref<64xi32, #tpu.memory_space<vmem>>
      %dma_start3A_194 = arith.constant 0 : i32
      %dma_start3A_195 = arith.constant 0 : i32
      %dma_start3A_196 = tpu.memref_slice %arg2[%dma_start3A_194, %dma_start3A_195] : memref<12032x128xf32, #tpu.memory_space<hbm>> -> memref<12032x128xf32, #tpu.memory_space<hbm>>
      tpu.enqueue_indirect_dma source(%dma_start3A_196 : memref<12032x128xf32, #tpu.memory_space<hbm>>) target(%dma_start3A_190 : memref<64x128xf32, #tpu.memory_space<vmem>>) offsets(%dma_start3A_193 : memref<64xi32, #tpu.memory_space<vmem>>) semaphore(%arg15 : memref<!tpu.dma_semaphore, #tpu.memory_space<semaphore_mem>>)
      %dma_wait3A_197 = arith.constant 3 : i32
      %dma_wait3A_198 = arith.constant 0 : i32
      %dma_wait3A_199 = arith.constant 0 : i32
      %dma_wait3A_200 = tpu.memref_slice %arg6[%dma_wait3A_197, %dma_wait3A_198, %dma_wait3A_199] : memref<4x2x64xi32, #tpu.memory_space<vmem>> -> memref<1x2x64xi32, #tpu.memory_space<vmem>>
      %dma_wait3A_201 = tpu.memref_squeeze %dma_wait3A_200 : memref<1x2x64xi32, #tpu.memory_space<vmem>> -> memref<2x64xi32, #tpu.memory_space<vmem>>
      %dma_wait3A_202 = arith.constant 0 : i32
      %dma_wait3A_203 = arith.constant 0 : i32
      %dma_wait3A_204 = tpu.memref_slice %arg3[%select_n3A, %dma_wait3A_202, %dma_wait3A_203] : memref<3072x2x64xi32, #tpu.memory_space<hbm>> -> memref<1x2x64xi32, #tpu.memory_space<hbm>>
      %dma_wait3A_205 = tpu.memref_squeeze %dma_wait3A_204 : memref<1x2x64xi32, #tpu.memory_space<hbm>> -> memref<2x64xi32, #tpu.memory_space<hbm>>
      %dma_wait3A_206 = arith.constant 0 : i32
      %dma_wait3A_207 = arith.constant 0 : i32
      %dma_wait3A_208 = tpu.memref_slice %arg6[%dma_wait3A_197, %dma_wait3A_206, %dma_wait3A_207] : memref<4x2x64xi32, #tpu.memory_space<vmem>> -> memref<1x2x64xi32, #tpu.memory_space<vmem>>
      %dma_wait3A_209 = tpu.memref_squeeze %dma_wait3A_208 : memref<1x2x64xi32, #tpu.memory_space<vmem>> -> memref<2x64xi32, #tpu.memory_space<vmem>>
      %dma_wait3A_210 = arith.constant 0 : i32
      %dma_wait3A_211 = arith.constant 0 : i32
      %dma_wait3A_212 = tpu.memref_slice %arg3[%select_n3A, %dma_wait3A_210, %dma_wait3A_211] : memref<3072x2x64xi32, #tpu.memory_space<hbm>> -> memref<1x2x64xi32, #tpu.memory_space<hbm>>
      %dma_wait3A_213 = tpu.memref_squeeze %dma_wait3A_212 : memref<1x2x64xi32, #tpu.memory_space<hbm>> -> memref<2x64xi32, #tpu.memory_space<hbm>>
      tpu.wait_dma2 semaphore(%arg12 : memref<!tpu.dma_semaphore, #tpu.memory_space<semaphore_mem>>) src(%dma_wait3A_213 : memref<2x64xi32, #tpu.memory_space<hbm>>) dst(%dma_wait3A_209 : memref<2x64xi32, #tpu.memory_space<vmem>>)
      %dma_start3A_214 = arith.constant 3 : i32
      %dma_start3A_215 = arith.constant 0 : i32
      %dma_start3A_216 = arith.constant 3 : i32
      %dma_start3A_217 = arith.constant 0 : i32
      %dma_start3A_218 = arith.constant 0 : i32
      %dma_start3A_219 = tpu.memref_slice %arg7[%dma_start3A_216, %dma_start3A_217, %dma_start3A_218] : memref<4x64x128xf32, #tpu.memory_space<vmem>> -> memref<1x64x128xf32, #tpu.memory_space<vmem>>
      %dma_start3A_220 = tpu.memref_squeeze %dma_start3A_219 : memref<1x64x128xf32, #tpu.memory_space<vmem>> -> memref<64x128xf32, #tpu.memory_space<vmem>>
      %dma_start3A_221 = arith.constant 0 : i32
      %dma_start3A_222 = tpu.memref_slice %arg6[%dma_start3A_214, %dma_start3A_215, %dma_start3A_221] : memref<4x2x64xi32, #tpu.memory_space<vmem>> -> memref<1x1x64xi32, #tpu.memory_space<vmem>>
      %dma_start3A_223 = tpu.memref_squeeze %dma_start3A_222 : memref<1x1x64xi32, #tpu.memory_space<vmem>> -> memref<64xi32, #tpu.memory_space<vmem>>
      %dma_start3A_224 = arith.constant 0 : i32
      %dma_start3A_225 = arith.constant 0 : i32
      %dma_start3A_226 = tpu.memref_slice %arg2[%dma_start3A_224, %dma_start3A_225] : memref<12032x128xf32, #tpu.memory_space<hbm>> -> memref<12032x128xf32, #tpu.memory_space<hbm>>
      tpu.enqueue_indirect_dma source(%dma_start3A_226 : memref<12032x128xf32, #tpu.memory_space<hbm>>) target(%dma_start3A_220 : memref<64x128xf32, #tpu.memory_space<vmem>>) offsets(%dma_start3A_223 : memref<64xi32, #tpu.memory_space<vmem>>) semaphore(%arg16 : memref<!tpu.dma_semaphore, #tpu.memory_space<semaphore_mem>>)
      %dma_wait3A_227 = arith.constant 0 : i32
      %dma_wait3A_228 = arith.constant 0 : i32
      %dma_wait3A_229 = arith.constant 0 : i32
      %dma_wait3A_230 = arith.constant 0 : i32
      %dma_wait3A_231 = arith.constant 0 : i32
      %dma_wait3A_232 = tpu.memref_slice %arg7[%dma_wait3A_229, %dma_wait3A_230, %dma_wait3A_231] : memref<4x64x128xf32, #tpu.memory_space<vmem>> -> memref<1x64x128xf32, #tpu.memory_space<vmem>>
      %dma_wait3A_233 = tpu.memref_squeeze %dma_wait3A_232 : memref<1x64x128xf32, #tpu.memory_space<vmem>> -> memref<64x128xf32, #tpu.memory_space<vmem>>
      %dma_wait3A_234 = arith.constant 0 : i32
      %dma_wait3A_235 = tpu.memref_slice %arg6[%dma_wait3A_227, %dma_wait3A_228, %dma_wait3A_234] : memref<4x2x64xi32, #tpu.memory_space<vmem>> -> memref<1x1x64xi32, #tpu.memory_space<vmem>>
      %dma_wait3A_236 = tpu.memref_squeeze %dma_wait3A_235 : memref<1x1x64xi32, #tpu.memory_space<vmem>> -> memref<64xi32, #tpu.memory_space<vmem>>
      %dma_wait3A_237 = arith.constant 0 : i32
      %dma_wait3A_238 = arith.constant 0 : i32
      %dma_wait3A_239 = tpu.memref_slice %arg2[%dma_wait3A_237, %dma_wait3A_238] : memref<12032x128xf32, #tpu.memory_space<hbm>> -> memref<12032x128xf32, #tpu.memory_space<hbm>>
      tpu.wait_indirect_dma semaphore(%arg13 : memref<!tpu.dma_semaphore, #tpu.memory_space<semaphore_mem>>) src(%dma_wait3A_239 : memref<12032x128xf32, #tpu.memory_space<hbm>>) dst(%dma_wait3A_233 : memref<64x128xf32, #tpu.memory_space<vmem>>)
      %run_scoped3A = arith.constant 0 : i32
      %run_scoped3A_240 = arith.constant 0 : i32
      %run_scoped3A_241 = arith.constant 1 : i32
      "tpu.region"() ({
        %run_scoped3A_312 = tpu.sem_alloc : memref<!tpu.dma_semaphore, #tpu.memory_space<semaphore_mem>>
        %dma_start3A_313 = arith.constant 0 : i32
        %dma_start3A_314 = arith.constant 0 : i32
        %dma_start3A_315 = tpu.memref_slice %arg7[%run_scoped3A, %dma_start3A_313, %dma_start3A_314] : memref<4x64x128xf32, #tpu.memory_space<vmem>> -> memref<1x64x128xf32, #tpu.memory_space<vmem>>
        %dma_start3A_316 = tpu.memref_squeeze %dma_start3A_315 : memref<1x64x128xf32, #tpu.memory_space<vmem>> -> memref<64x128xf32, #tpu.memory_space<vmem>>
        %dma_start3A_317 = arith.constant 0 : i32
        %dma_start3A_318 = tpu.memref_slice %arg6[%run_scoped3A_240, %run_scoped3A_241, %dma_start3A_317] : memref<4x2x64xi32, #tpu.memory_space<vmem>> -> memref<1x1x64xi32, #tpu.memory_space<vmem>>
        %dma_start3A_319 = tpu.memref_squeeze %dma_start3A_318 : memref<1x1x64xi32, #tpu.memory_space<vmem>> -> memref<64xi32, #tpu.memory_space<vmem>>
        %dma_start3A_320 = arith.constant 0 : i32
        %dma_start3A_321 = arith.constant 0 : i32
        %dma_start3A_322 = tpu.memref_slice %arg8[%dma_start3A_320, %dma_start3A_321] : memref<12032x128xf32, #tpu.memory_space<vmem_shared>> -> memref<12032x128xf32, #tpu.memory_space<vmem_shared>>
        tpu.enqueue_indirect_dma source(%dma_start3A_316 : memref<64x128xf32, #tpu.memory_space<vmem>>) target(%dma_start3A_322 : memref<12032x128xf32, #tpu.memory_space<vmem_shared>>) offsets(%dma_start3A_319 : memref<64xi32, #tpu.memory_space<vmem>>) semaphore(%run_scoped3A_312 : memref<!tpu.dma_semaphore, #tpu.memory_space<semaphore_mem>>) {add = true}
        %dma_wait3A_323 = arith.constant 0 : i32
        %dma_wait3A_324 = arith.constant 0 : i32
        %dma_wait3A_325 = tpu.memref_slice %arg7[%run_scoped3A, %dma_wait3A_323, %dma_wait3A_324] : memref<4x64x128xf32, #tpu.memory_space<vmem>> -> memref<1x64x128xf32, #tpu.memory_space<vmem>>
        %dma_wait3A_326 = tpu.memref_squeeze %dma_wait3A_325 : memref<1x64x128xf32, #tpu.memory_space<vmem>> -> memref<64x128xf32, #tpu.memory_space<vmem>>
        %dma_wait3A_327 = arith.constant 0 : i32
        %dma_wait3A_328 = tpu.memref_slice %arg6[%run_scoped3A_240, %run_scoped3A_241, %dma_wait3A_327] : memref<4x2x64xi32, #tpu.memory_space<vmem>> -> memref<1x1x64xi32, #tpu.memory_space<vmem>>
        %dma_wait3A_329 = tpu.memref_squeeze %dma_wait3A_328 : memref<1x1x64xi32, #tpu.memory_space<vmem>> -> memref<64xi32, #tpu.memory_space<vmem>>
        %dma_wait3A_330 = arith.constant 0 : i32
        %dma_wait3A_331 = arith.constant 0 : i32
        %dma_wait3A_332 = tpu.memref_slice %arg8[%dma_wait3A_330, %dma_wait3A_331] : memref<12032x128xf32, #tpu.memory_space<vmem_shared>> -> memref<12032x128xf32, #tpu.memory_space<vmem_shared>>
        tpu.wait_indirect_dma semaphore(%run_scoped3A_312 : memref<!tpu.dma_semaphore, #tpu.memory_space<semaphore_mem>>) src(%dma_wait3A_326 : memref<64x128xf32, #tpu.memory_space<vmem>>) dst(%dma_wait3A_332 : memref<12032x128xf32, #tpu.memory_space<vmem_shared>>)
        tpu.yield
      }) : () -> ()
      %add3A_242 = arith.constant 1 : i32
      %add3A_243 = arith.addi %while3A_133, %add3A_242 : i32
      %lt3A = arith.cmpi slt, %add3A_243, %select_n3A_11 : i32
      %convert_element_type3A = arith.extui %lt3A : i1 to i32
      %cond3A = arith.constant 0 : i32
      %cond3A_244 = arith.cmpi ne, %convert_element_type3A, %cond3A : i32
      scf.if %cond3A_244 {
        %add3A_312 = arith.addi %select_n3A, %mul3A_136 : i32
        %add3A_313 = arith.constant 4 : i32
        %add3A_314 = arith.addi %add3A_312, %add3A_313 : i32
        %add3A_315 = arith.constant 0 : i32
        %add3A_316 = arith.addi %add3A_314, %add3A_315 : i32
        %dma_start3A_317 = arith.constant 0 : i32
        %dma_start3A_318 = arith.constant 0 : i32
        %dma_start3A_319 = arith.constant 0 : i32
        %dma_start3A_320 = tpu.memref_slice %arg6[%dma_start3A_317, %dma_start3A_318, %dma_start3A_319] : memref<4x2x64xi32, #tpu.memory_space<vmem>> -> memref<1x2x64xi32, #tpu.memory_space<vmem>>
        %dma_start3A_321 = tpu.memref_squeeze %dma_start3A_320 : memref<1x2x64xi32, #tpu.memory_space<vmem>> -> memref<2x64xi32, #tpu.memory_space<vmem>>
        %dma_start3A_322 = arith.constant 0 : i32
        %dma_start3A_323 = arith.constant 0 : i32
        %dma_start3A_324 = tpu.memref_slice %arg3[%add3A_316, %dma_start3A_322, %dma_start3A_323] : memref<3072x2x64xi32, #tpu.memory_space<hbm>> -> memref<1x2x64xi32, #tpu.memory_space<hbm>>
        %dma_start3A_325 = tpu.memref_squeeze %dma_start3A_324 : memref<1x2x64xi32, #tpu.memory_space<hbm>> -> memref<2x64xi32, #tpu.memory_space<hbm>>
        %dma_start3A_326 = arith.constant 0 : i32
        %dma_start3A_327 = arith.constant 0 : i32
        %dma_start3A_328 = tpu.memref_slice %arg6[%dma_start3A_317, %dma_start3A_326, %dma_start3A_327] : memref<4x2x64xi32, #tpu.memory_space<vmem>> -> memref<1x2x64xi32, #tpu.memory_space<vmem>>
        %dma_start3A_329 = tpu.memref_squeeze %dma_start3A_328 : memref<1x2x64xi32, #tpu.memory_space<vmem>> -> memref<2x64xi32, #tpu.memory_space<vmem>>
        %dma_start3A_330 = arith.constant 0 : i32
        %dma_start3A_331 = arith.constant 0 : i32
        %dma_start3A_332 = tpu.memref_slice %arg3[%add3A_316, %dma_start3A_330, %dma_start3A_331] : memref<3072x2x64xi32, #tpu.memory_space<hbm>> -> memref<1x2x64xi32, #tpu.memory_space<hbm>>
        %dma_start3A_333 = tpu.memref_squeeze %dma_start3A_332 : memref<1x2x64xi32, #tpu.memory_space<hbm>> -> memref<2x64xi32, #tpu.memory_space<hbm>>
        tpu.enqueue_dma source(%dma_start3A_333 : memref<2x64xi32, #tpu.memory_space<hbm>>) target(%dma_start3A_329 : memref<2x64xi32, #tpu.memory_space<vmem>>) target_semaphore(%arg9 : memref<!tpu.dma_semaphore, #tpu.memory_space<semaphore_mem>>)
        %dma_wait3A_334 = arith.constant 0 : i32
        %dma_wait3A_335 = arith.constant 0 : i32
        %dma_wait3A_336 = arith.constant 0 : i32
        %dma_wait3A_337 = tpu.memref_slice %arg6[%dma_wait3A_334, %dma_wait3A_335, %dma_wait3A_336] : memref<4x2x64xi32, #tpu.memory_space<vmem>> -> memref<1x2x64xi32, #tpu.memory_space<vmem>>
        %dma_wait3A_338 = tpu.memref_squeeze %dma_wait3A_337 : memref<1x2x64xi32, #tpu.memory_space<vmem>> -> memref<2x64xi32, #tpu.memory_space<vmem>>
        %dma_wait3A_339 = arith.constant 0 : i32
        %dma_wait3A_340 = arith.constant 0 : i32
        %dma_wait3A_341 = tpu.memref_slice %arg3[%select_n3A, %dma_wait3A_339, %dma_wait3A_340] : memref<3072x2x64xi32, #tpu.memory_space<hbm>> -> memref<1x2x64xi32, #tpu.memory_space<hbm>>
        %dma_wait3A_342 = tpu.memref_squeeze %dma_wait3A_341 : memref<1x2x64xi32, #tpu.memory_space<hbm>> -> memref<2x64xi32, #tpu.memory_space<hbm>>
        %dma_wait3A_343 = arith.constant 0 : i32
        %dma_wait3A_344 = arith.constant 0 : i32
        %dma_wait3A_345 = tpu.memref_slice %arg6[%dma_wait3A_334, %dma_wait3A_343, %dma_wait3A_344] : memref<4x2x64xi32, #tpu.memory_space<vmem>> -> memref<1x2x64xi32, #tpu.memory_space<vmem>>
        %dma_wait3A_346 = tpu.memref_squeeze %dma_wait3A_345 : memref<1x2x64xi32, #tpu.memory_space<vmem>> -> memref<2x64xi32, #tpu.memory_space<vmem>>
        %dma_wait3A_347 = arith.constant 0 : i32
        %dma_wait3A_348 = arith.constant 0 : i32
        %dma_wait3A_349 = tpu.memref_slice %arg3[%select_n3A, %dma_wait3A_347, %dma_wait3A_348] : memref<3072x2x64xi32, #tpu.memory_space<hbm>> -> memref<1x2x64xi32, #tpu.memory_space<hbm>>
        %dma_wait3A_350 = tpu.memref_squeeze %dma_wait3A_349 : memref<1x2x64xi32, #tpu.memory_space<hbm>> -> memref<2x64xi32, #tpu.memory_space<hbm>>
        tpu.wait_dma2 semaphore(%arg9 : memref<!tpu.dma_semaphore, #tpu.memory_space<semaphore_mem>>) src(%dma_wait3A_350 : memref<2x64xi32, #tpu.memory_space<hbm>>) dst(%dma_wait3A_346 : memref<2x64xi32, #tpu.memory_space<vmem>>)
        %dma_start3A_351 = arith.constant 0 : i32
        %dma_start3A_352 = arith.constant 0 : i32
        %dma_start3A_353 = arith.constant 0 : i32
        %dma_start3A_354 = arith.constant 0 : i32
        %dma_start3A_355 = arith.constant 0 : i32
        %dma_start3A_356 = tpu.memref_slice %arg7[%dma_start3A_353, %dma_start3A_354, %dma_start3A_355] : memref<4x64x128xf32, #tpu.memory_space<vmem>> -> memref<1x64x128xf32, #tpu.memory_space<vmem>>
        %dma_start3A_357 = tpu.memref_squeeze %dma_start3A_356 : memref<1x64x128xf32, #tpu.memory_space<vmem>> -> memref<64x128xf32, #tpu.memory_space<vmem>>
        %dma_start3A_358 = arith.constant 0 : i32
        %dma_start3A_359 = tpu.memref_slice %arg6[%dma_start3A_351, %dma_start3A_352, %dma_start3A_358] : memref<4x2x64xi32, #tpu.memory_space<vmem>> -> memref<1x1x64xi32, #tpu.memory_space<vmem>>
        %dma_start3A_360 = tpu.memref_squeeze %dma_start3A_359 : memref<1x1x64xi32, #tpu.memory_space<vmem>> -> memref<64xi32, #tpu.memory_space<vmem>>
        %dma_start3A_361 = arith.constant 0 : i32
        %dma_start3A_362 = arith.constant 0 : i32
        %dma_start3A_363 = tpu.memref_slice %arg2[%dma_start3A_361, %dma_start3A_362] : memref<12032x128xf32, #tpu.memory_space<hbm>> -> memref<12032x128xf32, #tpu.memory_space<hbm>>
        tpu.enqueue_indirect_dma source(%dma_start3A_363 : memref<12032x128xf32, #tpu.memory_space<hbm>>) target(%dma_start3A_357 : memref<64x128xf32, #tpu.memory_space<vmem>>) offsets(%dma_start3A_360 : memref<64xi32, #tpu.memory_space<vmem>>) semaphore(%arg13 : memref<!tpu.dma_semaphore, #tpu.memory_space<semaphore_mem>>)
      } else {
      }
      %dma_wait3A_245 = arith.constant 1 : i32
      %dma_wait3A_246 = arith.constant 0 : i32
      %dma_wait3A_247 = arith.constant 1 : i32
      %dma_wait3A_248 = arith.constant 0 : i32
      %dma_wait3A_249 = arith.constant 0 : i32
      %dma_wait3A_250 = tpu.memref_slice %arg7[%dma_wait3A_247, %dma_wait3A_248, %dma_wait3A_249] : memref<4x64x128xf32, #tpu.memory_space<vmem>> -> memref<1x64x128xf32, #tpu.memory_space<vmem>>
      %dma_wait3A_251 = tpu.memref_squeeze %dma_wait3A_250 : memref<1x64x128xf32, #tpu.memory_space<vmem>> -> memref<64x128xf32, #tpu.memory_space<vmem>>
      %dma_wait3A_252 = arith.constant 0 : i32
      %dma_wait3A_253 = tpu.memref_slice %arg6[%dma_wait3A_245, %dma_wait3A_246, %dma_wait3A_252] : memref<4x2x64xi32, #tpu.memory_space<vmem>> -> memref<1x1x64xi32, #tpu.memory_space<vmem>>
      %dma_wait3A_254 = tpu.memref_squeeze %dma_wait3A_253 : memref<1x1x64xi32, #tpu.memory_space<vmem>> -> memref<64xi32, #tpu.memory_space<vmem>>
      %dma_wait3A_255 = arith.constant 0 : i32
      %dma_wait3A_256 = arith.constant 0 : i32
      %dma_wait3A_257 = tpu.memref_slice %arg2[%dma_wait3A_255, %dma_wait3A_256] : memref<12032x128xf32, #tpu.memory_space<hbm>> -> memref<12032x128xf32, #tpu.memory_space<hbm>>
      tpu.wait_indirect_dma semaphore(%arg14 : memref<!tpu.dma_semaphore, #tpu.memory_space<semaphore_mem>>) src(%dma_wait3A_257 : memref<12032x128xf32, #tpu.memory_space<hbm>>) dst(%dma_wait3A_251 : memref<64x128xf32, #tpu.memory_space<vmem>>)
      %run_scoped3A_258 = arith.constant 1 : i32
      %run_scoped3A_259 = arith.constant 1 : i32
      %run_scoped3A_260 = arith.constant 1 : i32
      "tpu.region"() ({
        %run_scoped3A_312 = tpu.sem_alloc : memref<!tpu.dma_semaphore, #tpu.memory_space<semaphore_mem>>
        %dma_start3A_313 = arith.constant 0 : i32
        %dma_start3A_314 = arith.constant 0 : i32
        %dma_start3A_315 = tpu.memref_slice %arg7[%run_scoped3A_258, %dma_start3A_313, %dma_start3A_314] : memref<4x64x128xf32, #tpu.memory_space<vmem>> -> memref<1x64x128xf32, #tpu.memory_space<vmem>>
        %dma_start3A_316 = tpu.memref_squeeze %dma_start3A_315 : memref<1x64x128xf32, #tpu.memory_space<vmem>> -> memref<64x128xf32, #tpu.memory_space<vmem>>
        %dma_start3A_317 = arith.constant 0 : i32
        %dma_start3A_318 = tpu.memref_slice %arg6[%run_scoped3A_259, %run_scoped3A_260, %dma_start3A_317] : memref<4x2x64xi32, #tpu.memory_space<vmem>> -> memref<1x1x64xi32, #tpu.memory_space<vmem>>
        %dma_start3A_319 = tpu.memref_squeeze %dma_start3A_318 : memref<1x1x64xi32, #tpu.memory_space<vmem>> -> memref<64xi32, #tpu.memory_space<vmem>>
        %dma_start3A_320 = arith.constant 0 : i32
        %dma_start3A_321 = arith.constant 0 : i32
        %dma_start3A_322 = tpu.memref_slice %arg8[%dma_start3A_320, %dma_start3A_321] : memref<12032x128xf32, #tpu.memory_space<vmem_shared>> -> memref<12032x128xf32, #tpu.memory_space<vmem_shared>>
        tpu.enqueue_indirect_dma source(%dma_start3A_316 : memref<64x128xf32, #tpu.memory_space<vmem>>) target(%dma_start3A_322 : memref<12032x128xf32, #tpu.memory_space<vmem_shared>>) offsets(%dma_start3A_319 : memref<64xi32, #tpu.memory_space<vmem>>) semaphore(%run_scoped3A_312 : memref<!tpu.dma_semaphore, #tpu.memory_space<semaphore_mem>>) {add = true}
        %dma_wait3A_323 = arith.constant 0 : i32
        %dma_wait3A_324 = arith.constant 0 : i32
        %dma_wait3A_325 = tpu.memref_slice %arg7[%run_scoped3A_258, %dma_wait3A_323, %dma_wait3A_324] : memref<4x64x128xf32, #tpu.memory_space<vmem>> -> memref<1x64x128xf32, #tpu.memory_space<vmem>>
        %dma_wait3A_326 = tpu.memref_squeeze %dma_wait3A_325 : memref<1x64x128xf32, #tpu.memory_space<vmem>> -> memref<64x128xf32, #tpu.memory_space<vmem>>
        %dma_wait3A_327 = arith.constant 0 : i32
        %dma_wait3A_328 = tpu.memref_slice %arg6[%run_scoped3A_259, %run_scoped3A_260, %dma_wait3A_327] : memref<4x2x64xi32, #tpu.memory_space<vmem>> -> memref<1x1x64xi32, #tpu.memory_space<vmem>>
        %dma_wait3A_329 = tpu.memref_squeeze %dma_wait3A_328 : memref<1x1x64xi32, #tpu.memory_space<vmem>> -> memref<64xi32, #tpu.memory_space<vmem>>
        %dma_wait3A_330 = arith.constant 0 : i32
        %dma_wait3A_331 = arith.constant 0 : i32
        %dma_wait3A_332 = tpu.memref_slice %arg8[%dma_wait3A_330, %dma_wait3A_331] : memref<12032x128xf32, #tpu.memory_space<vmem_shared>> -> memref<12032x128xf32, #tpu.memory_space<vmem_shared>>
        tpu.wait_indirect_dma semaphore(%run_scoped3A_312 : memref<!tpu.dma_semaphore, #tpu.memory_space<semaphore_mem>>) src(%dma_wait3A_326 : memref<64x128xf32, #tpu.memory_space<vmem>>) dst(%dma_wait3A_332 : memref<12032x128xf32, #tpu.memory_space<vmem_shared>>)
        tpu.yield
      }) : () -> ()
      %add3A_261 = arith.constant 1 : i32
      %add3A_262 = arith.addi %while3A_133, %add3A_261 : i32
      %lt3A_263 = arith.cmpi slt, %add3A_262, %select_n3A_11 : i32
      %convert_element_type3A_264 = arith.extui %lt3A_263 : i1 to i32
      %cond3A_265 = arith.constant 0 : i32
      %cond3A_266 = arith.cmpi ne, %convert_element_type3A_264, %cond3A_265 : i32
      scf.if %cond3A_266 {
        %add3A_312 = arith.addi %select_n3A, %mul3A_136 : i32
        %add3A_313 = arith.constant 4 : i32
        %add3A_314 = arith.addi %add3A_312, %add3A_313 : i32
        %add3A_315 = arith.constant 1 : i32
        %add3A_316 = arith.addi %add3A_314, %add3A_315 : i32
        %dma_start3A_317 = arith.constant 1 : i32
        %dma_start3A_318 = arith.constant 0 : i32
        %dma_start3A_319 = arith.constant 0 : i32
        %dma_start3A_320 = tpu.memref_slice %arg6[%dma_start3A_317, %dma_start3A_318, %dma_start3A_319] : memref<4x2x64xi32, #tpu.memory_space<vmem>> -> memref<1x2x64xi32, #tpu.memory_space<vmem>>
        %dma_start3A_321 = tpu.memref_squeeze %dma_start3A_320 : memref<1x2x64xi32, #tpu.memory_space<vmem>> -> memref<2x64xi32, #tpu.memory_space<vmem>>
        %dma_start3A_322 = arith.constant 0 : i32
        %dma_start3A_323 = arith.constant 0 : i32
        %dma_start3A_324 = tpu.memref_slice %arg3[%add3A_316, %dma_start3A_322, %dma_start3A_323] : memref<3072x2x64xi32, #tpu.memory_space<hbm>> -> memref<1x2x64xi32, #tpu.memory_space<hbm>>
        %dma_start3A_325 = tpu.memref_squeeze %dma_start3A_324 : memref<1x2x64xi32, #tpu.memory_space<hbm>> -> memref<2x64xi32, #tpu.memory_space<hbm>>
        %dma_start3A_326 = arith.constant 0 : i32
        %dma_start3A_327 = arith.constant 0 : i32
        %dma_start3A_328 = tpu.memref_slice %arg6[%dma_start3A_317, %dma_start3A_326, %dma_start3A_327] : memref<4x2x64xi32, #tpu.memory_space<vmem>> -> memref<1x2x64xi32, #tpu.memory_space<vmem>>
        %dma_start3A_329 = tpu.memref_squeeze %dma_start3A_328 : memref<1x2x64xi32, #tpu.memory_space<vmem>> -> memref<2x64xi32, #tpu.memory_space<vmem>>
        %dma_start3A_330 = arith.constant 0 : i32
        %dma_start3A_331 = arith.constant 0 : i32
        %dma_start3A_332 = tpu.memref_slice %arg3[%add3A_316, %dma_start3A_330, %dma_start3A_331] : memref<3072x2x64xi32, #tpu.memory_space<hbm>> -> memref<1x2x64xi32, #tpu.memory_space<hbm>>
        %dma_start3A_333 = tpu.memref_squeeze %dma_start3A_332 : memref<1x2x64xi32, #tpu.memory_space<hbm>> -> memref<2x64xi32, #tpu.memory_space<hbm>>
        tpu.enqueue_dma source(%dma_start3A_333 : memref<2x64xi32, #tpu.memory_space<hbm>>) target(%dma_start3A_329 : memref<2x64xi32, #tpu.memory_space<vmem>>) target_semaphore(%arg10 : memref<!tpu.dma_semaphore, #tpu.memory_space<semaphore_mem>>)
      } else {
      }
      %dma_wait3A_267 = arith.constant 2 : i32
      %dma_wait3A_268 = arith.constant 0 : i32
      %dma_wait3A_269 = arith.constant 2 : i32
      %dma_wait3A_270 = arith.constant 0 : i32
      %dma_wait3A_271 = arith.constant 0 : i32
      %dma_wait3A_272 = tpu.memref_slice %arg7[%dma_wait3A_269, %dma_wait3A_270, %dma_wait3A_271] : memref<4x64x128xf32, #tpu.memory_space<vmem>> -> memref<1x64x128xf32, #tpu.memory_space<vmem>>
      %dma_wait3A_273 = tpu.memref_squeeze %dma_wait3A_272 : memref<1x64x128xf32, #tpu.memory_space<vmem>> -> memref<64x128xf32, #tpu.memory_space<vmem>>
      %dma_wait3A_274 = arith.constant 0 : i32
      %dma_wait3A_275 = tpu.memref_slice %arg6[%dma_wait3A_267, %dma_wait3A_268, %dma_wait3A_274] : memref<4x2x64xi32, #tpu.memory_space<vmem>> -> memref<1x1x64xi32, #tpu.memory_space<vmem>>
      %dma_wait3A_276 = tpu.memref_squeeze %dma_wait3A_275 : memref<1x1x64xi32, #tpu.memory_space<vmem>> -> memref<64xi32, #tpu.memory_space<vmem>>
      %dma_wait3A_277 = arith.constant 0 : i32
      %dma_wait3A_278 = arith.constant 0 : i32
      %dma_wait3A_279 = tpu.memref_slice %arg2[%dma_wait3A_277, %dma_wait3A_278] : memref<12032x128xf32, #tpu.memory_space<hbm>> -> memref<12032x128xf32, #tpu.memory_space<hbm>>
      tpu.wait_indirect_dma semaphore(%arg15 : memref<!tpu.dma_semaphore, #tpu.memory_space<semaphore_mem>>) src(%dma_wait3A_279 : memref<12032x128xf32, #tpu.memory_space<hbm>>) dst(%dma_wait3A_273 : memref<64x128xf32, #tpu.memory_space<vmem>>)
      %run_scoped3A_280 = arith.constant 2 : i32
      %run_scoped3A_281 = arith.constant 2 : i32
      %run_scoped3A_282 = arith.constant 1 : i32
      "tpu.region"() ({
        %run_scoped3A_312 = tpu.sem_alloc : memref<!tpu.dma_semaphore, #tpu.memory_space<semaphore_mem>>
        %dma_start3A_313 = arith.constant 0 : i32
        %dma_start3A_314 = arith.constant 0 : i32
        %dma_start3A_315 = tpu.memref_slice %arg7[%run_scoped3A_280, %dma_start3A_313, %dma_start3A_314] : memref<4x64x128xf32, #tpu.memory_space<vmem>> -> memref<1x64x128xf32, #tpu.memory_space<vmem>>
        %dma_start3A_316 = tpu.memref_squeeze %dma_start3A_315 : memref<1x64x128xf32, #tpu.memory_space<vmem>> -> memref<64x128xf32, #tpu.memory_space<vmem>>
        %dma_start3A_317 = arith.constant 0 : i32
        %dma_start3A_318 = tpu.memref_slice %arg6[%run_scoped3A_281, %run_scoped3A_282, %dma_start3A_317] : memref<4x2x64xi32, #tpu.memory_space<vmem>> -> memref<1x1x64xi32, #tpu.memory_space<vmem>>
        %dma_start3A_319 = tpu.memref_squeeze %dma_start3A_318 : memref<1x1x64xi32, #tpu.memory_space<vmem>> -> memref<64xi32, #tpu.memory_space<vmem>>
        %dma_start3A_320 = arith.constant 0 : i32
        %dma_start3A_321 = arith.constant 0 : i32
        %dma_start3A_322 = tpu.memref_slice %arg8[%dma_start3A_320, %dma_start3A_321] : memref<12032x128xf32, #tpu.memory_space<vmem_shared>> -> memref<12032x128xf32, #tpu.memory_space<vmem_shared>>
        tpu.enqueue_indirect_dma source(%dma_start3A_316 : memref<64x128xf32, #tpu.memory_space<vmem>>) target(%dma_start3A_322 : memref<12032x128xf32, #tpu.memory_space<vmem_shared>>) offsets(%dma_start3A_319 : memref<64xi32, #tpu.memory_space<vmem>>) semaphore(%run_scoped3A_312 : memref<!tpu.dma_semaphore, #tpu.memory_space<semaphore_mem>>) {add = true}
        %dma_wait3A_323 = arith.constant 0 : i32
        %dma_wait3A_324 = arith.constant 0 : i32
        %dma_wait3A_325 = tpu.memref_slice %arg7[%run_scoped3A_280, %dma_wait3A_323, %dma_wait3A_324] : memref<4x64x128xf32, #tpu.memory_space<vmem>> -> memref<1x64x128xf32, #tpu.memory_space<vmem>>
        %dma_wait3A_326 = tpu.memref_squeeze %dma_wait3A_325 : memref<1x64x128xf32, #tpu.memory_space<vmem>> -> memref<64x128xf32, #tpu.memory_space<vmem>>
        %dma_wait3A_327 = arith.constant 0 : i32
        %dma_wait3A_328 = tpu.memref_slice %arg6[%run_scoped3A_281, %run_scoped3A_282, %dma_wait3A_327] : memref<4x2x64xi32, #tpu.memory_space<vmem>> -> memref<1x1x64xi32, #tpu.memory_space<vmem>>
        %dma_wait3A_329 = tpu.memref_squeeze %dma_wait3A_328 : memref<1x1x64xi32, #tpu.memory_space<vmem>> -> memref<64xi32, #tpu.memory_space<vmem>>
        %dma_wait3A_330 = arith.constant 0 : i32
        %dma_wait3A_331 = arith.constant 0 : i32
        %dma_wait3A_332 = tpu.memref_slice %arg8[%dma_wait3A_330, %dma_wait3A_331] : memref<12032x128xf32, #tpu.memory_space<vmem_shared>> -> memref<12032x128xf32, #tpu.memory_space<vmem_shared>>
        tpu.wait_indirect_dma semaphore(%run_scoped3A_312 : memref<!tpu.dma_semaphore, #tpu.memory_space<semaphore_mem>>) src(%dma_wait3A_326 : memref<64x128xf32, #tpu.memory_space<vmem>>) dst(%dma_wait3A_332 : memref<12032x128xf32, #tpu.memory_space<vmem_shared>>)
        tpu.yield
      }) : () -> ()
      %add3A_283 = arith.constant 1 : i32
      %add3A_284 = arith.addi %while3A_133, %add3A_283 : i32
      %lt3A_285 = arith.cmpi slt, %add3A_284, %select_n3A_11 : i32
      %convert_element_type3A_286 = arith.extui %lt3A_285 : i1 to i32
      %cond3A_287 = arith.constant 0 : i32
      %cond3A_288 = arith.cmpi ne, %convert_element_type3A_286, %cond3A_287 : i32
      scf.if %cond3A_288 {
        %add3A_312 = arith.addi %select_n3A, %mul3A_136 : i32
        %add3A_313 = arith.constant 4 : i32
        %add3A_314 = arith.addi %add3A_312, %add3A_313 : i32
        %add3A_315 = arith.constant 2 : i32
        %add3A_316 = arith.addi %add3A_314, %add3A_315 : i32
        %dma_start3A_317 = arith.constant 2 : i32
        %dma_start3A_318 = arith.constant 0 : i32
        %dma_start3A_319 = arith.constant 0 : i32
        %dma_start3A_320 = tpu.memref_slice %arg6[%dma_start3A_317, %dma_start3A_318, %dma_start3A_319] : memref<4x2x64xi32, #tpu.memory_space<vmem>> -> memref<1x2x64xi32, #tpu.memory_space<vmem>>
        %dma_start3A_321 = tpu.memref_squeeze %dma_start3A_320 : memref<1x2x64xi32, #tpu.memory_space<vmem>> -> memref<2x64xi32, #tpu.memory_space<vmem>>
        %dma_start3A_322 = arith.constant 0 : i32
        %dma_start3A_323 = arith.constant 0 : i32
        %dma_start3A_324 = tpu.memref_slice %arg3[%add3A_316, %dma_start3A_322, %dma_start3A_323] : memref<3072x2x64xi32, #tpu.memory_space<hbm>> -> memref<1x2x64xi32, #tpu.memory_space<hbm>>
        %dma_start3A_325 = tpu.memref_squeeze %dma_start3A_324 : memref<1x2x64xi32, #tpu.memory_space<hbm>> -> memref<2x64xi32, #tpu.memory_space<hbm>>
        %dma_start3A_326 = arith.constant 0 : i32
        %dma_start3A_327 = arith.constant 0 : i32
        %dma_start3A_328 = tpu.memref_slice %arg6[%dma_start3A_317, %dma_start3A_326, %dma_start3A_327] : memref<4x2x64xi32, #tpu.memory_space<vmem>> -> memref<1x2x64xi32, #tpu.memory_space<vmem>>
        %dma_start3A_329 = tpu.memref_squeeze %dma_start3A_328 : memref<1x2x64xi32, #tpu.memory_space<vmem>> -> memref<2x64xi32, #tpu.memory_space<vmem>>
        %dma_start3A_330 = arith.constant 0 : i32
        %dma_start3A_331 = arith.constant 0 : i32
        %dma_start3A_332 = tpu.memref_slice %arg3[%add3A_316, %dma_start3A_330, %dma_start3A_331] : memref<3072x2x64xi32, #tpu.memory_space<hbm>> -> memref<1x2x64xi32, #tpu.memory_space<hbm>>
        %dma_start3A_333 = tpu.memref_squeeze %dma_start3A_332 : memref<1x2x64xi32, #tpu.memory_space<hbm>> -> memref<2x64xi32, #tpu.memory_space<hbm>>
        tpu.enqueue_dma source(%dma_start3A_333 : memref<2x64xi32, #tpu.memory_space<hbm>>) target(%dma_start3A_329 : memref<2x64xi32, #tpu.memory_space<vmem>>) target_semaphore(%arg11 : memref<!tpu.dma_semaphore, #tpu.memory_space<semaphore_mem>>)
      } else {
      }
      %dma_wait3A_289 = arith.constant 3 : i32
      %dma_wait3A_290 = arith.constant 0 : i32
      %dma_wait3A_291 = arith.constant 3 : i32
      %dma_wait3A_292 = arith.constant 0 : i32
      %dma_wait3A_293 = arith.constant 0 : i32
      %dma_wait3A_294 = tpu.memref_slice %arg7[%dma_wait3A_291, %dma_wait3A_292, %dma_wait3A_293] : memref<4x64x128xf32, #tpu.memory_space<vmem>> -> memref<1x64x128xf32, #tpu.memory_space<vmem>>
      %dma_wait3A_295 = tpu.memref_squeeze %dma_wait3A_294 : memref<1x64x128xf32, #tpu.memory_space<vmem>> -> memref<64x128xf32, #tpu.memory_space<vmem>>
      %dma_wait3A_296 = arith.constant 0 : i32
      %dma_wait3A_297 = tpu.memref_slice %arg6[%dma_wait3A_289, %dma_wait3A_290, %dma_wait3A_296] : memref<4x2x64xi32, #tpu.memory_space<vmem>> -> memref<1x1x64xi32, #tpu.memory_space<vmem>>
      %dma_wait3A_298 = tpu.memref_squeeze %dma_wait3A_297 : memref<1x1x64xi32, #tpu.memory_space<vmem>> -> memref<64xi32, #tpu.memory_space<vmem>>
      %dma_wait3A_299 = arith.constant 0 : i32
      %dma_wait3A_300 = arith.constant 0 : i32
      %dma_wait3A_301 = tpu.memref_slice %arg2[%dma_wait3A_299, %dma_wait3A_300] : memref<12032x128xf32, #tpu.memory_space<hbm>> -> memref<12032x128xf32, #tpu.memory_space<hbm>>
      tpu.wait_indirect_dma semaphore(%arg16 : memref<!tpu.dma_semaphore, #tpu.memory_space<semaphore_mem>>) src(%dma_wait3A_301 : memref<12032x128xf32, #tpu.memory_space<hbm>>) dst(%dma_wait3A_295 : memref<64x128xf32, #tpu.memory_space<vmem>>)
      %run_scoped3A_302 = arith.constant 3 : i32
      %run_scoped3A_303 = arith.constant 3 : i32
      %run_scoped3A_304 = arith.constant 1 : i32
      "tpu.region"() ({
        %run_scoped3A_312 = tpu.sem_alloc : memref<!tpu.dma_semaphore, #tpu.memory_space<semaphore_mem>>
        %dma_start3A_313 = arith.constant 0 : i32
        %dma_start3A_314 = arith.constant 0 : i32
        %dma_start3A_315 = tpu.memref_slice %arg7[%run_scoped3A_302, %dma_start3A_313, %dma_start3A_314] : memref<4x64x128xf32, #tpu.memory_space<vmem>> -> memref<1x64x128xf32, #tpu.memory_space<vmem>>
        %dma_start3A_316 = tpu.memref_squeeze %dma_start3A_315 : memref<1x64x128xf32, #tpu.memory_space<vmem>> -> memref<64x128xf32, #tpu.memory_space<vmem>>
        %dma_start3A_317 = arith.constant 0 : i32
        %dma_start3A_318 = tpu.memref_slice %arg6[%run_scoped3A_303, %run_scoped3A_304, %dma_start3A_317] : memref<4x2x64xi32, #tpu.memory_space<vmem>> -> memref<1x1x64xi32, #tpu.memory_space<vmem>>
        %dma_start3A_319 = tpu.memref_squeeze %dma_start3A_318 : memref<1x1x64xi32, #tpu.memory_space<vmem>> -> memref<64xi32, #tpu.memory_space<vmem>>
        %dma_start3A_320 = arith.constant 0 : i32
        %dma_start3A_321 = arith.constant 0 : i32
        %dma_start3A_322 = tpu.memref_slice %arg8[%dma_start3A_320, %dma_start3A_321] : memref<12032x128xf32, #tpu.memory_space<vmem_shared>> -> memref<12032x128xf32, #tpu.memory_space<vmem_shared>>
        tpu.enqueue_indirect_dma source(%dma_start3A_316 : memref<64x128xf32, #tpu.memory_space<vmem>>) target(%dma_start3A_322 : memref<12032x128xf32, #tpu.memory_space<vmem_shared>>) offsets(%dma_start3A_319 : memref<64xi32, #tpu.memory_space<vmem>>) semaphore(%run_scoped3A_312 : memref<!tpu.dma_semaphore, #tpu.memory_space<semaphore_mem>>) {add = true}
        %dma_wait3A_323 = arith.constant 0 : i32
        %dma_wait3A_324 = arith.constant 0 : i32
        %dma_wait3A_325 = tpu.memref_slice %arg7[%run_scoped3A_302, %dma_wait3A_323, %dma_wait3A_324] : memref<4x64x128xf32, #tpu.memory_space<vmem>> -> memref<1x64x128xf32, #tpu.memory_space<vmem>>
        %dma_wait3A_326 = tpu.memref_squeeze %dma_wait3A_325 : memref<1x64x128xf32, #tpu.memory_space<vmem>> -> memref<64x128xf32, #tpu.memory_space<vmem>>
        %dma_wait3A_327 = arith.constant 0 : i32
        %dma_wait3A_328 = tpu.memref_slice %arg6[%run_scoped3A_303, %run_scoped3A_304, %dma_wait3A_327] : memref<4x2x64xi32, #tpu.memory_space<vmem>> -> memref<1x1x64xi32, #tpu.memory_space<vmem>>
        %dma_wait3A_329 = tpu.memref_squeeze %dma_wait3A_328 : memref<1x1x64xi32, #tpu.memory_space<vmem>> -> memref<64xi32, #tpu.memory_space<vmem>>
        %dma_wait3A_330 = arith.constant 0 : i32
        %dma_wait3A_331 = arith.constant 0 : i32
        %dma_wait3A_332 = tpu.memref_slice %arg8[%dma_wait3A_330, %dma_wait3A_331] : memref<12032x128xf32, #tpu.memory_space<vmem_shared>> -> memref<12032x128xf32, #tpu.memory_space<vmem_shared>>
        tpu.wait_indirect_dma semaphore(%run_scoped3A_312 : memref<!tpu.dma_semaphore, #tpu.memory_space<semaphore_mem>>) src(%dma_wait3A_326 : memref<64x128xf32, #tpu.memory_space<vmem>>) dst(%dma_wait3A_332 : memref<12032x128xf32, #tpu.memory_space<vmem_shared>>)
        tpu.yield
      }) : () -> ()
      %add3A_305 = arith.constant 1 : i32
      %add3A_306 = arith.addi %while3A_133, %add3A_305 : i32
      %lt3A_307 = arith.cmpi slt, %add3A_306, %select_n3A_11 : i32
      %convert_element_type3A_308 = arith.extui %lt3A_307 : i1 to i32
      %cond3A_309 = arith.constant 0 : i32
      %cond3A_310 = arith.cmpi ne, %convert_element_type3A_308, %cond3A_309 : i32
      scf.if %cond3A_310 {
        %add3A_312 = arith.addi %select_n3A, %mul3A_136 : i32
        %add3A_313 = arith.constant 4 : i32
        %add3A_314 = arith.addi %add3A_312, %add3A_313 : i32
        %add3A_315 = arith.constant 3 : i32
        %add3A_316 = arith.addi %add3A_314, %add3A_315 : i32
        %dma_start3A_317 = arith.constant 3 : i32
        %dma_start3A_318 = arith.constant 0 : i32
        %dma_start3A_319 = arith.constant 0 : i32
        %dma_start3A_320 = tpu.memref_slice %arg6[%dma_start3A_317, %dma_start3A_318, %dma_start3A_319] : memref<4x2x64xi32, #tpu.memory_space<vmem>> -> memref<1x2x64xi32, #tpu.memory_space<vmem>>
        %dma_start3A_321 = tpu.memref_squeeze %dma_start3A_320 : memref<1x2x64xi32, #tpu.memory_space<vmem>> -> memref<2x64xi32, #tpu.memory_space<vmem>>
        %dma_start3A_322 = arith.constant 0 : i32
        %dma_start3A_323 = arith.constant 0 : i32
        %dma_start3A_324 = tpu.memref_slice %arg3[%add3A_316, %dma_start3A_322, %dma_start3A_323] : memref<3072x2x64xi32, #tpu.memory_space<hbm>> -> memref<1x2x64xi32, #tpu.memory_space<hbm>>
        %dma_start3A_325 = tpu.memref_squeeze %dma_start3A_324 : memref<1x2x64xi32, #tpu.memory_space<hbm>> -> memref<2x64xi32, #tpu.memory_space<hbm>>
        %dma_start3A_326 = arith.constant 0 : i32
        %dma_start3A_327 = arith.constant 0 : i32
        %dma_start3A_328 = tpu.memref_slice %arg6[%dma_start3A_317, %dma_start3A_326, %dma_start3A_327] : memref<4x2x64xi32, #tpu.memory_space<vmem>> -> memref<1x2x64xi32, #tpu.memory_space<vmem>>
        %dma_start3A_329 = tpu.memref_squeeze %dma_start3A_328 : memref<1x2x64xi32, #tpu.memory_space<vmem>> -> memref<2x64xi32, #tpu.memory_space<vmem>>
        %dma_start3A_330 = arith.constant 0 : i32
        %dma_start3A_331 = arith.constant 0 : i32
        %dma_start3A_332 = tpu.memref_slice %arg3[%add3A_316, %dma_start3A_330, %dma_start3A_331] : memref<3072x2x64xi32, #tpu.memory_space<hbm>> -> memref<1x2x64xi32, #tpu.memory_space<hbm>>
        %dma_start3A_333 = tpu.memref_squeeze %dma_start3A_332 : memref<1x2x64xi32, #tpu.memory_space<hbm>> -> memref<2x64xi32, #tpu.memory_space<hbm>>
        tpu.enqueue_dma source(%dma_start3A_333 : memref<2x64xi32, #tpu.memory_space<hbm>>) target(%dma_start3A_329 : memref<2x64xi32, #tpu.memory_space<vmem>>) target_semaphore(%arg12 : memref<!tpu.dma_semaphore, #tpu.memory_space<semaphore_mem>>)
      } else {
      }
      %while3A_311 = arith.constant 0 : i32
      scf.yield %while3A_311 : i32
    }
    %while3A_130 = arith.constant 1 : i32
    %while3A_131 = scf.for %while3A_133 = %while3A_127 to %while3A_123 step %while3A_130 iter_args(%while3A_134 = %while3A_129) -> (i32)  : i32 {
      %mul3A_135 = arith.constant 4 : i32
      %mul3A_136 = arith.muli %mul3A_135, %while3A_133 : i32
      %dma_wait3A_137 = arith.constant 1 : i32
      %dma_wait3A_138 = arith.constant 0 : i32
      %dma_wait3A_139 = arith.constant 0 : i32
      %dma_wait3A_140 = tpu.memref_slice %arg6[%dma_wait3A_137, %dma_wait3A_138, %dma_wait3A_139] : memref<4x2x64xi32, #tpu.memory_space<vmem>> -> memref<1x2x64xi32, #tpu.memory_space<vmem>>
      %dma_wait3A_141 = tpu.memref_squeeze %dma_wait3A_140 : memref<1x2x64xi32, #tpu.memory_space<vmem>> -> memref<2x64xi32, #tpu.memory_space<vmem>>
      %dma_wait3A_142 = arith.constant 0 : i32
      %dma_wait3A_143 = arith.constant 0 : i32
      %dma_wait3A_144 = tpu.memref_slice %arg3[%select_n3A, %dma_wait3A_142, %dma_wait3A_143] : memref<3072x2x64xi32, #tpu.memory_space<hbm>> -> memref<1x2x64xi32, #tpu.memory_space<hbm>>
      %dma_wait3A_145 = tpu.memref_squeeze %dma_wait3A_144 : memref<1x2x64xi32, #tpu.memory_space<hbm>> -> memref<2x64xi32, #tpu.memory_space<hbm>>
      %dma_wait3A_146 = arith.constant 0 : i32
      %dma_wait3A_147 = arith.constant 0 : i32
      %dma_wait3A_148 = tpu.memref_slice %arg6[%dma_wait3A_137, %dma_wait3A_146, %dma_wait3A_147] : memref<4x2x64xi32, #tpu.memory_space<vmem>> -> memref<1x2x64xi32, #tpu.memory_space<vmem>>
      %dma_wait3A_149 = tpu.memref_squeeze %dma_wait3A_148 : memref<1x2x64xi32, #tpu.memory_space<vmem>> -> memref<2x64xi32, #tpu.memory_space<vmem>>
      %dma_wait3A_150 = arith.constant 0 : i32
      %dma_wait3A_151 = arith.constant 0 : i32
      %dma_wait3A_152 = tpu.memref_slice %arg3[%select_n3A, %dma_wait3A_150, %dma_wait3A_151] : memref<3072x2x64xi32, #tpu.memory_space<hbm>> -> memref<1x2x64xi32, #tpu.memory_space<hbm>>
      %dma_wait3A_153 = tpu.memref_squeeze %dma_wait3A_152 : memref<1x2x64xi32, #tpu.memory_space<hbm>> -> memref<2x64xi32, #tpu.memory_space<hbm>>
      tpu.wait_dma2 semaphore(%arg10 : memref<!tpu.dma_semaphore, #tpu.memory_space<semaphore_mem>>) src(%dma_wait3A_153 : memref<2x64xi32, #tpu.memory_space<hbm>>) dst(%dma_wait3A_149 : memref<2x64xi32, #tpu.memory_space<vmem>>)
      %dma_start3A_154 = arith.constant 1 : i32
      %dma_start3A_155 = arith.constant 0 : i32
      %dma_start3A_156 = arith.constant 1 : i32
      %dma_start3A_157 = arith.constant 0 : i32
      %dma_start3A_158 = arith.constant 0 : i32
      %dma_start3A_159 = tpu.memref_slice %arg7[%dma_start3A_156, %dma_start3A_157, %dma_start3A_158] : memref<4x64x128xf32, #tpu.memory_space<vmem>> -> memref<1x64x128xf32, #tpu.memory_space<vmem>>
      %dma_start3A_160 = tpu.memref_squeeze %dma_start3A_159 : memref<1x64x128xf32, #tpu.memory_space<vmem>> -> memref<64x128xf32, #tpu.memory_space<vmem>>
      %dma_start3A_161 = arith.constant 0 : i32
      %dma_start3A_162 = tpu.memref_slice %arg6[%dma_start3A_154, %dma_start3A_155, %dma_start3A_161] : memref<4x2x64xi32, #tpu.memory_space<vmem>> -> memref<1x1x64xi32, #tpu.memory_space<vmem>>
      %dma_start3A_163 = tpu.memref_squeeze %dma_start3A_162 : memref<1x1x64xi32, #tpu.memory_space<vmem>> -> memref<64xi32, #tpu.memory_space<vmem>>
      %dma_start3A_164 = arith.constant 0 : i32
      %dma_start3A_165 = arith.constant 0 : i32
      %dma_start3A_166 = tpu.memref_slice %arg2[%dma_start3A_164, %dma_start3A_165] : memref<12032x128xf32, #tpu.memory_space<hbm>> -> memref<12032x128xf32, #tpu.memory_space<hbm>>
      tpu.enqueue_indirect_dma source(%dma_start3A_166 : memref<12032x128xf32, #tpu.memory_space<hbm>>) target(%dma_start3A_160 : memref<64x128xf32, #tpu.memory_space<vmem>>) offsets(%dma_start3A_163 : memref<64xi32, #tpu.memory_space<vmem>>) semaphore(%arg14 : memref<!tpu.dma_semaphore, #tpu.memory_space<semaphore_mem>>)
      %dma_wait3A_167 = arith.constant 2 : i32
      %dma_wait3A_168 = arith.constant 0 : i32
      %dma_wait3A_169 = arith.constant 0 : i32
      %dma_wait3A_170 = tpu.memref_slice %arg6[%dma_wait3A_167, %dma_wait3A_168, %dma_wait3A_169] : memref<4x2x64xi32, #tpu.memory_space<vmem>> -> memref<1x2x64xi32, #tpu.memory_space<vmem>>
      %dma_wait3A_171 = tpu.memref_squeeze %dma_wait3A_170 : memref<1x2x64xi32, #tpu.memory_space<vmem>> -> memref<2x64xi32, #tpu.memory_space<vmem>>
      %dma_wait3A_172 = arith.constant 0 : i32
      %dma_wait3A_173 = arith.constant 0 : i32
      %dma_wait3A_174 = tpu.memref_slice %arg3[%select_n3A, %dma_wait3A_172, %dma_wait3A_173] : memref<3072x2x64xi32, #tpu.memory_space<hbm>> -> memref<1x2x64xi32, #tpu.memory_space<hbm>>
      %dma_wait3A_175 = tpu.memref_squeeze %dma_wait3A_174 : memref<1x2x64xi32, #tpu.memory_space<hbm>> -> memref<2x64xi32, #tpu.memory_space<hbm>>
      %dma_wait3A_176 = arith.constant 0 : i32
      %dma_wait3A_177 = arith.constant 0 : i32
      %dma_wait3A_178 = tpu.memref_slice %arg6[%dma_wait3A_167, %dma_wait3A_176, %dma_wait3A_177] : memref<4x2x64xi32, #tpu.memory_space<vmem>> -> memref<1x2x64xi32, #tpu.memory_space<vmem>>
      %dma_wait3A_179 = tpu.memref_squeeze %dma_wait3A_178 : memref<1x2x64xi32, #tpu.memory_space<vmem>> -> memref<2x64xi32, #tpu.memory_space<vmem>>
      %dma_wait3A_180 = arith.constant 0 : i32
      %dma_wait3A_181 = arith.constant 0 : i32
      %dma_wait3A_182 = tpu.memref_slice %arg3[%select_n3A, %dma_wait3A_180, %dma_wait3A_181] : memref<3072x2x64xi32, #tpu.memory_space<hbm>> -> memref<1x2x64xi32, #tpu.memory_space<hbm>>
      %dma_wait3A_183 = tpu.memref_squeeze %dma_wait3A_182 : memref<1x2x64xi32, #tpu.memory_space<hbm>> -> memref<2x64xi32, #tpu.memory_space<hbm>>
      tpu.wait_dma2 semaphore(%arg11 : memref<!tpu.dma_semaphore, #tpu.memory_space<semaphore_mem>>) src(%dma_wait3A_183 : memref<2x64xi32, #tpu.memory_space<hbm>>) dst(%dma_wait3A_179 : memref<2x64xi32, #tpu.memory_space<vmem>>)
      %dma_start3A_184 = arith.constant 2 : i32
      %dma_start3A_185 = arith.constant 0 : i32
      %dma_start3A_186 = arith.constant 2 : i32
      %dma_start3A_187 = arith.constant 0 : i32
      %dma_start3A_188 = arith.constant 0 : i32
      %dma_start3A_189 = tpu.memref_slice %arg7[%dma_start3A_186, %dma_start3A_187, %dma_start3A_188] : memref<4x64x128xf32, #tpu.memory_space<vmem>> -> memref<1x64x128xf32, #tpu.memory_space<vmem>>
      %dma_start3A_190 = tpu.memref_squeeze %dma_start3A_189 : memref<1x64x128xf32, #tpu.memory_space<vmem>> -> memref<64x128xf32, #tpu.memory_space<vmem>>
      %dma_start3A_191 = arith.constant 0 : i32
      %dma_start3A_192 = tpu.memref_slice %arg6[%dma_start3A_184, %dma_start3A_185, %dma_start3A_191] : memref<4x2x64xi32, #tpu.memory_space<vmem>> -> memref<1x1x64xi32, #tpu.memory_space<vmem>>
      %dma_start3A_193 = tpu.memref_squeeze %dma_start3A_192 : memref<1x1x64xi32, #tpu.memory_space<vmem>> -> memref<64xi32, #tpu.memory_space<vmem>>
      %dma_start3A_194 = arith.constant 0 : i32
      %dma_start3A_195 = arith.constant 0 : i32
      %dma_start3A_196 = tpu.memref_slice %arg2[%dma_start3A_194, %dma_start3A_195] : memref<12032x128xf32, #tpu.memory_space<hbm>> -> memref<12032x128xf32, #tpu.memory_space<hbm>>
      tpu.enqueue_indirect_dma source(%dma_start3A_196 : memref<12032x128xf32, #tpu.memory_space<hbm>>) target(%dma_start3A_190 : memref<64x128xf32, #tpu.memory_space<vmem>>) offsets(%dma_start3A_193 : memref<64xi32, #tpu.memory_space<vmem>>) semaphore(%arg15 : memref<!tpu.dma_semaphore, #tpu.memory_space<semaphore_mem>>)
      %dma_wait3A_197 = arith.constant 3 : i32
      %dma_wait3A_198 = arith.constant 0 : i32
      %dma_wait3A_199 = arith.constant 0 : i32
      %dma_wait3A_200 = tpu.memref_slice %arg6[%dma_wait3A_197, %dma_wait3A_198, %dma_wait3A_199] : memref<4x2x64xi32, #tpu.memory_space<vmem>> -> memref<1x2x64xi32, #tpu.memory_space<vmem>>
      %dma_wait3A_201 = tpu.memref_squeeze %dma_wait3A_200 : memref<1x2x64xi32, #tpu.memory_space<vmem>> -> memref<2x64xi32, #tpu.memory_space<vmem>>
      %dma_wait3A_202 = arith.constant 0 : i32
      %dma_wait3A_203 = arith.constant 0 : i32
      %dma_wait3A_204 = tpu.memref_slice %arg3[%select_n3A, %dma_wait3A_202, %dma_wait3A_203] : memref<3072x2x64xi32, #tpu.memory_space<hbm>> -> memref<1x2x64xi32, #tpu.memory_space<hbm>>
      %dma_wait3A_205 = tpu.memref_squeeze %dma_wait3A_204 : memref<1x2x64xi32, #tpu.memory_space<hbm>> -> memref<2x64xi32, #tpu.memory_space<hbm>>
      %dma_wait3A_206 = arith.constant 0 : i32
      %dma_wait3A_207 = arith.constant 0 : i32
      %dma_wait3A_208 = tpu.memref_slice %arg6[%dma_wait3A_197, %dma_wait3A_206, %dma_wait3A_207] : memref<4x2x64xi32, #tpu.memory_space<vmem>> -> memref<1x2x64xi32, #tpu.memory_space<vmem>>
      %dma_wait3A_209 = tpu.memref_squeeze %dma_wait3A_208 : memref<1x2x64xi32, #tpu.memory_space<vmem>> -> memref<2x64xi32, #tpu.memory_space<vmem>>
      %dma_wait3A_210 = arith.constant 0 : i32
      %dma_wait3A_211 = arith.constant 0 : i32
      %dma_wait3A_212 = tpu.memref_slice %arg3[%select_n3A, %dma_wait3A_210, %dma_wait3A_211] : memref<3072x2x64xi32, #tpu.memory_space<hbm>> -> memref<1x2x64xi32, #tpu.memory_space<hbm>>
      %dma_wait3A_213 = tpu.memref_squeeze %dma_wait3A_212 : memref<1x2x64xi32, #tpu.memory_space<hbm>> -> memref<2x64xi32, #tpu.memory_space<hbm>>
      tpu.wait_dma2 semaphore(%arg12 : memref<!tpu.dma_semaphore, #tpu.memory_space<semaphore_mem>>) src(%dma_wait3A_213 : memref<2x64xi32, #tpu.memory_space<hbm>>) dst(%dma_wait3A_209 : memref<2x64xi32, #tpu.memory_space<vmem>>)
      %dma_start3A_214 = arith.constant 3 : i32
      %dma_start3A_215 = arith.constant 0 : i32
      %dma_start3A_216 = arith.constant 3 : i32
      %dma_start3A_217 = arith.constant 0 : i32
      %dma_start3A_218 = arith.constant 0 : i32
      %dma_start3A_219 = tpu.memref_slice %arg7[%dma_start3A_216, %dma_start3A_217, %dma_start3A_218] : memref<4x64x128xf32, #tpu.memory_space<vmem>> -> memref<1x64x128xf32, #tpu.memory_space<vmem>>
      %dma_start3A_220 = tpu.memref_squeeze %dma_start3A_219 : memref<1x64x128xf32, #tpu.memory_space<vmem>> -> memref<64x128xf32, #tpu.memory_space<vmem>>
      %dma_start3A_221 = arith.constant 0 : i32
      %dma_start3A_222 = tpu.memref_slice %arg6[%dma_start3A_214, %dma_start3A_215, %dma_start3A_221] : memref<4x2x64xi32, #tpu.memory_space<vmem>> -> memref<1x1x64xi32, #tpu.memory_space<vmem>>
      %dma_start3A_223 = tpu.memref_squeeze %dma_start3A_222 : memref<1x1x64xi32, #tpu.memory_space<vmem>> -> memref<64xi32, #tpu.memory_space<vmem>>
      %dma_start3A_224 = arith.constant 0 : i32
      %dma_start3A_225 = arith.constant 0 : i32
      %dma_start3A_226 = tpu.memref_slice %arg2[%dma_start3A_224, %dma_start3A_225] : memref<12032x128xf32, #tpu.memory_space<hbm>> -> memref<12032x128xf32, #tpu.memory_space<hbm>>
      tpu.enqueue_indirect_dma source(%dma_start3A_226 : memref<12032x128xf32, #tpu.memory_space<hbm>>) target(%dma_start3A_220 : memref<64x128xf32, #tpu.memory_space<vmem>>) offsets(%dma_start3A_223 : memref<64xi32, #tpu.memory_space<vmem>>) semaphore(%arg16 : memref<!tpu.dma_semaphore, #tpu.memory_space<semaphore_mem>>)
      %dma_wait3A_227 = arith.constant 0 : i32
      %dma_wait3A_228 = arith.constant 0 : i32
      %dma_wait3A_229 = arith.constant 0 : i32
      %dma_wait3A_230 = arith.constant 0 : i32
      %dma_wait3A_231 = arith.constant 0 : i32
      %dma_wait3A_232 = tpu.memref_slice %arg7[%dma_wait3A_229, %dma_wait3A_230, %dma_wait3A_231] : memref<4x64x128xf32, #tpu.memory_space<vmem>> -> memref<1x64x128xf32, #tpu.memory_space<vmem>>
      %dma_wait3A_233 = tpu.memref_squeeze %dma_wait3A_232 : memref<1x64x128xf32, #tpu.memory_space<vmem>> -> memref<64x128xf32, #tpu.memory_space<vmem>>
      %dma_wait3A_234 = arith.constant 0 : i32
      %dma_wait3A_235 = tpu.memref_slice %arg6[%dma_wait3A_227, %dma_wait3A_228, %dma_wait3A_234] : memref<4x2x64xi32, #tpu.memory_space<vmem>> -> memref<1x1x64xi32, #tpu.memory_space<vmem>>
      %dma_wait3A_236 = tpu.memref_squeeze %dma_wait3A_235 : memref<1x1x64xi32, #tpu.memory_space<vmem>> -> memref<64xi32, #tpu.memory_space<vmem>>
      %dma_wait3A_237 = arith.constant 0 : i32
      %dma_wait3A_238 = arith.constant 0 : i32
      %dma_wait3A_239 = tpu.memref_slice %arg2[%dma_wait3A_237, %dma_wait3A_238] : memref<12032x128xf32, #tpu.memory_space<hbm>> -> memref<12032x128xf32, #tpu.memory_space<hbm>>
      tpu.wait_indirect_dma semaphore(%arg13 : memref<!tpu.dma_semaphore, #tpu.memory_space<semaphore_mem>>) src(%dma_wait3A_239 : memref<12032x128xf32, #tpu.memory_space<hbm>>) dst(%dma_wait3A_233 : memref<64x128xf32, #tpu.memory_space<vmem>>)
      %run_scoped3A = arith.constant 0 : i32
      %run_scoped3A_240 = arith.constant 0 : i32
      %run_scoped3A_241 = arith.constant 1 : i32
      "tpu.region"() ({
        %run_scoped3A_312 = tpu.sem_alloc : memref<!tpu.dma_semaphore, #tpu.memory_space<semaphore_mem>>
        %dma_start3A_313 = arith.constant 0 : i32
        %dma_start3A_314 = arith.constant 0 : i32
        %dma_start3A_315 = tpu.memref_slice %arg7[%run_scoped3A, %dma_start3A_313, %dma_start3A_314] : memref<4x64x128xf32, #tpu.memory_space<vmem>> -> memref<1x64x128xf32, #tpu.memory_space<vmem>>
        %dma_start3A_316 = tpu.memref_squeeze %dma_start3A_315 : memref<1x64x128xf32, #tpu.memory_space<vmem>> -> memref<64x128xf32, #tpu.memory_space<vmem>>
        %dma_start3A_317 = arith.constant 0 : i32
        %dma_start3A_318 = tpu.memref_slice %arg6[%run_scoped3A_240, %run_scoped3A_241, %dma_start3A_317] : memref<4x2x64xi32, #tpu.memory_space<vmem>> -> memref<1x1x64xi32, #tpu.memory_space<vmem>>
        %dma_start3A_319 = tpu.memref_squeeze %dma_start3A_318 : memref<1x1x64xi32, #tpu.memory_space<vmem>> -> memref<64xi32, #tpu.memory_space<vmem>>
        %dma_start3A_320 = arith.constant 0 : i32
        %dma_start3A_321 = arith.constant 0 : i32
        %dma_start3A_322 = tpu.memref_slice %arg8[%dma_start3A_320, %dma_start3A_321] : memref<12032x128xf32, #tpu.memory_space<vmem_shared>> -> memref<12032x128xf32, #tpu.memory_space<vmem_shared>>
        tpu.enqueue_indirect_dma source(%dma_start3A_316 : memref<64x128xf32, #tpu.memory_space<vmem>>) target(%dma_start3A_322 : memref<12032x128xf32, #tpu.memory_space<vmem_shared>>) offsets(%dma_start3A_319 : memref<64xi32, #tpu.memory_space<vmem>>) semaphore(%run_scoped3A_312 : memref<!tpu.dma_semaphore, #tpu.memory_space<semaphore_mem>>) {add = true}
        %dma_wait3A_323 = arith.constant 0 : i32
        %dma_wait3A_324 = arith.constant 0 : i32
        %dma_wait3A_325 = tpu.memref_slice %arg7[%run_scoped3A, %dma_wait3A_323, %dma_wait3A_324] : memref<4x64x128xf32, #tpu.memory_space<vmem>> -> memref<1x64x128xf32, #tpu.memory_space<vmem>>
        %dma_wait3A_326 = tpu.memref_squeeze %dma_wait3A_325 : memref<1x64x128xf32, #tpu.memory_space<vmem>> -> memref<64x128xf32, #tpu.memory_space<vmem>>
        %dma_wait3A_327 = arith.constant 0 : i32
        %dma_wait3A_328 = tpu.memref_slice %arg6[%run_scoped3A_240, %run_scoped3A_241, %dma_wait3A_327] : memref<4x2x64xi32, #tpu.memory_space<vmem>> -> memref<1x1x64xi32, #tpu.memory_space<vmem>>
        %dma_wait3A_329 = tpu.memref_squeeze %dma_wait3A_328 : memref<1x1x64xi32, #tpu.memory_space<vmem>> -> memref<64xi32, #tpu.memory_space<vmem>>
        %dma_wait3A_330 = arith.constant 0 : i32
        %dma_wait3A_331 = arith.constant 0 : i32
        %dma_wait3A_332 = tpu.memref_slice %arg8[%dma_wait3A_330, %dma_wait3A_331] : memref<12032x128xf32, #tpu.memory_space<vmem_shared>> -> memref<12032x128xf32, #tpu.memory_space<vmem_shared>>
        tpu.wait_indirect_dma semaphore(%run_scoped3A_312 : memref<!tpu.dma_semaphore, #tpu.memory_space<semaphore_mem>>) src(%dma_wait3A_326 : memref<64x128xf32, #tpu.memory_space<vmem>>) dst(%dma_wait3A_332 : memref<12032x128xf32, #tpu.memory_space<vmem_shared>>)
        tpu.yield
      }) : () -> ()
      %add3A_242 = arith.constant 1 : i32
      %add3A_243 = arith.addi %while3A_133, %add3A_242 : i32
      %lt3A = arith.cmpi slt, %add3A_243, %select_n3A_11 : i32
      %convert_element_type3A = arith.extui %lt3A : i1 to i32
      %cond3A = arith.constant 0 : i32
      %cond3A_244 = arith.cmpi ne, %convert_element_type3A, %cond3A : i32
      scf.if %cond3A_244 {
        %add3A_312 = arith.addi %select_n3A, %mul3A_136 : i32
        %add3A_313 = arith.constant 4 : i32
        %add3A_314 = arith.addi %add3A_312, %add3A_313 : i32
        %add3A_315 = arith.constant 0 : i32
        %add3A_316 = arith.addi %add3A_314, %add3A_315 : i32
        %dma_start3A_317 = arith.constant 0 : i32
        %dma_start3A_318 = arith.constant 0 : i32
        %dma_start3A_319 = arith.constant 0 : i32
        %dma_start3A_320 = tpu.memref_slice %arg6[%dma_start3A_317, %dma_start3A_318, %dma_start3A_319] : memref<4x2x64xi32, #tpu.memory_space<vmem>> -> memref<1x2x64xi32, #tpu.memory_space<vmem>>
        %dma_start3A_321 = tpu.memref_squeeze %dma_start3A_320 : memref<1x2x64xi32, #tpu.memory_space<vmem>> -> memref<2x64xi32, #tpu.memory_space<vmem>>
        %dma_start3A_322 = arith.constant 0 : i32
        %dma_start3A_323 = arith.constant 0 : i32
        %dma_start3A_324 = tpu.memref_slice %arg3[%add3A_316, %dma_start3A_322, %dma_start3A_323] : memref<3072x2x64xi32, #tpu.memory_space<hbm>> -> memref<1x2x64xi32, #tpu.memory_space<hbm>>
        %dma_start3A_325 = tpu.memref_squeeze %dma_start3A_324 : memref<1x2x64xi32, #tpu.memory_space<hbm>> -> memref<2x64xi32, #tpu.memory_space<hbm>>
        %dma_start3A_326 = arith.constant 0 : i32
        %dma_start3A_327 = arith.constant 0 : i32
        %dma_start3A_328 = tpu.memref_slice %arg6[%dma_start3A_317, %dma_start3A_326, %dma_start3A_327] : memref<4x2x64xi32, #tpu.memory_space<vmem>> -> memref<1x2x64xi32, #tpu.memory_space<vmem>>
        %dma_start3A_329 = tpu.memref_squeeze %dma_start3A_328 : memref<1x2x64xi32, #tpu.memory_space<vmem>> -> memref<2x64xi32, #tpu.memory_space<vmem>>
        %dma_start3A_330 = arith.constant 0 : i32
        %dma_start3A_331 = arith.constant 0 : i32
        %dma_start3A_332 = tpu.memref_slice %arg3[%add3A_316, %dma_start3A_330, %dma_start3A_331] : memref<3072x2x64xi32, #tpu.memory_space<hbm>> -> memref<1x2x64xi32, #tpu.memory_space<hbm>>
        %dma_start3A_333 = tpu.memref_squeeze %dma_start3A_332 : memref<1x2x64xi32, #tpu.memory_space<hbm>> -> memref<2x64xi32, #tpu.memory_space<hbm>>
        tpu.enqueue_dma source(%dma_start3A_333 : memref<2x64xi32, #tpu.memory_space<hbm>>) target(%dma_start3A_329 : memref<2x64xi32, #tpu.memory_space<vmem>>) target_semaphore(%arg9 : memref<!tpu.dma_semaphore, #tpu.memory_space<semaphore_mem>>)
        %dma_wait3A_334 = arith.constant 0 : i32
        %dma_wait3A_335 = arith.constant 0 : i32
        %dma_wait3A_336 = arith.constant 0 : i32
        %dma_wait3A_337 = tpu.memref_slice %arg6[%dma_wait3A_334, %dma_wait3A_335, %dma_wait3A_336] : memref<4x2x64xi32, #tpu.memory_space<vmem>> -> memref<1x2x64xi32, #tpu.memory_space<vmem>>
        %dma_wait3A_338 = tpu.memref_squeeze %dma_wait3A_337 : memref<1x2x64xi32, #tpu.memory_space<vmem>> -> memref<2x64xi32, #tpu.memory_space<vmem>>
        %dma_wait3A_339 = arith.constant 0 : i32
        %dma_wait3A_340 = arith.constant 0 : i32
        %dma_wait3A_341 = tpu.memref_slice %arg3[%select_n3A, %dma_wait3A_339, %dma_wait3A_340] : memref<3072x2x64xi32, #tpu.memory_space<hbm>> -> memref<1x2x64xi32, #tpu.memory_space<hbm>>
        %dma_wait3A_342 = tpu.memref_squeeze %dma_wait3A_341 : memref<1x2x64xi32, #tpu.memory_space<hbm>> -> memref<2x64xi32, #tpu.memory_space<hbm>>
        %dma_wait3A_343 = arith.constant 0 : i32
        %dma_wait3A_344 = arith.constant 0 : i32
        %dma_wait3A_345 = tpu.memref_slice %arg6[%dma_wait3A_334, %dma_wait3A_343, %dma_wait3A_344] : memref<4x2x64xi32, #tpu.memory_space<vmem>> -> memref<1x2x64xi32, #tpu.memory_space<vmem>>
        %dma_wait3A_346 = tpu.memref_squeeze %dma_wait3A_345 : memref<1x2x64xi32, #tpu.memory_space<vmem>> -> memref<2x64xi32, #tpu.memory_space<vmem>>
        %dma_wait3A_347 = arith.constant 0 : i32
        %dma_wait3A_348 = arith.constant 0 : i32
        %dma_wait3A_349 = tpu.memref_slice %arg3[%select_n3A, %dma_wait3A_347, %dma_wait3A_348] : memref<3072x2x64xi32, #tpu.memory_space<hbm>> -> memref<1x2x64xi32, #tpu.memory_space<hbm>>
        %dma_wait3A_350 = tpu.memref_squeeze %dma_wait3A_349 : memref<1x2x64xi32, #tpu.memory_space<hbm>> -> memref<2x64xi32, #tpu.memory_space<hbm>>
        tpu.wait_dma2 semaphore(%arg9 : memref<!tpu.dma_semaphore, #tpu.memory_space<semaphore_mem>>) src(%dma_wait3A_350 : memref<2x64xi32, #tpu.memory_space<hbm>>) dst(%dma_wait3A_346 : memref<2x64xi32, #tpu.memory_space<vmem>>)
        %dma_start3A_351 = arith.constant 0 : i32
        %dma_start3A_352 = arith.constant 0 : i32
        %dma_start3A_353 = arith.constant 0 : i32
        %dma_start3A_354 = arith.constant 0 : i32
        %dma_start3A_355 = arith.constant 0 : i32
        %dma_start3A_356 = tpu.memref_slice %arg7[%dma_start3A_353, %dma_start3A_354, %dma_start3A_355] : memref<4x64x128xf32, #tpu.memory_space<vmem>> -> memref<1x64x128xf32, #tpu.memory_space<vmem>>
        %dma_start3A_357 = tpu.memref_squeeze %dma_start3A_356 : memref<1x64x128xf32, #tpu.memory_space<vmem>> -> memref<64x128xf32, #tpu.memory_space<vmem>>
        %dma_start3A_358 = arith.constant 0 : i32
        %dma_start3A_359 = tpu.memref_slice %arg6[%dma_start3A_351, %dma_start3A_352, %dma_start3A_358] : memref<4x2x64xi32, #tpu.memory_space<vmem>> -> memref<1x1x64xi32, #tpu.memory_space<vmem>>
        %dma_start3A_360 = tpu.memref_squeeze %dma_start3A_359 : memref<1x1x64xi32, #tpu.memory_space<vmem>> -> memref<64xi32, #tpu.memory_space<vmem>>
        %dma_start3A_361 = arith.constant 0 : i32
        %dma_start3A_362 = arith.constant 0 : i32
        %dma_start3A_363 = tpu.memref_slice %arg2[%dma_start3A_361, %dma_start3A_362] : memref<12032x128xf32, #tpu.memory_space<hbm>> -> memref<12032x128xf32, #tpu.memory_space<hbm>>
        tpu.enqueue_indirect_dma source(%dma_start3A_363 : memref<12032x128xf32, #tpu.memory_space<hbm>>) target(%dma_start3A_357 : memref<64x128xf32, #tpu.memory_space<vmem>>) offsets(%dma_start3A_360 : memref<64xi32, #tpu.memory_space<vmem>>) semaphore(%arg13 : memref<!tpu.dma_semaphore, #tpu.memory_space<semaphore_mem>>)
      } else {
      }
      %dma_wait3A_245 = arith.constant 1 : i32
      %dma_wait3A_246 = arith.constant 0 : i32
      %dma_wait3A_247 = arith.constant 1 : i32
      %dma_wait3A_248 = arith.constant 0 : i32
      %dma_wait3A_249 = arith.constant 0 : i32
      %dma_wait3A_250 = tpu.memref_slice %arg7[%dma_wait3A_247, %dma_wait3A_248, %dma_wait3A_249] : memref<4x64x128xf32, #tpu.memory_space<vmem>> -> memref<1x64x128xf32, #tpu.memory_space<vmem>>
      %dma_wait3A_251 = tpu.memref_squeeze %dma_wait3A_250 : memref<1x64x128xf32, #tpu.memory_space<vmem>> -> memref<64x128xf32, #tpu.memory_space<vmem>>
      %dma_wait3A_252 = arith.constant 0 : i32
      %dma_wait3A_253 = tpu.memref_slice %arg6[%dma_wait3A_245, %dma_wait3A_246, %dma_wait3A_252] : memref<4x2x64xi32, #tpu.memory_space<vmem>> -> memref<1x1x64xi32, #tpu.memory_space<vmem>>
      %dma_wait3A_254 = tpu.memref_squeeze %dma_wait3A_253 : memref<1x1x64xi32, #tpu.memory_space<vmem>> -> memref<64xi32, #tpu.memory_space<vmem>>
      %dma_wait3A_255 = arith.constant 0 : i32
      %dma_wait3A_256 = arith.constant 0 : i32
      %dma_wait3A_257 = tpu.memref_slice %arg2[%dma_wait3A_255, %dma_wait3A_256] : memref<12032x128xf32, #tpu.memory_space<hbm>> -> memref<12032x128xf32, #tpu.memory_space<hbm>>
      tpu.wait_indirect_dma semaphore(%arg14 : memref<!tpu.dma_semaphore, #tpu.memory_space<semaphore_mem>>) src(%dma_wait3A_257 : memref<12032x128xf32, #tpu.memory_space<hbm>>) dst(%dma_wait3A_251 : memref<64x128xf32, #tpu.memory_space<vmem>>)
      %run_scoped3A_258 = arith.constant 1 : i32
      %run_scoped3A_259 = arith.constant 1 : i32
      %run_scoped3A_260 = arith.constant 1 : i32
      "tpu.region"() ({
        %run_scoped3A_312 = tpu.sem_alloc : memref<!tpu.dma_semaphore, #tpu.memory_space<semaphore_mem>>
        %dma_start3A_313 = arith.constant 0 : i32
        %dma_start3A_314 = arith.constant 0 : i32
        %dma_start3A_315 = tpu.memref_slice %arg7[%run_scoped3A_258, %dma_start3A_313, %dma_start3A_314] : memref<4x64x128xf32, #tpu.memory_space<vmem>> -> memref<1x64x128xf32, #tpu.memory_space<vmem>>
        %dma_start3A_316 = tpu.memref_squeeze %dma_start3A_315 : memref<1x64x128xf32, #tpu.memory_space<vmem>> -> memref<64x128xf32, #tpu.memory_space<vmem>>
        %dma_start3A_317 = arith.constant 0 : i32
        %dma_start3A_318 = tpu.memref_slice %arg6[%run_scoped3A_259, %run_scoped3A_260, %dma_start3A_317] : memref<4x2x64xi32, #tpu.memory_space<vmem>> -> memref<1x1x64xi32, #tpu.memory_space<vmem>>
        %dma_start3A_319 = tpu.memref_squeeze %dma_start3A_318 : memref<1x1x64xi32, #tpu.memory_space<vmem>> -> memref<64xi32, #tpu.memory_space<vmem>>
        %dma_start3A_320 = arith.constant 0 : i32
        %dma_start3A_321 = arith.constant 0 : i32
        %dma_start3A_322 = tpu.memref_slice %arg8[%dma_start3A_320, %dma_start3A_321] : memref<12032x128xf32, #tpu.memory_space<vmem_shared>> -> memref<12032x128xf32, #tpu.memory_space<vmem_shared>>
        tpu.enqueue_indirect_dma source(%dma_start3A_316 : memref<64x128xf32, #tpu.memory_space<vmem>>) target(%dma_start3A_322 : memref<12032x128xf32, #tpu.memory_space<vmem_shared>>) offsets(%dma_start3A_319 : memref<64xi32, #tpu.memory_space<vmem>>) semaphore(%run_scoped3A_312 : memref<!tpu.dma_semaphore, #tpu.memory_space<semaphore_mem>>) {add = true}
        %dma_wait3A_323 = arith.constant 0 : i32
        %dma_wait3A_324 = arith.constant 0 : i32
        %dma_wait3A_325 = tpu.memref_slice %arg7[%run_scoped3A_258, %dma_wait3A_323, %dma_wait3A_324] : memref<4x64x128xf32, #tpu.memory_space<vmem>> -> memref<1x64x128xf32, #tpu.memory_space<vmem>>
        %dma_wait3A_326 = tpu.memref_squeeze %dma_wait3A_325 : memref<1x64x128xf32, #tpu.memory_space<vmem>> -> memref<64x128xf32, #tpu.memory_space<vmem>>
        %dma_wait3A_327 = arith.constant 0 : i32
        %dma_wait3A_328 = tpu.memref_slice %arg6[%run_scoped3A_259, %run_scoped3A_260, %dma_wait3A_327] : memref<4x2x64xi32, #tpu.memory_space<vmem>> -> memref<1x1x64xi32, #tpu.memory_space<vmem>>
        %dma_wait3A_329 = tpu.memref_squeeze %dma_wait3A_328 : memref<1x1x64xi32, #tpu.memory_space<vmem>> -> memref<64xi32, #tpu.memory_space<vmem>>
        %dma_wait3A_330 = arith.constant 0 : i32
        %dma_wait3A_331 = arith.constant 0 : i32
        %dma_wait3A_332 = tpu.memref_slice %arg8[%dma_wait3A_330, %dma_wait3A_331] : memref<12032x128xf32, #tpu.memory_space<vmem_shared>> -> memref<12032x128xf32, #tpu.memory_space<vmem_shared>>
        tpu.wait_indirect_dma semaphore(%run_scoped3A_312 : memref<!tpu.dma_semaphore, #tpu.memory_space<semaphore_mem>>) src(%dma_wait3A_326 : memref<64x128xf32, #tpu.memory_space<vmem>>) dst(%dma_wait3A_332 : memref<12032x128xf32, #tpu.memory_space<vmem_shared>>)
        tpu.yield
      }) : () -> ()
      %add3A_261 = arith.constant 1 : i32
      %add3A_262 = arith.addi %while3A_133, %add3A_261 : i32
      %lt3A_263 = arith.cmpi slt, %add3A_262, %select_n3A_11 : i32
      %convert_element_type3A_264 = arith.extui %lt3A_263 : i1 to i32
      %cond3A_265 = arith.constant 0 : i32
      %cond3A_266 = arith.cmpi ne, %convert_element_type3A_264, %cond3A_265 : i32
      scf.if %cond3A_266 {
        %add3A_312 = arith.addi %select_n3A, %mul3A_136 : i32
        %add3A_313 = arith.constant 4 : i32
        %add3A_314 = arith.addi %add3A_312, %add3A_313 : i32
        %add3A_315 = arith.constant 1 : i32
        %add3A_316 = arith.addi %add3A_314, %add3A_315 : i32
        %dma_start3A_317 = arith.constant 1 : i32
        %dma_start3A_318 = arith.constant 0 : i32
        %dma_start3A_319 = arith.constant 0 : i32
        %dma_start3A_320 = tpu.memref_slice %arg6[%dma_start3A_317, %dma_start3A_318, %dma_start3A_319] : memref<4x2x64xi32, #tpu.memory_space<vmem>> -> memref<1x2x64xi32, #tpu.memory_space<vmem>>
        %dma_start3A_321 = tpu.memref_squeeze %dma_start3A_320 : memref<1x2x64xi32, #tpu.memory_space<vmem>> -> memref<2x64xi32, #tpu.memory_space<vmem>>
        %dma_start3A_322 = arith.constant 0 : i32
        %dma_start3A_323 = arith.constant 0 : i32
        %dma_start3A_324 = tpu.memref_slice %arg3[%add3A_316, %dma_start3A_322, %dma_start3A_323] : memref<3072x2x64xi32, #tpu.memory_space<hbm>> -> memref<1x2x64xi32, #tpu.memory_space<hbm>>
        %dma_start3A_325 = tpu.memref_squeeze %dma_start3A_324 : memref<1x2x64xi32, #tpu.memory_space<hbm>> -> memref<2x64xi32, #tpu.memory_space<hbm>>
        %dma_start3A_326 = arith.constant 0 : i32
        %dma_start3A_327 = arith.constant 0 : i32
        %dma_start3A_328 = tpu.memref_slice %arg6[%dma_start3A_317, %dma_start3A_326, %dma_start3A_327] : memref<4x2x64xi32, #tpu.memory_space<vmem>> -> memref<1x2x64xi32, #tpu.memory_space<vmem>>
        %dma_start3A_329 = tpu.memref_squeeze %dma_start3A_328 : memref<1x2x64xi32, #tpu.memory_space<vmem>> -> memref<2x64xi32, #tpu.memory_space<vmem>>
        %dma_start3A_330 = arith.constant 0 : i32
        %dma_start3A_331 = arith.constant 0 : i32
        %dma_start3A_332 = tpu.memref_slice %arg3[%add3A_316, %dma_start3A_330, %dma_start3A_331] : memref<3072x2x64xi32, #tpu.memory_space<hbm>> -> memref<1x2x64xi32, #tpu.memory_space<hbm>>
        %dma_start3A_333 = tpu.memref_squeeze %dma_start3A_332 : memref<1x2x64xi32, #tpu.memory_space<hbm>> -> memref<2x64xi32, #tpu.memory_space<hbm>>
        tpu.enqueue_dma source(%dma_start3A_333 : memref<2x64xi32, #tpu.memory_space<hbm>>) target(%dma_start3A_329 : memref<2x64xi32, #tpu.memory_space<vmem>>) target_semaphore(%arg10 : memref<!tpu.dma_semaphore, #tpu.memory_space<semaphore_mem>>)
      } else {
      }
      %dma_wait3A_267 = arith.constant 2 : i32
      %dma_wait3A_268 = arith.constant 0 : i32
      %dma_wait3A_269 = arith.constant 2 : i32
      %dma_wait3A_270 = arith.constant 0 : i32
      %dma_wait3A_271 = arith.constant 0 : i32
      %dma_wait3A_272 = tpu.memref_slice %arg7[%dma_wait3A_269, %dma_wait3A_270, %dma_wait3A_271] : memref<4x64x128xf32, #tpu.memory_space<vmem>> -> memref<1x64x128xf32, #tpu.memory_space<vmem>>
      %dma_wait3A_273 = tpu.memref_squeeze %dma_wait3A_272 : memref<1x64x128xf32, #tpu.memory_space<vmem>> -> memref<64x128xf32, #tpu.memory_space<vmem>>
      %dma_wait3A_274 = arith.constant 0 : i32
      %dma_wait3A_275 = tpu.memref_slice %arg6[%dma_wait3A_267, %dma_wait3A_268, %dma_wait3A_274] : memref<4x2x64xi32, #tpu.memory_space<vmem>> -> memref<1x1x64xi32, #tpu.memory_space<vmem>>
      %dma_wait3A_276 = tpu.memref_squeeze %dma_wait3A_275 : memref<1x1x64xi32, #tpu.memory_space<vmem>> -> memref<64xi32, #tpu.memory_space<vmem>>
      %dma_wait3A_277 = arith.constant 0 : i32
      %dma_wait3A_278 = arith.constant 0 : i32
      %dma_wait3A_279 = tpu.memref_slice %arg2[%dma_wait3A_277, %dma_wait3A_278] : memref<12032x128xf32, #tpu.memory_space<hbm>> -> memref<12032x128xf32, #tpu.memory_space<hbm>>
      tpu.wait_indirect_dma semaphore(%arg15 : memref<!tpu.dma_semaphore, #tpu.memory_space<semaphore_mem>>) src(%dma_wait3A_279 : memref<12032x128xf32, #tpu.memory_space<hbm>>) dst(%dma_wait3A_273 : memref<64x128xf32, #tpu.memory_space<vmem>>)
      %run_scoped3A_280 = arith.constant 2 : i32
      %run_scoped3A_281 = arith.constant 2 : i32
      %run_scoped3A_282 = arith.constant 1 : i32
      "tpu.region"() ({
        %run_scoped3A_312 = tpu.sem_alloc : memref<!tpu.dma_semaphore, #tpu.memory_space<semaphore_mem>>
        %dma_start3A_313 = arith.constant 0 : i32
        %dma_start3A_314 = arith.constant 0 : i32
        %dma_start3A_315 = tpu.memref_slice %arg7[%run_scoped3A_280, %dma_start3A_313, %dma_start3A_314] : memref<4x64x128xf32, #tpu.memory_space<vmem>> -> memref<1x64x128xf32, #tpu.memory_space<vmem>>
        %dma_start3A_316 = tpu.memref_squeeze %dma_start3A_315 : memref<1x64x128xf32, #tpu.memory_space<vmem>> -> memref<64x128xf32, #tpu.memory_space<vmem>>
        %dma_start3A_317 = arith.constant 0 : i32
        %dma_start3A_318 = tpu.memref_slice %arg6[%run_scoped3A_281, %run_scoped3A_282, %dma_start3A_317] : memref<4x2x64xi32, #tpu.memory_space<vmem>> -> memref<1x1x64xi32, #tpu.memory_space<vmem>>
        %dma_start3A_319 = tpu.memref_squeeze %dma_start3A_318 : memref<1x1x64xi32, #tpu.memory_space<vmem>> -> memref<64xi32, #tpu.memory_space<vmem>>
        %dma_start3A_320 = arith.constant 0 : i32
        %dma_start3A_321 = arith.constant 0 : i32
        %dma_start3A_322 = tpu.memref_slice %arg8[%dma_start3A_320, %dma_start3A_321] : memref<12032x128xf32, #tpu.memory_space<vmem_shared>> -> memref<12032x128xf32, #tpu.memory_space<vmem_shared>>
        tpu.enqueue_indirect_dma source(%dma_start3A_316 : memref<64x128xf32, #tpu.memory_space<vmem>>) target(%dma_start3A_322 : memref<12032x128xf32, #tpu.memory_space<vmem_shared>>) offsets(%dma_start3A_319 : memref<64xi32, #tpu.memory_space<vmem>>) semaphore(%run_scoped3A_312 : memref<!tpu.dma_semaphore, #tpu.memory_space<semaphore_mem>>) {add = true}
        %dma_wait3A_323 = arith.constant 0 : i32
        %dma_wait3A_324 = arith.constant 0 : i32
        %dma_wait3A_325 = tpu.memref_slice %arg7[%run_scoped3A_280, %dma_wait3A_323, %dma_wait3A_324] : memref<4x64x128xf32, #tpu.memory_space<vmem>> -> memref<1x64x128xf32, #tpu.memory_space<vmem>>
        %dma_wait3A_326 = tpu.memref_squeeze %dma_wait3A_325 : memref<1x64x128xf32, #tpu.memory_space<vmem>> -> memref<64x128xf32, #tpu.memory_space<vmem>>
        %dma_wait3A_327 = arith.constant 0 : i32
        %dma_wait3A_328 = tpu.memref_slice %arg6[%run_scoped3A_281, %run_scoped3A_282, %dma_wait3A_327] : memref<4x2x64xi32, #tpu.memory_space<vmem>> -> memref<1x1x64xi32, #tpu.memory_space<vmem>>
        %dma_wait3A_329 = tpu.memref_squeeze %dma_wait3A_328 : memref<1x1x64xi32, #tpu.memory_space<vmem>> -> memref<64xi32, #tpu.memory_space<vmem>>
        %dma_wait3A_330 = arith.constant 0 : i32
        %dma_wait3A_331 = arith.constant 0 : i32
        %dma_wait3A_332 = tpu.memref_slice %arg8[%dma_wait3A_330, %dma_wait3A_331] : memref<12032x128xf32, #tpu.memory_space<vmem_shared>> -> memref<12032x128xf32, #tpu.memory_space<vmem_shared>>
        tpu.wait_indirect_dma semaphore(%run_scoped3A_312 : memref<!tpu.dma_semaphore, #tpu.memory_space<semaphore_mem>>) src(%dma_wait3A_326 : memref<64x128xf32, #tpu.memory_space<vmem>>) dst(%dma_wait3A_332 : memref<12032x128xf32, #tpu.memory_space<vmem_shared>>)
        tpu.yield
      }) : () -> ()
      %add3A_283 = arith.constant 1 : i32
      %add3A_284 = arith.addi %while3A_133, %add3A_283 : i32
      %lt3A_285 = arith.cmpi slt, %add3A_284, %select_n3A_11 : i32
      %convert_element_type3A_286 = arith.extui %lt3A_285 : i1 to i32
      %cond3A_287 = arith.constant 0 : i32
      %cond3A_288 = arith.cmpi ne, %convert_element_type3A_286, %cond3A_287 : i32
      scf.if %cond3A_288 {
        %add3A_312 = arith.addi %select_n3A, %mul3A_136 : i32
        %add3A_313 = arith.constant 4 : i32
        %add3A_314 = arith.addi %add3A_312, %add3A_313 : i32
        %add3A_315 = arith.constant 2 : i32
        %add3A_316 = arith.addi %add3A_314, %add3A_315 : i32
        %dma_start3A_317 = arith.constant 2 : i32
        %dma_start3A_318 = arith.constant 0 : i32
        %dma_start3A_319 = arith.constant 0 : i32
        %dma_start3A_320 = tpu.memref_slice %arg6[%dma_start3A_317, %dma_start3A_318, %dma_start3A_319] : memref<4x2x64xi32, #tpu.memory_space<vmem>> -> memref<1x2x64xi32, #tpu.memory_space<vmem>>
        %dma_start3A_321 = tpu.memref_squeeze %dma_start3A_320 : memref<1x2x64xi32, #tpu.memory_space<vmem>> -> memref<2x64xi32, #tpu.memory_space<vmem>>
        %dma_start3A_322 = arith.constant 0 : i32
        %dma_start3A_323 = arith.constant 0 : i32
        %dma_start3A_324 = tpu.memref_slice %arg3[%add3A_316, %dma_start3A_322, %dma_start3A_323] : memref<3072x2x64xi32, #tpu.memory_space<hbm>> -> memref<1x2x64xi32, #tpu.memory_space<hbm>>
        %dma_start3A_325 = tpu.memref_squeeze %dma_start3A_324 : memref<1x2x64xi32, #tpu.memory_space<hbm>> -> memref<2x64xi32, #tpu.memory_space<hbm>>
        %dma_start3A_326 = arith.constant 0 : i32
        %dma_start3A_327 = arith.constant 0 : i32
        %dma_start3A_328 = tpu.memref_slice %arg6[%dma_start3A_317, %dma_start3A_326, %dma_start3A_327] : memref<4x2x64xi32, #tpu.memory_space<vmem>> -> memref<1x2x64xi32, #tpu.memory_space<vmem>>
        %dma_start3A_329 = tpu.memref_squeeze %dma_start3A_328 : memref<1x2x64xi32, #tpu.memory_space<vmem>> -> memref<2x64xi32, #tpu.memory_space<vmem>>
        %dma_start3A_330 = arith.constant 0 : i32
        %dma_start3A_331 = arith.constant 0 : i32
        %dma_start3A_332 = tpu.memref_slice %arg3[%add3A_316, %dma_start3A_330, %dma_start3A_331] : memref<3072x2x64xi32, #tpu.memory_space<hbm>> -> memref<1x2x64xi32, #tpu.memory_space<hbm>>
        %dma_start3A_333 = tpu.memref_squeeze %dma_start3A_332 : memref<1x2x64xi32, #tpu.memory_space<hbm>> -> memref<2x64xi32, #tpu.memory_space<hbm>>
        tpu.enqueue_dma source(%dma_start3A_333 : memref<2x64xi32, #tpu.memory_space<hbm>>) target(%dma_start3A_329 : memref<2x64xi32, #tpu.memory_space<vmem>>) target_semaphore(%arg11 : memref<!tpu.dma_semaphore, #tpu.memory_space<semaphore_mem>>)
      } else {
      }
      %dma_wait3A_289 = arith.constant 3 : i32
      %dma_wait3A_290 = arith.constant 0 : i32
      %dma_wait3A_291 = arith.constant 3 : i32
      %dma_wait3A_292 = arith.constant 0 : i32
      %dma_wait3A_293 = arith.constant 0 : i32
      %dma_wait3A_294 = tpu.memref_slice %arg7[%dma_wait3A_291, %dma_wait3A_292, %dma_wait3A_293] : memref<4x64x128xf32, #tpu.memory_space<vmem>> -> memref<1x64x128xf32, #tpu.memory_space<vmem>>
      %dma_wait3A_295 = tpu.memref_squeeze %dma_wait3A_294 : memref<1x64x128xf32, #tpu.memory_space<vmem>> -> memref<64x128xf32, #tpu.memory_space<vmem>>
      %dma_wait3A_296 = arith.constant 0 : i32
      %dma_wait3A_297 = tpu.memref_slice %arg6[%dma_wait3A_289, %dma_wait3A_290, %dma_wait3A_296] : memref<4x2x64xi32, #tpu.memory_space<vmem>> -> memref<1x1x64xi32, #tpu.memory_space<vmem>>
      %dma_wait3A_298 = tpu.memref_squeeze %dma_wait3A_297 : memref<1x1x64xi32, #tpu.memory_space<vmem>> -> memref<64xi32, #tpu.memory_space<vmem>>
      %dma_wait3A_299 = arith.constant 0 : i32
      %dma_wait3A_300 = arith.constant 0 : i32
      %dma_wait3A_301 = tpu.memref_slice %arg2[%dma_wait3A_299, %dma_wait3A_300] : memref<12032x128xf32, #tpu.memory_space<hbm>> -> memref<12032x128xf32, #tpu.memory_space<hbm>>
      tpu.wait_indirect_dma semaphore(%arg16 : memref<!tpu.dma_semaphore, #tpu.memory_space<semaphore_mem>>) src(%dma_wait3A_301 : memref<12032x128xf32, #tpu.memory_space<hbm>>) dst(%dma_wait3A_295 : memref<64x128xf32, #tpu.memory_space<vmem>>)
      %run_scoped3A_302 = arith.constant 3 : i32
      %run_scoped3A_303 = arith.constant 3 : i32
      %run_scoped3A_304 = arith.constant 1 : i32
      "tpu.region"() ({
        %run_scoped3A_312 = tpu.sem_alloc : memref<!tpu.dma_semaphore, #tpu.memory_space<semaphore_mem>>
        %dma_start3A_313 = arith.constant 0 : i32
        %dma_start3A_314 = arith.constant 0 : i32
        %dma_start3A_315 = tpu.memref_slice %arg7[%run_scoped3A_302, %dma_start3A_313, %dma_start3A_314] : memref<4x64x128xf32, #tpu.memory_space<vmem>> -> memref<1x64x128xf32, #tpu.memory_space<vmem>>
        %dma_start3A_316 = tpu.memref_squeeze %dma_start3A_315 : memref<1x64x128xf32, #tpu.memory_space<vmem>> -> memref<64x128xf32, #tpu.memory_space<vmem>>
        %dma_start3A_317 = arith.constant 0 : i32
        %dma_start3A_318 = tpu.memref_slice %arg6[%run_scoped3A_303, %run_scoped3A_304, %dma_start3A_317] : memref<4x2x64xi32, #tpu.memory_space<vmem>> -> memref<1x1x64xi32, #tpu.memory_space<vmem>>
        %dma_start3A_319 = tpu.memref_squeeze %dma_start3A_318 : memref<1x1x64xi32, #tpu.memory_space<vmem>> -> memref<64xi32, #tpu.memory_space<vmem>>
        %dma_start3A_320 = arith.constant 0 : i32
        %dma_start3A_321 = arith.constant 0 : i32
        %dma_start3A_322 = tpu.memref_slice %arg8[%dma_start3A_320, %dma_start3A_321] : memref<12032x128xf32, #tpu.memory_space<vmem_shared>> -> memref<12032x128xf32, #tpu.memory_space<vmem_shared>>
        tpu.enqueue_indirect_dma source(%dma_start3A_316 : memref<64x128xf32, #tpu.memory_space<vmem>>) target(%dma_start3A_322 : memref<12032x128xf32, #tpu.memory_space<vmem_shared>>) offsets(%dma_start3A_319 : memref<64xi32, #tpu.memory_space<vmem>>) semaphore(%run_scoped3A_312 : memref<!tpu.dma_semaphore, #tpu.memory_space<semaphore_mem>>) {add = true}
        %dma_wait3A_323 = arith.constant 0 : i32
        %dma_wait3A_324 = arith.constant 0 : i32
        %dma_wait3A_325 = tpu.memref_slice %arg7[%run_scoped3A_302, %dma_wait3A_323, %dma_wait3A_324] : memref<4x64x128xf32, #tpu.memory_space<vmem>> -> memref<1x64x128xf32, #tpu.memory_space<vmem>>
        %dma_wait3A_326 = tpu.memref_squeeze %dma_wait3A_325 : memref<1x64x128xf32, #tpu.memory_space<vmem>> -> memref<64x128xf32, #tpu.memory_space<vmem>>
        %dma_wait3A_327 = arith.constant 0 : i32
        %dma_wait3A_328 = tpu.memref_slice %arg6[%run_scoped3A_303, %run_scoped3A_304, %dma_wait3A_327] : memref<4x2x64xi32, #tpu.memory_space<vmem>> -> memref<1x1x64xi32, #tpu.memory_space<vmem>>
        %dma_wait3A_329 = tpu.memref_squeeze %dma_wait3A_328 : memref<1x1x64xi32, #tpu.memory_space<vmem>> -> memref<64xi32, #tpu.memory_space<vmem>>
        %dma_wait3A_330 = arith.constant 0 : i32
        %dma_wait3A_331 = arith.constant 0 : i32
        %dma_wait3A_332 = tpu.memref_slice %arg8[%dma_wait3A_330, %dma_wait3A_331] : memref<12032x128xf32, #tpu.memory_space<vmem_shared>> -> memref<12032x128xf32, #tpu.memory_space<vmem_shared>>
        tpu.wait_indirect_dma semaphore(%run_scoped3A_312 : memref<!tpu.dma_semaphore, #tpu.memory_space<semaphore_mem>>) src(%dma_wait3A_326 : memref<64x128xf32, #tpu.memory_space<vmem>>) dst(%dma_wait3A_332 : memref<12032x128xf32, #tpu.memory_space<vmem_shared>>)
        tpu.yield
      }) : () -> ()
      %add3A_305 = arith.constant 1 : i32
      %add3A_306 = arith.addi %while3A_133, %add3A_305 : i32
      %lt3A_307 = arith.cmpi slt, %add3A_306, %select_n3A_11 : i32
      %convert_element_type3A_308 = arith.extui %lt3A_307 : i1 to i32
      %cond3A_309 = arith.constant 0 : i32
      %cond3A_310 = arith.cmpi ne, %convert_element_type3A_308, %cond3A_309 : i32
      scf.if %cond3A_310 {
        %add3A_312 = arith.addi %select_n3A, %mul3A_136 : i32
        %add3A_313 = arith.constant 4 : i32
        %add3A_314 = arith.addi %add3A_312, %add3A_313 : i32
        %add3A_315 = arith.constant 3 : i32
        %add3A_316 = arith.addi %add3A_314, %add3A_315 : i32
        %dma_start3A_317 = arith.constant 3 : i32
        %dma_start3A_318 = arith.constant 0 : i32
        %dma_start3A_319 = arith.constant 0 : i32
        %dma_start3A_320 = tpu.memref_slice %arg6[%dma_start3A_317, %dma_start3A_318, %dma_start3A_319] : memref<4x2x64xi32, #tpu.memory_space<vmem>> -> memref<1x2x64xi32, #tpu.memory_space<vmem>>
        %dma_start3A_321 = tpu.memref_squeeze %dma_start3A_320 : memref<1x2x64xi32, #tpu.memory_space<vmem>> -> memref<2x64xi32, #tpu.memory_space<vmem>>
        %dma_start3A_322 = arith.constant 0 : i32
        %dma_start3A_323 = arith.constant 0 : i32
        %dma_start3A_324 = tpu.memref_slice %arg3[%add3A_316, %dma_start3A_322, %dma_start3A_323] : memref<3072x2x64xi32, #tpu.memory_space<hbm>> -> memref<1x2x64xi32, #tpu.memory_space<hbm>>
        %dma_start3A_325 = tpu.memref_squeeze %dma_start3A_324 : memref<1x2x64xi32, #tpu.memory_space<hbm>> -> memref<2x64xi32, #tpu.memory_space<hbm>>
        %dma_start3A_326 = arith.constant 0 : i32
        %dma_start3A_327 = arith.constant 0 : i32
        %dma_start3A_328 = tpu.memref_slice %arg6[%dma_start3A_317, %dma_start3A_326, %dma_start3A_327] : memref<4x2x64xi32, #tpu.memory_space<vmem>> -> memref<1x2x64xi32, #tpu.memory_space<vmem>>
        %dma_start3A_329 = tpu.memref_squeeze %dma_start3A_328 : memref<1x2x64xi32, #tpu.memory_space<vmem>> -> memref<2x64xi32, #tpu.memory_space<vmem>>
        %dma_start3A_330 = arith.constant 0 : i32
        %dma_start3A_331 = arith.constant 0 : i32
        %dma_start3A_332 = tpu.memref_slice %arg3[%add3A_316, %dma_start3A_330, %dma_start3A_331] : memref<3072x2x64xi32, #tpu.memory_space<hbm>> -> memref<1x2x64xi32, #tpu.memory_space<hbm>>
        %dma_start3A_333 = tpu.memref_squeeze %dma_start3A_332 : memref<1x2x64xi32, #tpu.memory_space<hbm>> -> memref<2x64xi32, #tpu.memory_space<hbm>>
        tpu.enqueue_dma source(%dma_start3A_333 : memref<2x64xi32, #tpu.memory_space<hbm>>) target(%dma_start3A_329 : memref<2x64xi32, #tpu.memory_space<vmem>>) target_semaphore(%arg12 : memref<!tpu.dma_semaphore, #tpu.memory_space<semaphore_mem>>)
      } else {
      }
      %while3A_311 = arith.constant 0 : i32
      scf.yield %while3A_311 : i32
    }
    %barrier3A_132 = arith.constant 0 : index
    tpu.barrier barrier_id(%barrier3A_132)
    "tpu.region"() ({
      %run_scoped3A = tpu.sem_alloc : memref<!tpu.dma_semaphore, #tpu.memory_space<semaphore_mem>>
      %dma_start3A_133 = arith.constant 0 : i32
      %dma_start3A_134 = tpu.memref_slice %arg5[%arg0, %mul3A_13, %dma_start3A_133] : memref<2x12032x128xf32, #tpu.memory_space<hbm>> -> memref<1x752x128xf32, #tpu.memory_space<hbm>>
      %dma_start3A_135 = tpu.memref_squeeze %dma_start3A_134 : memref<1x752x128xf32, #tpu.memory_space<hbm>> -> memref<752x128xf32, #tpu.memory_space<hbm>>
      %dma_start3A_136 = arith.constant 0 : i32
      %dma_start3A_137 = tpu.memref_slice %arg8[%mul3A_13, %dma_start3A_136] : memref<12032x128xf32, #tpu.memory_space<vmem_shared>> -> memref<752x128xf32, #tpu.memory_space<vmem_shared>>
      tpu.enqueue_dma source(%dma_start3A_137 : memref<752x128xf32, #tpu.memory_space<vmem_shared>>) target(%dma_start3A_135 : memref<752x128xf32, #tpu.memory_space<hbm>>) target_semaphore(%run_scoped3A : memref<!tpu.dma_semaphore, #tpu.memory_space<semaphore_mem>>)
      %dma_wait3A_138 = arith.constant 0 : i32
      %dma_wait3A_139 = tpu.memref_slice %arg5[%arg0, %mul3A_13, %dma_wait3A_138] : memref<2x12032x128xf32, #tpu.memory_space<hbm>> -> memref<1x752x128xf32, #tpu.memory_space<hbm>>
      %dma_wait3A_140 = tpu.memref_squeeze %dma_wait3A_139 : memref<1x752x128xf32, #tpu.memory_space<hbm>> -> memref<752x128xf32, #tpu.memory_space<hbm>>
      %dma_wait3A_141 = arith.constant 0 : i32
      %dma_wait3A_142 = tpu.memref_slice %arg8[%mul3A_13, %dma_wait3A_141] : memref<12032x128xf32, #tpu.memory_space<vmem_shared>> -> memref<752x128xf32, #tpu.memory_space<vmem_shared>>
      tpu.wait_dma2 semaphore(%run_scoped3A : memref<!tpu.dma_semaphore, #tpu.memory_space<semaphore_mem>>) src(%dma_wait3A_142 : memref<752x128xf32, #tpu.memory_space<vmem_shared>>) dst(%dma_wait3A_140 : memref<752x128xf32, #tpu.memory_space<hbm>>)
      tpu.yield
    }) : () -> ()
    return
  }
}

#map = affine_map<(d0, d1) -> (0, 0)>
#map1 = affine_map<(d0, d1) -> (0, 0, 0)>
module attributes {stable_mosaic.version = 14 : i64} {
  func.func @k(%arg0: i32, %arg1: i32, %arg2: memref<2048x128xf32, #tpu.memory_space<hbm>>, %arg3: memref<1024x2x64xi32, #tpu.memory_space<hbm>>, %arg4: memref<3072x2x64xi32, #tpu.memory_space<hbm>>, %arg5: memref<2048x128xf32, #tpu.memory_space<hbm>>, %arg6: memref<2x2048x128xf32, #tpu.memory_space<hbm>>, %arg7: memref<1x32x2048xf32, #tpu.memory_space<hbm>>, %arg8: memref<2x32x12032xf32, #tpu.memory_space<hbm>>, %arg9: memref<4x2x64xi32, #tpu.memory_space<vmem>>, %arg10: memref<4x64x128xf32, #tpu.memory_space<vmem>>, %arg11: memref<2048xf32, #tpu.memory_space<vmem>>, %arg12: memref<96x2x64xi32, #tpu.memory_space<vmem>>, %arg13: memref<12032xf32, #tpu.memory_space<vmem>>, %arg14: memref<12032xf32, #tpu.memory_space<vmem>>, %arg15: memref<2048x128xf32, #tpu.memory_space<vmem_shared>>, %arg16: memref<!tpu.dma_semaphore, #tpu.memory_space<semaphore_mem>>, %arg17: memref<!tpu.dma_semaphore, #tpu.memory_space<semaphore_mem>>, %arg18: memref<!tpu.dma_semaphore, #tpu.memory_space<semaphore_mem>>, %arg19: memref<!tpu.dma_semaphore, #tpu.memory_space<semaphore_mem>>, %arg20: memref<!tpu.dma_semaphore, #tpu.memory_space<semaphore_mem>>, %arg21: memref<!tpu.dma_semaphore, #tpu.memory_space<semaphore_mem>>, %arg22: memref<!tpu.dma_semaphore, #tpu.memory_space<semaphore_mem>>, %arg23: memref<!tpu.dma_semaphore, #tpu.memory_space<semaphore_mem>>) attributes {dimension_semantics = [#tpu.dimension_semantics<core_parallel>, #tpu.dimension_semantics<subcore_parallel>], iteration_bounds = array<i64: 2, 16>, scalar_prefetch = 0 : i64, scratch_operands = 15 : i64, tpu.core_type = #tpu.core_type<sc_vector_subcore>, window_params = [{transform_indices = #map}, {transform_indices = #map1}, {transform_indices = #map1}, {transform_indices = #map}, {transform_indices = #map1}, {transform_indices = #map1}, {transform_indices = #map1}]} {
    %mul3A = arith.constant 16 : i32
    %mul3A_0 = arith.muli %arg0, %mul3A : i32
    %add3A = arith.addi %mul3A_0, %arg1 : i32
    %mul3A_1 = arith.constant 32 : i32
    %mul3A_2 = arith.muli %add3A, %mul3A_1 : i32
    %mul3A_3 = arith.constant 128 : i32
    %mul3A_4 = arith.muli %arg1, %mul3A_3 : i32
    "tpu.region"() ({
      %run_scoped3A_137 = tpu.sem_alloc : memref<!tpu.dma_semaphore, #tpu.memory_space<semaphore_mem>>
      %dma_start3A_138 = arith.constant 0 : i32
      %dma_start3A_139 = tpu.memref_slice %arg15[%mul3A_4, %dma_start3A_138] : memref<2048x128xf32, #tpu.memory_space<vmem_shared>> -> memref<128x128xf32, #tpu.memory_space<vmem_shared>>
      %dma_start3A_140 = arith.constant 0 : i32
      %dma_start3A_141 = tpu.memref_slice %arg5[%mul3A_4, %dma_start3A_140] : memref<2048x128xf32, #tpu.memory_space<hbm>> -> memref<128x128xf32, #tpu.memory_space<hbm>>
      tpu.enqueue_dma source(%dma_start3A_141 : memref<128x128xf32, #tpu.memory_space<hbm>>) target(%dma_start3A_139 : memref<128x128xf32, #tpu.memory_space<vmem_shared>>) target_semaphore(%run_scoped3A_137 : memref<!tpu.dma_semaphore, #tpu.memory_space<semaphore_mem>>)
      %dma_wait3A_142 = arith.constant 0 : i32
      %dma_wait3A_143 = tpu.memref_slice %arg15[%mul3A_4, %dma_wait3A_142] : memref<2048x128xf32, #tpu.memory_space<vmem_shared>> -> memref<128x128xf32, #tpu.memory_space<vmem_shared>>
      %dma_wait3A_144 = arith.constant 0 : i32
      %dma_wait3A_145 = tpu.memref_slice %arg5[%mul3A_4, %dma_wait3A_144] : memref<2048x128xf32, #tpu.memory_space<hbm>> -> memref<128x128xf32, #tpu.memory_space<hbm>>
      tpu.wait_dma2 semaphore(%run_scoped3A_137 : memref<!tpu.dma_semaphore, #tpu.memory_space<semaphore_mem>>) src(%dma_wait3A_145 : memref<128x128xf32, #tpu.memory_space<hbm>>) dst(%dma_wait3A_143 : memref<128x128xf32, #tpu.memory_space<vmem_shared>>)
      tpu.yield
    }) : () -> ()
    %mul3A_5 = arith.constant 96 : i32
    %mul3A_6 = arith.muli %add3A, %mul3A_5 : i32
    "tpu.region"() ({
      %run_scoped3A_137 = tpu.sem_alloc : memref<!tpu.dma_semaphore, #tpu.memory_space<semaphore_mem>>
      %dma_start3A_138 = arith.constant 0 : i32
      %dma_start3A_139 = arith.constant 0 : i32
      %dma_start3A_140 = tpu.memref_slice %arg4[%mul3A_6, %dma_start3A_138, %dma_start3A_139] : memref<3072x2x64xi32, #tpu.memory_space<hbm>> -> memref<96x2x64xi32, #tpu.memory_space<hbm>>
      %dma_start3A_141 = arith.constant 0 : i32
      %dma_start3A_142 = arith.constant 0 : i32
      %dma_start3A_143 = tpu.memref_slice %arg4[%mul3A_6, %dma_start3A_141, %dma_start3A_142] : memref<3072x2x64xi32, #tpu.memory_space<hbm>> -> memref<96x2x64xi32, #tpu.memory_space<hbm>>
      tpu.enqueue_dma source(%dma_start3A_143 : memref<96x2x64xi32, #tpu.memory_space<hbm>>) target(%arg12 : memref<96x2x64xi32, #tpu.memory_space<vmem>>) target_semaphore(%run_scoped3A_137 : memref<!tpu.dma_semaphore, #tpu.memory_space<semaphore_mem>>)
      %dma_wait3A_144 = arith.constant 0 : i32
      %dma_wait3A_145 = arith.constant 0 : i32
      %dma_wait3A_146 = tpu.memref_slice %arg4[%mul3A_6, %dma_wait3A_144, %dma_wait3A_145] : memref<3072x2x64xi32, #tpu.memory_space<hbm>> -> memref<96x2x64xi32, #tpu.memory_space<hbm>>
      %dma_wait3A_147 = arith.constant 0 : i32
      %dma_wait3A_148 = arith.constant 0 : i32
      %dma_wait3A_149 = tpu.memref_slice %arg4[%mul3A_6, %dma_wait3A_147, %dma_wait3A_148] : memref<3072x2x64xi32, #tpu.memory_space<hbm>> -> memref<96x2x64xi32, #tpu.memory_space<hbm>>
      tpu.wait_dma2 semaphore(%run_scoped3A_137 : memref<!tpu.dma_semaphore, #tpu.memory_space<semaphore_mem>>) src(%dma_wait3A_149 : memref<96x2x64xi32, #tpu.memory_space<hbm>>) dst(%arg12 : memref<96x2x64xi32, #tpu.memory_space<vmem>>)
      tpu.yield
    }) : () -> ()
    %broadcast_in_dim3A = arith.constant 0.000000e+00 : f32
    %broadcast_in_dim3A_7 = vector.broadcast %broadcast_in_dim3A : f32 to vector<16xf32>
    %scan3A = arith.constant 0 : i32
    %scan3A_8 = arith.constant 0 : i32
    %scan3A_9 = arith.constant 128 : i32
    %scan3A_10 = arith.addi %scan3A_8, %scan3A_9 : i32
    %scan3A_11 = arith.constant 1 : i32
    %scan3A_12 = scf.for %scan3A_137 = %scan3A_8 to %scan3A_10 step %scan3A_11 iter_args(%scan3A_138 = %scan3A) -> (i32)  : i32 {
      %mul3A_139 = arith.constant 16 : i32
      %mul3A_140 = arith.muli %scan3A_137, %mul3A_139 : i32
      %swap3A = arith.index_cast %mul3A_140 : i32 to index
      %swap3A_141 = tpu.vector_load %arg11[%swap3A] {strides = array<i32>} : memref<2048xf32, #tpu.memory_space<vmem>>, vector<16xf32>,
      tpu.vector_store %arg11[%swap3A], %broadcast_in_dim3A_7 {strides = array<i32>} : memref<2048xf32, #tpu.memory_space<vmem>>, vector<16xf32>,
      %scan3A_142 = arith.constant 0 : i32
      scf.yield %scan3A_142 : i32
    }
    %scan3A_13 = arith.constant 128 : i32
    %scan3A_14 = arith.constant 0 : i32
    %scan3A_15 = arith.constant 0 : i32
    %scan3A_16 = arith.constant 752 : i32
    %scan3A_17 = arith.addi %scan3A_15, %scan3A_16 : i32
    %scan3A_18 = arith.constant 1 : i32
    %scan3A_19 = scf.for %scan3A_137 = %scan3A_15 to %scan3A_17 step %scan3A_18 iter_args(%scan3A_138 = %scan3A_14) -> (i32)  : i32 {
      %mul3A_139 = arith.constant 16 : i32
      %mul3A_140 = arith.muli %scan3A_137, %mul3A_139 : i32
      %swap3A = arith.index_cast %mul3A_140 : i32 to index
      %swap3A_141 = tpu.vector_load %arg13[%swap3A] {strides = array<i32>} : memref<12032xf32, #tpu.memory_space<vmem>>, vector<16xf32>,
      tpu.vector_store %arg13[%swap3A], %broadcast_in_dim3A_7 {strides = array<i32>} : memref<12032xf32, #tpu.memory_space<vmem>>, vector<16xf32>,
      %mul3A_142 = arith.constant 16 : i32
      %mul3A_143 = arith.muli %scan3A_137, %mul3A_142 : i32
      %swap3A_144 = arith.index_cast %mul3A_143 : i32 to index
      %swap3A_145 = tpu.vector_load %arg14[%swap3A_144] {strides = array<i32>} : memref<12032xf32, #tpu.memory_space<vmem>>, vector<16xf32>,
      tpu.vector_store %arg14[%swap3A_144], %broadcast_in_dim3A_7 {strides = array<i32>} : memref<12032xf32, #tpu.memory_space<vmem>>, vector<16xf32>,
      %scan3A_146 = arith.constant 0 : i32
      scf.yield %scan3A_146 : i32
    }
    %scan3A_20 = arith.constant 752 : i32
    %barrier3A = arith.constant 0 : index
    tpu.barrier barrier_id(%barrier3A)
    %broadcast_in_dim3A_21 = arith.constant 1.000000e+00 : f32
    %broadcast_in_dim3A_22 = vector.broadcast %broadcast_in_dim3A_21 : f32 to vector<16xf32>
    %add3A_23 = arith.constant 0 : i32
    %add3A_24 = arith.addi %mul3A_2, %add3A_23 : i32
    %dma_start3A = arith.constant 0 : i32
    %dma_start3A_25 = arith.constant 0 : i32
    %dma_start3A_26 = arith.constant 0 : i32
    %dma_start3A_27 = tpu.memref_slice %arg9[%dma_start3A, %dma_start3A_25, %dma_start3A_26] : memref<4x2x64xi32, #tpu.memory_space<vmem>> -> memref<1x2x64xi32, #tpu.memory_space<vmem>>
    %dma_start3A_28 = tpu.memref_squeeze %dma_start3A_27 : memref<1x2x64xi32, #tpu.memory_space<vmem>> -> memref<2x64xi32, #tpu.memory_space<vmem>>
    %dma_start3A_29 = arith.constant 0 : i32
    %dma_start3A_30 = arith.constant 0 : i32
    %dma_start3A_31 = tpu.memref_slice %arg3[%add3A_24, %dma_start3A_29, %dma_start3A_30] : memref<1024x2x64xi32, #tpu.memory_space<hbm>> -> memref<1x2x64xi32, #tpu.memory_space<hbm>>
    %dma_start3A_32 = tpu.memref_squeeze %dma_start3A_31 : memref<1x2x64xi32, #tpu.memory_space<hbm>> -> memref<2x64xi32, #tpu.memory_space<hbm>>
    %dma_start3A_33 = arith.constant 0 : i32
    %dma_start3A_34 = arith.constant 0 : i32
    %dma_start3A_35 = tpu.memref_slice %arg9[%dma_start3A, %dma_start3A_33, %dma_start3A_34] : memref<4x2x64xi32, #tpu.memory_space<vmem>> -> memref<1x2x64xi32, #tpu.memory_space<vmem>>
    %dma_start3A_36 = tpu.memref_squeeze %dma_start3A_35 : memref<1x2x64xi32, #tpu.memory_space<vmem>> -> memref<2x64xi32, #tpu.memory_space<vmem>>
    %dma_start3A_37 = arith.constant 0 : i32
    %dma_start3A_38 = arith.constant 0 : i32
    %dma_start3A_39 = tpu.memref_slice %arg3[%add3A_24, %dma_start3A_37, %dma_start3A_38] : memref<1024x2x64xi32, #tpu.memory_space<hbm>> -> memref<1x2x64xi32, #tpu.memory_space<hbm>>
    %dma_start3A_40 = tpu.memref_squeeze %dma_start3A_39 : memref<1x2x64xi32, #tpu.memory_space<hbm>> -> memref<2x64xi32, #tpu.memory_space<hbm>>
    tpu.enqueue_dma source(%dma_start3A_40 : memref<2x64xi32, #tpu.memory_space<hbm>>) target(%dma_start3A_36 : memref<2x64xi32, #tpu.memory_space<vmem>>) target_semaphore(%arg16 : memref<!tpu.dma_semaphore, #tpu.memory_space<semaphore_mem>>)
    %add3A_41 = arith.constant 1 : i32
    %add3A_42 = arith.addi %mul3A_2, %add3A_41 : i32
    %dma_start3A_43 = arith.constant 1 : i32
    %dma_start3A_44 = arith.constant 0 : i32
    %dma_start3A_45 = arith.constant 0 : i32
    %dma_start3A_46 = tpu.memref_slice %arg9[%dma_start3A_43, %dma_start3A_44, %dma_start3A_45] : memref<4x2x64xi32, #tpu.memory_space<vmem>> -> memref<1x2x64xi32, #tpu.memory_space<vmem>>
    %dma_start3A_47 = tpu.memref_squeeze %dma_start3A_46 : memref<1x2x64xi32, #tpu.memory_space<vmem>> -> memref<2x64xi32, #tpu.memory_space<vmem>>
    %dma_start3A_48 = arith.constant 0 : i32
    %dma_start3A_49 = arith.constant 0 : i32
    %dma_start3A_50 = tpu.memref_slice %arg3[%add3A_42, %dma_start3A_48, %dma_start3A_49] : memref<1024x2x64xi32, #tpu.memory_space<hbm>> -> memref<1x2x64xi32, #tpu.memory_space<hbm>>
    %dma_start3A_51 = tpu.memref_squeeze %dma_start3A_50 : memref<1x2x64xi32, #tpu.memory_space<hbm>> -> memref<2x64xi32, #tpu.memory_space<hbm>>
    %dma_start3A_52 = arith.constant 0 : i32
    %dma_start3A_53 = arith.constant 0 : i32
    %dma_start3A_54 = tpu.memref_slice %arg9[%dma_start3A_43, %dma_start3A_52, %dma_start3A_53] : memref<4x2x64xi32, #tpu.memory_space<vmem>> -> memref<1x2x64xi32, #tpu.memory_space<vmem>>
    %dma_start3A_55 = tpu.memref_squeeze %dma_start3A_54 : memref<1x2x64xi32, #tpu.memory_space<vmem>> -> memref<2x64xi32, #tpu.memory_space<vmem>>
    %dma_start3A_56 = arith.constant 0 : i32
    %dma_start3A_57 = arith.constant 0 : i32
    %dma_start3A_58 = tpu.memref_slice %arg3[%add3A_42, %dma_start3A_56, %dma_start3A_57] : memref<1024x2x64xi32, #tpu.memory_space<hbm>> -> memref<1x2x64xi32, #tpu.memory_space<hbm>>
    %dma_start3A_59 = tpu.memref_squeeze %dma_start3A_58 : memref<1x2x64xi32, #tpu.memory_space<hbm>> -> memref<2x64xi32, #tpu.memory_space<hbm>>
    tpu.enqueue_dma source(%dma_start3A_59 : memref<2x64xi32, #tpu.memory_space<hbm>>) target(%dma_start3A_55 : memref<2x64xi32, #tpu.memory_space<vmem>>) target_semaphore(%arg17 : memref<!tpu.dma_semaphore, #tpu.memory_space<semaphore_mem>>)
    %add3A_60 = arith.constant 2 : i32
    %add3A_61 = arith.addi %mul3A_2, %add3A_60 : i32
    %dma_start3A_62 = arith.constant 2 : i32
    %dma_start3A_63 = arith.constant 0 : i32
    %dma_start3A_64 = arith.constant 0 : i32
    %dma_start3A_65 = tpu.memref_slice %arg9[%dma_start3A_62, %dma_start3A_63, %dma_start3A_64] : memref<4x2x64xi32, #tpu.memory_space<vmem>> -> memref<1x2x64xi32, #tpu.memory_space<vmem>>
    %dma_start3A_66 = tpu.memref_squeeze %dma_start3A_65 : memref<1x2x64xi32, #tpu.memory_space<vmem>> -> memref<2x64xi32, #tpu.memory_space<vmem>>
    %dma_start3A_67 = arith.constant 0 : i32
    %dma_start3A_68 = arith.constant 0 : i32
    %dma_start3A_69 = tpu.memref_slice %arg3[%add3A_61, %dma_start3A_67, %dma_start3A_68] : memref<1024x2x64xi32, #tpu.memory_space<hbm>> -> memref<1x2x64xi32, #tpu.memory_space<hbm>>
    %dma_start3A_70 = tpu.memref_squeeze %dma_start3A_69 : memref<1x2x64xi32, #tpu.memory_space<hbm>> -> memref<2x64xi32, #tpu.memory_space<hbm>>
    %dma_start3A_71 = arith.constant 0 : i32
    %dma_start3A_72 = arith.constant 0 : i32
    %dma_start3A_73 = tpu.memref_slice %arg9[%dma_start3A_62, %dma_start3A_71, %dma_start3A_72] : memref<4x2x64xi32, #tpu.memory_space<vmem>> -> memref<1x2x64xi32, #tpu.memory_space<vmem>>
    %dma_start3A_74 = tpu.memref_squeeze %dma_start3A_73 : memref<1x2x64xi32, #tpu.memory_space<vmem>> -> memref<2x64xi32, #tpu.memory_space<vmem>>
    %dma_start3A_75 = arith.constant 0 : i32
    %dma_start3A_76 = arith.constant 0 : i32
    %dma_start3A_77 = tpu.memref_slice %arg3[%add3A_61, %dma_start3A_75, %dma_start3A_76] : memref<1024x2x64xi32, #tpu.memory_space<hbm>> -> memref<1x2x64xi32, #tpu.memory_space<hbm>>
    %dma_start3A_78 = tpu.memref_squeeze %dma_start3A_77 : memref<1x2x64xi32, #tpu.memory_space<hbm>> -> memref<2x64xi32, #tpu.memory_space<hbm>>
    tpu.enqueue_dma source(%dma_start3A_78 : memref<2x64xi32, #tpu.memory_space<hbm>>) target(%dma_start3A_74 : memref<2x64xi32, #tpu.memory_space<vmem>>) target_semaphore(%arg18 : memref<!tpu.dma_semaphore, #tpu.memory_space<semaphore_mem>>)
    %add3A_79 = arith.constant 3 : i32
    %add3A_80 = arith.addi %mul3A_2, %add3A_79 : i32
    %dma_start3A_81 = arith.constant 3 : i32
    %dma_start3A_82 = arith.constant 0 : i32
    %dma_start3A_83 = arith.constant 0 : i32
    %dma_start3A_84 = tpu.memref_slice %arg9[%dma_start3A_81, %dma_start3A_82, %dma_start3A_83] : memref<4x2x64xi32, #tpu.memory_space<vmem>> -> memref<1x2x64xi32, #tpu.memory_space<vmem>>
    %dma_start3A_85 = tpu.memref_squeeze %dma_start3A_84 : memref<1x2x64xi32, #tpu.memory_space<vmem>> -> memref<2x64xi32, #tpu.memory_space<vmem>>
    %dma_start3A_86 = arith.constant 0 : i32
    %dma_start3A_87 = arith.constant 0 : i32
    %dma_start3A_88 = tpu.memref_slice %arg3[%add3A_80, %dma_start3A_86, %dma_start3A_87] : memref<1024x2x64xi32, #tpu.memory_space<hbm>> -> memref<1x2x64xi32, #tpu.memory_space<hbm>>
    %dma_start3A_89 = tpu.memref_squeeze %dma_start3A_88 : memref<1x2x64xi32, #tpu.memory_space<hbm>> -> memref<2x64xi32, #tpu.memory_space<hbm>>
    %dma_start3A_90 = arith.constant 0 : i32
    %dma_start3A_91 = arith.constant 0 : i32
    %dma_start3A_92 = tpu.memref_slice %arg9[%dma_start3A_81, %dma_start3A_90, %dma_start3A_91] : memref<4x2x64xi32, #tpu.memory_space<vmem>> -> memref<1x2x64xi32, #tpu.memory_space<vmem>>
    %dma_start3A_93 = tpu.memref_squeeze %dma_start3A_92 : memref<1x2x64xi32, #tpu.memory_space<vmem>> -> memref<2x64xi32, #tpu.memory_space<vmem>>
    %dma_start3A_94 = arith.constant 0 : i32
    %dma_start3A_95 = arith.constant 0 : i32
    %dma_start3A_96 = tpu.memref_slice %arg3[%add3A_80, %dma_start3A_94, %dma_start3A_95] : memref<1024x2x64xi32, #tpu.memory_space<hbm>> -> memref<1x2x64xi32, #tpu.memory_space<hbm>>
    %dma_start3A_97 = tpu.memref_squeeze %dma_start3A_96 : memref<1x2x64xi32, #tpu.memory_space<hbm>> -> memref<2x64xi32, #tpu.memory_space<hbm>>
    tpu.enqueue_dma source(%dma_start3A_97 : memref<2x64xi32, #tpu.memory_space<hbm>>) target(%dma_start3A_93 : memref<2x64xi32, #tpu.memory_space<vmem>>) target_semaphore(%arg19 : memref<!tpu.dma_semaphore, #tpu.memory_space<semaphore_mem>>)
    %dma_wait3A = arith.constant 0 : i32
    %dma_wait3A_98 = arith.constant 0 : i32
    %dma_wait3A_99 = arith.constant 0 : i32
    %dma_wait3A_100 = tpu.memref_slice %arg9[%dma_wait3A, %dma_wait3A_98, %dma_wait3A_99] : memref<4x2x64xi32, #tpu.memory_space<vmem>> -> memref<1x2x64xi32, #tpu.memory_space<vmem>>
    %dma_wait3A_101 = tpu.memref_squeeze %dma_wait3A_100 : memref<1x2x64xi32, #tpu.memory_space<vmem>> -> memref<2x64xi32, #tpu.memory_space<vmem>>
    %dma_wait3A_102 = arith.constant 0 : i32
    %dma_wait3A_103 = arith.constant 0 : i32
    %dma_wait3A_104 = tpu.memref_slice %arg3[%mul3A_2, %dma_wait3A_102, %dma_wait3A_103] : memref<1024x2x64xi32, #tpu.memory_space<hbm>> -> memref<1x2x64xi32, #tpu.memory_space<hbm>>
    %dma_wait3A_105 = tpu.memref_squeeze %dma_wait3A_104 : memref<1x2x64xi32, #tpu.memory_space<hbm>> -> memref<2x64xi32, #tpu.memory_space<hbm>>
    %dma_wait3A_106 = arith.constant 0 : i32
    %dma_wait3A_107 = arith.constant 0 : i32
    %dma_wait3A_108 = tpu.memref_slice %arg9[%dma_wait3A, %dma_wait3A_106, %dma_wait3A_107] : memref<4x2x64xi32, #tpu.memory_space<vmem>> -> memref<1x2x64xi32, #tpu.memory_space<vmem>>
    %dma_wait3A_109 = tpu.memref_squeeze %dma_wait3A_108 : memref<1x2x64xi32, #tpu.memory_space<vmem>> -> memref<2x64xi32, #tpu.memory_space<vmem>>
    %dma_wait3A_110 = arith.constant 0 : i32
    %dma_wait3A_111 = arith.constant 0 : i32
    %dma_wait3A_112 = tpu.memref_slice %arg3[%mul3A_2, %dma_wait3A_110, %dma_wait3A_111] : memref<1024x2x64xi32, #tpu.memory_space<hbm>> -> memref<1x2x64xi32, #tpu.memory_space<hbm>>
    %dma_wait3A_113 = tpu.memref_squeeze %dma_wait3A_112 : memref<1x2x64xi32, #tpu.memory_space<hbm>> -> memref<2x64xi32, #tpu.memory_space<hbm>>
    tpu.wait_dma2 semaphore(%arg16 : memref<!tpu.dma_semaphore, #tpu.memory_space<semaphore_mem>>) src(%dma_wait3A_113 : memref<2x64xi32, #tpu.memory_space<hbm>>) dst(%dma_wait3A_109 : memref<2x64xi32, #tpu.memory_space<vmem>>)
    %dma_start3A_114 = arith.constant 0 : i32
    %dma_start3A_115 = arith.constant 0 : i32
    %dma_start3A_116 = arith.constant 0 : i32
    %dma_start3A_117 = arith.constant 0 : i32
    %dma_start3A_118 = arith.constant 0 : i32
    %dma_start3A_119 = tpu.memref_slice %arg10[%dma_start3A_116, %dma_start3A_117, %dma_start3A_118] : memref<4x64x128xf32, #tpu.memory_space<vmem>> -> memref<1x64x128xf32, #tpu.memory_space<vmem>>
    %dma_start3A_120 = tpu.memref_squeeze %dma_start3A_119 : memref<1x64x128xf32, #tpu.memory_space<vmem>> -> memref<64x128xf32, #tpu.memory_space<vmem>>
    %dma_start3A_121 = arith.constant 0 : i32
    %dma_start3A_122 = tpu.memref_slice %arg9[%dma_start3A_114, %dma_start3A_115, %dma_start3A_121] : memref<4x2x64xi32, #tpu.memory_space<vmem>> -> memref<1x1x64xi32, #tpu.memory_space<vmem>>
    %dma_start3A_123 = tpu.memref_squeeze %dma_start3A_122 : memref<1x1x64xi32, #tpu.memory_space<vmem>> -> memref<64xi32, #tpu.memory_space<vmem>>
    %dma_start3A_124 = arith.constant 0 : i32
    %dma_start3A_125 = arith.constant 0 : i32
    %dma_start3A_126 = tpu.memref_slice %arg2[%dma_start3A_124, %dma_start3A_125] : memref<2048x128xf32, #tpu.memory_space<hbm>> -> memref<2048x128xf32, #tpu.memory_space<hbm>>
    tpu.enqueue_indirect_dma source(%dma_start3A_126 : memref<2048x128xf32, #tpu.memory_space<hbm>>) target(%dma_start3A_120 : memref<64x128xf32, #tpu.memory_space<vmem>>) offsets(%dma_start3A_123 : memref<64xi32, #tpu.memory_space<vmem>>) semaphore(%arg20 : memref<!tpu.dma_semaphore, #tpu.memory_space<semaphore_mem>>)
    %scan3A_127 = arith.constant 0 : i32
    %scan3A_128 = arith.constant 0 : i32
    %scan3A_129 = arith.constant 8 : i32
    %scan3A_130 = arith.addi %scan3A_128, %scan3A_129 : i32
    %scan3A_131 = arith.constant 1 : i32
    %scan3A_132 = scf.for %scan3A_137 = %scan3A_128 to %scan3A_130 step %scan3A_131 iter_args(%scan3A_138 = %scan3A_127) -> (i32)  : i32 {
      %mul3A_139 = arith.constant 4 : i32
      %mul3A_140 = arith.muli %mul3A_139, %scan3A_137 : i32
      %dma_wait3A_141 = arith.constant 1 : i32
      %dma_wait3A_142 = arith.constant 0 : i32
      %dma_wait3A_143 = arith.constant 0 : i32
      %dma_wait3A_144 = tpu.memref_slice %arg9[%dma_wait3A_141, %dma_wait3A_142, %dma_wait3A_143] : memref<4x2x64xi32, #tpu.memory_space<vmem>> -> memref<1x2x64xi32, #tpu.memory_space<vmem>>
      %dma_wait3A_145 = tpu.memref_squeeze %dma_wait3A_144 : memref<1x2x64xi32, #tpu.memory_space<vmem>> -> memref<2x64xi32, #tpu.memory_space<vmem>>
      %dma_wait3A_146 = arith.constant 0 : i32
      %dma_wait3A_147 = arith.constant 0 : i32
      %dma_wait3A_148 = tpu.memref_slice %arg3[%mul3A_2, %dma_wait3A_146, %dma_wait3A_147] : memref<1024x2x64xi32, #tpu.memory_space<hbm>> -> memref<1x2x64xi32, #tpu.memory_space<hbm>>
      %dma_wait3A_149 = tpu.memref_squeeze %dma_wait3A_148 : memref<1x2x64xi32, #tpu.memory_space<hbm>> -> memref<2x64xi32, #tpu.memory_space<hbm>>
      %dma_wait3A_150 = arith.constant 0 : i32
      %dma_wait3A_151 = arith.constant 0 : i32
      %dma_wait3A_152 = tpu.memref_slice %arg9[%dma_wait3A_141, %dma_wait3A_150, %dma_wait3A_151] : memref<4x2x64xi32, #tpu.memory_space<vmem>> -> memref<1x2x64xi32, #tpu.memory_space<vmem>>
      %dma_wait3A_153 = tpu.memref_squeeze %dma_wait3A_152 : memref<1x2x64xi32, #tpu.memory_space<vmem>> -> memref<2x64xi32, #tpu.memory_space<vmem>>
      %dma_wait3A_154 = arith.constant 0 : i32
      %dma_wait3A_155 = arith.constant 0 : i32
      %dma_wait3A_156 = tpu.memref_slice %arg3[%mul3A_2, %dma_wait3A_154, %dma_wait3A_155] : memref<1024x2x64xi32, #tpu.memory_space<hbm>> -> memref<1x2x64xi32, #tpu.memory_space<hbm>>
      %dma_wait3A_157 = tpu.memref_squeeze %dma_wait3A_156 : memref<1x2x64xi32, #tpu.memory_space<hbm>> -> memref<2x64xi32, #tpu.memory_space<hbm>>
      tpu.wait_dma2 semaphore(%arg17 : memref<!tpu.dma_semaphore, #tpu.memory_space<semaphore_mem>>) src(%dma_wait3A_157 : memref<2x64xi32, #tpu.memory_space<hbm>>) dst(%dma_wait3A_153 : memref<2x64xi32, #tpu.memory_space<vmem>>)
      %dma_start3A_158 = arith.constant 1 : i32
      %dma_start3A_159 = arith.constant 0 : i32
      %dma_start3A_160 = arith.constant 1 : i32
      %dma_start3A_161 = arith.constant 0 : i32
      %dma_start3A_162 = arith.constant 0 : i32
      %dma_start3A_163 = tpu.memref_slice %arg10[%dma_start3A_160, %dma_start3A_161, %dma_start3A_162] : memref<4x64x128xf32, #tpu.memory_space<vmem>> -> memref<1x64x128xf32, #tpu.memory_space<vmem>>
      %dma_start3A_164 = tpu.memref_squeeze %dma_start3A_163 : memref<1x64x128xf32, #tpu.memory_space<vmem>> -> memref<64x128xf32, #tpu.memory_space<vmem>>
      %dma_start3A_165 = arith.constant 0 : i32
      %dma_start3A_166 = tpu.memref_slice %arg9[%dma_start3A_158, %dma_start3A_159, %dma_start3A_165] : memref<4x2x64xi32, #tpu.memory_space<vmem>> -> memref<1x1x64xi32, #tpu.memory_space<vmem>>
      %dma_start3A_167 = tpu.memref_squeeze %dma_start3A_166 : memref<1x1x64xi32, #tpu.memory_space<vmem>> -> memref<64xi32, #tpu.memory_space<vmem>>
      %dma_start3A_168 = arith.constant 0 : i32
      %dma_start3A_169 = arith.constant 0 : i32
      %dma_start3A_170 = tpu.memref_slice %arg2[%dma_start3A_168, %dma_start3A_169] : memref<2048x128xf32, #tpu.memory_space<hbm>> -> memref<2048x128xf32, #tpu.memory_space<hbm>>
      tpu.enqueue_indirect_dma source(%dma_start3A_170 : memref<2048x128xf32, #tpu.memory_space<hbm>>) target(%dma_start3A_164 : memref<64x128xf32, #tpu.memory_space<vmem>>) offsets(%dma_start3A_167 : memref<64xi32, #tpu.memory_space<vmem>>) semaphore(%arg21 : memref<!tpu.dma_semaphore, #tpu.memory_space<semaphore_mem>>)
      %dma_wait3A_171 = arith.constant 2 : i32
      %dma_wait3A_172 = arith.constant 0 : i32
      %dma_wait3A_173 = arith.constant 0 : i32
      %dma_wait3A_174 = tpu.memref_slice %arg9[%dma_wait3A_171, %dma_wait3A_172, %dma_wait3A_173] : memref<4x2x64xi32, #tpu.memory_space<vmem>> -> memref<1x2x64xi32, #tpu.memory_space<vmem>>
      %dma_wait3A_175 = tpu.memref_squeeze %dma_wait3A_174 : memref<1x2x64xi32, #tpu.memory_space<vmem>> -> memref<2x64xi32, #tpu.memory_space<vmem>>
      %dma_wait3A_176 = arith.constant 0 : i32
      %dma_wait3A_177 = arith.constant 0 : i32
      %dma_wait3A_178 = tpu.memref_slice %arg3[%mul3A_2, %dma_wait3A_176, %dma_wait3A_177] : memref<1024x2x64xi32, #tpu.memory_space<hbm>> -> memref<1x2x64xi32, #tpu.memory_space<hbm>>
      %dma_wait3A_179 = tpu.memref_squeeze %dma_wait3A_178 : memref<1x2x64xi32, #tpu.memory_space<hbm>> -> memref<2x64xi32, #tpu.memory_space<hbm>>
      %dma_wait3A_180 = arith.constant 0 : i32
      %dma_wait3A_181 = arith.constant 0 : i32
      %dma_wait3A_182 = tpu.memref_slice %arg9[%dma_wait3A_171, %dma_wait3A_180, %dma_wait3A_181] : memref<4x2x64xi32, #tpu.memory_space<vmem>> -> memref<1x2x64xi32, #tpu.memory_space<vmem>>
      %dma_wait3A_183 = tpu.memref_squeeze %dma_wait3A_182 : memref<1x2x64xi32, #tpu.memory_space<vmem>> -> memref<2x64xi32, #tpu.memory_space<vmem>>
      %dma_wait3A_184 = arith.constant 0 : i32
      %dma_wait3A_185 = arith.constant 0 : i32
      %dma_wait3A_186 = tpu.memref_slice %arg3[%mul3A_2, %dma_wait3A_184, %dma_wait3A_185] : memref<1024x2x64xi32, #tpu.memory_space<hbm>> -> memref<1x2x64xi32, #tpu.memory_space<hbm>>
      %dma_wait3A_187 = tpu.memref_squeeze %dma_wait3A_186 : memref<1x2x64xi32, #tpu.memory_space<hbm>> -> memref<2x64xi32, #tpu.memory_space<hbm>>
      tpu.wait_dma2 semaphore(%arg18 : memref<!tpu.dma_semaphore, #tpu.memory_space<semaphore_mem>>) src(%dma_wait3A_187 : memref<2x64xi32, #tpu.memory_space<hbm>>) dst(%dma_wait3A_183 : memref<2x64xi32, #tpu.memory_space<vmem>>)
      %dma_start3A_188 = arith.constant 2 : i32
      %dma_start3A_189 = arith.constant 0 : i32
      %dma_start3A_190 = arith.constant 2 : i32
      %dma_start3A_191 = arith.constant 0 : i32
      %dma_start3A_192 = arith.constant 0 : i32
      %dma_start3A_193 = tpu.memref_slice %arg10[%dma_start3A_190, %dma_start3A_191, %dma_start3A_192] : memref<4x64x128xf32, #tpu.memory_space<vmem>> -> memref<1x64x128xf32, #tpu.memory_space<vmem>>
      %dma_start3A_194 = tpu.memref_squeeze %dma_start3A_193 : memref<1x64x128xf32, #tpu.memory_space<vmem>> -> memref<64x128xf32, #tpu.memory_space<vmem>>
      %dma_start3A_195 = arith.constant 0 : i32
      %dma_start3A_196 = tpu.memref_slice %arg9[%dma_start3A_188, %dma_start3A_189, %dma_start3A_195] : memref<4x2x64xi32, #tpu.memory_space<vmem>> -> memref<1x1x64xi32, #tpu.memory_space<vmem>>
      %dma_start3A_197 = tpu.memref_squeeze %dma_start3A_196 : memref<1x1x64xi32, #tpu.memory_space<vmem>> -> memref<64xi32, #tpu.memory_space<vmem>>
      %dma_start3A_198 = arith.constant 0 : i32
      %dma_start3A_199 = arith.constant 0 : i32
      %dma_start3A_200 = tpu.memref_slice %arg2[%dma_start3A_198, %dma_start3A_199] : memref<2048x128xf32, #tpu.memory_space<hbm>> -> memref<2048x128xf32, #tpu.memory_space<hbm>>
      tpu.enqueue_indirect_dma source(%dma_start3A_200 : memref<2048x128xf32, #tpu.memory_space<hbm>>) target(%dma_start3A_194 : memref<64x128xf32, #tpu.memory_space<vmem>>) offsets(%dma_start3A_197 : memref<64xi32, #tpu.memory_space<vmem>>) semaphore(%arg22 : memref<!tpu.dma_semaphore, #tpu.memory_space<semaphore_mem>>)
      %dma_wait3A_201 = arith.constant 3 : i32
      %dma_wait3A_202 = arith.constant 0 : i32
      %dma_wait3A_203 = arith.constant 0 : i32
      %dma_wait3A_204 = tpu.memref_slice %arg9[%dma_wait3A_201, %dma_wait3A_202, %dma_wait3A_203] : memref<4x2x64xi32, #tpu.memory_space<vmem>> -> memref<1x2x64xi32, #tpu.memory_space<vmem>>
      %dma_wait3A_205 = tpu.memref_squeeze %dma_wait3A_204 : memref<1x2x64xi32, #tpu.memory_space<vmem>> -> memref<2x64xi32, #tpu.memory_space<vmem>>
      %dma_wait3A_206 = arith.constant 0 : i32
      %dma_wait3A_207 = arith.constant 0 : i32
      %dma_wait3A_208 = tpu.memref_slice %arg3[%mul3A_2, %dma_wait3A_206, %dma_wait3A_207] : memref<1024x2x64xi32, #tpu.memory_space<hbm>> -> memref<1x2x64xi32, #tpu.memory_space<hbm>>
      %dma_wait3A_209 = tpu.memref_squeeze %dma_wait3A_208 : memref<1x2x64xi32, #tpu.memory_space<hbm>> -> memref<2x64xi32, #tpu.memory_space<hbm>>
      %dma_wait3A_210 = arith.constant 0 : i32
      %dma_wait3A_211 = arith.constant 0 : i32
      %dma_wait3A_212 = tpu.memref_slice %arg9[%dma_wait3A_201, %dma_wait3A_210, %dma_wait3A_211] : memref<4x2x64xi32, #tpu.memory_space<vmem>> -> memref<1x2x64xi32, #tpu.memory_space<vmem>>
      %dma_wait3A_213 = tpu.memref_squeeze %dma_wait3A_212 : memref<1x2x64xi32, #tpu.memory_space<vmem>> -> memref<2x64xi32, #tpu.memory_space<vmem>>
      %dma_wait3A_214 = arith.constant 0 : i32
      %dma_wait3A_215 = arith.constant 0 : i32
      %dma_wait3A_216 = tpu.memref_slice %arg3[%mul3A_2, %dma_wait3A_214, %dma_wait3A_215] : memref<1024x2x64xi32, #tpu.memory_space<hbm>> -> memref<1x2x64xi32, #tpu.memory_space<hbm>>
      %dma_wait3A_217 = tpu.memref_squeeze %dma_wait3A_216 : memref<1x2x64xi32, #tpu.memory_space<hbm>> -> memref<2x64xi32, #tpu.memory_space<hbm>>
      tpu.wait_dma2 semaphore(%arg19 : memref<!tpu.dma_semaphore, #tpu.memory_space<semaphore_mem>>) src(%dma_wait3A_217 : memref<2x64xi32, #tpu.memory_space<hbm>>) dst(%dma_wait3A_213 : memref<2x64xi32, #tpu.memory_space<vmem>>)
      %dma_start3A_218 = arith.constant 3 : i32
      %dma_start3A_219 = arith.constant 0 : i32
      %dma_start3A_220 = arith.constant 3 : i32
      %dma_start3A_221 = arith.constant 0 : i32
      %dma_start3A_222 = arith.constant 0 : i32
      %dma_start3A_223 = tpu.memref_slice %arg10[%dma_start3A_220, %dma_start3A_221, %dma_start3A_222] : memref<4x64x128xf32, #tpu.memory_space<vmem>> -> memref<1x64x128xf32, #tpu.memory_space<vmem>>
      %dma_start3A_224 = tpu.memref_squeeze %dma_start3A_223 : memref<1x64x128xf32, #tpu.memory_space<vmem>> -> memref<64x128xf32, #tpu.memory_space<vmem>>
      %dma_start3A_225 = arith.constant 0 : i32
      %dma_start3A_226 = tpu.memref_slice %arg9[%dma_start3A_218, %dma_start3A_219, %dma_start3A_225] : memref<4x2x64xi32, #tpu.memory_space<vmem>> -> memref<1x1x64xi32, #tpu.memory_space<vmem>>
      %dma_start3A_227 = tpu.memref_squeeze %dma_start3A_226 : memref<1x1x64xi32, #tpu.memory_space<vmem>> -> memref<64xi32, #tpu.memory_space<vmem>>
      %dma_start3A_228 = arith.constant 0 : i32
      %dma_start3A_229 = arith.constant 0 : i32
      %dma_start3A_230 = tpu.memref_slice %arg2[%dma_start3A_228, %dma_start3A_229] : memref<2048x128xf32, #tpu.memory_space<hbm>> -> memref<2048x128xf32, #tpu.memory_space<hbm>>
      tpu.enqueue_indirect_dma source(%dma_start3A_230 : memref<2048x128xf32, #tpu.memory_space<hbm>>) target(%dma_start3A_224 : memref<64x128xf32, #tpu.memory_space<vmem>>) offsets(%dma_start3A_227 : memref<64xi32, #tpu.memory_space<vmem>>) semaphore(%arg23 : memref<!tpu.dma_semaphore, #tpu.memory_space<semaphore_mem>>)
      %dma_wait3A_231 = arith.constant 0 : i32
      %dma_wait3A_232 = arith.constant 0 : i32
      %dma_wait3A_233 = arith.constant 0 : i32
      %dma_wait3A_234 = arith.constant 0 : i32
      %dma_wait3A_235 = arith.constant 0 : i32
      %dma_wait3A_236 = tpu.memref_slice %arg10[%dma_wait3A_233, %dma_wait3A_234, %dma_wait3A_235] : memref<4x64x128xf32, #tpu.memory_space<vmem>> -> memref<1x64x128xf32, #tpu.memory_space<vmem>>
      %dma_wait3A_237 = tpu.memref_squeeze %dma_wait3A_236 : memref<1x64x128xf32, #tpu.memory_space<vmem>> -> memref<64x128xf32, #tpu.memory_space<vmem>>
      %dma_wait3A_238 = arith.constant 0 : i32
      %dma_wait3A_239 = tpu.memref_slice %arg9[%dma_wait3A_231, %dma_wait3A_232, %dma_wait3A_238] : memref<4x2x64xi32, #tpu.memory_space<vmem>> -> memref<1x1x64xi32, #tpu.memory_space<vmem>>
      %dma_wait3A_240 = tpu.memref_squeeze %dma_wait3A_239 : memref<1x1x64xi32, #tpu.memory_space<vmem>> -> memref<64xi32, #tpu.memory_space<vmem>>
      %dma_wait3A_241 = arith.constant 0 : i32
      %dma_wait3A_242 = arith.constant 0 : i32
      %dma_wait3A_243 = tpu.memref_slice %arg2[%dma_wait3A_241, %dma_wait3A_242] : memref<2048x128xf32, #tpu.memory_space<hbm>> -> memref<2048x128xf32, #tpu.memory_space<hbm>>
      tpu.wait_indirect_dma semaphore(%arg20 : memref<!tpu.dma_semaphore, #tpu.memory_space<semaphore_mem>>) src(%dma_wait3A_243 : memref<2048x128xf32, #tpu.memory_space<hbm>>) dst(%dma_wait3A_237 : memref<64x128xf32, #tpu.memory_space<vmem>>)
      %run_scoped3A_244 = arith.constant 0 : i32
      %run_scoped3A_245 = arith.constant 0 : i32
      %run_scoped3A_246 = arith.constant 1 : i32
      "tpu.region"() ({
        %run_scoped3A_491 = tpu.sem_alloc : memref<!tpu.dma_semaphore, #tpu.memory_space<semaphore_mem>>
        %dma_start3A_492 = arith.constant 0 : i32
        %dma_start3A_493 = arith.constant 0 : i32
        %dma_start3A_494 = tpu.memref_slice %arg10[%run_scoped3A_244, %dma_start3A_492, %dma_start3A_493] : memref<4x64x128xf32, #tpu.memory_space<vmem>> -> memref<1x64x128xf32, #tpu.memory_space<vmem>>
        %dma_start3A_495 = tpu.memref_squeeze %dma_start3A_494 : memref<1x64x128xf32, #tpu.memory_space<vmem>> -> memref<64x128xf32, #tpu.memory_space<vmem>>
        %dma_start3A_496 = arith.constant 0 : i32
        %dma_start3A_497 = tpu.memref_slice %arg9[%run_scoped3A_245, %run_scoped3A_246, %dma_start3A_496] : memref<4x2x64xi32, #tpu.memory_space<vmem>> -> memref<1x1x64xi32, #tpu.memory_space<vmem>>
        %dma_start3A_498 = tpu.memref_squeeze %dma_start3A_497 : memref<1x1x64xi32, #tpu.memory_space<vmem>> -> memref<64xi32, #tpu.memory_space<vmem>>
        %dma_start3A_499 = arith.constant 0 : i32
        %dma_start3A_500 = arith.constant 0 : i32
        %dma_start3A_501 = tpu.memref_slice %arg15[%dma_start3A_499, %dma_start3A_500] : memref<2048x128xf32, #tpu.memory_space<vmem_shared>> -> memref<2048x128xf32, #tpu.memory_space<vmem_shared>>
        tpu.enqueue_indirect_dma source(%dma_start3A_495 : memref<64x128xf32, #tpu.memory_space<vmem>>) target(%dma_start3A_501 : memref<2048x128xf32, #tpu.memory_space<vmem_shared>>) offsets(%dma_start3A_498 : memref<64xi32, #tpu.memory_space<vmem>>) semaphore(%run_scoped3A_491 : memref<!tpu.dma_semaphore, #tpu.memory_space<semaphore_mem>>) {add = true}
        %dma_wait3A_502 = arith.constant 0 : i32
        %dma_wait3A_503 = arith.constant 0 : i32
        %dma_wait3A_504 = tpu.memref_slice %arg10[%run_scoped3A_244, %dma_wait3A_502, %dma_wait3A_503] : memref<4x64x128xf32, #tpu.memory_space<vmem>> -> memref<1x64x128xf32, #tpu.memory_space<vmem>>
        %dma_wait3A_505 = tpu.memref_squeeze %dma_wait3A_504 : memref<1x64x128xf32, #tpu.memory_space<vmem>> -> memref<64x128xf32, #tpu.memory_space<vmem>>
        %dma_wait3A_506 = arith.constant 0 : i32
        %dma_wait3A_507 = tpu.memref_slice %arg9[%run_scoped3A_245, %run_scoped3A_246, %dma_wait3A_506] : memref<4x2x64xi32, #tpu.memory_space<vmem>> -> memref<1x1x64xi32, #tpu.memory_space<vmem>>
        %dma_wait3A_508 = tpu.memref_squeeze %dma_wait3A_507 : memref<1x1x64xi32, #tpu.memory_space<vmem>> -> memref<64xi32, #tpu.memory_space<vmem>>
        %dma_wait3A_509 = arith.constant 0 : i32
        %dma_wait3A_510 = arith.constant 0 : i32
        %dma_wait3A_511 = tpu.memref_slice %arg15[%dma_wait3A_509, %dma_wait3A_510] : memref<2048x128xf32, #tpu.memory_space<vmem_shared>> -> memref<2048x128xf32, #tpu.memory_space<vmem_shared>>
        tpu.wait_indirect_dma semaphore(%run_scoped3A_491 : memref<!tpu.dma_semaphore, #tpu.memory_space<semaphore_mem>>) src(%dma_wait3A_505 : memref<64x128xf32, #tpu.memory_space<vmem>>) dst(%dma_wait3A_511 : memref<2048x128xf32, #tpu.memory_space<vmem_shared>>)
        tpu.yield
      }) : () -> ()
      %get3A = arith.constant 0 : i32
      %get3A_247 = arith.constant 1 : i32
      %get3A_248 = arith.index_cast %get3A : i32 to index
      %get3A_249 = arith.index_cast %get3A_247 : i32 to index
      %get3A_250 = arith.constant 0 : index
      %get3A_251 = tpu.vector_load %arg9[%get3A_248, %get3A_249, %get3A_250] {strides = array<i32>} : memref<4x2x64xi32, #tpu.memory_space<vmem>>, vector<16xi32>,
      tpu.vector_store_idx %arg11[%get3A_251], %broadcast_in_dim3A_22 {add = true} : memref<2048xf32, #tpu.memory_space<vmem>>[vector<16xi32>], vector<16xf32>,
      %get3A_252 = arith.constant 0 : i32
      %get3A_253 = arith.constant 1 : i32
      %get3A_254 = arith.index_cast %get3A_252 : i32 to index
      %get3A_255 = arith.index_cast %get3A_253 : i32 to index
      %get3A_256 = arith.constant 16 : index
      %get3A_257 = tpu.vector_load %arg9[%get3A_254, %get3A_255, %get3A_256] {strides = array<i32>} : memref<4x2x64xi32, #tpu.memory_space<vmem>>, vector<16xi32>,
      tpu.vector_store_idx %arg11[%get3A_257], %broadcast_in_dim3A_22 {add = true} : memref<2048xf32, #tpu.memory_space<vmem>>[vector<16xi32>], vector<16xf32>,
      %get3A_258 = arith.constant 0 : i32
      %get3A_259 = arith.constant 1 : i32
      %get3A_260 = arith.index_cast %get3A_258 : i32 to index
      %get3A_261 = arith.index_cast %get3A_259 : i32 to index
      %get3A_262 = arith.constant 32 : index
      %get3A_263 = tpu.vector_load %arg9[%get3A_260, %get3A_261, %get3A_262] {strides = array<i32>} : memref<4x2x64xi32, #tpu.memory_space<vmem>>, vector<16xi32>,
      tpu.vector_store_idx %arg11[%get3A_263], %broadcast_in_dim3A_22 {add = true} : memref<2048xf32, #tpu.memory_space<vmem>>[vector<16xi32>], vector<16xf32>,
      %get3A_264 = arith.constant 0 : i32
      %get3A_265 = arith.constant 1 : i32
      %get3A_266 = arith.index_cast %get3A_264 : i32 to index
      %get3A_267 = arith.index_cast %get3A_265 : i32 to index
      %get3A_268 = arith.constant 48 : index
      %get3A_269 = tpu.vector_load %arg9[%get3A_266, %get3A_267, %get3A_268] {strides = array<i32>} : memref<4x2x64xi32, #tpu.memory_space<vmem>>, vector<16xi32>,
      tpu.vector_store_idx %arg11[%get3A_269], %broadcast_in_dim3A_22 {add = true} : memref<2048xf32, #tpu.memory_space<vmem>>[vector<16xi32>], vector<16xf32>,
      %add3A_270 = arith.constant 0 : i32
      %add3A_271 = arith.addi %mul3A_140, %add3A_270 : i32
      %mul3A_272 = arith.constant 3 : i32
      %mul3A_273 = arith.muli %add3A_271, %mul3A_272 : i32
      %add3A_274 = arith.constant 1 : i32
      %add3A_275 = arith.addi %add3A_271, %add3A_274 : i32
      %mul3A_276 = arith.constant 3 : i32
      %mul3A_277 = arith.muli %add3A_275, %mul3A_276 : i32
      %while3A = arith.constant 0 : i32
      %while3A_278 = arith.subi %mul3A_277, %mul3A_273 : i32
      %while3A_279 = arith.addi %mul3A_273, %while3A_278 : i32
      %while3A_280 = arith.constant 1 : i32
      %while3A_281 = arith.divsi %while3A_278, %while3A_280 : i32
      %while3A_282 = arith.muli %while3A_281, %while3A_280 : i32
      %while3A_283 = arith.addi %mul3A_273, %while3A_282 : i32
      %while3A_284 = arith.constant 1 : i32
      %while3A_285 = scf.for %while3A_491 = %mul3A_273 to %while3A_283 step %while3A_284 iter_args(%while3A_492 = %while3A) -> (i32)  : i32 {
        %get3A_493 = arith.constant 1 : i32
        %get3A_494 = arith.index_cast %while3A_491 : i32 to index
        %get3A_495 = arith.index_cast %get3A_493 : i32 to index
        %get3A_496 = arith.constant 0 : index
        %get3A_497 = tpu.vector_load %arg12[%get3A_494, %get3A_495, %get3A_496] {strides = array<i32>} : memref<96x2x64xi32, #tpu.memory_space<vmem>>, vector<16xi32>,
        tpu.vector_store_idx %arg13[%get3A_497], %broadcast_in_dim3A_22 {add = true} : memref<12032xf32, #tpu.memory_space<vmem>>[vector<16xi32>], vector<16xf32>,
        %get3A_498 = arith.constant 0 : i32
        %get3A_499 = arith.index_cast %while3A_491 : i32 to index
        %get3A_500 = arith.index_cast %get3A_498 : i32 to index
        %get3A_501 = arith.constant 0 : index
        %get3A_502 = tpu.vector_load %arg12[%get3A_499, %get3A_500, %get3A_501] {strides = array<i32>} : memref<96x2x64xi32, #tpu.memory_space<vmem>>, vector<16xi32>,
        tpu.vector_store_idx %arg14[%get3A_502], %broadcast_in_dim3A_22 {add = true} : memref<12032xf32, #tpu.memory_space<vmem>>[vector<16xi32>], vector<16xf32>,
        %get3A_503 = arith.constant 1 : i32
        %get3A_504 = arith.index_cast %while3A_491 : i32 to index
        %get3A_505 = arith.index_cast %get3A_503 : i32 to index
        %get3A_506 = arith.constant 16 : index
        %get3A_507 = tpu.vector_load %arg12[%get3A_504, %get3A_505, %get3A_506] {strides = array<i32>} : memref<96x2x64xi32, #tpu.memory_space<vmem>>, vector<16xi32>,
        tpu.vector_store_idx %arg13[%get3A_507], %broadcast_in_dim3A_22 {add = true} : memref<12032xf32, #tpu.memory_space<vmem>>[vector<16xi32>], vector<16xf32>,
        %get3A_508 = arith.constant 0 : i32
        %get3A_509 = arith.index_cast %while3A_491 : i32 to index
        %get3A_510 = arith.index_cast %get3A_508 : i32 to index
        %get3A_511 = arith.constant 16 : index
        %get3A_512 = tpu.vector_load %arg12[%get3A_509, %get3A_510, %get3A_511] {strides = array<i32>} : memref<96x2x64xi32, #tpu.memory_space<vmem>>, vector<16xi32>,
        tpu.vector_store_idx %arg14[%get3A_512], %broadcast_in_dim3A_22 {add = true} : memref<12032xf32, #tpu.memory_space<vmem>>[vector<16xi32>], vector<16xf32>,
        %get3A_513 = arith.constant 1 : i32
        %get3A_514 = arith.index_cast %while3A_491 : i32 to index
        %get3A_515 = arith.index_cast %get3A_513 : i32 to index
        %get3A_516 = arith.constant 32 : index
        %get3A_517 = tpu.vector_load %arg12[%get3A_514, %get3A_515, %get3A_516] {strides = array<i32>} : memref<96x2x64xi32, #tpu.memory_space<vmem>>, vector<16xi32>,
        tpu.vector_store_idx %arg13[%get3A_517], %broadcast_in_dim3A_22 {add = true} : memref<12032xf32, #tpu.memory_space<vmem>>[vector<16xi32>], vector<16xf32>,
        %get3A_518 = arith.constant 0 : i32
        %get3A_519 = arith.index_cast %while3A_491 : i32 to index
        %get3A_520 = arith.index_cast %get3A_518 : i32 to index
        %get3A_521 = arith.constant 32 : index
        %get3A_522 = tpu.vector_load %arg12[%get3A_519, %get3A_520, %get3A_521] {strides = array<i32>} : memref<96x2x64xi32, #tpu.memory_space<vmem>>, vector<16xi32>,
        tpu.vector_store_idx %arg14[%get3A_522], %broadcast_in_dim3A_22 {add = true} : memref<12032xf32, #tpu.memory_space<vmem>>[vector<16xi32>], vector<16xf32>,
        %get3A_523 = arith.constant 1 : i32
        %get3A_524 = arith.index_cast %while3A_491 : i32 to index
        %get3A_525 = arith.index_cast %get3A_523 : i32 to index
        %get3A_526 = arith.constant 48 : index
        %get3A_527 = tpu.vector_load %arg12[%get3A_524, %get3A_525, %get3A_526] {strides = array<i32>} : memref<96x2x64xi32, #tpu.memory_space<vmem>>, vector<16xi32>,
        tpu.vector_store_idx %arg13[%get3A_527], %broadcast_in_dim3A_22 {add = true} : memref<12032xf32, #tpu.memory_space<vmem>>[vector<16xi32>], vector<16xf32>,
        %get3A_528 = arith.constant 0 : i32
        %get3A_529 = arith.index_cast %while3A_491 : i32 to index
        %get3A_530 = arith.index_cast %get3A_528 : i32 to index
        %get3A_531 = arith.constant 48 : index
        %get3A_532 = tpu.vector_load %arg12[%get3A_529, %get3A_530, %get3A_531] {strides = array<i32>} : memref<96x2x64xi32, #tpu.memory_space<vmem>>, vector<16xi32>,
        tpu.vector_store_idx %arg14[%get3A_532], %broadcast_in_dim3A_22 {add = true} : memref<12032xf32, #tpu.memory_space<vmem>>[vector<16xi32>], vector<16xf32>,
        %while3A_533 = arith.constant 0 : i32
        scf.yield %while3A_533 : i32
      }
      %while3A_286 = arith.constant 1 : i32
      %while3A_287 = scf.for %while3A_491 = %while3A_283 to %while3A_279 step %while3A_286 iter_args(%while3A_492 = %while3A_285) -> (i32)  : i32 {
        %get3A_493 = arith.constant 1 : i32
        %get3A_494 = arith.index_cast %while3A_491 : i32 to index
        %get3A_495 = arith.index_cast %get3A_493 : i32 to index
        %get3A_496 = arith.constant 0 : index
        %get3A_497 = tpu.vector_load %arg12[%get3A_494, %get3A_495, %get3A_496] {strides = array<i32>} : memref<96x2x64xi32, #tpu.memory_space<vmem>>, vector<16xi32>,
        tpu.vector_store_idx %arg13[%get3A_497], %broadcast_in_dim3A_22 {add = true} : memref<12032xf32, #tpu.memory_space<vmem>>[vector<16xi32>], vector<16xf32>,
        %get3A_498 = arith.constant 0 : i32
        %get3A_499 = arith.index_cast %while3A_491 : i32 to index
        %get3A_500 = arith.index_cast %get3A_498 : i32 to index
        %get3A_501 = arith.constant 0 : index
        %get3A_502 = tpu.vector_load %arg12[%get3A_499, %get3A_500, %get3A_501] {strides = array<i32>} : memref<96x2x64xi32, #tpu.memory_space<vmem>>, vector<16xi32>,
        tpu.vector_store_idx %arg14[%get3A_502], %broadcast_in_dim3A_22 {add = true} : memref<12032xf32, #tpu.memory_space<vmem>>[vector<16xi32>], vector<16xf32>,
        %get3A_503 = arith.constant 1 : i32
        %get3A_504 = arith.index_cast %while3A_491 : i32 to index
        %get3A_505 = arith.index_cast %get3A_503 : i32 to index
        %get3A_506 = arith.constant 16 : index
        %get3A_507 = tpu.vector_load %arg12[%get3A_504, %get3A_505, %get3A_506] {strides = array<i32>} : memref<96x2x64xi32, #tpu.memory_space<vmem>>, vector<16xi32>,
        tpu.vector_store_idx %arg13[%get3A_507], %broadcast_in_dim3A_22 {add = true} : memref<12032xf32, #tpu.memory_space<vmem>>[vector<16xi32>], vector<16xf32>,
        %get3A_508 = arith.constant 0 : i32
        %get3A_509 = arith.index_cast %while3A_491 : i32 to index
        %get3A_510 = arith.index_cast %get3A_508 : i32 to index
        %get3A_511 = arith.constant 16 : index
        %get3A_512 = tpu.vector_load %arg12[%get3A_509, %get3A_510, %get3A_511] {strides = array<i32>} : memref<96x2x64xi32, #tpu.memory_space<vmem>>, vector<16xi32>,
        tpu.vector_store_idx %arg14[%get3A_512], %broadcast_in_dim3A_22 {add = true} : memref<12032xf32, #tpu.memory_space<vmem>>[vector<16xi32>], vector<16xf32>,
        %get3A_513 = arith.constant 1 : i32
        %get3A_514 = arith.index_cast %while3A_491 : i32 to index
        %get3A_515 = arith.index_cast %get3A_513 : i32 to index
        %get3A_516 = arith.constant 32 : index
        %get3A_517 = tpu.vector_load %arg12[%get3A_514, %get3A_515, %get3A_516] {strides = array<i32>} : memref<96x2x64xi32, #tpu.memory_space<vmem>>, vector<16xi32>,
        tpu.vector_store_idx %arg13[%get3A_517], %broadcast_in_dim3A_22 {add = true} : memref<12032xf32, #tpu.memory_space<vmem>>[vector<16xi32>], vector<16xf32>,
        %get3A_518 = arith.constant 0 : i32
        %get3A_519 = arith.index_cast %while3A_491 : i32 to index
        %get3A_520 = arith.index_cast %get3A_518 : i32 to index
        %get3A_521 = arith.constant 32 : index
        %get3A_522 = tpu.vector_load %arg12[%get3A_519, %get3A_520, %get3A_521] {strides = array<i32>} : memref<96x2x64xi32, #tpu.memory_space<vmem>>, vector<16xi32>,
        tpu.vector_store_idx %arg14[%get3A_522], %broadcast_in_dim3A_22 {add = true} : memref<12032xf32, #tpu.memory_space<vmem>>[vector<16xi32>], vector<16xf32>,
        %get3A_523 = arith.constant 1 : i32
        %get3A_524 = arith.index_cast %while3A_491 : i32 to index
        %get3A_525 = arith.index_cast %get3A_523 : i32 to index
        %get3A_526 = arith.constant 48 : index
        %get3A_527 = tpu.vector_load %arg12[%get3A_524, %get3A_525, %get3A_526] {strides = array<i32>} : memref<96x2x64xi32, #tpu.memory_space<vmem>>, vector<16xi32>,
        tpu.vector_store_idx %arg13[%get3A_527], %broadcast_in_dim3A_22 {add = true} : memref<12032xf32, #tpu.memory_space<vmem>>[vector<16xi32>], vector<16xf32>,
        %get3A_528 = arith.constant 0 : i32
        %get3A_529 = arith.index_cast %while3A_491 : i32 to index
        %get3A_530 = arith.index_cast %get3A_528 : i32 to index
        %get3A_531 = arith.constant 48 : index
        %get3A_532 = tpu.vector_load %arg12[%get3A_529, %get3A_530, %get3A_531] {strides = array<i32>} : memref<96x2x64xi32, #tpu.memory_space<vmem>>, vector<16xi32>,
        tpu.vector_store_idx %arg14[%get3A_532], %broadcast_in_dim3A_22 {add = true} : memref<12032xf32, #tpu.memory_space<vmem>>[vector<16xi32>], vector<16xf32>,
        %while3A_533 = arith.constant 0 : i32
        scf.yield %while3A_533 : i32
      }
      %add3A_288 = arith.constant 1 : i32
      %add3A_289 = arith.addi %scan3A_137, %add3A_288 : i32
      %lt3A = arith.constant 8 : i32
      %lt3A_290 = arith.cmpi slt, %add3A_289, %lt3A : i32
      %convert_element_type3A = arith.extui %lt3A_290 : i1 to i32
      %cond3A = arith.constant 0 : i32
      %cond3A_291 = arith.cmpi ne, %convert_element_type3A, %cond3A : i32
      scf.if %cond3A_291 {
        %add3A_491 = arith.addi %mul3A_2, %mul3A_140 : i32
        %add3A_492 = arith.constant 4 : i32
        %add3A_493 = arith.addi %add3A_491, %add3A_492 : i32
        %add3A_494 = arith.constant 0 : i32
        %add3A_495 = arith.addi %add3A_493, %add3A_494 : i32
        %dma_start3A_496 = arith.constant 0 : i32
        %dma_start3A_497 = arith.constant 0 : i32
        %dma_start3A_498 = arith.constant 0 : i32
        %dma_start3A_499 = tpu.memref_slice %arg9[%dma_start3A_496, %dma_start3A_497, %dma_start3A_498] : memref<4x2x64xi32, #tpu.memory_space<vmem>> -> memref<1x2x64xi32, #tpu.memory_space<vmem>>
        %dma_start3A_500 = tpu.memref_squeeze %dma_start3A_499 : memref<1x2x64xi32, #tpu.memory_space<vmem>> -> memref<2x64xi32, #tpu.memory_space<vmem>>
        %dma_start3A_501 = arith.constant 0 : i32
        %dma_start3A_502 = arith.constant 0 : i32
        %dma_start3A_503 = tpu.memref_slice %arg3[%add3A_495, %dma_start3A_501, %dma_start3A_502] : memref<1024x2x64xi32, #tpu.memory_space<hbm>> -> memref<1x2x64xi32, #tpu.memory_space<hbm>>
        %dma_start3A_504 = tpu.memref_squeeze %dma_start3A_503 : memref<1x2x64xi32, #tpu.memory_space<hbm>> -> memref<2x64xi32, #tpu.memory_space<hbm>>
        %dma_start3A_505 = arith.constant 0 : i32
        %dma_start3A_506 = arith.constant 0 : i32
        %dma_start3A_507 = tpu.memref_slice %arg9[%dma_start3A_496, %dma_start3A_505, %dma_start3A_506] : memref<4x2x64xi32, #tpu.memory_space<vmem>> -> memref<1x2x64xi32, #tpu.memory_space<vmem>>
        %dma_start3A_508 = tpu.memref_squeeze %dma_start3A_507 : memref<1x2x64xi32, #tpu.memory_space<vmem>> -> memref<2x64xi32, #tpu.memory_space<vmem>>
        %dma_start3A_509 = arith.constant 0 : i32
        %dma_start3A_510 = arith.constant 0 : i32
        %dma_start3A_511 = tpu.memref_slice %arg3[%add3A_495, %dma_start3A_509, %dma_start3A_510] : memref<1024x2x64xi32, #tpu.memory_space<hbm>> -> memref<1x2x64xi32, #tpu.memory_space<hbm>>
        %dma_start3A_512 = tpu.memref_squeeze %dma_start3A_511 : memref<1x2x64xi32, #tpu.memory_space<hbm>> -> memref<2x64xi32, #tpu.memory_space<hbm>>
        tpu.enqueue_dma source(%dma_start3A_512 : memref<2x64xi32, #tpu.memory_space<hbm>>) target(%dma_start3A_508 : memref<2x64xi32, #tpu.memory_space<vmem>>) target_semaphore(%arg16 : memref<!tpu.dma_semaphore, #tpu.memory_space<semaphore_mem>>)
        %dma_wait3A_513 = arith.constant 0 : i32
        %dma_wait3A_514 = arith.constant 0 : i32
        %dma_wait3A_515 = arith.constant 0 : i32
        %dma_wait3A_516 = tpu.memref_slice %arg9[%dma_wait3A_513, %dma_wait3A_514, %dma_wait3A_515] : memref<4x2x64xi32, #tpu.memory_space<vmem>> -> memref<1x2x64xi32, #tpu.memory_space<vmem>>
        %dma_wait3A_517 = tpu.memref_squeeze %dma_wait3A_516 : memref<1x2x64xi32, #tpu.memory_space<vmem>> -> memref<2x64xi32, #tpu.memory_space<vmem>>
        %dma_wait3A_518 = arith.constant 0 : i32
        %dma_wait3A_519 = arith.constant 0 : i32
        %dma_wait3A_520 = tpu.memref_slice %arg3[%mul3A_2, %dma_wait3A_518, %dma_wait3A_519] : memref<1024x2x64xi32, #tpu.memory_space<hbm>> -> memref<1x2x64xi32, #tpu.memory_space<hbm>>
        %dma_wait3A_521 = tpu.memref_squeeze %dma_wait3A_520 : memref<1x2x64xi32, #tpu.memory_space<hbm>> -> memref<2x64xi32, #tpu.memory_space<hbm>>
        %dma_wait3A_522 = arith.constant 0 : i32
        %dma_wait3A_523 = arith.constant 0 : i32
        %dma_wait3A_524 = tpu.memref_slice %arg9[%dma_wait3A_513, %dma_wait3A_522, %dma_wait3A_523] : memref<4x2x64xi32, #tpu.memory_space<vmem>> -> memref<1x2x64xi32, #tpu.memory_space<vmem>>
        %dma_wait3A_525 = tpu.memref_squeeze %dma_wait3A_524 : memref<1x2x64xi32, #tpu.memory_space<vmem>> -> memref<2x64xi32, #tpu.memory_space<vmem>>
        %dma_wait3A_526 = arith.constant 0 : i32
        %dma_wait3A_527 = arith.constant 0 : i32
        %dma_wait3A_528 = tpu.memref_slice %arg3[%mul3A_2, %dma_wait3A_526, %dma_wait3A_527] : memref<1024x2x64xi32, #tpu.memory_space<hbm>> -> memref<1x2x64xi32, #tpu.memory_space<hbm>>
        %dma_wait3A_529 = tpu.memref_squeeze %dma_wait3A_528 : memref<1x2x64xi32, #tpu.memory_space<hbm>> -> memref<2x64xi32, #tpu.memory_space<hbm>>
        tpu.wait_dma2 semaphore(%arg16 : memref<!tpu.dma_semaphore, #tpu.memory_space<semaphore_mem>>) src(%dma_wait3A_529 : memref<2x64xi32, #tpu.memory_space<hbm>>) dst(%dma_wait3A_525 : memref<2x64xi32, #tpu.memory_space<vmem>>)
        %dma_start3A_530 = arith.constant 0 : i32
        %dma_start3A_531 = arith.constant 0 : i32
        %dma_start3A_532 = arith.constant 0 : i32
        %dma_start3A_533 = arith.constant 0 : i32
        %dma_start3A_534 = arith.constant 0 : i32
        %dma_start3A_535 = tpu.memref_slice %arg10[%dma_start3A_532, %dma_start3A_533, %dma_start3A_534] : memref<4x64x128xf32, #tpu.memory_space<vmem>> -> memref<1x64x128xf32, #tpu.memory_space<vmem>>
        %dma_start3A_536 = tpu.memref_squeeze %dma_start3A_535 : memref<1x64x128xf32, #tpu.memory_space<vmem>> -> memref<64x128xf32, #tpu.memory_space<vmem>>
        %dma_start3A_537 = arith.constant 0 : i32
        %dma_start3A_538 = tpu.memref_slice %arg9[%dma_start3A_530, %dma_start3A_531, %dma_start3A_537] : memref<4x2x64xi32, #tpu.memory_space<vmem>> -> memref<1x1x64xi32, #tpu.memory_space<vmem>>
        %dma_start3A_539 = tpu.memref_squeeze %dma_start3A_538 : memref<1x1x64xi32, #tpu.memory_space<vmem>> -> memref<64xi32, #tpu.memory_space<vmem>>
        %dma_start3A_540 = arith.constant 0 : i32
        %dma_start3A_541 = arith.constant 0 : i32
        %dma_start3A_542 = tpu.memref_slice %arg2[%dma_start3A_540, %dma_start3A_541] : memref<2048x128xf32, #tpu.memory_space<hbm>> -> memref<2048x128xf32, #tpu.memory_space<hbm>>
        tpu.enqueue_indirect_dma source(%dma_start3A_542 : memref<2048x128xf32, #tpu.memory_space<hbm>>) target(%dma_start3A_536 : memref<64x128xf32, #tpu.memory_space<vmem>>) offsets(%dma_start3A_539 : memref<64xi32, #tpu.memory_space<vmem>>) semaphore(%arg20 : memref<!tpu.dma_semaphore, #tpu.memory_space<semaphore_mem>>)
      } else {
      }
      %dma_wait3A_292 = arith.constant 1 : i32
      %dma_wait3A_293 = arith.constant 0 : i32
      %dma_wait3A_294 = arith.constant 1 : i32
      %dma_wait3A_295 = arith.constant 0 : i32
      %dma_wait3A_296 = arith.constant 0 : i32
      %dma_wait3A_297 = tpu.memref_slice %arg10[%dma_wait3A_294, %dma_wait3A_295, %dma_wait3A_296] : memref<4x64x128xf32, #tpu.memory_space<vmem>> -> memref<1x64x128xf32, #tpu.memory_space<vmem>>
      %dma_wait3A_298 = tpu.memref_squeeze %dma_wait3A_297 : memref<1x64x128xf32, #tpu.memory_space<vmem>> -> memref<64x128xf32, #tpu.memory_space<vmem>>
      %dma_wait3A_299 = arith.constant 0 : i32
      %dma_wait3A_300 = tpu.memref_slice %arg9[%dma_wait3A_292, %dma_wait3A_293, %dma_wait3A_299] : memref<4x2x64xi32, #tpu.memory_space<vmem>> -> memref<1x1x64xi32, #tpu.memory_space<vmem>>
      %dma_wait3A_301 = tpu.memref_squeeze %dma_wait3A_300 : memref<1x1x64xi32, #tpu.memory_space<vmem>> -> memref<64xi32, #tpu.memory_space<vmem>>
      %dma_wait3A_302 = arith.constant 0 : i32
      %dma_wait3A_303 = arith.constant 0 : i32
      %dma_wait3A_304 = tpu.memref_slice %arg2[%dma_wait3A_302, %dma_wait3A_303] : memref<2048x128xf32, #tpu.memory_space<hbm>> -> memref<2048x128xf32, #tpu.memory_space<hbm>>
      tpu.wait_indirect_dma semaphore(%arg21 : memref<!tpu.dma_semaphore, #tpu.memory_space<semaphore_mem>>) src(%dma_wait3A_304 : memref<2048x128xf32, #tpu.memory_space<hbm>>) dst(%dma_wait3A_298 : memref<64x128xf32, #tpu.memory_space<vmem>>)
      %run_scoped3A_305 = arith.constant 1 : i32
      %run_scoped3A_306 = arith.constant 1 : i32
      %run_scoped3A_307 = arith.constant 1 : i32
      "tpu.region"() ({
        %run_scoped3A_491 = tpu.sem_alloc : memref<!tpu.dma_semaphore, #tpu.memory_space<semaphore_mem>>
        %dma_start3A_492 = arith.constant 0 : i32
        %dma_start3A_493 = arith.constant 0 : i32
        %dma_start3A_494 = tpu.memref_slice %arg10[%run_scoped3A_305, %dma_start3A_492, %dma_start3A_493] : memref<4x64x128xf32, #tpu.memory_space<vmem>> -> memref<1x64x128xf32, #tpu.memory_space<vmem>>
        %dma_start3A_495 = tpu.memref_squeeze %dma_start3A_494 : memref<1x64x128xf32, #tpu.memory_space<vmem>> -> memref<64x128xf32, #tpu.memory_space<vmem>>
        %dma_start3A_496 = arith.constant 0 : i32
        %dma_start3A_497 = tpu.memref_slice %arg9[%run_scoped3A_306, %run_scoped3A_307, %dma_start3A_496] : memref<4x2x64xi32, #tpu.memory_space<vmem>> -> memref<1x1x64xi32, #tpu.memory_space<vmem>>
        %dma_start3A_498 = tpu.memref_squeeze %dma_start3A_497 : memref<1x1x64xi32, #tpu.memory_space<vmem>> -> memref<64xi32, #tpu.memory_space<vmem>>
        %dma_start3A_499 = arith.constant 0 : i32
        %dma_start3A_500 = arith.constant 0 : i32
        %dma_start3A_501 = tpu.memref_slice %arg15[%dma_start3A_499, %dma_start3A_500] : memref<2048x128xf32, #tpu.memory_space<vmem_shared>> -> memref<2048x128xf32, #tpu.memory_space<vmem_shared>>
        tpu.enqueue_indirect_dma source(%dma_start3A_495 : memref<64x128xf32, #tpu.memory_space<vmem>>) target(%dma_start3A_501 : memref<2048x128xf32, #tpu.memory_space<vmem_shared>>) offsets(%dma_start3A_498 : memref<64xi32, #tpu.memory_space<vmem>>) semaphore(%run_scoped3A_491 : memref<!tpu.dma_semaphore, #tpu.memory_space<semaphore_mem>>) {add = true}
        %dma_wait3A_502 = arith.constant 0 : i32
        %dma_wait3A_503 = arith.constant 0 : i32
        %dma_wait3A_504 = tpu.memref_slice %arg10[%run_scoped3A_305, %dma_wait3A_502, %dma_wait3A_503] : memref<4x64x128xf32, #tpu.memory_space<vmem>> -> memref<1x64x128xf32, #tpu.memory_space<vmem>>
        %dma_wait3A_505 = tpu.memref_squeeze %dma_wait3A_504 : memref<1x64x128xf32, #tpu.memory_space<vmem>> -> memref<64x128xf32, #tpu.memory_space<vmem>>
        %dma_wait3A_506 = arith.constant 0 : i32
        %dma_wait3A_507 = tpu.memref_slice %arg9[%run_scoped3A_306, %run_scoped3A_307, %dma_wait3A_506] : memref<4x2x64xi32, #tpu.memory_space<vmem>> -> memref<1x1x64xi32, #tpu.memory_space<vmem>>
        %dma_wait3A_508 = tpu.memref_squeeze %dma_wait3A_507 : memref<1x1x64xi32, #tpu.memory_space<vmem>> -> memref<64xi32, #tpu.memory_space<vmem>>
        %dma_wait3A_509 = arith.constant 0 : i32
        %dma_wait3A_510 = arith.constant 0 : i32
        %dma_wait3A_511 = tpu.memref_slice %arg15[%dma_wait3A_509, %dma_wait3A_510] : memref<2048x128xf32, #tpu.memory_space<vmem_shared>> -> memref<2048x128xf32, #tpu.memory_space<vmem_shared>>
        tpu.wait_indirect_dma semaphore(%run_scoped3A_491 : memref<!tpu.dma_semaphore, #tpu.memory_space<semaphore_mem>>) src(%dma_wait3A_505 : memref<64x128xf32, #tpu.memory_space<vmem>>) dst(%dma_wait3A_511 : memref<2048x128xf32, #tpu.memory_space<vmem_shared>>)
        tpu.yield
      }) : () -> ()
      %get3A_308 = arith.constant 1 : i32
      %get3A_309 = arith.constant 1 : i32
      %get3A_310 = arith.index_cast %get3A_308 : i32 to index
      %get3A_311 = arith.index_cast %get3A_309 : i32 to index
      %get3A_312 = arith.constant 0 : index
      %get3A_313 = tpu.vector_load %arg9[%get3A_310, %get3A_311, %get3A_312] {strides = array<i32>} : memref<4x2x64xi32, #tpu.memory_space<vmem>>, vector<16xi32>,
      tpu.vector_store_idx %arg11[%get3A_313], %broadcast_in_dim3A_22 {add = true} : memref<2048xf32, #tpu.memory_space<vmem>>[vector<16xi32>], vector<16xf32>,
      %get3A_314 = arith.constant 1 : i32
      %get3A_315 = arith.constant 1 : i32
      %get3A_316 = arith.index_cast %get3A_314 : i32 to index
      %get3A_317 = arith.index_cast %get3A_315 : i32 to index
      %get3A_318 = arith.constant 16 : index
      %get3A_319 = tpu.vector_load %arg9[%get3A_316, %get3A_317, %get3A_318] {strides = array<i32>} : memref<4x2x64xi32, #tpu.memory_space<vmem>>, vector<16xi32>,
      tpu.vector_store_idx %arg11[%get3A_319], %broadcast_in_dim3A_22 {add = true} : memref<2048xf32, #tpu.memory_space<vmem>>[vector<16xi32>], vector<16xf32>,
      %get3A_320 = arith.constant 1 : i32
      %get3A_321 = arith.constant 1 : i32
      %get3A_322 = arith.index_cast %get3A_320 : i32 to index
      %get3A_323 = arith.index_cast %get3A_321 : i32 to index
      %get3A_324 = arith.constant 32 : index
      %get3A_325 = tpu.vector_load %arg9[%get3A_322, %get3A_323, %get3A_324] {strides = array<i32>} : memref<4x2x64xi32, #tpu.memory_space<vmem>>, vector<16xi32>,
      tpu.vector_store_idx %arg11[%get3A_325], %broadcast_in_dim3A_22 {add = true} : memref<2048xf32, #tpu.memory_space<vmem>>[vector<16xi32>], vector<16xf32>,
      %get3A_326 = arith.constant 1 : i32
      %get3A_327 = arith.constant 1 : i32
      %get3A_328 = arith.index_cast %get3A_326 : i32 to index
      %get3A_329 = arith.index_cast %get3A_327 : i32 to index
      %get3A_330 = arith.constant 48 : index
      %get3A_331 = tpu.vector_load %arg9[%get3A_328, %get3A_329, %get3A_330] {strides = array<i32>} : memref<4x2x64xi32, #tpu.memory_space<vmem>>, vector<16xi32>,
      tpu.vector_store_idx %arg11[%get3A_331], %broadcast_in_dim3A_22 {add = true} : memref<2048xf32, #tpu.memory_space<vmem>>[vector<16xi32>], vector<16xf32>,
      %add3A_332 = arith.constant 1 : i32
      %add3A_333 = arith.addi %mul3A_140, %add3A_332 : i32
      %mul3A_334 = arith.constant 3 : i32
      %mul3A_335 = arith.muli %add3A_333, %mul3A_334 : i32
      %add3A_336 = arith.constant 1 : i32
      %add3A_337 = arith.addi %add3A_333, %add3A_336 : i32
      %mul3A_338 = arith.constant 3 : i32
      %mul3A_339 = arith.muli %add3A_337, %mul3A_338 : i32
      %while3A_340 = arith.constant 0 : i32
      %while3A_341 = arith.subi %mul3A_339, %mul3A_335 : i32
      %while3A_342 = arith.addi %mul3A_335, %while3A_341 : i32
      %while3A_343 = arith.constant 1 : i32
      %while3A_344 = arith.divsi %while3A_341, %while3A_343 : i32
      %while3A_345 = arith.muli %while3A_344, %while3A_343 : i32
      %while3A_346 = arith.addi %mul3A_335, %while3A_345 : i32
      %while3A_347 = arith.constant 1 : i32
      %while3A_348 = scf.for %while3A_491 = %mul3A_335 to %while3A_346 step %while3A_347 iter_args(%while3A_492 = %while3A_340) -> (i32)  : i32 {
        %get3A_493 = arith.constant 1 : i32
        %get3A_494 = arith.index_cast %while3A_491 : i32 to index
        %get3A_495 = arith.index_cast %get3A_493 : i32 to index
        %get3A_496 = arith.constant 0 : index
        %get3A_497 = tpu.vector_load %arg12[%get3A_494, %get3A_495, %get3A_496] {strides = array<i32>} : memref<96x2x64xi32, #tpu.memory_space<vmem>>, vector<16xi32>,
        tpu.vector_store_idx %arg13[%get3A_497], %broadcast_in_dim3A_22 {add = true} : memref<12032xf32, #tpu.memory_space<vmem>>[vector<16xi32>], vector<16xf32>,
        %get3A_498 = arith.constant 0 : i32
        %get3A_499 = arith.index_cast %while3A_491 : i32 to index
        %get3A_500 = arith.index_cast %get3A_498 : i32 to index
        %get3A_501 = arith.constant 0 : index
        %get3A_502 = tpu.vector_load %arg12[%get3A_499, %get3A_500, %get3A_501] {strides = array<i32>} : memref<96x2x64xi32, #tpu.memory_space<vmem>>, vector<16xi32>,
        tpu.vector_store_idx %arg14[%get3A_502], %broadcast_in_dim3A_22 {add = true} : memref<12032xf32, #tpu.memory_space<vmem>>[vector<16xi32>], vector<16xf32>,
        %get3A_503 = arith.constant 1 : i32
        %get3A_504 = arith.index_cast %while3A_491 : i32 to index
        %get3A_505 = arith.index_cast %get3A_503 : i32 to index
        %get3A_506 = arith.constant 16 : index
        %get3A_507 = tpu.vector_load %arg12[%get3A_504, %get3A_505, %get3A_506] {strides = array<i32>} : memref<96x2x64xi32, #tpu.memory_space<vmem>>, vector<16xi32>,
        tpu.vector_store_idx %arg13[%get3A_507], %broadcast_in_dim3A_22 {add = true} : memref<12032xf32, #tpu.memory_space<vmem>>[vector<16xi32>], vector<16xf32>,
        %get3A_508 = arith.constant 0 : i32
        %get3A_509 = arith.index_cast %while3A_491 : i32 to index
        %get3A_510 = arith.index_cast %get3A_508 : i32 to index
        %get3A_511 = arith.constant 16 : index
        %get3A_512 = tpu.vector_load %arg12[%get3A_509, %get3A_510, %get3A_511] {strides = array<i32>} : memref<96x2x64xi32, #tpu.memory_space<vmem>>, vector<16xi32>,
        tpu.vector_store_idx %arg14[%get3A_512], %broadcast_in_dim3A_22 {add = true} : memref<12032xf32, #tpu.memory_space<vmem>>[vector<16xi32>], vector<16xf32>,
        %get3A_513 = arith.constant 1 : i32
        %get3A_514 = arith.index_cast %while3A_491 : i32 to index
        %get3A_515 = arith.index_cast %get3A_513 : i32 to index
        %get3A_516 = arith.constant 32 : index
        %get3A_517 = tpu.vector_load %arg12[%get3A_514, %get3A_515, %get3A_516] {strides = array<i32>} : memref<96x2x64xi32, #tpu.memory_space<vmem>>, vector<16xi32>,
        tpu.vector_store_idx %arg13[%get3A_517], %broadcast_in_dim3A_22 {add = true} : memref<12032xf32, #tpu.memory_space<vmem>>[vector<16xi32>], vector<16xf32>,
        %get3A_518 = arith.constant 0 : i32
        %get3A_519 = arith.index_cast %while3A_491 : i32 to index
        %get3A_520 = arith.index_cast %get3A_518 : i32 to index
        %get3A_521 = arith.constant 32 : index
        %get3A_522 = tpu.vector_load %arg12[%get3A_519, %get3A_520, %get3A_521] {strides = array<i32>} : memref<96x2x64xi32, #tpu.memory_space<vmem>>, vector<16xi32>,
        tpu.vector_store_idx %arg14[%get3A_522], %broadcast_in_dim3A_22 {add = true} : memref<12032xf32, #tpu.memory_space<vmem>>[vector<16xi32>], vector<16xf32>,
        %get3A_523 = arith.constant 1 : i32
        %get3A_524 = arith.index_cast %while3A_491 : i32 to index
        %get3A_525 = arith.index_cast %get3A_523 : i32 to index
        %get3A_526 = arith.constant 48 : index
        %get3A_527 = tpu.vector_load %arg12[%get3A_524, %get3A_525, %get3A_526] {strides = array<i32>} : memref<96x2x64xi32, #tpu.memory_space<vmem>>, vector<16xi32>,
        tpu.vector_store_idx %arg13[%get3A_527], %broadcast_in_dim3A_22 {add = true} : memref<12032xf32, #tpu.memory_space<vmem>>[vector<16xi32>], vector<16xf32>,
        %get3A_528 = arith.constant 0 : i32
        %get3A_529 = arith.index_cast %while3A_491 : i32 to index
        %get3A_530 = arith.index_cast %get3A_528 : i32 to index
        %get3A_531 = arith.constant 48 : index
        %get3A_532 = tpu.vector_load %arg12[%get3A_529, %get3A_530, %get3A_531] {strides = array<i32>} : memref<96x2x64xi32, #tpu.memory_space<vmem>>, vector<16xi32>,
        tpu.vector_store_idx %arg14[%get3A_532], %broadcast_in_dim3A_22 {add = true} : memref<12032xf32, #tpu.memory_space<vmem>>[vector<16xi32>], vector<16xf32>,
        %while3A_533 = arith.constant 0 : i32
        scf.yield %while3A_533 : i32
      }
      %while3A_349 = arith.constant 1 : i32
      %while3A_350 = scf.for %while3A_491 = %while3A_346 to %while3A_342 step %while3A_349 iter_args(%while3A_492 = %while3A_348) -> (i32)  : i32 {
        %get3A_493 = arith.constant 1 : i32
        %get3A_494 = arith.index_cast %while3A_491 : i32 to index
        %get3A_495 = arith.index_cast %get3A_493 : i32 to index
        %get3A_496 = arith.constant 0 : index
        %get3A_497 = tpu.vector_load %arg12[%get3A_494, %get3A_495, %get3A_496] {strides = array<i32>} : memref<96x2x64xi32, #tpu.memory_space<vmem>>, vector<16xi32>,
        tpu.vector_store_idx %arg13[%get3A_497], %broadcast_in_dim3A_22 {add = true} : memref<12032xf32, #tpu.memory_space<vmem>>[vector<16xi32>], vector<16xf32>,
        %get3A_498 = arith.constant 0 : i32
        %get3A_499 = arith.index_cast %while3A_491 : i32 to index
        %get3A_500 = arith.index_cast %get3A_498 : i32 to index
        %get3A_501 = arith.constant 0 : index
        %get3A_502 = tpu.vector_load %arg12[%get3A_499, %get3A_500, %get3A_501] {strides = array<i32>} : memref<96x2x64xi32, #tpu.memory_space<vmem>>, vector<16xi32>,
        tpu.vector_store_idx %arg14[%get3A_502], %broadcast_in_dim3A_22 {add = true} : memref<12032xf32, #tpu.memory_space<vmem>>[vector<16xi32>], vector<16xf32>,
        %get3A_503 = arith.constant 1 : i32
        %get3A_504 = arith.index_cast %while3A_491 : i32 to index
        %get3A_505 = arith.index_cast %get3A_503 : i32 to index
        %get3A_506 = arith.constant 16 : index
        %get3A_507 = tpu.vector_load %arg12[%get3A_504, %get3A_505, %get3A_506] {strides = array<i32>} : memref<96x2x64xi32, #tpu.memory_space<vmem>>, vector<16xi32>,
        tpu.vector_store_idx %arg13[%get3A_507], %broadcast_in_dim3A_22 {add = true} : memref<12032xf32, #tpu.memory_space<vmem>>[vector<16xi32>], vector<16xf32>,
        %get3A_508 = arith.constant 0 : i32
        %get3A_509 = arith.index_cast %while3A_491 : i32 to index
        %get3A_510 = arith.index_cast %get3A_508 : i32 to index
        %get3A_511 = arith.constant 16 : index
        %get3A_512 = tpu.vector_load %arg12[%get3A_509, %get3A_510, %get3A_511] {strides = array<i32>} : memref<96x2x64xi32, #tpu.memory_space<vmem>>, vector<16xi32>,
        tpu.vector_store_idx %arg14[%get3A_512], %broadcast_in_dim3A_22 {add = true} : memref<12032xf32, #tpu.memory_space<vmem>>[vector<16xi32>], vector<16xf32>,
        %get3A_513 = arith.constant 1 : i32
        %get3A_514 = arith.index_cast %while3A_491 : i32 to index
        %get3A_515 = arith.index_cast %get3A_513 : i32 to index
        %get3A_516 = arith.constant 32 : index
        %get3A_517 = tpu.vector_load %arg12[%get3A_514, %get3A_515, %get3A_516] {strides = array<i32>} : memref<96x2x64xi32, #tpu.memory_space<vmem>>, vector<16xi32>,
        tpu.vector_store_idx %arg13[%get3A_517], %broadcast_in_dim3A_22 {add = true} : memref<12032xf32, #tpu.memory_space<vmem>>[vector<16xi32>], vector<16xf32>,
        %get3A_518 = arith.constant 0 : i32
        %get3A_519 = arith.index_cast %while3A_491 : i32 to index
        %get3A_520 = arith.index_cast %get3A_518 : i32 to index
        %get3A_521 = arith.constant 32 : index
        %get3A_522 = tpu.vector_load %arg12[%get3A_519, %get3A_520, %get3A_521] {strides = array<i32>} : memref<96x2x64xi32, #tpu.memory_space<vmem>>, vector<16xi32>,
        tpu.vector_store_idx %arg14[%get3A_522], %broadcast_in_dim3A_22 {add = true} : memref<12032xf32, #tpu.memory_space<vmem>>[vector<16xi32>], vector<16xf32>,
        %get3A_523 = arith.constant 1 : i32
        %get3A_524 = arith.index_cast %while3A_491 : i32 to index
        %get3A_525 = arith.index_cast %get3A_523 : i32 to index
        %get3A_526 = arith.constant 48 : index
        %get3A_527 = tpu.vector_load %arg12[%get3A_524, %get3A_525, %get3A_526] {strides = array<i32>} : memref<96x2x64xi32, #tpu.memory_space<vmem>>, vector<16xi32>,
        tpu.vector_store_idx %arg13[%get3A_527], %broadcast_in_dim3A_22 {add = true} : memref<12032xf32, #tpu.memory_space<vmem>>[vector<16xi32>], vector<16xf32>,
        %get3A_528 = arith.constant 0 : i32
        %get3A_529 = arith.index_cast %while3A_491 : i32 to index
        %get3A_530 = arith.index_cast %get3A_528 : i32 to index
        %get3A_531 = arith.constant 48 : index
        %get3A_532 = tpu.vector_load %arg12[%get3A_529, %get3A_530, %get3A_531] {strides = array<i32>} : memref<96x2x64xi32, #tpu.memory_space<vmem>>, vector<16xi32>,
        tpu.vector_store_idx %arg14[%get3A_532], %broadcast_in_dim3A_22 {add = true} : memref<12032xf32, #tpu.memory_space<vmem>>[vector<16xi32>], vector<16xf32>,
        %while3A_533 = arith.constant 0 : i32
        scf.yield %while3A_533 : i32
      }
      %add3A_351 = arith.constant 1 : i32
      %add3A_352 = arith.addi %scan3A_137, %add3A_351 : i32
      %lt3A_353 = arith.constant 8 : i32
      %lt3A_354 = arith.cmpi slt, %add3A_352, %lt3A_353 : i32
      %convert_element_type3A_355 = arith.extui %lt3A_354 : i1 to i32
      %cond3A_356 = arith.constant 0 : i32
      %cond3A_357 = arith.cmpi ne, %convert_element_type3A_355, %cond3A_356 : i32
      scf.if %cond3A_357 {
        %add3A_491 = arith.addi %mul3A_2, %mul3A_140 : i32
        %add3A_492 = arith.constant 4 : i32
        %add3A_493 = arith.addi %add3A_491, %add3A_492 : i32
        %add3A_494 = arith.constant 1 : i32
        %add3A_495 = arith.addi %add3A_493, %add3A_494 : i32
        %dma_start3A_496 = arith.constant 1 : i32
        %dma_start3A_497 = arith.constant 0 : i32
        %dma_start3A_498 = arith.constant 0 : i32
        %dma_start3A_499 = tpu.memref_slice %arg9[%dma_start3A_496, %dma_start3A_497, %dma_start3A_498] : memref<4x2x64xi32, #tpu.memory_space<vmem>> -> memref<1x2x64xi32, #tpu.memory_space<vmem>>
        %dma_start3A_500 = tpu.memref_squeeze %dma_start3A_499 : memref<1x2x64xi32, #tpu.memory_space<vmem>> -> memref<2x64xi32, #tpu.memory_space<vmem>>
        %dma_start3A_501 = arith.constant 0 : i32
        %dma_start3A_502 = arith.constant 0 : i32
        %dma_start3A_503 = tpu.memref_slice %arg3[%add3A_495, %dma_start3A_501, %dma_start3A_502] : memref<1024x2x64xi32, #tpu.memory_space<hbm>> -> memref<1x2x64xi32, #tpu.memory_space<hbm>>
        %dma_start3A_504 = tpu.memref_squeeze %dma_start3A_503 : memref<1x2x64xi32, #tpu.memory_space<hbm>> -> memref<2x64xi32, #tpu.memory_space<hbm>>
        %dma_start3A_505 = arith.constant 0 : i32
        %dma_start3A_506 = arith.constant 0 : i32
        %dma_start3A_507 = tpu.memref_slice %arg9[%dma_start3A_496, %dma_start3A_505, %dma_start3A_506] : memref<4x2x64xi32, #tpu.memory_space<vmem>> -> memref<1x2x64xi32, #tpu.memory_space<vmem>>
        %dma_start3A_508 = tpu.memref_squeeze %dma_start3A_507 : memref<1x2x64xi32, #tpu.memory_space<vmem>> -> memref<2x64xi32, #tpu.memory_space<vmem>>
        %dma_start3A_509 = arith.constant 0 : i32
        %dma_start3A_510 = arith.constant 0 : i32
        %dma_start3A_511 = tpu.memref_slice %arg3[%add3A_495, %dma_start3A_509, %dma_start3A_510] : memref<1024x2x64xi32, #tpu.memory_space<hbm>> -> memref<1x2x64xi32, #tpu.memory_space<hbm>>
        %dma_start3A_512 = tpu.memref_squeeze %dma_start3A_511 : memref<1x2x64xi32, #tpu.memory_space<hbm>> -> memref<2x64xi32, #tpu.memory_space<hbm>>
        tpu.enqueue_dma source(%dma_start3A_512 : memref<2x64xi32, #tpu.memory_space<hbm>>) target(%dma_start3A_508 : memref<2x64xi32, #tpu.memory_space<vmem>>) target_semaphore(%arg17 : memref<!tpu.dma_semaphore, #tpu.memory_space<semaphore_mem>>)
      } else {
      }
      %dma_wait3A_358 = arith.constant 2 : i32
      %dma_wait3A_359 = arith.constant 0 : i32
      %dma_wait3A_360 = arith.constant 2 : i32
      %dma_wait3A_361 = arith.constant 0 : i32
      %dma_wait3A_362 = arith.constant 0 : i32
      %dma_wait3A_363 = tpu.memref_slice %arg10[%dma_wait3A_360, %dma_wait3A_361, %dma_wait3A_362] : memref<4x64x128xf32, #tpu.memory_space<vmem>> -> memref<1x64x128xf32, #tpu.memory_space<vmem>>
      %dma_wait3A_364 = tpu.memref_squeeze %dma_wait3A_363 : memref<1x64x128xf32, #tpu.memory_space<vmem>> -> memref<64x128xf32, #tpu.memory_space<vmem>>
      %dma_wait3A_365 = arith.constant 0 : i32
      %dma_wait3A_366 = tpu.memref_slice %arg9[%dma_wait3A_358, %dma_wait3A_359, %dma_wait3A_365] : memref<4x2x64xi32, #tpu.memory_space<vmem>> -> memref<1x1x64xi32, #tpu.memory_space<vmem>>
      %dma_wait3A_367 = tpu.memref_squeeze %dma_wait3A_366 : memref<1x1x64xi32, #tpu.memory_space<vmem>> -> memref<64xi32, #tpu.memory_space<vmem>>
      %dma_wait3A_368 = arith.constant 0 : i32
      %dma_wait3A_369 = arith.constant 0 : i32
      %dma_wait3A_370 = tpu.memref_slice %arg2[%dma_wait3A_368, %dma_wait3A_369] : memref<2048x128xf32, #tpu.memory_space<hbm>> -> memref<2048x128xf32, #tpu.memory_space<hbm>>
      tpu.wait_indirect_dma semaphore(%arg22 : memref<!tpu.dma_semaphore, #tpu.memory_space<semaphore_mem>>) src(%dma_wait3A_370 : memref<2048x128xf32, #tpu.memory_space<hbm>>) dst(%dma_wait3A_364 : memref<64x128xf32, #tpu.memory_space<vmem>>)
      %run_scoped3A_371 = arith.constant 2 : i32
      %run_scoped3A_372 = arith.constant 2 : i32
      %run_scoped3A_373 = arith.constant 1 : i32
      "tpu.region"() ({
        %run_scoped3A_491 = tpu.sem_alloc : memref<!tpu.dma_semaphore, #tpu.memory_space<semaphore_mem>>
        %dma_start3A_492 = arith.constant 0 : i32
        %dma_start3A_493 = arith.constant 0 : i32
        %dma_start3A_494 = tpu.memref_slice %arg10[%run_scoped3A_371, %dma_start3A_492, %dma_start3A_493] : memref<4x64x128xf32, #tpu.memory_space<vmem>> -> memref<1x64x128xf32, #tpu.memory_space<vmem>>
        %dma_start3A_495 = tpu.memref_squeeze %dma_start3A_494 : memref<1x64x128xf32, #tpu.memory_space<vmem>> -> memref<64x128xf32, #tpu.memory_space<vmem>>
        %dma_start3A_496 = arith.constant 0 : i32
        %dma_start3A_497 = tpu.memref_slice %arg9[%run_scoped3A_372, %run_scoped3A_373, %dma_start3A_496] : memref<4x2x64xi32, #tpu.memory_space<vmem>> -> memref<1x1x64xi32, #tpu.memory_space<vmem>>
        %dma_start3A_498 = tpu.memref_squeeze %dma_start3A_497 : memref<1x1x64xi32, #tpu.memory_space<vmem>> -> memref<64xi32, #tpu.memory_space<vmem>>
        %dma_start3A_499 = arith.constant 0 : i32
        %dma_start3A_500 = arith.constant 0 : i32
        %dma_start3A_501 = tpu.memref_slice %arg15[%dma_start3A_499, %dma_start3A_500] : memref<2048x128xf32, #tpu.memory_space<vmem_shared>> -> memref<2048x128xf32, #tpu.memory_space<vmem_shared>>
        tpu.enqueue_indirect_dma source(%dma_start3A_495 : memref<64x128xf32, #tpu.memory_space<vmem>>) target(%dma_start3A_501 : memref<2048x128xf32, #tpu.memory_space<vmem_shared>>) offsets(%dma_start3A_498 : memref<64xi32, #tpu.memory_space<vmem>>) semaphore(%run_scoped3A_491 : memref<!tpu.dma_semaphore, #tpu.memory_space<semaphore_mem>>) {add = true}
        %dma_wait3A_502 = arith.constant 0 : i32
        %dma_wait3A_503 = arith.constant 0 : i32
        %dma_wait3A_504 = tpu.memref_slice %arg10[%run_scoped3A_371, %dma_wait3A_502, %dma_wait3A_503] : memref<4x64x128xf32, #tpu.memory_space<vmem>> -> memref<1x64x128xf32, #tpu.memory_space<vmem>>
        %dma_wait3A_505 = tpu.memref_squeeze %dma_wait3A_504 : memref<1x64x128xf32, #tpu.memory_space<vmem>> -> memref<64x128xf32, #tpu.memory_space<vmem>>
        %dma_wait3A_506 = arith.constant 0 : i32
        %dma_wait3A_507 = tpu.memref_slice %arg9[%run_scoped3A_372, %run_scoped3A_373, %dma_wait3A_506] : memref<4x2x64xi32, #tpu.memory_space<vmem>> -> memref<1x1x64xi32, #tpu.memory_space<vmem>>
        %dma_wait3A_508 = tpu.memref_squeeze %dma_wait3A_507 : memref<1x1x64xi32, #tpu.memory_space<vmem>> -> memref<64xi32, #tpu.memory_space<vmem>>
        %dma_wait3A_509 = arith.constant 0 : i32
        %dma_wait3A_510 = arith.constant 0 : i32
        %dma_wait3A_511 = tpu.memref_slice %arg15[%dma_wait3A_509, %dma_wait3A_510] : memref<2048x128xf32, #tpu.memory_space<vmem_shared>> -> memref<2048x128xf32, #tpu.memory_space<vmem_shared>>
        tpu.wait_indirect_dma semaphore(%run_scoped3A_491 : memref<!tpu.dma_semaphore, #tpu.memory_space<semaphore_mem>>) src(%dma_wait3A_505 : memref<64x128xf32, #tpu.memory_space<vmem>>) dst(%dma_wait3A_511 : memref<2048x128xf32, #tpu.memory_space<vmem_shared>>)
        tpu.yield
      }) : () -> ()
      %get3A_374 = arith.constant 2 : i32
      %get3A_375 = arith.constant 1 : i32
      %get3A_376 = arith.index_cast %get3A_374 : i32 to index
      %get3A_377 = arith.index_cast %get3A_375 : i32 to index
      %get3A_378 = arith.constant 0 : index
      %get3A_379 = tpu.vector_load %arg9[%get3A_376, %get3A_377, %get3A_378] {strides = array<i32>} : memref<4x2x64xi32, #tpu.memory_space<vmem>>, vector<16xi32>,
      tpu.vector_store_idx %arg11[%get3A_379], %broadcast_in_dim3A_22 {add = true} : memref<2048xf32, #tpu.memory_space<vmem>>[vector<16xi32>], vector<16xf32>,
      %get3A_380 = arith.constant 2 : i32
      %get3A_381 = arith.constant 1 : i32
      %get3A_382 = arith.index_cast %get3A_380 : i32 to index
      %get3A_383 = arith.index_cast %get3A_381 : i32 to index
      %get3A_384 = arith.constant 16 : index
      %get3A_385 = tpu.vector_load %arg9[%get3A_382, %get3A_383, %get3A_384] {strides = array<i32>} : memref<4x2x64xi32, #tpu.memory_space<vmem>>, vector<16xi32>,
      tpu.vector_store_idx %arg11[%get3A_385], %broadcast_in_dim3A_22 {add = true} : memref<2048xf32, #tpu.memory_space<vmem>>[vector<16xi32>], vector<16xf32>,
      %get3A_386 = arith.constant 2 : i32
      %get3A_387 = arith.constant 1 : i32
      %get3A_388 = arith.index_cast %get3A_386 : i32 to index
      %get3A_389 = arith.index_cast %get3A_387 : i32 to index
      %get3A_390 = arith.constant 32 : index
      %get3A_391 = tpu.vector_load %arg9[%get3A_388, %get3A_389, %get3A_390] {strides = array<i32>} : memref<4x2x64xi32, #tpu.memory_space<vmem>>, vector<16xi32>,
      tpu.vector_store_idx %arg11[%get3A_391], %broadcast_in_dim3A_22 {add = true} : memref<2048xf32, #tpu.memory_space<vmem>>[vector<16xi32>], vector<16xf32>,
      %get3A_392 = arith.constant 2 : i32
      %get3A_393 = arith.constant 1 : i32
      %get3A_394 = arith.index_cast %get3A_392 : i32 to index
      %get3A_395 = arith.index_cast %get3A_393 : i32 to index
      %get3A_396 = arith.constant 48 : index
      %get3A_397 = tpu.vector_load %arg9[%get3A_394, %get3A_395, %get3A_396] {strides = array<i32>} : memref<4x2x64xi32, #tpu.memory_space<vmem>>, vector<16xi32>,
      tpu.vector_store_idx %arg11[%get3A_397], %broadcast_in_dim3A_22 {add = true} : memref<2048xf32, #tpu.memory_space<vmem>>[vector<16xi32>], vector<16xf32>,
      %add3A_398 = arith.constant 2 : i32
      %add3A_399 = arith.addi %mul3A_140, %add3A_398 : i32
      %mul3A_400 = arith.constant 3 : i32
      %mul3A_401 = arith.muli %add3A_399, %mul3A_400 : i32
      %add3A_402 = arith.constant 1 : i32
      %add3A_403 = arith.addi %add3A_399, %add3A_402 : i32
      %mul3A_404 = arith.constant 3 : i32
      %mul3A_405 = arith.muli %add3A_403, %mul3A_404 : i32
      %while3A_406 = arith.constant 0 : i32
      %while3A_407 = arith.subi %mul3A_405, %mul3A_401 : i32
      %while3A_408 = arith.addi %mul3A_401, %while3A_407 : i32
      %while3A_409 = arith.constant 1 : i32
      %while3A_410 = arith.divsi %while3A_407, %while3A_409 : i32
      %while3A_411 = arith.muli %while3A_410, %while3A_409 : i32
      %while3A_412 = arith.addi %mul3A_401, %while3A_411 : i32
      %while3A_413 = arith.constant 1 : i32
      %while3A_414 = scf.for %while3A_491 = %mul3A_401 to %while3A_412 step %while3A_413 iter_args(%while3A_492 = %while3A_406) -> (i32)  : i32 {
        %get3A_493 = arith.constant 1 : i32
        %get3A_494 = arith.index_cast %while3A_491 : i32 to index
        %get3A_495 = arith.index_cast %get3A_493 : i32 to index
        %get3A_496 = arith.constant 0 : index
        %get3A_497 = tpu.vector_load %arg12[%get3A_494, %get3A_495, %get3A_496] {strides = array<i32>} : memref<96x2x64xi32, #tpu.memory_space<vmem>>, vector<16xi32>,
        tpu.vector_store_idx %arg13[%get3A_497], %broadcast_in_dim3A_22 {add = true} : memref<12032xf32, #tpu.memory_space<vmem>>[vector<16xi32>], vector<16xf32>,
        %get3A_498 = arith.constant 0 : i32
        %get3A_499 = arith.index_cast %while3A_491 : i32 to index
        %get3A_500 = arith.index_cast %get3A_498 : i32 to index
        %get3A_501 = arith.constant 0 : index
        %get3A_502 = tpu.vector_load %arg12[%get3A_499, %get3A_500, %get3A_501] {strides = array<i32>} : memref<96x2x64xi32, #tpu.memory_space<vmem>>, vector<16xi32>,
        tpu.vector_store_idx %arg14[%get3A_502], %broadcast_in_dim3A_22 {add = true} : memref<12032xf32, #tpu.memory_space<vmem>>[vector<16xi32>], vector<16xf32>,
        %get3A_503 = arith.constant 1 : i32
        %get3A_504 = arith.index_cast %while3A_491 : i32 to index
        %get3A_505 = arith.index_cast %get3A_503 : i32 to index
        %get3A_506 = arith.constant 16 : index
        %get3A_507 = tpu.vector_load %arg12[%get3A_504, %get3A_505, %get3A_506] {strides = array<i32>} : memref<96x2x64xi32, #tpu.memory_space<vmem>>, vector<16xi32>,
        tpu.vector_store_idx %arg13[%get3A_507], %broadcast_in_dim3A_22 {add = true} : memref<12032xf32, #tpu.memory_space<vmem>>[vector<16xi32>], vector<16xf32>,
        %get3A_508 = arith.constant 0 : i32
        %get3A_509 = arith.index_cast %while3A_491 : i32 to index
        %get3A_510 = arith.index_cast %get3A_508 : i32 to index
        %get3A_511 = arith.constant 16 : index
        %get3A_512 = tpu.vector_load %arg12[%get3A_509, %get3A_510, %get3A_511] {strides = array<i32>} : memref<96x2x64xi32, #tpu.memory_space<vmem>>, vector<16xi32>,
        tpu.vector_store_idx %arg14[%get3A_512], %broadcast_in_dim3A_22 {add = true} : memref<12032xf32, #tpu.memory_space<vmem>>[vector<16xi32>], vector<16xf32>,
        %get3A_513 = arith.constant 1 : i32
        %get3A_514 = arith.index_cast %while3A_491 : i32 to index
        %get3A_515 = arith.index_cast %get3A_513 : i32 to index
        %get3A_516 = arith.constant 32 : index
        %get3A_517 = tpu.vector_load %arg12[%get3A_514, %get3A_515, %get3A_516] {strides = array<i32>} : memref<96x2x64xi32, #tpu.memory_space<vmem>>, vector<16xi32>,
        tpu.vector_store_idx %arg13[%get3A_517], %broadcast_in_dim3A_22 {add = true} : memref<12032xf32, #tpu.memory_space<vmem>>[vector<16xi32>], vector<16xf32>,
        %get3A_518 = arith.constant 0 : i32
        %get3A_519 = arith.index_cast %while3A_491 : i32 to index
        %get3A_520 = arith.index_cast %get3A_518 : i32 to index
        %get3A_521 = arith.constant 32 : index
        %get3A_522 = tpu.vector_load %arg12[%get3A_519, %get3A_520, %get3A_521] {strides = array<i32>} : memref<96x2x64xi32, #tpu.memory_space<vmem>>, vector<16xi32>,
        tpu.vector_store_idx %arg14[%get3A_522], %broadcast_in_dim3A_22 {add = true} : memref<12032xf32, #tpu.memory_space<vmem>>[vector<16xi32>], vector<16xf32>,
        %get3A_523 = arith.constant 1 : i32
        %get3A_524 = arith.index_cast %while3A_491 : i32 to index
        %get3A_525 = arith.index_cast %get3A_523 : i32 to index
        %get3A_526 = arith.constant 48 : index
        %get3A_527 = tpu.vector_load %arg12[%get3A_524, %get3A_525, %get3A_526] {strides = array<i32>} : memref<96x2x64xi32, #tpu.memory_space<vmem>>, vector<16xi32>,
        tpu.vector_store_idx %arg13[%get3A_527], %broadcast_in_dim3A_22 {add = true} : memref<12032xf32, #tpu.memory_space<vmem>>[vector<16xi32>], vector<16xf32>,
        %get3A_528 = arith.constant 0 : i32
        %get3A_529 = arith.index_cast %while3A_491 : i32 to index
        %get3A_530 = arith.index_cast %get3A_528 : i32 to index
        %get3A_531 = arith.constant 48 : index
        %get3A_532 = tpu.vector_load %arg12[%get3A_529, %get3A_530, %get3A_531] {strides = array<i32>} : memref<96x2x64xi32, #tpu.memory_space<vmem>>, vector<16xi32>,
        tpu.vector_store_idx %arg14[%get3A_532], %broadcast_in_dim3A_22 {add = true} : memref<12032xf32, #tpu.memory_space<vmem>>[vector<16xi32>], vector<16xf32>,
        %while3A_533 = arith.constant 0 : i32
        scf.yield %while3A_533 : i32
      }
      %while3A_415 = arith.constant 1 : i32
      %while3A_416 = scf.for %while3A_491 = %while3A_412 to %while3A_408 step %while3A_415 iter_args(%while3A_492 = %while3A_414) -> (i32)  : i32 {
        %get3A_493 = arith.constant 1 : i32
        %get3A_494 = arith.index_cast %while3A_491 : i32 to index
        %get3A_495 = arith.index_cast %get3A_493 : i32 to index
        %get3A_496 = arith.constant 0 : index
        %get3A_497 = tpu.vector_load %arg12[%get3A_494, %get3A_495, %get3A_496] {strides = array<i32>} : memref<96x2x64xi32, #tpu.memory_space<vmem>>, vector<16xi32>,
        tpu.vector_store_idx %arg13[%get3A_497], %broadcast_in_dim3A_22 {add = true} : memref<12032xf32, #tpu.memory_space<vmem>>[vector<16xi32>], vector<16xf32>,
        %get3A_498 = arith.constant 0 : i32
        %get3A_499 = arith.index_cast %while3A_491 : i32 to index
        %get3A_500 = arith.index_cast %get3A_498 : i32 to index
        %get3A_501 = arith.constant 0 : index
        %get3A_502 = tpu.vector_load %arg12[%get3A_499, %get3A_500, %get3A_501] {strides = array<i32>} : memref<96x2x64xi32, #tpu.memory_space<vmem>>, vector<16xi32>,
        tpu.vector_store_idx %arg14[%get3A_502], %broadcast_in_dim3A_22 {add = true} : memref<12032xf32, #tpu.memory_space<vmem>>[vector<16xi32>], vector<16xf32>,
        %get3A_503 = arith.constant 1 : i32
        %get3A_504 = arith.index_cast %while3A_491 : i32 to index
        %get3A_505 = arith.index_cast %get3A_503 : i32 to index
        %get3A_506 = arith.constant 16 : index
        %get3A_507 = tpu.vector_load %arg12[%get3A_504, %get3A_505, %get3A_506] {strides = array<i32>} : memref<96x2x64xi32, #tpu.memory_space<vmem>>, vector<16xi32>,
        tpu.vector_store_idx %arg13[%get3A_507], %broadcast_in_dim3A_22 {add = true} : memref<12032xf32, #tpu.memory_space<vmem>>[vector<16xi32>], vector<16xf32>,
        %get3A_508 = arith.constant 0 : i32
        %get3A_509 = arith.index_cast %while3A_491 : i32 to index
        %get3A_510 = arith.index_cast %get3A_508 : i32 to index
        %get3A_511 = arith.constant 16 : index
        %get3A_512 = tpu.vector_load %arg12[%get3A_509, %get3A_510, %get3A_511] {strides = array<i32>} : memref<96x2x64xi32, #tpu.memory_space<vmem>>, vector<16xi32>,
        tpu.vector_store_idx %arg14[%get3A_512], %broadcast_in_dim3A_22 {add = true} : memref<12032xf32, #tpu.memory_space<vmem>>[vector<16xi32>], vector<16xf32>,
        %get3A_513 = arith.constant 1 : i32
        %get3A_514 = arith.index_cast %while3A_491 : i32 to index
        %get3A_515 = arith.index_cast %get3A_513 : i32 to index
        %get3A_516 = arith.constant 32 : index
        %get3A_517 = tpu.vector_load %arg12[%get3A_514, %get3A_515, %get3A_516] {strides = array<i32>} : memref<96x2x64xi32, #tpu.memory_space<vmem>>, vector<16xi32>,
        tpu.vector_store_idx %arg13[%get3A_517], %broadcast_in_dim3A_22 {add = true} : memref<12032xf32, #tpu.memory_space<vmem>>[vector<16xi32>], vector<16xf32>,
        %get3A_518 = arith.constant 0 : i32
        %get3A_519 = arith.index_cast %while3A_491 : i32 to index
        %get3A_520 = arith.index_cast %get3A_518 : i32 to index
        %get3A_521 = arith.constant 32 : index
        %get3A_522 = tpu.vector_load %arg12[%get3A_519, %get3A_520, %get3A_521] {strides = array<i32>} : memref<96x2x64xi32, #tpu.memory_space<vmem>>, vector<16xi32>,
        tpu.vector_store_idx %arg14[%get3A_522], %broadcast_in_dim3A_22 {add = true} : memref<12032xf32, #tpu.memory_space<vmem>>[vector<16xi32>], vector<16xf32>,
        %get3A_523 = arith.constant 1 : i32
        %get3A_524 = arith.index_cast %while3A_491 : i32 to index
        %get3A_525 = arith.index_cast %get3A_523 : i32 to index
        %get3A_526 = arith.constant 48 : index
        %get3A_527 = tpu.vector_load %arg12[%get3A_524, %get3A_525, %get3A_526] {strides = array<i32>} : memref<96x2x64xi32, #tpu.memory_space<vmem>>, vector<16xi32>,
        tpu.vector_store_idx %arg13[%get3A_527], %broadcast_in_dim3A_22 {add = true} : memref<12032xf32, #tpu.memory_space<vmem>>[vector<16xi32>], vector<16xf32>,
        %get3A_528 = arith.constant 0 : i32
        %get3A_529 = arith.index_cast %while3A_491 : i32 to index
        %get3A_530 = arith.index_cast %get3A_528 : i32 to index
        %get3A_531 = arith.constant 48 : index
        %get3A_532 = tpu.vector_load %arg12[%get3A_529, %get3A_530, %get3A_531] {strides = array<i32>} : memref<96x2x64xi32, #tpu.memory_space<vmem>>, vector<16xi32>,
        tpu.vector_store_idx %arg14[%get3A_532], %broadcast_in_dim3A_22 {add = true} : memref<12032xf32, #tpu.memory_space<vmem>>[vector<16xi32>], vector<16xf32>,
        %while3A_533 = arith.constant 0 : i32
        scf.yield %while3A_533 : i32
      }
      %add3A_417 = arith.constant 1 : i32
      %add3A_418 = arith.addi %scan3A_137, %add3A_417 : i32
      %lt3A_419 = arith.constant 8 : i32
      %lt3A_420 = arith.cmpi slt, %add3A_418, %lt3A_419 : i32
      %convert_element_type3A_421 = arith.extui %lt3A_420 : i1 to i32
      %cond3A_422 = arith.constant 0 : i32
      %cond3A_423 = arith.cmpi ne, %convert_element_type3A_421, %cond3A_422 : i32
      scf.if %cond3A_423 {
        %add3A_491 = arith.addi %mul3A_2, %mul3A_140 : i32
        %add3A_492 = arith.constant 4 : i32
        %add3A_493 = arith.addi %add3A_491, %add3A_492 : i32
        %add3A_494 = arith.constant 2 : i32
        %add3A_495 = arith.addi %add3A_493, %add3A_494 : i32
        %dma_start3A_496 = arith.constant 2 : i32
        %dma_start3A_497 = arith.constant 0 : i32
        %dma_start3A_498 = arith.constant 0 : i32
        %dma_start3A_499 = tpu.memref_slice %arg9[%dma_start3A_496, %dma_start3A_497, %dma_start3A_498] : memref<4x2x64xi32, #tpu.memory_space<vmem>> -> memref<1x2x64xi32, #tpu.memory_space<vmem>>
        %dma_start3A_500 = tpu.memref_squeeze %dma_start3A_499 : memref<1x2x64xi32, #tpu.memory_space<vmem>> -> memref<2x64xi32, #tpu.memory_space<vmem>>
        %dma_start3A_501 = arith.constant 0 : i32
        %dma_start3A_502 = arith.constant 0 : i32
        %dma_start3A_503 = tpu.memref_slice %arg3[%add3A_495, %dma_start3A_501, %dma_start3A_502] : memref<1024x2x64xi32, #tpu.memory_space<hbm>> -> memref<1x2x64xi32, #tpu.memory_space<hbm>>
        %dma_start3A_504 = tpu.memref_squeeze %dma_start3A_503 : memref<1x2x64xi32, #tpu.memory_space<hbm>> -> memref<2x64xi32, #tpu.memory_space<hbm>>
        %dma_start3A_505 = arith.constant 0 : i32
        %dma_start3A_506 = arith.constant 0 : i32
        %dma_start3A_507 = tpu.memref_slice %arg9[%dma_start3A_496, %dma_start3A_505, %dma_start3A_506] : memref<4x2x64xi32, #tpu.memory_space<vmem>> -> memref<1x2x64xi32, #tpu.memory_space<vmem>>
        %dma_start3A_508 = tpu.memref_squeeze %dma_start3A_507 : memref<1x2x64xi32, #tpu.memory_space<vmem>> -> memref<2x64xi32, #tpu.memory_space<vmem>>
        %dma_start3A_509 = arith.constant 0 : i32
        %dma_start3A_510 = arith.constant 0 : i32
        %dma_start3A_511 = tpu.memref_slice %arg3[%add3A_495, %dma_start3A_509, %dma_start3A_510] : memref<1024x2x64xi32, #tpu.memory_space<hbm>> -> memref<1x2x64xi32, #tpu.memory_space<hbm>>
        %dma_start3A_512 = tpu.memref_squeeze %dma_start3A_511 : memref<1x2x64xi32, #tpu.memory_space<hbm>> -> memref<2x64xi32, #tpu.memory_space<hbm>>
        tpu.enqueue_dma source(%dma_start3A_512 : memref<2x64xi32, #tpu.memory_space<hbm>>) target(%dma_start3A_508 : memref<2x64xi32, #tpu.memory_space<vmem>>) target_semaphore(%arg18 : memref<!tpu.dma_semaphore, #tpu.memory_space<semaphore_mem>>)
      } else {
      }
      %dma_wait3A_424 = arith.constant 3 : i32
      %dma_wait3A_425 = arith.constant 0 : i32
      %dma_wait3A_426 = arith.constant 3 : i32
      %dma_wait3A_427 = arith.constant 0 : i32
      %dma_wait3A_428 = arith.constant 0 : i32
      %dma_wait3A_429 = tpu.memref_slice %arg10[%dma_wait3A_426, %dma_wait3A_427, %dma_wait3A_428] : memref<4x64x128xf32, #tpu.memory_space<vmem>> -> memref<1x64x128xf32, #tpu.memory_space<vmem>>
      %dma_wait3A_430 = tpu.memref_squeeze %dma_wait3A_429 : memref<1x64x128xf32, #tpu.memory_space<vmem>> -> memref<64x128xf32, #tpu.memory_space<vmem>>
      %dma_wait3A_431 = arith.constant 0 : i32
      %dma_wait3A_432 = tpu.memref_slice %arg9[%dma_wait3A_424, %dma_wait3A_425, %dma_wait3A_431] : memref<4x2x64xi32, #tpu.memory_space<vmem>> -> memref<1x1x64xi32, #tpu.memory_space<vmem>>
      %dma_wait3A_433 = tpu.memref_squeeze %dma_wait3A_432 : memref<1x1x64xi32, #tpu.memory_space<vmem>> -> memref<64xi32, #tpu.memory_space<vmem>>
      %dma_wait3A_434 = arith.constant 0 : i32
      %dma_wait3A_435 = arith.constant 0 : i32
      %dma_wait3A_436 = tpu.memref_slice %arg2[%dma_wait3A_434, %dma_wait3A_435] : memref<2048x128xf32, #tpu.memory_space<hbm>> -> memref<2048x128xf32, #tpu.memory_space<hbm>>
      tpu.wait_indirect_dma semaphore(%arg23 : memref<!tpu.dma_semaphore, #tpu.memory_space<semaphore_mem>>) src(%dma_wait3A_436 : memref<2048x128xf32, #tpu.memory_space<hbm>>) dst(%dma_wait3A_430 : memref<64x128xf32, #tpu.memory_space<vmem>>)
      %run_scoped3A_437 = arith.constant 3 : i32
      %run_scoped3A_438 = arith.constant 3 : i32
      %run_scoped3A_439 = arith.constant 1 : i32
      "tpu.region"() ({
        %run_scoped3A_491 = tpu.sem_alloc : memref<!tpu.dma_semaphore, #tpu.memory_space<semaphore_mem>>
        %dma_start3A_492 = arith.constant 0 : i32
        %dma_start3A_493 = arith.constant 0 : i32
        %dma_start3A_494 = tpu.memref_slice %arg10[%run_scoped3A_437, %dma_start3A_492, %dma_start3A_493] : memref<4x64x128xf32, #tpu.memory_space<vmem>> -> memref<1x64x128xf32, #tpu.memory_space<vmem>>
        %dma_start3A_495 = tpu.memref_squeeze %dma_start3A_494 : memref<1x64x128xf32, #tpu.memory_space<vmem>> -> memref<64x128xf32, #tpu.memory_space<vmem>>
        %dma_start3A_496 = arith.constant 0 : i32
        %dma_start3A_497 = tpu.memref_slice %arg9[%run_scoped3A_438, %run_scoped3A_439, %dma_start3A_496] : memref<4x2x64xi32, #tpu.memory_space<vmem>> -> memref<1x1x64xi32, #tpu.memory_space<vmem>>
        %dma_start3A_498 = tpu.memref_squeeze %dma_start3A_497 : memref<1x1x64xi32, #tpu.memory_space<vmem>> -> memref<64xi32, #tpu.memory_space<vmem>>
        %dma_start3A_499 = arith.constant 0 : i32
        %dma_start3A_500 = arith.constant 0 : i32
        %dma_start3A_501 = tpu.memref_slice %arg15[%dma_start3A_499, %dma_start3A_500] : memref<2048x128xf32, #tpu.memory_space<vmem_shared>> -> memref<2048x128xf32, #tpu.memory_space<vmem_shared>>
        tpu.enqueue_indirect_dma source(%dma_start3A_495 : memref<64x128xf32, #tpu.memory_space<vmem>>) target(%dma_start3A_501 : memref<2048x128xf32, #tpu.memory_space<vmem_shared>>) offsets(%dma_start3A_498 : memref<64xi32, #tpu.memory_space<vmem>>) semaphore(%run_scoped3A_491 : memref<!tpu.dma_semaphore, #tpu.memory_space<semaphore_mem>>) {add = true}
        %dma_wait3A_502 = arith.constant 0 : i32
        %dma_wait3A_503 = arith.constant 0 : i32
        %dma_wait3A_504 = tpu.memref_slice %arg10[%run_scoped3A_437, %dma_wait3A_502, %dma_wait3A_503] : memref<4x64x128xf32, #tpu.memory_space<vmem>> -> memref<1x64x128xf32, #tpu.memory_space<vmem>>
        %dma_wait3A_505 = tpu.memref_squeeze %dma_wait3A_504 : memref<1x64x128xf32, #tpu.memory_space<vmem>> -> memref<64x128xf32, #tpu.memory_space<vmem>>
        %dma_wait3A_506 = arith.constant 0 : i32
        %dma_wait3A_507 = tpu.memref_slice %arg9[%run_scoped3A_438, %run_scoped3A_439, %dma_wait3A_506] : memref<4x2x64xi32, #tpu.memory_space<vmem>> -> memref<1x1x64xi32, #tpu.memory_space<vmem>>
        %dma_wait3A_508 = tpu.memref_squeeze %dma_wait3A_507 : memref<1x1x64xi32, #tpu.memory_space<vmem>> -> memref<64xi32, #tpu.memory_space<vmem>>
        %dma_wait3A_509 = arith.constant 0 : i32
        %dma_wait3A_510 = arith.constant 0 : i32
        %dma_wait3A_511 = tpu.memref_slice %arg15[%dma_wait3A_509, %dma_wait3A_510] : memref<2048x128xf32, #tpu.memory_space<vmem_shared>> -> memref<2048x128xf32, #tpu.memory_space<vmem_shared>>
        tpu.wait_indirect_dma semaphore(%run_scoped3A_491 : memref<!tpu.dma_semaphore, #tpu.memory_space<semaphore_mem>>) src(%dma_wait3A_505 : memref<64x128xf32, #tpu.memory_space<vmem>>) dst(%dma_wait3A_511 : memref<2048x128xf32, #tpu.memory_space<vmem_shared>>)
        tpu.yield
      }) : () -> ()
      %get3A_440 = arith.constant 3 : i32
      %get3A_441 = arith.constant 1 : i32
      %get3A_442 = arith.index_cast %get3A_440 : i32 to index
      %get3A_443 = arith.index_cast %get3A_441 : i32 to index
      %get3A_444 = arith.constant 0 : index
      %get3A_445 = tpu.vector_load %arg9[%get3A_442, %get3A_443, %get3A_444] {strides = array<i32>} : memref<4x2x64xi32, #tpu.memory_space<vmem>>, vector<16xi32>,
      tpu.vector_store_idx %arg11[%get3A_445], %broadcast_in_dim3A_22 {add = true} : memref<2048xf32, #tpu.memory_space<vmem>>[vector<16xi32>], vector<16xf32>,
      %get3A_446 = arith.constant 3 : i32
      %get3A_447 = arith.constant 1 : i32
      %get3A_448 = arith.index_cast %get3A_446 : i32 to index
      %get3A_449 = arith.index_cast %get3A_447 : i32 to index
      %get3A_450 = arith.constant 16 : index
      %get3A_451 = tpu.vector_load %arg9[%get3A_448, %get3A_449, %get3A_450] {strides = array<i32>} : memref<4x2x64xi32, #tpu.memory_space<vmem>>, vector<16xi32>,
      tpu.vector_store_idx %arg11[%get3A_451], %broadcast_in_dim3A_22 {add = true} : memref<2048xf32, #tpu.memory_space<vmem>>[vector<16xi32>], vector<16xf32>,
      %get3A_452 = arith.constant 3 : i32
      %get3A_453 = arith.constant 1 : i32
      %get3A_454 = arith.index_cast %get3A_452 : i32 to index
      %get3A_455 = arith.index_cast %get3A_453 : i32 to index
      %get3A_456 = arith.constant 32 : index
      %get3A_457 = tpu.vector_load %arg9[%get3A_454, %get3A_455, %get3A_456] {strides = array<i32>} : memref<4x2x64xi32, #tpu.memory_space<vmem>>, vector<16xi32>,
      tpu.vector_store_idx %arg11[%get3A_457], %broadcast_in_dim3A_22 {add = true} : memref<2048xf32, #tpu.memory_space<vmem>>[vector<16xi32>], vector<16xf32>,
      %get3A_458 = arith.constant 3 : i32
      %get3A_459 = arith.constant 1 : i32
      %get3A_460 = arith.index_cast %get3A_458 : i32 to index
      %get3A_461 = arith.index_cast %get3A_459 : i32 to index
      %get3A_462 = arith.constant 48 : index
      %get3A_463 = tpu.vector_load %arg9[%get3A_460, %get3A_461, %get3A_462] {strides = array<i32>} : memref<4x2x64xi32, #tpu.memory_space<vmem>>, vector<16xi32>,
      tpu.vector_store_idx %arg11[%get3A_463], %broadcast_in_dim3A_22 {add = true} : memref<2048xf32, #tpu.memory_space<vmem>>[vector<16xi32>], vector<16xf32>,
      %add3A_464 = arith.constant 3 : i32
      %add3A_465 = arith.addi %mul3A_140, %add3A_464 : i32
      %mul3A_466 = arith.constant 3 : i32
      %mul3A_467 = arith.muli %add3A_465, %mul3A_466 : i32
      %add3A_468 = arith.constant 1 : i32
      %add3A_469 = arith.addi %add3A_465, %add3A_468 : i32
      %mul3A_470 = arith.constant 3 : i32
      %mul3A_471 = arith.muli %add3A_469, %mul3A_470 : i32
      %while3A_472 = arith.constant 0 : i32
      %while3A_473 = arith.subi %mul3A_471, %mul3A_467 : i32
      %while3A_474 = arith.addi %mul3A_467, %while3A_473 : i32
      %while3A_475 = arith.constant 1 : i32
      %while3A_476 = arith.divsi %while3A_473, %while3A_475 : i32
      %while3A_477 = arith.muli %while3A_476, %while3A_475 : i32
      %while3A_478 = arith.addi %mul3A_467, %while3A_477 : i32
      %while3A_479 = arith.constant 1 : i32
      %while3A_480 = scf.for %while3A_491 = %mul3A_467 to %while3A_478 step %while3A_479 iter_args(%while3A_492 = %while3A_472) -> (i32)  : i32 {
        %get3A_493 = arith.constant 1 : i32
        %get3A_494 = arith.index_cast %while3A_491 : i32 to index
        %get3A_495 = arith.index_cast %get3A_493 : i32 to index
        %get3A_496 = arith.constant 0 : index
        %get3A_497 = tpu.vector_load %arg12[%get3A_494, %get3A_495, %get3A_496] {strides = array<i32>} : memref<96x2x64xi32, #tpu.memory_space<vmem>>, vector<16xi32>,
        tpu.vector_store_idx %arg13[%get3A_497], %broadcast_in_dim3A_22 {add = true} : memref<12032xf32, #tpu.memory_space<vmem>>[vector<16xi32>], vector<16xf32>,
        %get3A_498 = arith.constant 0 : i32
        %get3A_499 = arith.index_cast %while3A_491 : i32 to index
        %get3A_500 = arith.index_cast %get3A_498 : i32 to index
        %get3A_501 = arith.constant 0 : index
        %get3A_502 = tpu.vector_load %arg12[%get3A_499, %get3A_500, %get3A_501] {strides = array<i32>} : memref<96x2x64xi32, #tpu.memory_space<vmem>>, vector<16xi32>,
        tpu.vector_store_idx %arg14[%get3A_502], %broadcast_in_dim3A_22 {add = true} : memref<12032xf32, #tpu.memory_space<vmem>>[vector<16xi32>], vector<16xf32>,
        %get3A_503 = arith.constant 1 : i32
        %get3A_504 = arith.index_cast %while3A_491 : i32 to index
        %get3A_505 = arith.index_cast %get3A_503 : i32 to index
        %get3A_506 = arith.constant 16 : index
        %get3A_507 = tpu.vector_load %arg12[%get3A_504, %get3A_505, %get3A_506] {strides = array<i32>} : memref<96x2x64xi32, #tpu.memory_space<vmem>>, vector<16xi32>,
        tpu.vector_store_idx %arg13[%get3A_507], %broadcast_in_dim3A_22 {add = true} : memref<12032xf32, #tpu.memory_space<vmem>>[vector<16xi32>], vector<16xf32>,
        %get3A_508 = arith.constant 0 : i32
        %get3A_509 = arith.index_cast %while3A_491 : i32 to index
        %get3A_510 = arith.index_cast %get3A_508 : i32 to index
        %get3A_511 = arith.constant 16 : index
        %get3A_512 = tpu.vector_load %arg12[%get3A_509, %get3A_510, %get3A_511] {strides = array<i32>} : memref<96x2x64xi32, #tpu.memory_space<vmem>>, vector<16xi32>,
        tpu.vector_store_idx %arg14[%get3A_512], %broadcast_in_dim3A_22 {add = true} : memref<12032xf32, #tpu.memory_space<vmem>>[vector<16xi32>], vector<16xf32>,
        %get3A_513 = arith.constant 1 : i32
        %get3A_514 = arith.index_cast %while3A_491 : i32 to index
        %get3A_515 = arith.index_cast %get3A_513 : i32 to index
        %get3A_516 = arith.constant 32 : index
        %get3A_517 = tpu.vector_load %arg12[%get3A_514, %get3A_515, %get3A_516] {strides = array<i32>} : memref<96x2x64xi32, #tpu.memory_space<vmem>>, vector<16xi32>,
        tpu.vector_store_idx %arg13[%get3A_517], %broadcast_in_dim3A_22 {add = true} : memref<12032xf32, #tpu.memory_space<vmem>>[vector<16xi32>], vector<16xf32>,
        %get3A_518 = arith.constant 0 : i32
        %get3A_519 = arith.index_cast %while3A_491 : i32 to index
        %get3A_520 = arith.index_cast %get3A_518 : i32 to index
        %get3A_521 = arith.constant 32 : index
        %get3A_522 = tpu.vector_load %arg12[%get3A_519, %get3A_520, %get3A_521] {strides = array<i32>} : memref<96x2x64xi32, #tpu.memory_space<vmem>>, vector<16xi32>,
        tpu.vector_store_idx %arg14[%get3A_522], %broadcast_in_dim3A_22 {add = true} : memref<12032xf32, #tpu.memory_space<vmem>>[vector<16xi32>], vector<16xf32>,
        %get3A_523 = arith.constant 1 : i32
        %get3A_524 = arith.index_cast %while3A_491 : i32 to index
        %get3A_525 = arith.index_cast %get3A_523 : i32 to index
        %get3A_526 = arith.constant 48 : index
        %get3A_527 = tpu.vector_load %arg12[%get3A_524, %get3A_525, %get3A_526] {strides = array<i32>} : memref<96x2x64xi32, #tpu.memory_space<vmem>>, vector<16xi32>,
        tpu.vector_store_idx %arg13[%get3A_527], %broadcast_in_dim3A_22 {add = true} : memref<12032xf32, #tpu.memory_space<vmem>>[vector<16xi32>], vector<16xf32>,
        %get3A_528 = arith.constant 0 : i32
        %get3A_529 = arith.index_cast %while3A_491 : i32 to index
        %get3A_530 = arith.index_cast %get3A_528 : i32 to index
        %get3A_531 = arith.constant 48 : index
        %get3A_532 = tpu.vector_load %arg12[%get3A_529, %get3A_530, %get3A_531] {strides = array<i32>} : memref<96x2x64xi32, #tpu.memory_space<vmem>>, vector<16xi32>,
        tpu.vector_store_idx %arg14[%get3A_532], %broadcast_in_dim3A_22 {add = true} : memref<12032xf32, #tpu.memory_space<vmem>>[vector<16xi32>], vector<16xf32>,
        %while3A_533 = arith.constant 0 : i32
        scf.yield %while3A_533 : i32
      }
      %while3A_481 = arith.constant 1 : i32
      %while3A_482 = scf.for %while3A_491 = %while3A_478 to %while3A_474 step %while3A_481 iter_args(%while3A_492 = %while3A_480) -> (i32)  : i32 {
        %get3A_493 = arith.constant 1 : i32
        %get3A_494 = arith.index_cast %while3A_491 : i32 to index
        %get3A_495 = arith.index_cast %get3A_493 : i32 to index
        %get3A_496 = arith.constant 0 : index
        %get3A_497 = tpu.vector_load %arg12[%get3A_494, %get3A_495, %get3A_496] {strides = array<i32>} : memref<96x2x64xi32, #tpu.memory_space<vmem>>, vector<16xi32>,
        tpu.vector_store_idx %arg13[%get3A_497], %broadcast_in_dim3A_22 {add = true} : memref<12032xf32, #tpu.memory_space<vmem>>[vector<16xi32>], vector<16xf32>,
        %get3A_498 = arith.constant 0 : i32
        %get3A_499 = arith.index_cast %while3A_491 : i32 to index
        %get3A_500 = arith.index_cast %get3A_498 : i32 to index
        %get3A_501 = arith.constant 0 : index
        %get3A_502 = tpu.vector_load %arg12[%get3A_499, %get3A_500, %get3A_501] {strides = array<i32>} : memref<96x2x64xi32, #tpu.memory_space<vmem>>, vector<16xi32>,
        tpu.vector_store_idx %arg14[%get3A_502], %broadcast_in_dim3A_22 {add = true} : memref<12032xf32, #tpu.memory_space<vmem>>[vector<16xi32>], vector<16xf32>,
        %get3A_503 = arith.constant 1 : i32
        %get3A_504 = arith.index_cast %while3A_491 : i32 to index
        %get3A_505 = arith.index_cast %get3A_503 : i32 to index
        %get3A_506 = arith.constant 16 : index
        %get3A_507 = tpu.vector_load %arg12[%get3A_504, %get3A_505, %get3A_506] {strides = array<i32>} : memref<96x2x64xi32, #tpu.memory_space<vmem>>, vector<16xi32>,
        tpu.vector_store_idx %arg13[%get3A_507], %broadcast_in_dim3A_22 {add = true} : memref<12032xf32, #tpu.memory_space<vmem>>[vector<16xi32>], vector<16xf32>,
        %get3A_508 = arith.constant 0 : i32
        %get3A_509 = arith.index_cast %while3A_491 : i32 to index
        %get3A_510 = arith.index_cast %get3A_508 : i32 to index
        %get3A_511 = arith.constant 16 : index
        %get3A_512 = tpu.vector_load %arg12[%get3A_509, %get3A_510, %get3A_511] {strides = array<i32>} : memref<96x2x64xi32, #tpu.memory_space<vmem>>, vector<16xi32>,
        tpu.vector_store_idx %arg14[%get3A_512], %broadcast_in_dim3A_22 {add = true} : memref<12032xf32, #tpu.memory_space<vmem>>[vector<16xi32>], vector<16xf32>,
        %get3A_513 = arith.constant 1 : i32
        %get3A_514 = arith.index_cast %while3A_491 : i32 to index
        %get3A_515 = arith.index_cast %get3A_513 : i32 to index
        %get3A_516 = arith.constant 32 : index
        %get3A_517 = tpu.vector_load %arg12[%get3A_514, %get3A_515, %get3A_516] {strides = array<i32>} : memref<96x2x64xi32, #tpu.memory_space<vmem>>, vector<16xi32>,
        tpu.vector_store_idx %arg13[%get3A_517], %broadcast_in_dim3A_22 {add = true} : memref<12032xf32, #tpu.memory_space<vmem>>[vector<16xi32>], vector<16xf32>,
        %get3A_518 = arith.constant 0 : i32
        %get3A_519 = arith.index_cast %while3A_491 : i32 to index
        %get3A_520 = arith.index_cast %get3A_518 : i32 to index
        %get3A_521 = arith.constant 32 : index
        %get3A_522 = tpu.vector_load %arg12[%get3A_519, %get3A_520, %get3A_521] {strides = array<i32>} : memref<96x2x64xi32, #tpu.memory_space<vmem>>, vector<16xi32>,
        tpu.vector_store_idx %arg14[%get3A_522], %broadcast_in_dim3A_22 {add = true} : memref<12032xf32, #tpu.memory_space<vmem>>[vector<16xi32>], vector<16xf32>,
        %get3A_523 = arith.constant 1 : i32
        %get3A_524 = arith.index_cast %while3A_491 : i32 to index
        %get3A_525 = arith.index_cast %get3A_523 : i32 to index
        %get3A_526 = arith.constant 48 : index
        %get3A_527 = tpu.vector_load %arg12[%get3A_524, %get3A_525, %get3A_526] {strides = array<i32>} : memref<96x2x64xi32, #tpu.memory_space<vmem>>, vector<16xi32>,
        tpu.vector_store_idx %arg13[%get3A_527], %broadcast_in_dim3A_22 {add = true} : memref<12032xf32, #tpu.memory_space<vmem>>[vector<16xi32>], vector<16xf32>,
        %get3A_528 = arith.constant 0 : i32
        %get3A_529 = arith.index_cast %while3A_491 : i32 to index
        %get3A_530 = arith.index_cast %get3A_528 : i32 to index
        %get3A_531 = arith.constant 48 : index
        %get3A_532 = tpu.vector_load %arg12[%get3A_529, %get3A_530, %get3A_531] {strides = array<i32>} : memref<96x2x64xi32, #tpu.memory_space<vmem>>, vector<16xi32>,
        tpu.vector_store_idx %arg14[%get3A_532], %broadcast_in_dim3A_22 {add = true} : memref<12032xf32, #tpu.memory_space<vmem>>[vector<16xi32>], vector<16xf32>,
        %while3A_533 = arith.constant 0 : i32
        scf.yield %while3A_533 : i32
      }
      %add3A_483 = arith.constant 1 : i32
      %add3A_484 = arith.addi %scan3A_137, %add3A_483 : i32
      %lt3A_485 = arith.constant 8 : i32
      %lt3A_486 = arith.cmpi slt, %add3A_484, %lt3A_485 : i32
      %convert_element_type3A_487 = arith.extui %lt3A_486 : i1 to i32
      %cond3A_488 = arith.constant 0 : i32
      %cond3A_489 = arith.cmpi ne, %convert_element_type3A_487, %cond3A_488 : i32
      scf.if %cond3A_489 {
        %add3A_491 = arith.addi %mul3A_2, %mul3A_140 : i32
        %add3A_492 = arith.constant 4 : i32
        %add3A_493 = arith.addi %add3A_491, %add3A_492 : i32
        %add3A_494 = arith.constant 3 : i32
        %add3A_495 = arith.addi %add3A_493, %add3A_494 : i32
        %dma_start3A_496 = arith.constant 3 : i32
        %dma_start3A_497 = arith.constant 0 : i32
        %dma_start3A_498 = arith.constant 0 : i32
        %dma_start3A_499 = tpu.memref_slice %arg9[%dma_start3A_496, %dma_start3A_497, %dma_start3A_498] : memref<4x2x64xi32, #tpu.memory_space<vmem>> -> memref<1x2x64xi32, #tpu.memory_space<vmem>>
        %dma_start3A_500 = tpu.memref_squeeze %dma_start3A_499 : memref<1x2x64xi32, #tpu.memory_space<vmem>> -> memref<2x64xi32, #tpu.memory_space<vmem>>
        %dma_start3A_501 = arith.constant 0 : i32
        %dma_start3A_502 = arith.constant 0 : i32
        %dma_start3A_503 = tpu.memref_slice %arg3[%add3A_495, %dma_start3A_501, %dma_start3A_502] : memref<1024x2x64xi32, #tpu.memory_space<hbm>> -> memref<1x2x64xi32, #tpu.memory_space<hbm>>
        %dma_start3A_504 = tpu.memref_squeeze %dma_start3A_503 : memref<1x2x64xi32, #tpu.memory_space<hbm>> -> memref<2x64xi32, #tpu.memory_space<hbm>>
        %dma_start3A_505 = arith.constant 0 : i32
        %dma_start3A_506 = arith.constant 0 : i32
        %dma_start3A_507 = tpu.memref_slice %arg9[%dma_start3A_496, %dma_start3A_505, %dma_start3A_506] : memref<4x2x64xi32, #tpu.memory_space<vmem>> -> memref<1x2x64xi32, #tpu.memory_space<vmem>>
        %dma_start3A_508 = tpu.memref_squeeze %dma_start3A_507 : memref<1x2x64xi32, #tpu.memory_space<vmem>> -> memref<2x64xi32, #tpu.memory_space<vmem>>
        %dma_start3A_509 = arith.constant 0 : i32
        %dma_start3A_510 = arith.constant 0 : i32
        %dma_start3A_511 = tpu.memref_slice %arg3[%add3A_495, %dma_start3A_509, %dma_start3A_510] : memref<1024x2x64xi32, #tpu.memory_space<hbm>> -> memref<1x2x64xi32, #tpu.memory_space<hbm>>
        %dma_start3A_512 = tpu.memref_squeeze %dma_start3A_511 : memref<1x2x64xi32, #tpu.memory_space<hbm>> -> memref<2x64xi32, #tpu.memory_space<hbm>>
        tpu.enqueue_dma source(%dma_start3A_512 : memref<2x64xi32, #tpu.memory_space<hbm>>) target(%dma_start3A_508 : memref<2x64xi32, #tpu.memory_space<vmem>>) target_semaphore(%arg19 : memref<!tpu.dma_semaphore, #tpu.memory_space<semaphore_mem>>)
      } else {
      }
      %scan3A_490 = arith.constant 0 : i32
      scf.yield %scan3A_490 : i32
    }
    %scan3A_133 = arith.constant 8 : i32
    %run_scoped3A = arith.constant 0 : i32
    "tpu.region"() ({
      %run_scoped3A_137 = tpu.sem_alloc : memref<!tpu.dma_semaphore, #tpu.memory_space<semaphore_mem>>
      %dma_start3A_138 = arith.constant 0 : i32
      %dma_start3A_139 = tpu.memref_slice %arg7[%run_scoped3A, %add3A, %dma_start3A_138] : memref<1x32x2048xf32, #tpu.memory_space<hbm>> -> memref<1x1x2048xf32, #tpu.memory_space<hbm>>
      %dma_start3A_140 = tpu.memref_squeeze %dma_start3A_139 : memref<1x1x2048xf32, #tpu.memory_space<hbm>> -> memref<2048xf32, #tpu.memory_space<hbm>>
      %dma_start3A_141 = arith.constant 0 : i32
      %dma_start3A_142 = tpu.memref_slice %arg7[%run_scoped3A, %add3A, %dma_start3A_141] : memref<1x32x2048xf32, #tpu.memory_space<hbm>> -> memref<1x1x2048xf32, #tpu.memory_space<hbm>>
      %dma_start3A_143 = tpu.memref_squeeze %dma_start3A_142 : memref<1x1x2048xf32, #tpu.memory_space<hbm>> -> memref<2048xf32, #tpu.memory_space<hbm>>
      tpu.enqueue_dma source(%arg11 : memref<2048xf32, #tpu.memory_space<vmem>>) target(%dma_start3A_143 : memref<2048xf32, #tpu.memory_space<hbm>>) target_semaphore(%run_scoped3A_137 : memref<!tpu.dma_semaphore, #tpu.memory_space<semaphore_mem>>)
      %dma_wait3A_144 = arith.constant 0 : i32
      %dma_wait3A_145 = tpu.memref_slice %arg7[%run_scoped3A, %add3A, %dma_wait3A_144] : memref<1x32x2048xf32, #tpu.memory_space<hbm>> -> memref<1x1x2048xf32, #tpu.memory_space<hbm>>
      %dma_wait3A_146 = tpu.memref_squeeze %dma_wait3A_145 : memref<1x1x2048xf32, #tpu.memory_space<hbm>> -> memref<2048xf32, #tpu.memory_space<hbm>>
      %dma_wait3A_147 = arith.constant 0 : i32
      %dma_wait3A_148 = tpu.memref_slice %arg7[%run_scoped3A, %add3A, %dma_wait3A_147] : memref<1x32x2048xf32, #tpu.memory_space<hbm>> -> memref<1x1x2048xf32, #tpu.memory_space<hbm>>
      %dma_wait3A_149 = tpu.memref_squeeze %dma_wait3A_148 : memref<1x1x2048xf32, #tpu.memory_space<hbm>> -> memref<2048xf32, #tpu.memory_space<hbm>>
      tpu.wait_dma2 semaphore(%run_scoped3A_137 : memref<!tpu.dma_semaphore, #tpu.memory_space<semaphore_mem>>) src(%arg11 : memref<2048xf32, #tpu.memory_space<vmem>>) dst(%dma_wait3A_149 : memref<2048xf32, #tpu.memory_space<hbm>>)
      tpu.yield
    }) : () -> ()
    %run_scoped3A_134 = arith.constant 0 : i32
    "tpu.region"() ({
      %run_scoped3A_137 = tpu.sem_alloc : memref<!tpu.dma_semaphore, #tpu.memory_space<semaphore_mem>>
      %dma_start3A_138 = arith.constant 0 : i32
      %dma_start3A_139 = tpu.memref_slice %arg8[%run_scoped3A_134, %add3A, %dma_start3A_138] : memref<2x32x12032xf32, #tpu.memory_space<hbm>> -> memref<1x1x12032xf32, #tpu.memory_space<hbm>>
      %dma_start3A_140 = tpu.memref_squeeze %dma_start3A_139 : memref<1x1x12032xf32, #tpu.memory_space<hbm>> -> memref<12032xf32, #tpu.memory_space<hbm>>
      %dma_start3A_141 = arith.constant 0 : i32
      %dma_start3A_142 = tpu.memref_slice %arg8[%run_scoped3A_134, %add3A, %dma_start3A_141] : memref<2x32x12032xf32, #tpu.memory_space<hbm>> -> memref<1x1x12032xf32, #tpu.memory_space<hbm>>
      %dma_start3A_143 = tpu.memref_squeeze %dma_start3A_142 : memref<1x1x12032xf32, #tpu.memory_space<hbm>> -> memref<12032xf32, #tpu.memory_space<hbm>>
      tpu.enqueue_dma source(%arg13 : memref<12032xf32, #tpu.memory_space<vmem>>) target(%dma_start3A_143 : memref<12032xf32, #tpu.memory_space<hbm>>) target_semaphore(%run_scoped3A_137 : memref<!tpu.dma_semaphore, #tpu.memory_space<semaphore_mem>>)
      %dma_wait3A_144 = arith.constant 0 : i32
      %dma_wait3A_145 = tpu.memref_slice %arg8[%run_scoped3A_134, %add3A, %dma_wait3A_144] : memref<2x32x12032xf32, #tpu.memory_space<hbm>> -> memref<1x1x12032xf32, #tpu.memory_space<hbm>>
      %dma_wait3A_146 = tpu.memref_squeeze %dma_wait3A_145 : memref<1x1x12032xf32, #tpu.memory_space<hbm>> -> memref<12032xf32, #tpu.memory_space<hbm>>
      %dma_wait3A_147 = arith.constant 0 : i32
      %dma_wait3A_148 = tpu.memref_slice %arg8[%run_scoped3A_134, %add3A, %dma_wait3A_147] : memref<2x32x12032xf32, #tpu.memory_space<hbm>> -> memref<1x1x12032xf32, #tpu.memory_space<hbm>>
      %dma_wait3A_149 = tpu.memref_squeeze %dma_wait3A_148 : memref<1x1x12032xf32, #tpu.memory_space<hbm>> -> memref<12032xf32, #tpu.memory_space<hbm>>
      tpu.wait_dma2 semaphore(%run_scoped3A_137 : memref<!tpu.dma_semaphore, #tpu.memory_space<semaphore_mem>>) src(%arg13 : memref<12032xf32, #tpu.memory_space<vmem>>) dst(%dma_wait3A_149 : memref<12032xf32, #tpu.memory_space<hbm>>)
      tpu.yield
    }) : () -> ()
    %run_scoped3A_135 = arith.constant 1 : i32
    "tpu.region"() ({
      %run_scoped3A_137 = tpu.sem_alloc : memref<!tpu.dma_semaphore, #tpu.memory_space<semaphore_mem>>
      %dma_start3A_138 = arith.constant 0 : i32
      %dma_start3A_139 = tpu.memref_slice %arg8[%run_scoped3A_135, %add3A, %dma_start3A_138] : memref<2x32x12032xf32, #tpu.memory_space<hbm>> -> memref<1x1x12032xf32, #tpu.memory_space<hbm>>
      %dma_start3A_140 = tpu.memref_squeeze %dma_start3A_139 : memref<1x1x12032xf32, #tpu.memory_space<hbm>> -> memref<12032xf32, #tpu.memory_space<hbm>>
      %dma_start3A_141 = arith.constant 0 : i32
      %dma_start3A_142 = tpu.memref_slice %arg8[%run_scoped3A_135, %add3A, %dma_start3A_141] : memref<2x32x12032xf32, #tpu.memory_space<hbm>> -> memref<1x1x12032xf32, #tpu.memory_space<hbm>>
      %dma_start3A_143 = tpu.memref_squeeze %dma_start3A_142 : memref<1x1x12032xf32, #tpu.memory_space<hbm>> -> memref<12032xf32, #tpu.memory_space<hbm>>
      tpu.enqueue_dma source(%arg14 : memref<12032xf32, #tpu.memory_space<vmem>>) target(%dma_start3A_143 : memref<12032xf32, #tpu.memory_space<hbm>>) target_semaphore(%run_scoped3A_137 : memref<!tpu.dma_semaphore, #tpu.memory_space<semaphore_mem>>)
      %dma_wait3A_144 = arith.constant 0 : i32
      %dma_wait3A_145 = tpu.memref_slice %arg8[%run_scoped3A_135, %add3A, %dma_wait3A_144] : memref<2x32x12032xf32, #tpu.memory_space<hbm>> -> memref<1x1x12032xf32, #tpu.memory_space<hbm>>
      %dma_wait3A_146 = tpu.memref_squeeze %dma_wait3A_145 : memref<1x1x12032xf32, #tpu.memory_space<hbm>> -> memref<12032xf32, #tpu.memory_space<hbm>>
      %dma_wait3A_147 = arith.constant 0 : i32
      %dma_wait3A_148 = tpu.memref_slice %arg8[%run_scoped3A_135, %add3A, %dma_wait3A_147] : memref<2x32x12032xf32, #tpu.memory_space<hbm>> -> memref<1x1x12032xf32, #tpu.memory_space<hbm>>
      %dma_wait3A_149 = tpu.memref_squeeze %dma_wait3A_148 : memref<1x1x12032xf32, #tpu.memory_space<hbm>> -> memref<12032xf32, #tpu.memory_space<hbm>>
      tpu.wait_dma2 semaphore(%run_scoped3A_137 : memref<!tpu.dma_semaphore, #tpu.memory_space<semaphore_mem>>) src(%arg14 : memref<12032xf32, #tpu.memory_space<vmem>>) dst(%dma_wait3A_149 : memref<12032xf32, #tpu.memory_space<hbm>>)
      tpu.yield
    }) : () -> ()
    %barrier3A_136 = arith.constant 0 : index
    tpu.barrier barrier_id(%barrier3A_136)
    "tpu.region"() ({
      %run_scoped3A_137 = tpu.sem_alloc : memref<!tpu.dma_semaphore, #tpu.memory_space<semaphore_mem>>
      %dma_start3A_138 = arith.constant 0 : i32
      %dma_start3A_139 = tpu.memref_slice %arg6[%arg0, %mul3A_4, %dma_start3A_138] : memref<2x2048x128xf32, #tpu.memory_space<hbm>> -> memref<1x128x128xf32, #tpu.memory_space<hbm>>
      %dma_start3A_140 = tpu.memref_squeeze %dma_start3A_139 : memref<1x128x128xf32, #tpu.memory_space<hbm>> -> memref<128x128xf32, #tpu.memory_space<hbm>>
      %dma_start3A_141 = arith.constant 0 : i32
      %dma_start3A_142 = tpu.memref_slice %arg15[%mul3A_4, %dma_start3A_141] : memref<2048x128xf32, #tpu.memory_space<vmem_shared>> -> memref<128x128xf32, #tpu.memory_space<vmem_shared>>
      tpu.enqueue_dma source(%dma_start3A_142 : memref<128x128xf32, #tpu.memory_space<vmem_shared>>) target(%dma_start3A_140 : memref<128x128xf32, #tpu.memory_space<hbm>>) target_semaphore(%run_scoped3A_137 : memref<!tpu.dma_semaphore, #tpu.memory_space<semaphore_mem>>)
      %dma_wait3A_143 = arith.constant 0 : i32
      %dma_wait3A_144 = tpu.memref_slice %arg6[%arg0, %mul3A_4, %dma_wait3A_143] : memref<2x2048x128xf32, #tpu.memory_space<hbm>> -> memref<1x128x128xf32, #tpu.memory_space<hbm>>
      %dma_wait3A_145 = tpu.memref_squeeze %dma_wait3A_144 : memref<1x128x128xf32, #tpu.memory_space<hbm>> -> memref<128x128xf32, #tpu.memory_space<hbm>>
      %dma_wait3A_146 = arith.constant 0 : i32
      %dma_wait3A_147 = tpu.memref_slice %arg15[%mul3A_4, %dma_wait3A_146] : memref<2048x128xf32, #tpu.memory_space<vmem_shared>> -> memref<128x128xf32, #tpu.memory_space<vmem_shared>>
      tpu.wait_dma2 semaphore(%run_scoped3A_137 : memref<!tpu.dma_semaphore, #tpu.memory_space<semaphore_mem>>) src(%dma_wait3A_147 : memref<128x128xf32, #tpu.memory_space<vmem_shared>>) dst(%dma_wait3A_145 : memref<128x128xf32, #tpu.memory_space<hbm>>)
      tpu.yield
    }) : () -> ()
    return
  }
}

module attributes {stable_mosaic.version = 14 : i64} {
  func.func @_xl_body(%arg0: i32, %arg1: memref<400x128xf32, #tpu.memory_space<vmem>>, %arg2: memref<128x128xf32, #tpu.memory_space<vmem>>, %arg3: memref<400x128xf32, #tpu.memory_space<vmem>>) attributes {dimension_semantics = [#tpu.dimension_semantics<arbitrary>], iteration_bounds = array<i64: 25>, scalar_prefetch = 0 : i64, scratch_operands = 0 : i64, tpu.core_type = #tpu.core_type<tc>, window_params = [{transform_indices = @transform_0, window_bounds = array<i64: 400, 128>}, {pipeline_mode = #tpu.pipeline_mode<synchronous>, transform_indices = @transform_1, window_bounds = array<i64: 128, 128>}, {transform_indices = @transform_2, window_bounds = array<i64: 400, 128>}]} {
    %get3A = arith.constant 0 : index
    %get3A_0 = arith.constant 0 : index
    %get3A_1 = vector.load %arg1[%get3A, %get3A_0] : memref<400x128xf32, #tpu.memory_space<vmem>>, vector<400x128xf32>
    %get3A_2 = arith.constant 0 : index
    %get3A_3 = arith.constant 0 : index
    %get3A_4 = vector.load %arg2[%get3A_2, %get3A_3] : memref<128x128xf32, #tpu.memory_space<vmem>>, vector<128x128xf32>
    %dot_general3A = arith.constant dense<0.000000e+00> : vector<400x128xf32>
    %dot_general3A_5 = tpu.matmul %get3A_1, %get3A_4, %dot_general3A {dimension_numbers = #tpu.dot_dimension_numbers<[1], [0], [0], [1], [0, 0, 1, 1], [], []>, transpose_lhs_hint = false} : vector<400x128xf32>, vector<128x128xf32>, vector<400x128xf32> -> vector<400x128xf32>
    %swap3A = arith.constant 0 : index
    %swap3A_6 = arith.constant 0 : index
    %swap3A_7 = vector.load %arg3[%swap3A, %swap3A_6] : memref<400x128xf32, #tpu.memory_space<vmem>>, vector<400x128xf32>
    tpu.vector_store %arg3[%swap3A, %swap3A_6], %dot_general3A_5 {strides = array<i32>} : memref<400x128xf32, #tpu.memory_space<vmem>>, vector<400x128xf32>,
    return
  }
  func.func @transform_0(%arg0: i32) -> (i32, i32) {
    %c0_i32 = arith.constant 0 : i32
    %c0_i32_0 = arith.constant 0 : i32
    return %arg0, %c0_i32 : i32, i32
  }
  func.func @transform_1(%arg0: i32) -> (i32, i32) {
    %c0_i32 = arith.constant 0 : i32
    %c0_i32_0 = arith.constant 0 : i32
    %c0_i32_1 = arith.constant 0 : i32
    return %c0_i32, %c0_i32_0 : i32, i32
  }
  func.func @transform_2(%arg0: i32) -> (i32, i32) {
    %c0_i32 = arith.constant 0 : i32
    %c0_i32_0 = arith.constant 0 : i32
    return %arg0, %c0_i32 : i32, i32
  }
}

module attributes {stable_mosaic.version = 14 : i64} {
  func.func @_xe_body(%arg0: i32, %arg1: memref<200x10000xf32, #tpu.memory_space<vmem>>, %arg2: memref<10000x128xf32, #tpu.memory_space<vmem>>, %arg3: memref<200x128xf32, #tpu.memory_space<vmem>>) attributes {dimension_semantics = [#tpu.dimension_semantics<arbitrary>], iteration_bounds = array<i64: 10>, scalar_prefetch = 0 : i64, scratch_operands = 0 : i64, tpu.core_type = #tpu.core_type<tc>, window_params = [{transform_indices = @transform_0, window_bounds = array<i64: 200, 10000>}, {pipeline_mode = #tpu.pipeline_mode<synchronous>, transform_indices = @transform_1, window_bounds = array<i64: 10000, 128>}, {transform_indices = @transform_2, window_bounds = array<i64: 200, 128>}]} {
    %get3A = arith.constant 0 : index
    %get3A_0 = arith.constant 0 : index
    %get3A_1 = vector.load %arg1[%get3A, %get3A_0] : memref<200x10000xf32, #tpu.memory_space<vmem>>, vector<200x10000xf32>
    %get3A_2 = arith.constant 0 : index
    %get3A_3 = arith.constant 0 : index
    %get3A_4 = vector.load %arg2[%get3A_2, %get3A_3] : memref<10000x128xf32, #tpu.memory_space<vmem>>, vector<10000x128xf32>
    %dot_general3A = arith.constant dense<0.000000e+00> : vector<200x128xf32>
    %dot_general3A_5 = tpu.matmul %get3A_1, %get3A_4, %dot_general3A {dimension_numbers = #tpu.dot_dimension_numbers<[1], [0], [0], [1], [0, 0, 1, 1], [], []>, transpose_lhs_hint = false} : vector<200x10000xf32>, vector<10000x128xf32>, vector<200x128xf32> -> vector<200x128xf32>
    %reduce_sum3A = arith.constant dense<0.000000e+00> : vector<200xf32>
    %reduce_sum3A_6 = vector.multi_reduction <add>, %get3A_1, %reduce_sum3A [1] : vector<200x10000xf32> to vector<200xf32>
    %broadcast_in_dim3A = vector.shape_cast %reduce_sum3A_6 : vector<200xf32> to vector<200x1xf32>
    %add3A = arith.constant 0.00999999977 : f32
    %add3A_7 = vector.broadcast %add3A : f32 to vector<200x1xf32>
    %add3A_8 = arith.addf %broadcast_in_dim3A, %add3A_7 : vector<200x1xf32>
    %div3A = vector.broadcast %add3A_8 : vector<200x1xf32> to vector<200x128xf32>
    %div3A_9 = arith.divf %dot_general3A_5, %div3A : vector<200x128xf32>
    %swap3A = arith.constant 0 : index
    %swap3A_10 = arith.constant 0 : index
    %swap3A_11 = vector.load %arg3[%swap3A, %swap3A_10] : memref<200x128xf32, #tpu.memory_space<vmem>>, vector<200x128xf32>
    tpu.vector_store %arg3[%swap3A, %swap3A_10], %div3A_9 {strides = array<i32>} : memref<200x128xf32, #tpu.memory_space<vmem>>, vector<200x128xf32>,
    return
  }
  func.func @transform_0(%arg0: i32) -> (i32, i32) {
    %c0_i32 = arith.constant 0 : i32
    %c0_i32_0 = arith.constant 0 : i32
    return %arg0, %c0_i32 : i32, i32
  }
  func.func @transform_1(%arg0: i32) -> (i32, i32) {
    %c0_i32 = arith.constant 0 : i32
    %c0_i32_0 = arith.constant 0 : i32
    %c0_i32_1 = arith.constant 0 : i32
    return %c0_i32, %c0_i32_0 : i32, i32
  }
  func.func @transform_2(%arg0: i32) -> (i32, i32) {
    %c0_i32 = arith.constant 0 : i32
    %c0_i32_0 = arith.constant 0 : i32
    return %arg0, %c0_i32 : i32, i32
  }
}

module attributes {stable_mosaic.version = 14 : i64} {
  func.func @_xh_body(%arg0: i32, %arg1: memref<512x128xf32, #tpu.memory_space<vmem>>, %arg2: memref<512x128xf32, #tpu.memory_space<vmem>>, %arg3: memref<512x128xf32, #tpu.memory_space<vmem>>, %arg4: memref<512x32xf32, #tpu.memory_space<vmem>>, %arg5: memref<128x128xf32, #tpu.memory_space<vmem>>, %arg6: memref<128x128xf32, #tpu.memory_space<vmem>>, %arg7: memref<512x128xf32, #tpu.memory_space<vmem>>) attributes {dimension_semantics = [#tpu.dimension_semantics<arbitrary>], iteration_bounds = array<i64: 4>, scalar_prefetch = 0 : i64, scratch_operands = 0 : i64, tpu.core_type = #tpu.core_type<tc>, window_params = [{transform_indices = @transform_0, window_bounds = array<i64: 512, 128>}, {transform_indices = @transform_1, window_bounds = array<i64: 512, 128>}, {transform_indices = @transform_2, window_bounds = array<i64: 512, 128>}, {transform_indices = @transform_3, window_bounds = array<i64: 512, 32>}, {pipeline_mode = #tpu.pipeline_mode<synchronous>, transform_indices = @transform_4, window_bounds = array<i64: 128, 128>}, {pipeline_mode = #tpu.pipeline_mode<synchronous>, transform_indices = @transform_5, window_bounds = array<i64: 128, 128>}, {transform_indices = @transform_6, window_bounds = array<i64: 512, 128>}]} {
    %get3A = arith.constant 0 : index
    %get3A_0 = arith.constant 0 : index
    %get3A_1 = vector.load %arg1[%get3A, %get3A_0] : memref<512x128xf32, #tpu.memory_space<vmem>>, vector<512x128xf32>
    %get3A_2 = arith.constant 0 : index
    %get3A_3 = arith.constant 0 : index
    %get3A_4 = vector.load %arg2[%get3A_2, %get3A_3] : memref<512x128xf32, #tpu.memory_space<vmem>>, vector<512x128xf32>
    %get3A_5 = arith.constant 0 : index
    %get3A_6 = arith.constant 0 : index
    %get3A_7 = vector.load %arg3[%get3A_5, %get3A_6] : memref<512x128xf32, #tpu.memory_space<vmem>>, vector<512x128xf32>
    %add3A = arith.addf %get3A_4, %get3A_7 : vector<512x128xf32>
    %get3A_8 = arith.constant 0 : index
    %get3A_9 = arith.constant 0 : index
    %get3A_10 = vector.load %arg4[%get3A_8, %get3A_9] : memref<512x32xf32, #tpu.memory_space<vmem>>, vector<512x32xf32>
    %reduce_sum3A = arith.constant dense<0.000000e+00> : vector<512xf32>
    %reduce_sum3A_11 = vector.multi_reduction <add>, %get3A_10, %reduce_sum3A [1] : vector<512x32xf32> to vector<512xf32>
    %broadcast_in_dim3A = vector.shape_cast %reduce_sum3A_11 : vector<512xf32> to vector<512x1xf32>
    %max3A = arith.constant 1.000000e+00 : f32
    %max3A_12 = vector.broadcast %max3A : f32 to vector<512x1xf32>
    %max3A_13 = arith.maximumf %broadcast_in_dim3A, %max3A_12 : vector<512x1xf32>
    %div3A = vector.broadcast %max3A_13 : vector<512x1xf32> to vector<512x128xf32>
    %div3A_14 = arith.divf %add3A, %div3A : vector<512x128xf32>
    %get3A_15 = arith.constant 0 : index
    %get3A_16 = arith.constant 0 : index
    %get3A_17 = vector.load %arg5[%get3A_15, %get3A_16] : memref<128x128xf32, #tpu.memory_space<vmem>>, vector<128x128xf32>
    %dot_general3A = arith.constant dense<0.000000e+00> : vector<512x128xf32>
    %dot_general3A_18 = tpu.matmul %get3A_1, %get3A_17, %dot_general3A {dimension_numbers = #tpu.dot_dimension_numbers<[1], [0], [0], [1], [0, 0, 1, 1], [], []>, transpose_lhs_hint = false} : vector<512x128xf32>, vector<128x128xf32>, vector<512x128xf32> -> vector<512x128xf32>
    %get3A_19 = arith.constant 0 : index
    %get3A_20 = arith.constant 0 : index
    %get3A_21 = vector.load %arg6[%get3A_19, %get3A_20] : memref<128x128xf32, #tpu.memory_space<vmem>>, vector<128x128xf32>
    %dot_general3A_22 = arith.constant dense<0.000000e+00> : vector<512x128xf32>
    %dot_general3A_23 = tpu.matmul %div3A_14, %get3A_21, %dot_general3A_22 {dimension_numbers = #tpu.dot_dimension_numbers<[1], [0], [0], [1], [0, 0, 1, 1], [], []>, transpose_lhs_hint = false} : vector<512x128xf32>, vector<128x128xf32>, vector<512x128xf32> -> vector<512x128xf32>
    %add3A_24 = arith.addf %dot_general3A_18, %dot_general3A_23 : vector<512x128xf32>
    %gt3A = arith.constant 0.000000e+00 : f32
    %gt3A_25 = vector.broadcast %gt3A : f32 to vector<512x1xf32>
    %gt3A_26 = arith.cmpf ogt, %broadcast_in_dim3A, %gt3A_25 : vector<512x1xf32>
    %jit3A = arith.constant 0.000000e+00 : f32
    %broadcast_in_dim3A_27 = vector.shape_cast %gt3A_26 : vector<512x1xi1> to vector<512x1xi1>
    %broadcast_in_dim3A_28 = vector.broadcast %broadcast_in_dim3A_27 : vector<512x1xi1> to vector<512x128xi1>
    %broadcast_in_dim3A_29 = vector.broadcast %jit3A : f32 to vector<512x128xf32>
    %select_n3A = arith.select %broadcast_in_dim3A_28, %add3A_24, %broadcast_in_dim3A_29 : vector<512x128xi1>, vector<512x128xf32>
    %swap3A = arith.constant 0 : index
    %swap3A_30 = arith.constant 0 : index
    %swap3A_31 = vector.load %arg7[%swap3A, %swap3A_30] : memref<512x128xf32, #tpu.memory_space<vmem>>, vector<512x128xf32>
    tpu.vector_store %arg7[%swap3A, %swap3A_30], %select_n3A {strides = array<i32>} : memref<512x128xf32, #tpu.memory_space<vmem>>, vector<512x128xf32>,
    return
  }
  func.func @transform_0(%arg0: i32) -> (i32, i32) {
    %c0_i32 = arith.constant 0 : i32
    %c0_i32_0 = arith.constant 0 : i32
    return %arg0, %c0_i32 : i32, i32
  }
  func.func @transform_1(%arg0: i32) -> (i32, i32) {
    %c0_i32 = arith.constant 0 : i32
    %c0_i32_0 = arith.constant 0 : i32
    return %arg0, %c0_i32 : i32, i32
  }
  func.func @transform_2(%arg0: i32) -> (i32, i32) {
    %c0_i32 = arith.constant 0 : i32
    %c0_i32_0 = arith.constant 0 : i32
    return %arg0, %c0_i32 : i32, i32
  }
  func.func @transform_3(%arg0: i32) -> (i32, i32) {
    %c0_i32 = arith.constant 0 : i32
    %c0_i32_0 = arith.constant 0 : i32
    return %arg0, %c0_i32 : i32, i32
  }
  func.func @transform_4(%arg0: i32) -> (i32, i32) {
    %c0_i32 = arith.constant 0 : i32
    %c0_i32_0 = arith.constant 0 : i32
    %c0_i32_1 = arith.constant 0 : i32
    return %c0_i32, %c0_i32_0 : i32, i32
  }
  func.func @transform_5(%arg0: i32) -> (i32, i32) {
    %c0_i32 = arith.constant 0 : i32
    %c0_i32_0 = arith.constant 0 : i32
    %c0_i32_1 = arith.constant 0 : i32
    return %c0_i32, %c0_i32_0 : i32, i32
  }
  func.func @transform_6(%arg0: i32) -> (i32, i32) {
    %c0_i32 = arith.constant 0 : i32
    %c0_i32_0 = arith.constant 0 : i32
    return %arg0, %c0_i32 : i32, i32
  }
}

module attributes {stable_mosaic.version = 14 : i64} {
  func.func @_red_body(%arg0: i32, %arg1: memref<128x128xf32, #tpu.memory_space<vmem>>, %arg2: memref<2x128x128xf32, #tpu.memory_space<vmem>>, %arg3: memref<128x32xf32, #tpu.memory_space<vmem>>, %arg4: memref<128x32xf32, #tpu.memory_space<vmem>>, %arg5: memref<128x128xf32, #tpu.memory_space<vmem>>, %arg6: memref<8x128xf32, #tpu.memory_space<vmem>>) attributes {dimension_semantics = [#tpu.dimension_semantics<arbitrary>], iteration_bounds = array<i64: 94>, scalar_prefetch = 0 : i64, scratch_operands = 0 : i64, tpu.core_type = #tpu.core_type<tc>, window_params = [{transform_indices = @transform_0, window_bounds = array<i64: 128, 128>}, {transform_indices = @transform_1, window_bounds = array<i64: 2, 128, 128>}, {transform_indices = @transform_2, window_bounds = array<i64: 128, 32>}, {transform_indices = @transform_3, window_bounds = array<i64: 128, 32>}, {transform_indices = @transform_4, window_bounds = array<i64: 128, 128>}, {pipeline_mode = #tpu.pipeline_mode<synchronous>, transform_indices = @transform_5, window_bounds = array<i64: 8, 128>}]} {
    %get3A = arith.constant 0 : index
    %get3A_0 = arith.constant 0 : index
    %get3A_1 = vector.load %arg1[%get3A, %get3A_0] : memref<128x128xf32, #tpu.memory_space<vmem>>, vector<128x128xf32>
    %get3A_2 = arith.constant 0 : index
    %get3A_3 = arith.constant 0 : index
    %get3A_4 = arith.constant 0 : index
    %get3A_5 = vector.load %arg2[%get3A_2, %get3A_3, %get3A_4] : memref<2x128x128xf32, #tpu.memory_space<vmem>>, vector<1x128x128xf32>
    %get3A_6 = vector.shape_cast %get3A_5 : vector<1x128x128xf32> to vector<128x128xf32>
    %get3A_7 = arith.constant 1 : index
    %get3A_8 = arith.constant 0 : index
    %get3A_9 = arith.constant 0 : index
    %get3A_10 = vector.load %arg2[%get3A_7, %get3A_8, %get3A_9] : memref<2x128x128xf32, #tpu.memory_space<vmem>>, vector<1x128x128xf32>
    %get3A_11 = vector.shape_cast %get3A_10 : vector<1x128x128xf32> to vector<128x128xf32>
    %add3A = arith.addf %get3A_6, %get3A_11 : vector<128x128xf32>
    %get3A_12 = arith.constant 0 : index
    %get3A_13 = arith.constant 0 : index
    %get3A_14 = vector.load %arg3[%get3A_12, %get3A_13] : memref<128x32xf32, #tpu.memory_space<vmem>>, vector<128x32xf32>
    %reduce_sum3A = arith.constant dense<0.000000e+00> : vector<128xf32>
    %reduce_sum3A_15 = vector.multi_reduction <add>, %get3A_14, %reduce_sum3A [1] : vector<128x32xf32> to vector<128xf32>
    %broadcast_in_dim3A = vector.shape_cast %reduce_sum3A_15 : vector<128xf32> to vector<128x1xf32>
    %get3A_16 = arith.constant 0 : index
    %get3A_17 = arith.constant 0 : index
    %get3A_18 = vector.load %arg4[%get3A_16, %get3A_17] : memref<128x32xf32, #tpu.memory_space<vmem>>, vector<128x32xf32>
    %reduce_sum3A_19 = arith.constant dense<0.000000e+00> : vector<128xf32>
    %reduce_sum3A_20 = vector.multi_reduction <add>, %get3A_18, %reduce_sum3A_19 [1] : vector<128x32xf32> to vector<128xf32>
    %broadcast_in_dim3A_21 = vector.shape_cast %reduce_sum3A_20 : vector<128xf32> to vector<128x1xf32>
    %swap3A = arith.constant 0 : index
    %swap3A_22 = arith.constant 0 : index
    %swap3A_23 = vector.load %arg5[%swap3A, %swap3A_22] : memref<128x128xf32, #tpu.memory_space<vmem>>, vector<128x128xf32>
    tpu.vector_store %arg5[%swap3A, %swap3A_22], %add3A {strides = array<i32>} : memref<128x128xf32, #tpu.memory_space<vmem>>, vector<128x128xf32>,
    %eq3A = arith.constant 0 : i32
    %eq3A_24 = arith.cmpi eq, %arg0, %eq3A : i32
    %convert_element_type3A = arith.extui %eq3A_24 : i1 to i32
    %cond3A = arith.constant 0 : i32
    %cond3A_25 = arith.cmpi ne, %convert_element_type3A, %cond3A : i32
    scf.if %cond3A_25 {
      %broadcast_in_dim3A_61 = arith.constant 0.000000e+00 : f32
      %broadcast_in_dim3A_62 = vector.broadcast %broadcast_in_dim3A_61 : f32 to vector<8x128xf32>
      %swap3A_63 = arith.constant 0 : index
      %swap3A_64 = arith.constant 0 : index
      %swap3A_65 = vector.load %arg6[%swap3A_63, %swap3A_64] : memref<8x128xf32, #tpu.memory_space<vmem>>, vector<8x128xf32>
      tpu.vector_store %arg6[%swap3A_63, %swap3A_64], %broadcast_in_dim3A_62 {strides = array<i32>} : memref<8x128xf32, #tpu.memory_space<vmem>>, vector<8x128xf32>,
    } else {
    }
    %mul3A = arith.mulf %get3A_1, %get3A_1 : vector<128x128xf32>
    %get3A_26 = arith.constant 0 : index
    %get3A_27 = arith.constant 0 : index
    %get3A_28 = vector.load %arg6[%get3A_26, %get3A_27] : memref<8x128xf32, #tpu.memory_space<vmem>>, vector<1x128xf32>
    %mul3A_29 = arith.mulf %get3A_1, %add3A : vector<128x128xf32>
    %reduce_sum3A_30 = arith.constant dense<0.000000e+00> : vector<128xf32>
    %reduce_sum3A_31 = vector.multi_reduction <add>, %mul3A_29, %reduce_sum3A_30 [0] : vector<128x128xf32> to vector<128xf32>
    %broadcast_in_dim3A_32 = vector.shape_cast %reduce_sum3A_31 : vector<128xf32> to vector<1x128xf32>
    %add3A_33 = arith.addf %get3A_28, %broadcast_in_dim3A_32 : vector<1x128xf32>
    %swap3A_34 = arith.constant 0 : index
    %swap3A_35 = arith.constant 0 : index
    %swap3A_36 = vector.load %arg6[%swap3A_34, %swap3A_35] : memref<8x128xf32, #tpu.memory_space<vmem>>, vector<1x128xf32>
    tpu.vector_store %arg6[%swap3A_34, %swap3A_35], %add3A_33 {strides = array<i32>} : memref<8x128xf32, #tpu.memory_space<vmem>>, vector<1x128xf32>,
    %get3A_37 = arith.constant 1 : index
    %get3A_38 = arith.constant 0 : index
    %get3A_39 = vector.load %arg6[%get3A_37, %get3A_38] : memref<8x128xf32, #tpu.memory_space<vmem>>, vector<1x128xf32>
    %mul3A_40 = vector.broadcast %broadcast_in_dim3A : vector<128x1xf32> to vector<128x128xf32>
    %mul3A_41 = arith.mulf %mul3A_40, %mul3A : vector<128x128xf32>
    %reduce_sum3A_42 = arith.constant dense<0.000000e+00> : vector<128xf32>
    %reduce_sum3A_43 = vector.multi_reduction <add>, %mul3A_41, %reduce_sum3A_42 [0] : vector<128x128xf32> to vector<128xf32>
    %broadcast_in_dim3A_44 = vector.shape_cast %reduce_sum3A_43 : vector<128xf32> to vector<1x128xf32>
    %add3A_45 = arith.addf %get3A_39, %broadcast_in_dim3A_44 : vector<1x128xf32>
    %swap3A_46 = arith.constant 1 : index
    %swap3A_47 = arith.constant 0 : index
    %swap3A_48 = vector.load %arg6[%swap3A_46, %swap3A_47] : memref<8x128xf32, #tpu.memory_space<vmem>>, vector<1x128xf32>
    tpu.vector_store %arg6[%swap3A_46, %swap3A_47], %add3A_45 {strides = array<i32>} : memref<8x128xf32, #tpu.memory_space<vmem>>, vector<1x128xf32>,
    %get3A_49 = arith.constant 2 : index
    %get3A_50 = arith.constant 0 : index
    %get3A_51 = vector.load %arg6[%get3A_49, %get3A_50] : memref<8x128xf32, #tpu.memory_space<vmem>>, vector<1x128xf32>
    %mul3A_52 = vector.broadcast %broadcast_in_dim3A_21 : vector<128x1xf32> to vector<128x128xf32>
    %mul3A_53 = arith.mulf %mul3A_52, %mul3A : vector<128x128xf32>
    %reduce_sum3A_54 = arith.constant dense<0.000000e+00> : vector<128xf32>
    %reduce_sum3A_55 = vector.multi_reduction <add>, %mul3A_53, %reduce_sum3A_54 [0] : vector<128x128xf32> to vector<128xf32>
    %broadcast_in_dim3A_56 = vector.shape_cast %reduce_sum3A_55 : vector<128xf32> to vector<1x128xf32>
    %add3A_57 = arith.addf %get3A_51, %broadcast_in_dim3A_56 : vector<1x128xf32>
    %swap3A_58 = arith.constant 2 : index
    %swap3A_59 = arith.constant 0 : index
    %swap3A_60 = vector.load %arg6[%swap3A_58, %swap3A_59] : memref<8x128xf32, #tpu.memory_space<vmem>>, vector<1x128xf32>
    tpu.vector_store %arg6[%swap3A_58, %swap3A_59], %add3A_57 {strides = array<i32>} : memref<8x128xf32, #tpu.memory_space<vmem>>, vector<1x128xf32>,
    return
  }
  func.func @transform_0(%arg0: i32) -> (i32, i32) {
    %c0_i32 = arith.constant 0 : i32
    %c0_i32_0 = arith.constant 0 : i32
    return %arg0, %c0_i32 : i32, i32
  }
  func.func @transform_1(%arg0: i32) -> (i32, i32, i32) {
    %c0_i32 = arith.constant 0 : i32
    %c0_i32_0 = arith.constant 0 : i32
    %c0_i32_1 = arith.constant 0 : i32
    return %c0_i32, %arg0, %c0_i32_0 : i32, i32, i32
  }
  func.func @transform_2(%arg0: i32) -> (i32, i32) {
    %c0_i32 = arith.constant 0 : i32
    %c0_i32_0 = arith.constant 0 : i32
    return %arg0, %c0_i32 : i32, i32
  }
  func.func @transform_3(%arg0: i32) -> (i32, i32) {
    %c0_i32 = arith.constant 0 : i32
    %c0_i32_0 = arith.constant 0 : i32
    return %arg0, %c0_i32 : i32, i32
  }
  func.func @transform_4(%arg0: i32) -> (i32, i32) {
    %c0_i32 = arith.constant 0 : i32
    %c0_i32_0 = arith.constant 0 : i32
    return %arg0, %c0_i32 : i32, i32
  }
  func.func @transform_5(%arg0: i32) -> (i32, i32) {
    %c0_i32 = arith.constant 0 : i32
    %c0_i32_0 = arith.constant 0 : i32
    %c0_i32_1 = arith.constant 0 : i32
    return %c0_i32, %c0_i32_0 : i32, i32
  }
}

module attributes {stable_mosaic.version = 14 : i64} {
  func.func @_xv_body(%arg0: i32, %arg1: memref<128x128xf32, #tpu.memory_space<vmem>>, %arg2: memref<128x32xf32, #tpu.memory_space<vmem>>, %arg3: memref<8x128xf32, #tpu.memory_space<vmem>>, %arg4: memref<128x128xf32, #tpu.memory_space<vmem>>) attributes {dimension_semantics = [#tpu.dimension_semantics<arbitrary>], iteration_bounds = array<i64: 94>, scalar_prefetch = 0 : i64, scratch_operands = 0 : i64, tpu.core_type = #tpu.core_type<tc>, window_params = [{transform_indices = @transform_0, window_bounds = array<i64: 128, 128>}, {transform_indices = @transform_1, window_bounds = array<i64: 128, 32>}, {pipeline_mode = #tpu.pipeline_mode<synchronous>, transform_indices = @transform_2, window_bounds = array<i64: 8, 128>}, {transform_indices = @transform_3, window_bounds = array<i64: 128, 128>}]} {
    %get3A = arith.constant 0 : index
    %get3A_0 = arith.constant 0 : index
    %get3A_1 = vector.load %arg3[%get3A, %get3A_0] : memref<8x128xf32, #tpu.memory_space<vmem>>, vector<1x128xf32>
    %get3A_2 = arith.constant 1 : index
    %get3A_3 = arith.constant 0 : index
    %get3A_4 = vector.load %arg3[%get3A_2, %get3A_3] : memref<8x128xf32, #tpu.memory_space<vmem>>, vector<1x128xf32>
    %sqrt3A = math.sqrt %get3A_4 : vector<1x128xf32>
    %max3A = arith.constant 9.99999993E-9 : f32
    %max3A_5 = vector.broadcast %max3A : f32 to vector<1x128xf32>
    %max3A_6 = arith.maximumf %sqrt3A, %max3A_5 : vector<1x128xf32>
    %get3A_7 = arith.constant 2 : index
    %get3A_8 = arith.constant 0 : index
    %get3A_9 = vector.load %arg3[%get3A_7, %get3A_8] : memref<8x128xf32, #tpu.memory_space<vmem>>, vector<1x128xf32>
    %sqrt3A_10 = math.sqrt %get3A_9 : vector<1x128xf32>
    %max3A_11 = arith.constant 9.99999993E-9 : f32
    %max3A_12 = vector.broadcast %max3A_11 : f32 to vector<1x128xf32>
    %max3A_13 = arith.maximumf %sqrt3A_10, %max3A_12 : vector<1x128xf32>
    %mul3A = arith.mulf %max3A_6, %max3A_13 : vector<1x128xf32>
    %div3A = arith.divf %get3A_1, %mul3A : vector<1x128xf32>
    %sub3A = arith.constant 1.000000e+00 : f32
    %sub3A_14 = vector.broadcast %sub3A : f32 to vector<1x128xf32>
    %sub3A_15 = arith.subf %sub3A_14, %div3A : vector<1x128xf32>
    %get3A_16 = arith.constant 0 : index
    %get3A_17 = arith.constant 0 : index
    %get3A_18 = vector.load %arg2[%get3A_16, %get3A_17] : memref<128x32xf32, #tpu.memory_space<vmem>>, vector<128x32xf32>
    %reduce_sum3A = arith.constant dense<0.000000e+00> : vector<128xf32>
    %reduce_sum3A_19 = vector.multi_reduction <add>, %get3A_18, %reduce_sum3A [1] : vector<128x32xf32> to vector<128xf32>
    %broadcast_in_dim3A = vector.shape_cast %reduce_sum3A_19 : vector<128xf32> to vector<128x1xf32>
    %get3A_20 = arith.constant 0 : index
    %get3A_21 = arith.constant 0 : index
    %get3A_22 = vector.load %arg1[%get3A_20, %get3A_21] : memref<128x128xf32, #tpu.memory_space<vmem>>, vector<128x128xf32>
    %mul3A_23 = vector.broadcast %sub3A_15 : vector<1x128xf32> to vector<128x128xf32>
    %mul3A_24 = arith.mulf %mul3A_23, %get3A_22 : vector<128x128xf32>
    %max3A_25 = arith.constant 1.000000e+00 : f32
    %max3A_26 = vector.broadcast %max3A_25 : f32 to vector<128x1xf32>
    %max3A_27 = arith.maximumf %broadcast_in_dim3A, %max3A_26 : vector<128x1xf32>
    %div3A_28 = vector.broadcast %max3A_27 : vector<128x1xf32> to vector<128x128xf32>
    %div3A_29 = arith.divf %mul3A_24, %div3A_28 : vector<128x128xf32>
    %swap3A = arith.constant 0 : index
    %swap3A_30 = arith.constant 0 : index
    %swap3A_31 = vector.load %arg4[%swap3A, %swap3A_30] : memref<128x128xf32, #tpu.memory_space<vmem>>, vector<128x128xf32>
    tpu.vector_store %arg4[%swap3A, %swap3A_30], %div3A_29 {strides = array<i32>} : memref<128x128xf32, #tpu.memory_space<vmem>>, vector<128x128xf32>,
    return
  }
  func.func @transform_0(%arg0: i32) -> (i32, i32) {
    %c0_i32 = arith.constant 0 : i32
    %c0_i32_0 = arith.constant 0 : i32
    return %arg0, %c0_i32 : i32, i32
  }
  func.func @transform_1(%arg0: i32) -> (i32, i32) {
    %c0_i32 = arith.constant 0 : i32
    %c0_i32_0 = arith.constant 0 : i32
    return %arg0, %c0_i32 : i32, i32
  }
  func.func @transform_2(%arg0: i32) -> (i32, i32) {
    %c0_i32 = arith.constant 0 : i32
    %c0_i32_0 = arith.constant 0 : i32
    %c0_i32_1 = arith.constant 0 : i32
    return %c0_i32, %c0_i32_0 : i32, i32
  }
  func.func @transform_3(%arg0: i32) -> (i32, i32) {
    %c0_i32 = arith.constant 0 : i32
    %c0_i32_0 = arith.constant 0 : i32
    return %arg0, %c0_i32 : i32, i32
  }
}

</mosaic_0001>

<sc_bundles>
// kernel: kernel.10.cloned.1.call-start
scs
__scs_entry_jumppad:
0x0: {  	(pc) =	sbr.rel $0x88, $3  }
0x1: {  	(tag) =	ssettag $0x0;
	lr =	simm.s32 $0x1  }
0x2: {  	[smem:$0x3F9A] =	sst lr;
	_ =	strace $0xD0000000  }
0x3: {  	_ = 	snop  }
0x4: {  	_ = 	snop  }
0x5: {  	_ = 	snop  }
0x6: {  	_ = 	snop  }
0x7: {  	_ = 	snop  }
__scs_overlays_trampoline_lowered:
0x8: {  	[smem:$0x3FA9] =	sst s0  }
0x9: {  	[smem:$0x3FAA] =	sst s1  }
0xa: {  	[smem:$0x3FAB] =	sst s2  }
0xb: {  	[smem:$0x3FAC] =	sst s3  }
0xc: {  	[smem:$0x3FAD] =	sst s4  }
0xd: {  	[smem:$0x3FAE] =	sst s5  }
0xe: {  	[smem:$0x3FAF] =	sst s6  }
0xf: {  	[smem:$0x3FB0] =	sst s7  }
0x10: {  	[smem:$0x3FB1] =	sst s8  }
0x11: {  	[smem:$0x3FB2] =	sst s9;
	s0 =	simm.s32 @!p0 $0x0  }
0x12: {  	s1 =	sld [smem:$0x3F98];
	s0 =	simm.s32 @p0 $0x1  }
0x13: {  	[smem:$0x3FB3] =	sst s0;
	s0 =	simm.s32 @!p1 $0x0  }
0x14: {  	s2 =	sld [smem:$0x3F97];
	s0 =	simm.s32 @p1 $0x1  }
0x15: {  	[smem:$0x3FB4] =	sst s0;
	s0 =	simm.s32 @!p2 $0x0  }
0x16: {  	s3 =	sld [smem:$0x3FDB];
	s0 =	simm.s32 @p2 $0x1  }
0x17: {  	s4 =	simm.s32 $0x1BF5;
	[smem:$0x3FB6] =	sst s0  }
0x18: {  	s0 =	sld [smem:$0x3F99];
	_ =	swait.ge [sflag:s4], $0x0  }
0x19: {  	s7 =	sld [smem:$0x3F9A]  }
0x1a: {  	s8 =	sadd.s32 $0xFFFFE003, lr  }
0x1b: {  	s9 =	sadd.s32 $0xFFFFFEF7, lr;
	s5 =	simm.s32 $0xFFFFFFFF;
	p2 =	slt.u32 s8, $0xFFFFF086  }
0x1c: {  	p1 =	slt.u32 s9, $0xF7A;
	s5 =	simm.s32 @!p2 $0x0  }
0x1d: {  	s5 =	simm.s32 @p1 $0x1;
	p0 =	seq.s32 s7, s2  }
0x1e: {  	s7 =	smul.u32 @!p0 $0xF7A, s2;
	p2 =	seq.s32 @!p0 s5, $0x0  }
0x1f: {  	s9 =	smul.u32 $0xF7A, s1;
	s8 =	simm.s32 @!p0 $0x1BF5;
	p2 =	por !p2, p0  }
0x20: {  	[sflag:s8] =	ssyncset.s32 @!p0 $0xFFFFF086;
	s6 =	sadd.s32 @!p0 s3, s7;
	s7 =	simm.s32 @!p0 $0x108  }
0x21: {  	s3 =	sadd.s32 s3, s9;
	s6 =	sadd.s32 @!p0 $0x88, s6;
	s7 =	simm.s32 @p2 $0x1082  }
0x22: {  	[simem:s7], [sflag:s8] =	dma.local @!p0 [hbm:s6], $0xF7A  }
0x23: {  	s9 =	sor.u32 $0xD0000000, s2;
	s6 =	simm.s32 $0x108;
	_ =	swait.ge @!p0 [sflag:s8], $0x0  }
0x24: {  	s3 =	sadd.s32 $0x88, s3;
	s6 =	simm.s32 @!p1 $0x1082;
	[sflag:s4] =	ssyncset.s32 $0xFFFFF086  }
0x25: {  	[simem:s6], [sflag:s4] =	dma.local [hbm:s3], $0xF7A  }
0x26: {  	[smem:$0x3F9A] =	sst s1;
	(tag) =	ssettag s2;
	_ =	strace s9  }
0x27: {  	s1 =	sld [smem:$0x3FAA]  }
0x28: {  	s2 =	sld [smem:$0x3FAB]  }
0x29: {  	s4 =	sld [smem:$0x3FAD]  }
0x2a: {  	p0 =	seq.s32 s5, $0x0;
	s5 =	sld [smem:$0x3FAE]  }
0x2b: {  	s6 =	sld [smem:$0x3FAF]  }
0x2c: {  	s7 =	sld [smem:$0x3FB0]  }
0x2d: {  	s3 =	simm.s32 $0x108;
	s8 =	sld [smem:$0x3FB1]  }
0x2e: {  	s3 =	simm.s32 @!p0 $0x1082;
	s9 =	sld [smem:$0x3FB2]  }
0x2f: {  	lr =	sadd.s32 s0, s3;
	s0 =	sld [smem:$0x3FA9]  }
0x30: {  	s3 =	sld [smem:$0x3FAC]  }
0x31: {  	[smem:$0x3FB5] =	sst s10  }
0x32: {  	s10 =	sld [smem:$0x3FB3];
	_ =	sdelay $0x3  }
0x33: {  	p0 =	seq.s32 s10, $0x1;
	s10 =	sld [smem:$0x3FB5];
	_ =	sdelay $0x3  }
0x34: {  	[smem:$0x3FB5] =	sst s10  }
0x35: {  	s10 =	sld [smem:$0x3FB4];
	_ =	sdelay $0x3  }
0x36: {  	p1 =	seq.s32 s10, $0x1;
	s10 =	sld [smem:$0x3FB5];
	_ =	sdelay $0x3  }
0x37: {  	[smem:$0x3FB5] =	sst s10  }
0x38: {  	s10 =	sld [smem:$0x3FB6]  }
0x39: {  	_ = 	snop;
	(pc) =	sbr.ind lr, $3  }
0x3a: {  	_ = 	snop  }
0x3b: {  	_ = 	snop  }
0x3c: {  	p2 =	seq.s32 s10, $0x1;
	s10 =	sld [smem:$0x3FB5]  }
0x3d: {  	_ =	shalt  }
0x3e: {  	_ =	shalt  }
0x3f: {  	_ =	shalt  }
0x40: {  	_ =	shalt  }
0x41: {  	_ =	shalt  }
0x42: {  	_ =	shalt  }
0x43: {  	_ =	shalt  }
0x44: {  	_ =	shalt  }
0x45: {  	_ =	shalt  }
0x46: {  	_ =	shalt  }
0x47: {  	_ =	shalt  }
0x48: {  	_ =	shalt  }
0x49: {  	_ =	shalt  }
0x4a: {  	_ =	shalt  }
0x4b: {  	_ =	shalt  }
0x4c: {  	_ =	shalt  }
0x4d: {  	_ =	shalt  }
0x4e: {  	_ =	shalt  }
0x4f: {  	_ =	shalt  }
0x50: {  	_ =	shalt  }
0x51: {  	_ =	shalt  }
0x52: {  	_ =	shalt  }
0x53: {  	_ =	shalt  }
0x54: {  	_ =	shalt  }
0x55: {  	_ =	shalt  }
0x56: {  	_ =	shalt  }
0x57: {  	_ =	shalt  }
0x58: {  	_ =	shalt  }
0x59: {  	_ =	shalt  }
0x5a: {  	_ =	shalt  }
0x5b: {  	_ =	shalt  }
0x5c: {  	_ =	shalt  }
0x5d: {  	_ =	shalt  }
0x5e: {  	_ =	shalt  }
0x5f: {  	_ =	shalt  }
0x60: {  	_ =	shalt  }
0x61: {  	_ =	shalt  }
0x62: {  	_ =	shalt  }
0x63: {  	_ =	shalt  }
0x64: {  	_ =	shalt  }
0x65: {  	_ =	shalt  }
0x66: {  	_ =	shalt  }
0x67: {  	_ =	shalt  }
0x68: {  	_ =	shalt  }
0x69: {  	_ =	shalt  }
0x6a: {  	_ =	shalt  }
0x6b: {  	_ =	shalt  }
0x6c: {  	_ =	shalt  }
0x6d: {  	_ =	shalt  }
0x6e: {  	_ =	shalt  }
0x6f: {  	_ =	shalt  }
0x70: {  	_ =	shalt  }
0x71: {  	_ =	shalt  }
0x72: {  	_ =	shalt  }
0x73: {  	_ =	shalt  }
0x74: {  	_ =	shalt  }
0x75: {  	_ =	shalt  }
0x76: {  	_ =	shalt  }
0x77: {  	_ =	shalt  }
0x78: {  	_ =	shalt  }
0x79: {  	_ =	shalt  }
0x7a: {  	_ =	shalt  }
0x7b: {  	_ =	shalt  }
0x7c: {  	_ =	shalt  }
0x7d: {  	_ =	shalt  }
0x7e: {  	_ =	shalt  }
0x7f: {  	_ =	shalt  }
0x80: {  	_ =	shalt  }
0x81: {  	_ =	shalt  }
0x82: {  	_ =	shalt  }
0x83: {  	_ =	shalt  }
0x84: {  	_ =	shalt  }
0x85: {  	_ =	shalt  }
0x86: {  	_ =	shalt  }
0x87: {  	_ =	shalt  }
.Lfunc_end0:
.L_simem_size_0:
called_computation_lowered:
.L_overlay_start_0:
0x88: {  	s2 =	sld [smem:$0x3FD9]  }
0x89: {  	s3 =	sld [smem:$0x3FFE];
	_ =	sdelay $0x1  }
0x8a: {  	s1 =	srdreg.scid  }
0x8b: {  	s0 =	sand.u32 $0x1, s1  }
0x8c: {  	s17 =	sshll.u32 s0, $0xA;
	s2 =	sadd.s32 s3, s2  }
0x8d: {  	s2 =	sadd.s32 s2, s17  }
0x8e: {  	[smem:$0x3FC1] =	sst s2  }
0x8f: {  	_ = 	snop  }
0x90: {  	s2 =	sld [smem:$0x3FD0];
	(tm) =	ssettm $0x1  }
0x91: {  	s18 =	sld [smem:$0x3FFB];
	_ =	sdelay $0x3  }
0x92: {  	_ =	strace s18  }
0x93: {  	s3 =	sld [smem:$0x3FFC];
	_ =	sdelay $0x3  }
0x94: {  	_ =	strace s3  }
0x95: {  	s3 =	sld [smem:$0x3FFD];
	_ =	sdelay $0x3  }
0x96: {  	_ =	strace s3  }
0x97: {  	_ =	strace $0x8FFFFFFF  }
0x98: {  	s19 =	sld [smem:$0x3FDB];
	_ =	sdelay $0x1  }
0x99: {  	s4 =	simm.s32 $_scs_section_size  }
0x9a: {  	s5 =	simm.s32 $_size__tile_overlayer_lowered;
	s6 =	simm.s32 $_tile_overlayer_lowered  }
0x9b: {  	s22 =	simm.s32 $0x1BFF;
	s21 =	sshll.u32 s6, $0x1;
	s3 =	sadd.s32 s4, s19  }
0x9c: {  	s7 =	simm.s32 $0x0;
	s20 =	sshll.u32 s5, $0x1;
	s5 =	sadd.s32 s21, s3  }
0x9d: {  	[timem:s7], [sflag:s22] =	dma.local [hbm:s5], s20  }
0x9e: {  	_ =	swait.ge [sflag:s22], s20  }
0x9f: {  	s4 =	ssub.s32 $0x0, s20;
	[sflag:s22] =	ssyncset.done $0x0  }
0xa0: {  	[sflag:s22] =	ssyncadd.s32 s4;
	_ =	sdelay $0x1  }
0xa1: {  	s23 =	simm.s32 $0x1B8B  }
0xa2: {  	_ =	swait.ge [sflag:s23], $0x1  }
0xa3: {  	[sflag:s23] =	ssyncset.done $0x0  }
0xa4: {  	s25 =	simm.s32 $0x1B8E;
	s24 =	sld [smem:$0x3FFE];
	[sflag:s23] =	ssyncadd.s32 $0xFFFFFFFF  }
0xa5: {  	s26 =	simm.s32 $execute0_lowered;
	[smem:$0x3FD2] =	sst s25  }
0xa6: {  	s5 =	sshll.u32 s26, $0x1;
	_ =	strace $0x80000046;
	[dreg:$0x1] =	wrdreg $0xFFFFFFFF  }
0xa7: {  	s28 =	simm.s32 $_size_execute0_lowered;
	s3 =	sadd.s32 s3, s5;
	[dreg:$0x0] =	wrdreg $0x0  }
0xa8: {  	s5 =	sshll.u32 s28, $0x1;
	[dreg:$0x2] =	wrdreg s3  }
0xa9: {  	[dreg:$0x3] =	wrdreg s5  }
0xaa: {  	[dreg:$0x4] =	wrdreg $0xC0  }
0xab: {  	_ =	task [dreg:s7], $0x5FFFF  }
0xac: {  	[dreg:$0x1] =	wrdreg $0xFFFFFFFF  }
0xad: {  	[dreg:$0x0] =	wrdreg $0x60  }
0xae: {  	[dreg:$0x2] =	wrdreg s24  }
0xaf: {  	[dreg:$0x3] =	wrdreg s2  }
0xb0: {  	[dreg:$0x4] =	wrdreg $0x14A000  }
0xb1: {  	[dreg:$0x5] =	wrdreg $0x9  }
0xb2: {  	_ =	task.clear_ibuf [dreg:s7], $0x6FFFF;
	_ =	strace $0x90000046  }
0xb3: {  	s29 =	simm.s32 $0x9;
	_ =	strace $0x80000048  }
0xb4: {  	_ =	swait.ge [sflag:s29], $0x1  }
0xb5: {  	[sflag:s29] =	ssyncadd.s32 $0xFFFFFFFF  }
0xb6: {  	_ =	strace $0x90000048  }
0xb7: {  	_ =	sfence  }
0xb8: {  	s30 =	sld [smem:$0x0];
	_ =	sdelay $0x2  }
0xb9: {  	s31 =	sshll.u32 s1, $0xD;
	s1 =	sshrl.u32 s1, $0x2  }
0xba: {  	s3 =	sand.u32 $0x4000, s31;
	s1 =	sadd.s32 s1, s30  }
0xbb: {  	s0 =	sor.u32 s3, s0;
	s1 =	sshll.u32 s1, $0x11  }
0xbc: {  	s0 =	sor.u32 s1, s0  }
0xbd: {  	s0 =	sadd.s32 $0x8F2B, s0  }
0xbe: {  	[sflag:s0] =	ssyncadd.remote.s32 $0x1  }
0xbf: {  	_ =	sfence.sel $0xFFFF  }
0xc0: {  	[dreg:$0x0] =	wrdreg $0xFFFFFFFF;
	(pc) =	sbr.abs _section_cstart, $3  }
0xc1: {  	[dreg:$0x1] =	wrdreg $0xFFFFFFFF  }
0xc2: {  	_ =	task.clear_ibuf [dreg:s7], $0x2FFFF;
	_ =	strace $0x9FFFFFFF  }
0xc3: {  	(tm) =	ssettm $0x7FFFFFFF  }
tec
execute0_lowered:
.L_overlay_start_1:
0x0: {  	(tag) =	ssettag $0x1  }
0x1: {  	s0 =	rddreg [dreg:$0x0]  }
0x2: {  	s1 =	srdreg.scid;
	s3 =	rddreg [dreg:$0x1]  }
0x3: {  	s2 =	rddreg [dreg:$0x2];
	s15 =	stileid.u32  }
0x4: {  	s6 =	simm.s32 $0x0;
	s28 =	simm.s32 $0x2;
	s29 =	simm.s32 $0x2400  }
0x5: {  	s30 =	simm.s32 $0x3;
	s31 =	simm.s32 $0x4400;
	s1 =	sand.u32 $0x1, s1  }
0x6: {  	[smem:$0x7FF] =	sst s6;
	s14 =	sshll.u32 s15, $0x7;
	s9 =	sadd.s32 $0x2200, s0  }
0x7: {  	s10 =	sshll.u32 s15, $0xB;
	s17 =	sshll.u32 s15, $0xE;
	s25 =	sshll.u32 s15, $0xA  }
0x8: {  	s4 =	sshll.u32 s1, $0x4;
	_ =	strace $0x80000047;
	s7 =	sand.u32 $0x380, s14  }
0x9: {  	s11 =	ssub.s32 $0x2, s1;
	s10 =	sadd.s32 s10, s0;
	s14 =	sshll.u32 s15, $0x6  }
0xa: {  	s24 =	sshll.u32 s1, $0xF;
	s1 =	sshll.u32 s1, $0xE;
	s5 =	sor.u32 s15, s4  }
0xb: {  	s4 =	sadd.s32 $0xA200, s0;
	s12 =	sshrl.u32 s11, $0x1;
	s13 =	sadd.s32 $0x12200, s10  }
0xc: {  	s1 =	sadd.s32 s1, s9;
	s15 =	simm.s32 $0x380;
	s16 =	sshrl.u32 s5, $0x3  }
0xd: {  	s11 =	ssub.s32 s11, s12;
	s12 =	sadd.s32 s17, s2;
	[dreg:$0x4] =	wrdreg s13  }
0xe: {  	s18 =	smul.u32 $0xC00, s5;
	s5 =	sshll.u32 s5, $0xA;
	s17 =	sadd.s32 s25, s1  }
0xf: {  	s25 =	simm.s32 $0x40;
	s1 =	simm.s32 $0x6400;
	s13 =	simm.s32 $0x280  }
0x10: {  	s8 =	sshll.u32 s16, $0xE;
	s6 =	smul.u32 $0x17800, s16;
	s5 =	sadd.s32 s9, s5  }
0x11: {  	s16 =	sor.u32 $0x1C09, s14;
	s26 =	smax.u32 s11, $0x1;
	[dreg:$0x7] =	wrdreg s5  }
0x12: {  	s9 =	simm.s32 $0x11B00;
	s11 =	simm.s32 $0x180;
	[dreg:$0xf] =	wrdreg s26  }
0x13: {  	s14 =	simm.s32 $0x8;
	s3 =	sadd.s32 s3, s18;
	[dreg:$0x5] =	wrdreg s16  }
0x14: {  	s8 =	sor.u32 s7, s8;
	s19 =	sadd.s32 $0x20, s5;
	[dreg:$0x6] =	wrdreg s3  }
0x15: {  	s20 =	sadd.s32 $0x40, s5;
	s5 =	sadd.s32 $0x60, s5;
	[dreg:$0x8] =	wrdreg s19  }
0x16: {  	s26 =	simm.s32 $0x400;
	s18 =	simm.s32 $0x0;
	[dreg:$0x9] =	wrdreg s20  }
0x17: {  	s8 =	sshrl.u32 s8, $0x3;
	s21 =	sor.u32 s7, s6;
	[dreg:$0xa] =	wrdreg s5  }
0x18: {  	s19 =	simm.s32 $0x9;
	s20 =	simm.s32 $0x80;
	s7 =	simm.s32 $0xEC00  }
0x19: {  	s8 =	sadd.s32 s8, s0;
	s0 =	sadd.s32 $0x2C200, s0;
	s22 =	sshrl.u32 s21, $0x3  }
0x1a: {  	s3 =	sadd.s32 $0x5E000, s21;
	s21 =	simm.s32 $0x100;
	s23 =	sadd.s32 $0x2A200, s8  }
0x1b: {  	s5 =	sadd.s32 s0, s22;
	s3 =	sshrl.u32 s3, $0x3;
	s8 =	sshrl.u32 s12, $0x3  }
0x1c: {  	s22 =	simm.s32 $0x200;
	s12 =	simm.s32 $0x7;
	[dreg:$0xb] =	wrdreg s23  }
0x1d: {  	[dreg:$0xc] =	wrdreg s5;
	s0 =	sadd.s32 s0, s3;
	s23 =	simm.s32 $0x300  }
0x1e: {  	s3 =	simm.s32 $0x5;
	[dreg:$0xd] =	wrdreg s0;
	s0 =	sadd.s32 s24, s10  }
0x1f: {  	s5 =	simm.s32 $0x8400;
	[dreg:$0x10] =	wrdreg s8;
	s0 =	sadd.s32 $0x1A200, s0  }
0x20: {  	v0 =	vimm.f32 $0.0e+00;
	v1 =	vimm.f32 $1.000000000e+00;
	s10 =	simm.s32 $0x6;
	[dreg:$0xe] =	wrdreg s0;
	s0 =	simm.s32 $0x4  }
.LBB2_1:
0x21: {  	[dreg:$0x11] =	wrdreg s18  }
0x22: {  	s6 =	rddreg [dreg:$0x4]  }
0x23: {  	[spmem:s8], [sflag:s16] =	dma.local [hbm:s6], $0x800  }
0x24: {  	_ =	swait.ge [sflag:s19], $0x800  }
0x25: {  	s24 =	simm.s32 $0x8C00;
	[sflag:s19] =	ssyncset.done $0x0  }
0x26: {  	s16 =	simm.s32 $0x0;
	s18 =	rddreg [dreg:$0x6];
	[sflag:s19] =	ssyncadd.s32 $0xFFFFF800  }
0x27: {  	[tilespmem:s24], [sflag:$0x9] =	stream.linear.gather [hbm4b:s18+s16], $0x6000, $0x38;
	[tilespmem:$0x18A00] =	vst v63  }
0x28: {  	_ =	swait.ge [sflag:s19], $0x6000  }
0x29: {  	[sflag:s19] =	ssyncset.done $0x0  }
0x2a: {  	s6 =	simm.s32 $0x0;
	[sflag:s19] =	ssyncadd.s32 $0xFFFFA000  }
.LBB2_2:
0x2b: {  	p0 =	sne.s32 s6, $0x1FC0  }
.Ltmp0:
0x2c: {  	_ = 	snop;
	(pc) =	sbr.rel @p0 .LBB2_2-.Ltmp0, $3  }
0x2d: {  	_ =	sdelay $0x1  }
0x2e: {  	s8 =	sshra.s32 s6, $0x2  }
0x2f: {  	s6 =	sadd.s32 $0x40, s6;
	[tilespmem:s8+$0x8400] =	vst v0  }
0x30: {  	s6 =	simm.s32 $0x40;
	s8 =	simm.s32 $0x0  }
.LBB2_4:
0x31: {  	p0 =	sne.s32 s6, $0xBBC0;
	[tilespmem:s8+$0xEC00] =	vst v0;
	s18 =	smov.u32 s6;
	s6 =	sadd.s32 $0x40, s6  }
.Ltmp1:
0x32: {  	[tilespmem:s8+$0x11B00] =	vst v0;
	(pc) =	sbr.rel @p0 .LBB2_4-.Ltmp1, $2  }
0x33: {  	_ =	sdelay $0x2  }
0x34: {  	s8 =	sshra.s32 s18, $0x2  }
0x35: {  	[tilespmem:s8+$0xEC00] =	vst v0  }
0x36: {  	[tilespmem:s8+$0x11B00] =	vst v0  }
0x37: {  	[bflag:$0x0] =	sbarrier.arrive $0xFFFF  }
0x38: {  	s8 =	simm.s32 $0x0;
	s6 =	rddreg [dreg:$0x7]  }
0x39: {  	[tilespmem:s8], [sflag:$0x1] =	stream.linear.gather [hbm4b:s6+s8], $0x100, $0x38;
	[tilespmem:$0x18A00] =	vst v63  }
0x3a: {  	s24 =	rddreg [dreg:$0x8]  }
0x3b: {  	[tilespmem:s21], [sflag:$0x2] =	stream.linear.gather [hbm4b:s24+s8], $0x100, $0x38;
	[tilespmem:$0x18A00] =	vst v63  }
0x3c: {  	s16 =	rddreg [dreg:$0x9]  }
0x3d: {  	[tilespmem:s22], [sflag:$0x3] =	stream.linear.gather [hbm4b:s16+s8], $0x100, $0x38;
	[tilespmem:$0x18A00] =	vst v63  }
0x3e: {  	s18 =	rddreg [dreg:$0xa];
	s24 =	simm.s32 $0x1  }
0x3f: {  	[tilespmem:s23], [sflag:$0x4] =	stream.linear.gather [hbm4b:s18+s8], $0x100, $0x38;
	[tilespmem:$0x18A00] =	vst v63  }
0x40: {  	_ =	swait.ge [sflag:s24], $0x100  }
0x41: {  	[sflag:s24] =	ssyncset.done $0x0  }
0x42: {  	[sflag:s24] =	ssyncadd.s32 $0xFFFFFF00;
	s24 =	simm.s32 $0x9200  }
0x43: {  	[tilespmem:s26], [sflag:$0x5] =	stream.indirect.gather [hbm4b:s4+s25], $0x80, s8, s25, $0xb8;
	[tilespmem:$0x18A00] =	vst v63  }
.LBB2_6:
0x44: {  	_ =	swait.ge [sflag:s28], $0x100  }
0x45: {  	[sflag:s28] =	ssyncset.done $0x0  }
0x46: {  	[sflag:s28] =	ssyncadd.s32 $0xFFFFFF00  }
0x47: {  	[tilespmem:s29], [sflag:$0x6] =	stream.indirect.gather [hbm4b:s4+s25], $0x80, s21, s25, $0xb8;
	[tilespmem:$0x18A00] =	vst v63  }
0x48: {  	_ =	swait.ge [sflag:s30], $0x100  }
0x49: {  	[sflag:s30] =	ssyncset.done $0x0  }
0x4a: {  	[sflag:s30] =	ssyncadd.s32 $0xFFFFFF00  }
0x4b: {  	[tilespmem:s31], [sflag:$0x7] =	stream.indirect.gather [hbm4b:s4+s25], $0x80, s22, s25, $0xb8;
	[tilespmem:$0x18A00] =	vst v63  }
0x4c: {  	_ =	swait.ge [sflag:s0], $0x100  }
0x4d: {  	[sflag:s0] =	ssyncset.done $0x0  }
0x4e: {  	[sflag:s0] =	ssyncadd.s32 $0xFFFFFF00  }
0x4f: {  	[tilespmem:s1], [sflag:$0x8] =	stream.indirect.gather [hbm4b:s4+s25], $0x80, s23, s25, $0xb8;
	[tilespmem:$0x18A00] =	vst v63  }
0x50: {  	_ =	swait.ge [sflag:s3], $0x2000  }
0x51: {  	[sflag:s3] =	ssyncset.done $0x0  }
0x52: {  	[sflag:s3] =	ssyncadd.s32 $0xFFFFE000  }
0x53: {  	[spmem:s2] =	stream.indirect.scatter.add.f32 [tilespmem:s26], [sflag:$0x9], $0x80, s20, s25, $0xb8;
	[tilespmem:$0x18A00] =	vst v63  }
0x54: {  	_ =	swait.ge [sflag:s19], $0x2000  }
0x55: {  	[sflag:s19] =	ssyncset.done $0x0  }
0x56: {  	[sflag:s19] =	ssyncadd.s32 $0xFFFFE000  }
0x57: {  	v2 =	vld [tilespmem:$0x80];
	_ =	sdelay $0x7  }
0x58: {  	[tilespmem:v2+s5+$0x0] =	vst.idx.add.f32.msk $0xffff, v1  }
0x59: {  	v2 =	vld [tilespmem:$0x90];
	_ =	sdelay $0x7  }
0x5a: {  	[tilespmem:v2+s5+$0x0] =	vst.idx.add.f32.msk $0xffff, v1  }
0x5b: {  	v2 =	vld [tilespmem:$0xA0];
	_ =	sdelay $0x7  }
0x5c: {  	[tilespmem:v2+s5+$0x0] =	vst.idx.add.f32.msk $0xffff, v1  }
0x5d: {  	v2 =	vld [tilespmem:$0xB0];
	_ =	sdelay $0x7  }
0x5e: {  	[tilespmem:v2+s5+$0x0] =	vst.idx.add.f32.msk $0xffff, v1  }
0x5f: {  	v2 =	vld [tilespmem:s24+$0xFFFFFA80];
	_ =	sdelay $0x7  }
0x60: {  	[tilespmem:v2+s7+$0x0] =	vst.idx.add.f32.msk $0xffff, v1  }
0x61: {  	v2 =	vld [tilespmem:s24+$0xFFFFFA00];
	_ =	sdelay $0x7  }
0x62: {  	[tilespmem:v2+s9+$0x0] =	vst.idx.add.f32.msk $0xffff, v1  }
0x63: {  	v2 =	vld [tilespmem:s24+$0xFFFFFA90];
	_ =	sdelay $0x7  }
0x64: {  	[tilespmem:v2+s7+$0x0] =	vst.idx.add.f32.msk $0xffff, v1  }
0x65: {  	v2 =	vld [tilespmem:s24+$0xFFFFFA10];
	_ =	sdelay $0x7  }
0x66: {  	[tilespmem:v2+s9+$0x0] =	vst.idx.add.f32.msk $0xffff, v1  }
0x67: {  	v2 =	vld [tilespmem:s24+$0xFFFFFAA0];
	_ =	sdelay $0x7  }
0x68: {  	[tilespmem:v2+s7+$0x0] =	vst.idx.add.f32.msk $0xffff, v1  }
0x69: {  	v2 =	vld [tilespmem:s24+$0xFFFFFA20];
	_ =	sdelay $0x7  }
0x6a: {  	[tilespmem:v2+s9+$0x0] =	vst.idx.add.f32.msk $0xffff, v1  }
0x6b: {  	v2 =	vld [tilespmem:s24+$0xFFFFFAB0];
	_ =	sdelay $0x7  }
0x6c: {  	[tilespmem:v2+s7+$0x0] =	vst.idx.add.f32.msk $0xffff, v1  }
0x6d: {  	v2 =	vld [tilespmem:s24+$0xFFFFFA30];
	_ =	sdelay $0x7  }
0x6e: {  	[tilespmem:v2+s9+$0x0] =	vst.idx.add.f32.msk $0xffff, v1  }
0x6f: {  	v2 =	vld [tilespmem:s24+$0xFFFFFB80];
	_ =	sdelay $0x7  }
0x70: {  	[tilespmem:v2+s7+$0x0] =	vst.idx.add.f32.msk $0xffff, v1  }
0x71: {  	v2 =	vld [tilespmem:s24+$0xFFFFFB00];
	_ =	sdelay $0x7  }
0x72: {  	[tilespmem:v2+s9+$0x0] =	vst.idx.add.f32.msk $0xffff, v1  }
0x73: {  	v2 =	vld [tilespmem:s24+$0xFFFFFB90];
	_ =	sdelay $0x7  }
0x74: {  	[tilespmem:v2+s7+$0x0] =	vst.idx.add.f32.msk $0xffff, v1  }
0x75: {  	v2 =	vld [tilespmem:s24+$0xFFFFFB10];
	_ =	sdelay $0x7  }
0x76: {  	[tilespmem:v2+s9+$0x0] =	vst.idx.add.f32.msk $0xffff, v1  }
0x77: {  	v2 =	vld [tilespmem:s24+$0xFFFFFBA0];
	_ =	sdelay $0x7  }
0x78: {  	[tilespmem:v2+s7+$0x0] =	vst.idx.add.f32.msk $0xffff, v1  }
0x79: {  	v2 =	vld [tilespmem:s24+$0xFFFFFB20];
	_ =	sdelay $0x7  }
0x7a: {  	[tilespmem:v2+s9+$0x0] =	vst.idx.add.f32.msk $0xffff, v1  }
0x7b: {  	v2 =	vld [tilespmem:s24+$0xFFFFFBB0];
	_ =	sdelay $0x7  }
0x7c: {  	[tilespmem:v2+s7+$0x0] =	vst.idx.add.f32.msk $0xffff, v1  }
0x7d: {  	v2 =	vld [tilespmem:s24+$0xFFFFFB30];
	_ =	sdelay $0x7  }
0x7e: {  	[tilespmem:v2+s9+$0x0] =	vst.idx.add.f32.msk $0xffff, v1  }
0x7f: {  	v2 =	vld [tilespmem:s24+$0xFFFFFC80];
	_ =	sdelay $0x7  }
0x80: {  	[tilespmem:v2+s7+$0x0] =	vst.idx.add.f32.msk $0xffff, v1  }
0x81: {  	v2 =	vld [tilespmem:s24+$0xFFFFFC00];
	_ =	sdelay $0x7  }
0x82: {  	[tilespmem:v2+s9+$0x0] =	vst.idx.add.f32.msk $0xffff, v1  }
0x83: {  	v2 =	vld [tilespmem:s24+$0xFFFFFC90];
	_ =	sdelay $0x7  }
0x84: {  	[tilespmem:v2+s7+$0x0] =	vst.idx.add.f32.msk $0xffff, v1  }
0x85: {  	v2 =	vld [tilespmem:s24+$0xFFFFFC10];
	_ =	sdelay $0x7  }
0x86: {  	[tilespmem:v2+s9+$0x0] =	vst.idx.add.f32.msk $0xffff, v1  }
0x87: {  	v2 =	vld [tilespmem:s24+$0xFFFFFCA0];
	_ =	sdelay $0x7  }
0x88: {  	[tilespmem:v2+s7+$0x0] =	vst.idx.add.f32.msk $0xffff, v1  }
0x89: {  	v2 =	vld [tilespmem:s24+$0xFFFFFC20];
	_ =	sdelay $0x7  }
0x8a: {  	[tilespmem:v2+s9+$0x0] =	vst.idx.add.f32.msk $0xffff, v1  }
0x8b: {  	v2 =	vld [tilespmem:s24+$0xFFFFFCB0];
	_ =	sdelay $0x7  }
0x8c: {  	[tilespmem:v2+s7+$0x0] =	vst.idx.add.f32.msk $0xffff, v1  }
0x8d: {  	v2 =	vld [tilespmem:s24+$0xFFFFFC30];
	_ =	sdelay $0x5  }
0x8e: {  	p0 =	seq.s32 s8, $0x380  }
0x8f: {  	s6 =	sadd.s32 @!p0 s8, s17  }
0x90: {  	s18 =	simm.s32 @!p0 $0x0;
	s16 =	sadd.s32 @!p0 $0x80, s6;
	[tilespmem:v2+s9+$0x0] =	vst.idx.add.f32.msk $0xffff, v1  }
0x91: {  	[tilespmem:s18], [sflag:$0x1] =	stream.linear.gather @!p0 [hbm4b:s16+s18], $0x100, $0x38;
	[tilespmem:$0x18A00] =	vst v63  }
0x92: {  	s16 =	simm.s32 @!p0 $0x1  }
0x93: {  	_ =	swait.ge @!p0 [sflag:s16], $0x100  }
0x94: {  	[sflag:s16] =	ssyncset.done @!p0 $0x0  }
0x95: {  	s21 =	simm.s32 @!p0 $0x400;
	[sflag:s16] =	ssyncadd.s32 @!p0 $0xFFFFFF00;
	s16 =	simm.s32 @!p0 $0x40  }
0x96: {  	[tilespmem:s21], [sflag:$0x5] =	stream.indirect.gather @!p0 [hbm4b:s4+s16], $0x80, s18, s16, $0xb8;
	[tilespmem:$0x18A00] =	vst v63  }
0x97: {  	_ =	swait.ge [sflag:s10], $0x2000  }
0x98: {  	[sflag:s10] =	ssyncset.done $0x0  }
0x99: {  	[sflag:s10] =	ssyncadd.s32 $0xFFFFE000  }
0x9a: {  	[spmem:s2] =	stream.indirect.scatter.add.f32 [tilespmem:s29], [sflag:$0x9], $0x80, s11, s25, $0xb8;
	[tilespmem:$0x18A00] =	vst v63  }
0x9b: {  	_ =	swait.ge [sflag:s19], $0x2000  }
0x9c: {  	[sflag:s19] =	ssyncset.done $0x0  }
0x9d: {  	[sflag:s19] =	ssyncadd.s32 $0xFFFFE000  }
0x9e: {  	v2 =	vld [tilespmem:$0x180];
	_ =	sdelay $0x7  }
0x9f: {  	[tilespmem:v2+s5+$0x0] =	vst.idx.add.f32.msk $0xffff, v1  }
0xa0: {  	v2 =	vld [tilespmem:$0x190];
	_ =	sdelay $0x7  }
0xa1: {  	[tilespmem:v2+s5+$0x0] =	vst.idx.add.f32.msk $0xffff, v1  }
0xa2: {  	v2 =	vld [tilespmem:$0x1A0];
	_ =	sdelay $0x7  }
0xa3: {  	[tilespmem:v2+s5+$0x0] =	vst.idx.add.f32.msk $0xffff, v1  }
0xa4: {  	v2 =	vld [tilespmem:$0x1B0];
	_ =	sdelay $0x7  }
0xa5: {  	[tilespmem:v2+s5+$0x0] =	vst.idx.add.f32.msk $0xffff, v1  }
0xa6: {  	v2 =	vld [tilespmem:s24+$0xFFFFFD80];
	_ =	sdelay $0x7  }
0xa7: {  	[tilespmem:v2+s7+$0x0] =	vst.idx.add.f32.msk $0xffff, v1  }
0xa8: {  	v2 =	vld [tilespmem:s24+$0xFFFFFD00];
	_ =	sdelay $0x7  }
0xa9: {  	[tilespmem:v2+s9+$0x0] =	vst.idx.add.f32.msk $0xffff, v1  }
0xaa: {  	v2 =	vld [tilespmem:s24+$0xFFFFFD90];
	_ =	sdelay $0x7  }
0xab: {  	[tilespmem:v2+s7+$0x0] =	vst.idx.add.f32.msk $0xffff, v1  }
0xac: {  	v2 =	vld [tilespmem:s24+$0xFFFFFD10];
	_ =	sdelay $0x7  }
0xad: {  	[tilespmem:v2+s9+$0x0] =	vst.idx.add.f32.msk $0xffff, v1  }
0xae: {  	v2 =	vld [tilespmem:s24+$0xFFFFFDA0];
	_ =	sdelay $0x7  }
0xaf: {  	[tilespmem:v2+s7+$0x0] =	vst.idx.add.f32.msk $0xffff, v1  }
0xb0: {  	v2 =	vld [tilespmem:s24+$0xFFFFFD20];
	_ =	sdelay $0x7  }
0xb1: {  	[tilespmem:v2+s9+$0x0] =	vst.idx.add.f32.msk $0xffff, v1  }
0xb2: {  	v2 =	vld [tilespmem:s24+$0xFFFFFDB0];
	_ =	sdelay $0x7  }
0xb3: {  	[tilespmem:v2+s7+$0x0] =	vst.idx.add.f32.msk $0xffff, v1  }
0xb4: {  	v2 =	vld [tilespmem:s24+$0xFFFFFD30];
	_ =	sdelay $0x7  }
0xb5: {  	[tilespmem:v2+s9+$0x0] =	vst.idx.add.f32.msk $0xffff, v1  }
0xb6: {  	v2 =	vld [tilespmem:s24+$0xFFFFFE80];
	_ =	sdelay $0x7  }
0xb7: {  	[tilespmem:v2+s7+$0x0] =	vst.idx.add.f32.msk $0xffff, v1  }
0xb8: {  	v2 =	vld [tilespmem:s24+$0xFFFFFE00];
	_ =	sdelay $0x7  }
0xb9: {  	[tilespmem:v2+s9+$0x0] =	vst.idx.add.f32.msk $0xffff, v1  }
0xba: {  	v2 =	vld [tilespmem:s24+$0xFFFFFE90];
	_ =	sdelay $0x7  }
0xbb: {  	[tilespmem:v2+s7+$0x0] =	vst.idx.add.f32.msk $0xffff, v1  }
0xbc: {  	v2 =	vld [tilespmem:s24+$0xFFFFFE10];
	_ =	sdelay $0x7  }
0xbd: {  	[tilespmem:v2+s9+$0x0] =	vst.idx.add.f32.msk $0xffff, v1  }
0xbe: {  	v2 =	vld [tilespmem:s24+$0xFFFFFEA0];
	_ =	sdelay $0x7  }
0xbf: {  	[tilespmem:v2+s7+$0x0] =	vst.idx.add.f32.msk $0xffff, v1  }
0xc0: {  	v2 =	vld [tilespmem:s24+$0xFFFFFE20];
	_ =	sdelay $0x7  }
0xc1: {  	[tilespmem:v2+s9+$0x0] =	vst.idx.add.f32.msk $0xffff, v1  }
0xc2: {  	v2 =	vld [tilespmem:s24+$0xFFFFFEB0];
	_ =	sdelay $0x7  }
0xc3: {  	[tilespmem:v2+s7+$0x0] =	vst.idx.add.f32.msk $0xffff, v1  }
0xc4: {  	v2 =	vld [tilespmem:s24+$0xFFFFFE30];
	_ =	sdelay $0x7  }
0xc5: {  	[tilespmem:v2+s9+$0x0] =	vst.idx.add.f32.msk $0xffff, v1  }
0xc6: {  	v2 =	vld [tilespmem:s24+$0xFFFFFF80];
	_ =	sdelay $0x7  }
0xc7: {  	[tilespmem:v2+s7+$0x0] =	vst.idx.add.f32.msk $0xffff, v1  }
0xc8: {  	v2 =	vld [tilespmem:s24+$0xFFFFFF00];
	_ =	sdelay $0x7  }
0xc9: {  	[tilespmem:v2+s9+$0x0] =	vst.idx.add.f32.msk $0xffff, v1  }
0xca: {  	v2 =	vld [tilespmem:s24+$0xFFFFFF90];
	_ =	sdelay $0x7  }
0xcb: {  	[tilespmem:v2+s7+$0x0] =	vst.idx.add.f32.msk $0xffff, v1  }
0xcc: {  	v2 =	vld [tilespmem:s24+$0xFFFFFF10];
	_ =	sdelay $0x7  }
0xcd: {  	[tilespmem:v2+s9+$0x0] =	vst.idx.add.f32.msk $0xffff, v1  }
0xce: {  	v2 =	vld [tilespmem:s24+$0xFFFFFFA0];
	_ =	sdelay $0x7  }
0xcf: {  	[tilespmem:v2+s7+$0x0] =	vst.idx.add.f32.msk $0xffff, v1  }
0xd0: {  	v2 =	vld [tilespmem:s24+$0xFFFFFF20];
	_ =	sdelay $0x7  }
0xd1: {  	[tilespmem:v2+s9+$0x0] =	vst.idx.add.f32.msk $0xffff, v1  }
0xd2: {  	v2 =	vld [tilespmem:s24+$0xFFFFFFB0];
	_ =	sdelay $0x7  }
0xd3: {  	[tilespmem:v2+s7+$0x0] =	vst.idx.add.f32.msk $0xffff, v1  }
0xd4: {  	v2 =	vld [tilespmem:s24+$0xFFFFFF30];
	_ =	sdelay $0x7  }
0xd5: {  	s16 =	sadd.s32 @!p0 $0xA0, s6;
	s21 =	simm.s32 @!p0 $0x100;
	[tilespmem:v2+s9+$0x0] =	vst.idx.add.f32.msk $0xffff, v1  }
0xd6: {  	[tilespmem:s21], [sflag:$0x2] =	stream.linear.gather @!p0 [hbm4b:s16+s18], $0x100, $0x38;
	[tilespmem:$0x18A00] =	vst v63  }
0xd7: {  	_ =	swait.ge [sflag:s12], $0x2000  }
0xd8: {  	[sflag:s12] =	ssyncset.done $0x0  }
0xd9: {  	[sflag:s12] =	ssyncadd.s32 $0xFFFFE000  }
0xda: {  	[spmem:s2] =	stream.indirect.scatter.add.f32 [tilespmem:s31], [sflag:$0x9], $0x80, s13, s25, $0xb8;
	[tilespmem:$0x18A00] =	vst v63  }
0xdb: {  	_ =	swait.ge [sflag:s19], $0x2000  }
0xdc: {  	[sflag:s19] =	ssyncset.done $0x0  }
0xdd: {  	[sflag:s19] =	ssyncadd.s32 $0xFFFFE000  }
0xde: {  	v2 =	vld [tilespmem:$0x280];
	_ =	sdelay $0x7  }
0xdf: {  	[tilespmem:v2+s5+$0x0] =	vst.idx.add.f32.msk $0xffff, v1  }
0xe0: {  	v2 =	vld [tilespmem:$0x290];
	_ =	sdelay $0x7  }
0xe1: {  	[tilespmem:v2+s5+$0x0] =	vst.idx.add.f32.msk $0xffff, v1  }
0xe2: {  	v2 =	vld [tilespmem:$0x2A0];
	_ =	sdelay $0x7  }
0xe3: {  	[tilespmem:v2+s5+$0x0] =	vst.idx.add.f32.msk $0xffff, v1  }
0xe4: {  	v2 =	vld [tilespmem:$0x2B0];
	_ =	sdelay $0x7  }
0xe5: {  	[tilespmem:v2+s5+$0x0] =	vst.idx.add.f32.msk $0xffff, v1  }
0xe6: {  	v2 =	vld [tilespmem:s24+$0x80];
	_ =	sdelay $0x7  }
0xe7: {  	[tilespmem:v2+s7+$0x0] =	vst.idx.add.f32.msk $0xffff, v1  }
0xe8: {  	v2 =	vld [tilespmem:s24+$0x0];
	_ =	sdelay $0x7  }
0xe9: {  	[tilespmem:v2+s9+$0x0] =	vst.idx.add.f32.msk $0xffff, v1  }
0xea: {  	v2 =	vld [tilespmem:s24+$0x90];
	_ =	sdelay $0x7  }
0xeb: {  	[tilespmem:v2+s7+$0x0] =	vst.idx.add.f32.msk $0xffff, v1  }
0xec: {  	v2 =	vld [tilespmem:s24+$0x10];
	_ =	sdelay $0x7  }
0xed: {  	[tilespmem:v2+s9+$0x0] =	vst.idx.add.f32.msk $0xffff, v1  }
0xee: {  	v2 =	vld [tilespmem:s24+$0xA0];
	_ =	sdelay $0x7  }
0xef: {  	[tilespmem:v2+s7+$0x0] =	vst.idx.add.f32.msk $0xffff, v1  }
0xf0: {  	v2 =	vld [tilespmem:s24+$0x20];
	_ =	sdelay $0x7  }
0xf1: {  	[tilespmem:v2+s9+$0x0] =	vst.idx.add.f32.msk $0xffff, v1  }
0xf2: {  	v2 =	vld [tilespmem:s24+$0xB0];
	_ =	sdelay $0x7  }
0xf3: {  	[tilespmem:v2+s7+$0x0] =	vst.idx.add.f32.msk $0xffff, v1  }
0xf4: {  	v2 =	vld [tilespmem:s24+$0x30];
	_ =	sdelay $0x7  }
0xf5: {  	[tilespmem:v2+s9+$0x0] =	vst.idx.add.f32.msk $0xffff, v1  }
0xf6: {  	v2 =	vld [tilespmem:s24+$0x180];
	_ =	sdelay $0x7  }
0xf7: {  	[tilespmem:v2+s7+$0x0] =	vst.idx.add.f32.msk $0xffff, v1  }
0xf8: {  	v2 =	vld [tilespmem:s24+$0x100];
	_ =	sdelay $0x7  }
0xf9: {  	[tilespmem:v2+s9+$0x0] =	vst.idx.add.f32.msk $0xffff, v1  }
0xfa: {  	v2 =	vld [tilespmem:s24+$0x190];
	_ =	sdelay $0x7  }
0xfb: {  	[tilespmem:v2+s7+$0x0] =	vst.idx.add.f32.msk $0xffff, v1  }
0xfc: {  	v2 =	vld [tilespmem:s24+$0x110];
	_ =	sdelay $0x7  }
0xfd: {  	[tilespmem:v2+s9+$0x0] =	vst.idx.add.f32.msk $0xffff, v1  }
0xfe: {  	v2 =	vld [tilespmem:s24+$0x1A0];
	_ =	sdelay $0x7  }
0xff: {  	[tilespmem:v2+s7+$0x0] =	vst.idx.add.f32.msk $0xffff, v1  }
0x100: {  	v2 =	vld [tilespmem:s24+$0x120];
	_ =	sdelay $0x7  }
0x101: {  	[tilespmem:v2+s9+$0x0] =	vst.idx.add.f32.msk $0xffff, v1  }
0x102: {  	v2 =	vld [tilespmem:s24+$0x1B0];
	_ =	sdelay $0x7  }
0x103: {  	[tilespmem:v2+s7+$0x0] =	vst.idx.add.f32.msk $0xffff, v1  }
0x104: {  	v2 =	vld [tilespmem:s24+$0x130];
	_ =	sdelay $0x7  }
0x105: {  	[tilespmem:v2+s9+$0x0] =	vst.idx.add.f32.msk $0xffff, v1  }
0x106: {  	v2 =	vld [tilespmem:s24+$0x280];
	_ =	sdelay $0x7  }
0x107: {  	[tilespmem:v2+s7+$0x0] =	vst.idx.add.f32.msk $0xffff, v1  }
0x108: {  	v2 =	vld [tilespmem:s24+$0x200];
	_ =	sdelay $0x7  }
0x109: {  	[tilespmem:v2+s9+$0x0] =	vst.idx.add.f32.msk $0xffff, v1  }
0x10a: {  	v2 =	vld [tilespmem:s24+$0x290];
	_ =	sdelay $0x7  }
0x10b: {  	[tilespmem:v2+s7+$0x0] =	vst.idx.add.f32.msk $0xffff, v1  }
0x10c: {  	v2 =	vld [tilespmem:s24+$0x210];
	_ =	sdelay $0x7  }
0x10d: {  	[tilespmem:v2+s9+$0x0] =	vst.idx.add.f32.msk $0xffff, v1  }
0x10e: {  	v2 =	vld [tilespmem:s24+$0x2A0];
	_ =	sdelay $0x7  }
0x10f: {  	[tilespmem:v2+s7+$0x0] =	vst.idx.add.f32.msk $0xffff, v1  }
0x110: {  	v2 =	vld [tilespmem:s24+$0x220];
	_ =	sdelay $0x7  }
0x111: {  	[tilespmem:v2+s9+$0x0] =	vst.idx.add.f32.msk $0xffff, v1  }
0x112: {  	v2 =	vld [tilespmem:s24+$0x2B0];
	_ =	sdelay $0x7  }
0x113: {  	[tilespmem:v2+s7+$0x0] =	vst.idx.add.f32.msk $0xffff, v1  }
0x114: {  	v2 =	vld [tilespmem:s24+$0x230];
	_ =	sdelay $0x7  }
0x115: {  	s16 =	sadd.s32 @!p0 $0xC0, s6;
	s21 =	simm.s32 @!p0 $0x200;
	[tilespmem:v2+s9+$0x0] =	vst.idx.add.f32.msk $0xffff, v1  }
0x116: {  	[tilespmem:s21], [sflag:$0x3] =	stream.linear.gather @!p0 [hbm4b:s16+s18], $0x100, $0x38;
	[tilespmem:$0x18A00] =	vst v63  }
0x117: {  	_ =	swait.ge [sflag:s14], $0x2000  }
0x118: {  	[sflag:s14] =	ssyncset.done $0x0  }
0x119: {  	[sflag:s14] =	ssyncadd.s32 $0xFFFFE000  }
0x11a: {  	[spmem:s2] =	stream.indirect.scatter.add.f32 [tilespmem:s1], [sflag:$0x9], $0x80, s15, s25, $0xb8;
	[tilespmem:$0x18A00] =	vst v63  }
0x11b: {  	_ =	swait.ge [sflag:s19], $0x2000  }
0x11c: {  	[sflag:s19] =	ssyncset.done $0x0  }
0x11d: {  	[sflag:s19] =	ssyncadd.s32 $0xFFFFE000  }
0x11e: {  	v2 =	vld [tilespmem:$0x380];
	_ =	sdelay $0x7  }
0x11f: {  	[tilespmem:v2+s5+$0x0] =	vst.idx.add.f32.msk $0xffff, v1  }
0x120: {  	v2 =	vld [tilespmem:$0x390];
	_ =	sdelay $0x7  }
0x121: {  	[tilespmem:v2+s5+$0x0] =	vst.idx.add.f32.msk $0xffff, v1  }
0x122: {  	v2 =	vld [tilespmem:$0x3A0];
	_ =	sdelay $0x7  }
0x123: {  	[tilespmem:v2+s5+$0x0] =	vst.idx.add.f32.msk $0xffff, v1  }
0x124: {  	v2 =	vld [tilespmem:$0x3B0];
	_ =	sdelay $0x7  }
0x125: {  	[tilespmem:v2+s5+$0x0] =	vst.idx.add.f32.msk $0xffff, v1  }
0x126: {  	v2 =	vld [tilespmem:s24+$0x380];
	_ =	sdelay $0x7  }
0x127: {  	[tilespmem:v2+s7+$0x0] =	vst.idx.add.f32.msk $0xffff, v1  }
0x128: {  	v2 =	vld [tilespmem:s24+$0x300];
	_ =	sdelay $0x7  }
0x129: {  	[tilespmem:v2+s9+$0x0] =	vst.idx.add.f32.msk $0xffff, v1  }
0x12a: {  	v2 =	vld [tilespmem:s24+$0x390];
	_ =	sdelay $0x7  }
0x12b: {  	[tilespmem:v2+s7+$0x0] =	vst.idx.add.f32.msk $0xffff, v1  }
0x12c: {  	v2 =	vld [tilespmem:s24+$0x310];
	_ =	sdelay $0x7  }
0x12d: {  	[tilespmem:v2+s9+$0x0] =	vst.idx.add.f32.msk $0xffff, v1  }
0x12e: {  	v2 =	vld [tilespmem:s24+$0x3A0];
	_ =	sdelay $0x7  }
0x12f: {  	[tilespmem:v2+s7+$0x0] =	vst.idx.add.f32.msk $0xffff, v1  }
0x130: {  	v2 =	vld [tilespmem:s24+$0x320];
	_ =	sdelay $0x7  }
0x131: {  	[tilespmem:v2+s9+$0x0] =	vst.idx.add.f32.msk $0xffff, v1  }
0x132: {  	v2 =	vld [tilespmem:s24+$0x3B0];
	_ =	sdelay $0x7  }
0x133: {  	[tilespmem:v2+s7+$0x0] =	vst.idx.add.f32.msk $0xffff, v1  }
0x134: {  	v2 =	vld [tilespmem:s24+$0x330];
	_ =	sdelay $0x7  }
0x135: {  	[tilespmem:v2+s9+$0x0] =	vst.idx.add.f32.msk $0xffff, v1  }
0x136: {  	v2 =	vld [tilespmem:s24+$0x480];
	_ =	sdelay $0x7  }
0x137: {  	[tilespmem:v2+s7+$0x0] =	vst.idx.add.f32.msk $0xffff, v1  }
0x138: {  	v2 =	vld [tilespmem:s24+$0x400];
	_ =	sdelay $0x7  }
0x139: {  	[tilespmem:v2+s9+$0x0] =	vst.idx.add.f32.msk $0xffff, v1  }
0x13a: {  	v2 =	vld [tilespmem:s24+$0x490];
	_ =	sdelay $0x7  }
0x13b: {  	[tilespmem:v2+s7+$0x0] =	vst.idx.add.f32.msk $0xffff, v1  }
0x13c: {  	v2 =	vld [tilespmem:s24+$0x410];
	_ =	sdelay $0x7  }
0x13d: {  	[tilespmem:v2+s9+$0x0] =	vst.idx.add.f32.msk $0xffff, v1  }
0x13e: {  	v2 =	vld [tilespmem:s24+$0x4A0];
	_ =	sdelay $0x7  }
0x13f: {  	[tilespmem:v2+s7+$0x0] =	vst.idx.add.f32.msk $0xffff, v1  }
0x140: {  	v2 =	vld [tilespmem:s24+$0x420];
	_ =	sdelay $0x7  }
0x141: {  	[tilespmem:v2+s9+$0x0] =	vst.idx.add.f32.msk $0xffff, v1  }
0x142: {  	v2 =	vld [tilespmem:s24+$0x4B0];
	_ =	sdelay $0x7  }
0x143: {  	[tilespmem:v2+s7+$0x0] =	vst.idx.add.f32.msk $0xffff, v1  }
0x144: {  	v2 =	vld [tilespmem:s24+$0x430];
	_ =	sdelay $0x7  }
0x145: {  	[tilespmem:v2+s9+$0x0] =	vst.idx.add.f32.msk $0xffff, v1  }
0x146: {  	v2 =	vld [tilespmem:s24+$0x580];
	_ =	sdelay $0x7  }
0x147: {  	[tilespmem:v2+s7+$0x0] =	vst.idx.add.f32.msk $0xffff, v1  }
0x148: {  	v2 =	vld [tilespmem:s24+$0x500];
	_ =	sdelay $0x7  }
0x149: {  	[tilespmem:v2+s9+$0x0] =	vst.idx.add.f32.msk $0xffff, v1  }
0x14a: {  	v2 =	vld [tilespmem:s24+$0x590];
	_ =	sdelay $0x7  }
0x14b: {  	[tilespmem:v2+s7+$0x0] =	vst.idx.add.f32.msk $0xffff, v1  }
0x14c: {  	v2 =	vld [tilespmem:s24+$0x510];
	_ =	sdelay $0x7  }
0x14d: {  	[tilespmem:v2+s9+$0x0] =	vst.idx.add.f32.msk $0xffff, v1  }
0x14e: {  	v2 =	vld [tilespmem:s24+$0x5A0];
	_ =	sdelay $0x7  }
0x14f: {  	[tilespmem:v2+s7+$0x0] =	vst.idx.add.f32.msk $0xffff, v1  }
0x150: {  	v2 =	vld [tilespmem:s24+$0x520];
	_ =	sdelay $0x7  }
0x151: {  	[tilespmem:v2+s9+$0x0] =	vst.idx.add.f32.msk $0xffff, v1  }
0x152: {  	v2 =	vld [tilespmem:s24+$0x5B0];
	_ =	sdelay $0x7  }
0x153: {  	[tilespmem:v2+s7+$0x0] =	vst.idx.add.f32.msk $0xffff, v1  }
0x154: {  	v2 =	vld [tilespmem:s24+$0x530];
	_ =	sdelay $0x1  }
0x155: {  	s8 =	sadd.s32 @!p0 $0x80, s8  }
0x156: {  	p1 =	sne.s32 @!p0 s8, $0x400  }
0x157: {  	p1 =	por p0, !p1  }
.Ltmp2:
0x158: {  	_ = 	snop;
	(pc) =	sbr.rel @!p1 .LBB2_6-.Ltmp2, $4  }
0x159: {  	_ = 	snop  }
0x15a: {  	s6 =	sadd.s32 @!p0 $0xE0, s6  }
0x15b: {  	s21 =	simm.s32 $0x100;
	s16 =	simm.s32 @!p0 $0x300;
	s24 =	sadd.s32 @!p0 $0xC00, s24;
	[tilespmem:v2+s9+$0x0] =	vst.idx.add.f32.msk $0xffff, v1  }
0x15c: {  	[tilespmem:s16], [sflag:$0x4] =	stream.linear.gather @!p0 [hbm4b:s6+s18], $0x100, $0x38;
	[tilespmem:$0x18A00] =	vst v63  }
0x15d: {  	s6 =	rddreg [dreg:$0xb]  }
0x15e: {  	[hbm4b:s6+s20] =	stream.strided.scatter [tilespmem:s5], [sflag:$0x9], $0x800, s26, s20, $0x38;
	[tilespmem:$0x18A00] =	vst v63  }
0x15f: {  	_ =	swait.ge [sflag:s19], $0x800  }
0x160: {  	[sflag:s19] =	ssyncset.done $0x0  }
0x161: {  	s8 =	rddreg [dreg:$0xc];
	[sflag:s19] =	ssyncadd.s32 $0xFFFFF800  }
0x162: {  	[hbm4b:s8+s20] =	stream.strided.scatter [tilespmem:s7], [sflag:$0x9], $0x2F00, s26, s20, $0x38;
	[tilespmem:$0x18A00] =	vst v63  }
0x163: {  	_ =	swait.ge [sflag:s19], $0x2F00  }
0x164: {  	[sflag:s19] =	ssyncset.done $0x0  }
0x165: {  	s16 =	rddreg [dreg:$0xd];
	[sflag:s19] =	ssyncadd.s32 $0xFFFFD100  }
0x166: {  	[hbm4b:s16+s20] =	stream.strided.scatter [tilespmem:s9], [sflag:$0x9], $0x2F00, s26, s20, $0x38;
	[tilespmem:$0x18A00] =	vst v63  }
0x167: {  	_ =	swait.ge [sflag:s19], $0x2F00  }
0x168: {  	[sflag:s19] =	ssyncset.done $0x0  }
0x169: {  	[sflag:s19] =	ssyncadd.s32 $0xFFFFD100  }
0x16a: {  	[bflag:$0x0] =	sbarrier.arrive $0xFFFF  }
0x16b: {  	s16 =	rddreg [dreg:$0x5]  }
0x16c: {  	s18 =	rddreg [dreg:$0xe]  }
0x16d: {  	s8 =	rddreg [dreg:$0x10]  }
0x16e: {  	[hbm:s18], [sflag:s16] =	dma.local [spmem:s8], $0x800  }
0x16f: {  	_ =	swait.ge [sflag:s19], $0x800  }
0x170: {  	s18 =	rddreg [dreg:$0x11]  }
0x171: {  	s24 =	rddreg [dreg:$0xf];
	s18 =	sadd.s32 $0x1, s18  }
0x172: {  	p0 =	sne.s32 s18, s24  }
.Ltmp3:
0x173: {  	_ = 	snop;
	(pc) =	sbr.rel @p0 .LBB2_1-.Ltmp3, $3  }
0x174: {  	_ =	sdelay $0x1  }
0x175: {  	[sflag:s19] =	ssyncset.done $0x0  }
0x176: {  	[sflag:s19] =	ssyncadd.s32 $0xFFFFF800  }
0x177: {  	_ =	sfence.sel $0x180000  }
0x178: {  	[bflag:$0x0] =	sbarrier.arrive $0xFFFF  }
0x179: {  	_ =	strace $0x90000047  }
0x17a: {  	s0 =	stileid.u32;
	[bflag:$0x2] =	sbarrier.arrive $0xFFFF  }
0x17b: {  	p0 =	sne.s32 s0, $0x0;
	s0 =	rddreg [dreg:$0x3]  }
0x17c: {  	s0 =	sadd.s32 @!p0 $0x100000, s0  }
0x17d: {  	[sflag:s0] =	ssyncadd.tile.s32 @!p0 $0x1;
	_ =	shalt  }
.Lfunc_end2:
_tile_overlayer_lowered:
.L_overlay_start_2:
0x17e: {  	(tag) =	ssettag $0x2  }
0x17f: {  	s0 =	rddreg [dreg:$0x0];
	s2 =	stileid.u32  }
0x180: {  	s1 =	rddreg [dreg:$0x1];
	p0 =	sne.s32 s2, $0x0  }
0x181: {  	s3 =	rddreg [dreg:$0x2];
	[bflag:$0x3] =	sbarrier.arrive $0xFFFF;
	s2 =	simm.s32 @!p0 $0x1C09  }
0x182: {  	[timem:s3], [sflag:s2] =	dma.local @!p0 [hbm:s0], s1  }
0x183: {  	s0 =	simm.s32 @!p0 $0x9  }
0x184: {  	_ =	swait.ge @!p0 [sflag:s0], s1  }
0x185: {  	s1 =	ssub.s32 @!p0 $0x0, s1;
	[sflag:s0] =	ssyncset.done @!p0 $0x0  }
0x186: {  	[sflag:s0] =	ssyncadd.s32 @!p0 s1  }
0x187: {  	[bflag:$0x3] =	sbarrier.arrive $0xFFFF  }
0x188: {  	_ =	shalt  }

// kernel: kernel.13.cloned.1.call-start
scs
__scs_entry_jumppad:
0x0: {  	(pc) =	sbr.rel $0x88, $3  }
0x1: {  	(tag) =	ssettag $0x0;
	lr =	simm.s32 $0x1  }
0x2: {  	[smem:$0x3F9A] =	sst lr;
	_ =	strace $0xD0000000  }
0x3: {  	_ = 	snop  }
0x4: {  	_ = 	snop  }
0x5: {  	_ = 	snop  }
0x6: {  	_ = 	snop  }
0x7: {  	_ = 	snop  }
__scs_overlays_trampoline_lowered:
0x8: {  	[smem:$0x3FA9] =	sst s0  }
0x9: {  	[smem:$0x3FAA] =	sst s1  }
0xa: {  	[smem:$0x3FAB] =	sst s2  }
0xb: {  	[smem:$0x3FAC] =	sst s3  }
0xc: {  	[smem:$0x3FAD] =	sst s4  }
0xd: {  	[smem:$0x3FAE] =	sst s5  }
0xe: {  	[smem:$0x3FAF] =	sst s6  }
0xf: {  	[smem:$0x3FB0] =	sst s7  }
0x10: {  	[smem:$0x3FB1] =	sst s8  }
0x11: {  	[smem:$0x3FB2] =	sst s9;
	s0 =	simm.s32 @!p0 $0x0  }
0x12: {  	s1 =	sld [smem:$0x3F98];
	s0 =	simm.s32 @p0 $0x1  }
0x13: {  	[smem:$0x3FB3] =	sst s0;
	s0 =	simm.s32 @!p1 $0x0  }
0x14: {  	s2 =	sld [smem:$0x3F97];
	s0 =	simm.s32 @p1 $0x1  }
0x15: {  	[smem:$0x3FB4] =	sst s0;
	s0 =	simm.s32 @!p2 $0x0  }
0x16: {  	s3 =	sld [smem:$0x3FDB];
	s0 =	simm.s32 @p2 $0x1  }
0x17: {  	s4 =	simm.s32 $0x1BF5;
	[smem:$0x3FB6] =	sst s0  }
0x18: {  	s0 =	sld [smem:$0x3F99];
	_ =	swait.ge [sflag:s4], $0x0  }
0x19: {  	s7 =	sld [smem:$0x3F9A]  }
0x1a: {  	s8 =	sadd.s32 $0xFFFFE003, lr  }
0x1b: {  	s9 =	sadd.s32 $0xFFFFFEF7, lr;
	s5 =	simm.s32 $0xFFFFFFFF;
	p2 =	slt.u32 s8, $0xFFFFF086  }
0x1c: {  	p1 =	slt.u32 s9, $0xF7A;
	s5 =	simm.s32 @!p2 $0x0  }
0x1d: {  	s5 =	simm.s32 @p1 $0x1;
	p0 =	seq.s32 s7, s2  }
0x1e: {  	s7 =	smul.u32 @!p0 $0xF7A, s2;
	p2 =	seq.s32 @!p0 s5, $0x0  }
0x1f: {  	s9 =	smul.u32 $0xF7A, s1;
	s8 =	simm.s32 @!p0 $0x1BF5;
	p2 =	por !p2, p0  }
0x20: {  	[sflag:s8] =	ssyncset.s32 @!p0 $0xFFFFF086;
	s6 =	sadd.s32 @!p0 s3, s7;
	s7 =	simm.s32 @!p0 $0x108  }
0x21: {  	s3 =	sadd.s32 s3, s9;
	s6 =	sadd.s32 @!p0 $0x88, s6;
	s7 =	simm.s32 @p2 $0x1082  }
0x22: {  	[simem:s7], [sflag:s8] =	dma.local @!p0 [hbm:s6], $0xF7A  }
0x23: {  	s9 =	sor.u32 $0xD0000000, s2;
	s6 =	simm.s32 $0x108;
	_ =	swait.ge @!p0 [sflag:s8], $0x0  }
0x24: {  	s3 =	sadd.s32 $0x88, s3;
	s6 =	simm.s32 @!p1 $0x1082;
	[sflag:s4] =	ssyncset.s32 $0xFFFFF086  }
0x25: {  	[simem:s6], [sflag:s4] =	dma.local [hbm:s3], $0xF7A  }
0x26: {  	[smem:$0x3F9A] =	sst s1;
	(tag) =	ssettag s2;
	_ =	strace s9  }
0x27: {  	s1 =	sld [smem:$0x3FAA]  }
0x28: {  	s2 =	sld [smem:$0x3FAB]  }
0x29: {  	s4 =	sld [smem:$0x3FAD]  }
0x2a: {  	p0 =	seq.s32 s5, $0x0;
	s5 =	sld [smem:$0x3FAE]  }
0x2b: {  	s6 =	sld [smem:$0x3FAF]  }
0x2c: {  	s7 =	sld [smem:$0x3FB0]  }
0x2d: {  	s3 =	simm.s32 $0x108;
	s8 =	sld [smem:$0x3FB1]  }
0x2e: {  	s3 =	simm.s32 @!p0 $0x1082;
	s9 =	sld [smem:$0x3FB2]  }
0x2f: {  	lr =	sadd.s32 s0, s3;
	s0 =	sld [smem:$0x3FA9]  }
0x30: {  	s3 =	sld [smem:$0x3FAC]  }
0x31: {  	[smem:$0x3FB5] =	sst s10  }
0x32: {  	s10 =	sld [smem:$0x3FB3];
	_ =	sdelay $0x3  }
0x33: {  	p0 =	seq.s32 s10, $0x1;
	s10 =	sld [smem:$0x3FB5];
	_ =	sdelay $0x3  }
0x34: {  	[smem:$0x3FB5] =	sst s10  }
0x35: {  	s10 =	sld [smem:$0x3FB4];
	_ =	sdelay $0x3  }
0x36: {  	p1 =	seq.s32 s10, $0x1;
	s10 =	sld [smem:$0x3FB5];
	_ =	sdelay $0x3  }
0x37: {  	[smem:$0x3FB5] =	sst s10  }
0x38: {  	s10 =	sld [smem:$0x3FB6]  }
0x39: {  	_ = 	snop;
	(pc) =	sbr.ind lr, $3  }
0x3a: {  	_ = 	snop  }
0x3b: {  	_ = 	snop  }
0x3c: {  	p2 =	seq.s32 s10, $0x1;
	s10 =	sld [smem:$0x3FB5]  }
0x3d: {  	_ =	shalt  }
0x3e: {  	_ =	shalt  }
0x3f: {  	_ =	shalt  }
0x40: {  	_ =	shalt  }
0x41: {  	_ =	shalt  }
0x42: {  	_ =	shalt  }
0x43: {  	_ =	shalt  }
0x44: {  	_ =	shalt  }
0x45: {  	_ =	shalt  }
0x46: {  	_ =	shalt  }
0x47: {  	_ =	shalt  }
0x48: {  	_ =	shalt  }
0x49: {  	_ =	shalt  }
0x4a: {  	_ =	shalt  }
0x4b: {  	_ =	shalt  }
0x4c: {  	_ =	shalt  }
0x4d: {  	_ =	shalt  }
0x4e: {  	_ =	shalt  }
0x4f: {  	_ =	shalt  }
0x50: {  	_ =	shalt  }
0x51: {  	_ =	shalt  }
0x52: {  	_ =	shalt  }
0x53: {  	_ =	shalt  }
0x54: {  	_ =	shalt  }
0x55: {  	_ =	shalt  }
0x56: {  	_ =	shalt  }
0x57: {  	_ =	shalt  }
0x58: {  	_ =	shalt  }
0x59: {  	_ =	shalt  }
0x5a: {  	_ =	shalt  }
0x5b: {  	_ =	shalt  }
0x5c: {  	_ =	shalt  }
0x5d: {  	_ =	shalt  }
0x5e: {  	_ =	shalt  }
0x5f: {  	_ =	shalt  }
0x60: {  	_ =	shalt  }
0x61: {  	_ =	shalt  }
0x62: {  	_ =	shalt  }
0x63: {  	_ =	shalt  }
0x64: {  	_ =	shalt  }
0x65: {  	_ =	shalt  }
0x66: {  	_ =	shalt  }
0x67: {  	_ =	shalt  }
0x68: {  	_ =	shalt  }
0x69: {  	_ =	shalt  }
0x6a: {  	_ =	shalt  }
0x6b: {  	_ =	shalt  }
0x6c: {  	_ =	shalt  }
0x6d: {  	_ =	shalt  }
0x6e: {  	_ =	shalt  }
0x6f: {  	_ =	shalt  }
0x70: {  	_ =	shalt  }
0x71: {  	_ =	shalt  }
0x72: {  	_ =	shalt  }
0x73: {  	_ =	shalt  }
0x74: {  	_ =	shalt  }
0x75: {  	_ =	shalt  }
0x76: {  	_ =	shalt  }
0x77: {  	_ =	shalt  }
0x78: {  	_ =	shalt  }
0x79: {  	_ =	shalt  }
0x7a: {  	_ =	shalt  }
0x7b: {  	_ =	shalt  }
0x7c: {  	_ =	shalt  }
0x7d: {  	_ =	shalt  }
0x7e: {  	_ =	shalt  }
0x7f: {  	_ =	shalt  }
0x80: {  	_ =	shalt  }
0x81: {  	_ =	shalt  }
0x82: {  	_ =	shalt  }
0x83: {  	_ =	shalt  }
0x84: {  	_ =	shalt  }
0x85: {  	_ =	shalt  }
0x86: {  	_ =	shalt  }
0x87: {  	_ =	shalt  }
.Lfunc_end0:
.L_simem_size_0:
called_computation.1_lowered:
.L_overlay_start_0:
0x88: {  	s2 =	sld [smem:$0x3FD9]  }
0x89: {  	s3 =	sld [smem:$0x3FFE];
	_ =	sdelay $0x1  }
0x8a: {  	s1 =	srdreg.scid  }
0x8b: {  	s0 =	sand.u32 $0x1, s1  }
0x8c: {  	s17 =	sshll.u32 s0, $0xA;
	s2 =	sadd.s32 s3, s2  }
0x8d: {  	s2 =	sadd.s32 s2, s17  }
0x8e: {  	[smem:$0x3FC1] =	sst s2  }
0x8f: {  	_ = 	snop  }
0x90: {  	s2 =	sld [smem:$0x3FD0];
	(tm) =	ssettm $0x1  }
0x91: {  	s18 =	sld [smem:$0x3FFB];
	_ =	sdelay $0x3  }
0x92: {  	_ =	strace s18  }
0x93: {  	s3 =	sld [smem:$0x3FFC];
	_ =	sdelay $0x3  }
0x94: {  	_ =	strace s3  }
0x95: {  	s3 =	sld [smem:$0x3FFD];
	_ =	sdelay $0x3  }
0x96: {  	_ =	strace s3  }
0x97: {  	_ =	strace $0x8FFFFFFF  }
0x98: {  	s19 =	sld [smem:$0x3FDB];
	_ =	sdelay $0x1  }
0x99: {  	s4 =	simm.s32 $_scs_section_size  }
0x9a: {  	s5 =	simm.s32 $_size__tile_overlayer_lowered;
	s6 =	simm.s32 $_tile_overlayer_lowered  }
0x9b: {  	s22 =	simm.s32 $0x1BFF;
	s21 =	sshll.u32 s6, $0x1;
	s3 =	sadd.s32 s4, s19  }
0x9c: {  	s7 =	simm.s32 $0x0;
	s20 =	sshll.u32 s5, $0x1;
	s5 =	sadd.s32 s21, s3  }
0x9d: {  	[timem:s7], [sflag:s22] =	dma.local [hbm:s5], s20  }
0x9e: {  	_ =	swait.ge [sflag:s22], s20  }
0x9f: {  	s4 =	ssub.s32 $0x0, s20;
	[sflag:s22] =	ssyncset.done $0x0  }
0xa0: {  	[sflag:s22] =	ssyncadd.s32 s4;
	_ =	sdelay $0x1  }
0xa1: {  	s23 =	simm.s32 $0x1B8B  }
0xa2: {  	_ =	swait.ge [sflag:s23], $0x1  }
0xa3: {  	[sflag:s23] =	ssyncset.done $0x0  }
0xa4: {  	s25 =	simm.s32 $0x1B8E;
	s24 =	sld [smem:$0x3FFE];
	[sflag:s23] =	ssyncadd.s32 $0xFFFFFFFF  }
0xa5: {  	s26 =	simm.s32 $execute0_lowered;
	[smem:$0x3FD2] =	sst s25  }
0xa6: {  	s5 =	sshll.u32 s26, $0x1;
	_ =	strace $0x80000049;
	[dreg:$0x1] =	wrdreg $0xFFFFFFFF  }
0xa7: {  	s28 =	simm.s32 $_size_execute0_lowered;
	s3 =	sadd.s32 s3, s5;
	[dreg:$0x0] =	wrdreg $0x0  }
0xa8: {  	s5 =	sshll.u32 s28, $0x1;
	[dreg:$0x2] =	wrdreg s3  }
0xa9: {  	[dreg:$0x3] =	wrdreg s5  }
0xaa: {  	[dreg:$0x4] =	wrdreg $0xC0  }
0xab: {  	_ =	task [dreg:s7], $0x5FFFF  }
0xac: {  	[dreg:$0x1] =	wrdreg $0xFFFFFFFF  }
0xad: {  	[dreg:$0x0] =	wrdreg $0x60  }
0xae: {  	[dreg:$0x2] =	wrdreg s24  }
0xaf: {  	[dreg:$0x3] =	wrdreg s2  }
0xb0: {  	[dreg:$0x4] =	wrdreg $0x84000  }
0xb1: {  	[dreg:$0x5] =	wrdreg $0x9  }
0xb2: {  	_ =	task.clear_ibuf [dreg:s7], $0x6FFFF;
	_ =	strace $0x90000049  }
0xb3: {  	s29 =	simm.s32 $0x9;
	_ =	strace $0x8000004B  }
0xb4: {  	_ =	swait.ge [sflag:s29], $0x1  }
0xb5: {  	[sflag:s29] =	ssyncadd.s32 $0xFFFFFFFF  }
0xb6: {  	_ =	strace $0x9000004B  }
0xb7: {  	_ =	sfence  }
0xb8: {  	s30 =	sld [smem:$0x0];
	_ =	sdelay $0x2  }
0xb9: {  	s31 =	sshll.u32 s1, $0xD;
	s1 =	sshrl.u32 s1, $0x2  }
0xba: {  	s3 =	sand.u32 $0x4000, s31;
	s1 =	sadd.s32 s1, s30  }
0xbb: {  	s0 =	sor.u32 s3, s0;
	s1 =	sshll.u32 s1, $0x11  }
0xbc: {  	s0 =	sor.u32 s1, s0  }
0xbd: {  	s0 =	sadd.s32 $0x8F2B, s0  }
0xbe: {  	[sflag:s0] =	ssyncadd.remote.s32 $0x1  }
0xbf: {  	_ =	sfence.sel $0xFFFF  }
0xc0: {  	[dreg:$0x0] =	wrdreg $0xFFFFFFFF;
	(pc) =	sbr.abs _section_cstart, $3  }
0xc1: {  	[dreg:$0x1] =	wrdreg $0xFFFFFFFF  }
0xc2: {  	_ =	task.clear_ibuf [dreg:s7], $0x2FFFF;
	_ =	strace $0x9FFFFFFF  }
0xc3: {  	(tm) =	ssettm $0x7FFFFFFF  }
tec
execute0_lowered:
.L_overlay_start_1:
0x0: {  	(tag) =	ssettag $0x1  }
0x1: {  	s0 =	rddreg [dreg:$0x0]  }
0x2: {  	s1 =	rddreg [dreg:$0x1]  }
0x3: {  	s2 =	rddreg [dreg:$0x2]  }
0x4: {  	s12 =	stileid.u32;
	s4 =	srdreg.scid  }
0x5: {  	s3 =	simm.s32 $0x0;
	s24 =	simm.s32 $0x2400;
	s25 =	simm.s32 $0x6400  }
0x6: {  	s26 =	simm.s32 $0x80;
	s31 =	simm.s32 $0x280;
	s28 =	simm.s32 $0x5  }
0x7: {  	s29 =	simm.s32 $0x7;
	s30 =	simm.s32 $0x0;
	s5 =	smul.u32 $0x17800, s12  }
0x8: {  	s6 =	sand.u32 $0x1, s4;
	[smem:$0x7FF] =	sst s3;
	s4 =	sadd.s32 $0x43A00, s0  }
0x9: {  	s10 =	smul.u32 $0x6C, s12;
	_ =	strace $0x8000004A;
	[dreg:$0x4] =	wrdreg s24  }
0xa: {  	s11 =	smul.u32 $0x5E000, s12;
	s20 =	sshll.u32 s12, $0x6;
	[dreg:$0x5] =	wrdreg s25  }
0xb: {  	s7 =	smul.u32 $0x178000, s6;
	s9 =	ssub.s32 $0x2, s6;
	[dreg:$0x6] =	wrdreg s26  }
0xc: {  	p0 =	seq.s32 s6, $0x0;
	s24 =	simm.s32 $0x3;
	[dreg:$0x7] =	wrdreg s31  }
0xd: {  	s25 =	simm.s32 $0x4400;
	s26 =	simm.s32 $0x4;
	s8 =	sshrl.u32 s5, $0x3  }
0xe: {  	s16 =	sshrl.u32 s9, $0x1;
	s6 =	sadd.s32 $0x540, s10;
	s17 =	sshrl.u32 s11, $0x2  }
0xf: {  	s8 =	sadd.s32 s8, s0;
	s5 =	sadd.s32 s5, s7;
	s7 =	smul.u32 $0x54, s12  }
0x10: {  	s9 =	ssub.s32 s9, s16;
	s18 =	sadd.s32 s17, s2;
	s16 =	simm.s32 $0x9  }
0x11: {  	s17 =	simm.s32 $0x100;
	s5 =	sshrl.u32 s5, $0x3;
	s19 =	sadd.s32 $0x72A00, s8  }
0x12: {  	s8 =	sor.u32 $0x1C09, s20;
	s23 =	smax.u32 s9, $0x1;
	s15 =	sshrl.u32 s18, $0x3  }
0x13: {  	s18 =	simm.s32 $0x200;
	s20 =	simm.s32 $0x1;
	s0 =	sadd.s32 s5, s0  }
0x14: {  	s6 =	smov.u32 @p0 s7;
	s5 =	simm.s32 $0x15;
	[dreg:$0x8] =	wrdreg s19  }
0x15: {  	[dreg:$0xe] =	wrdreg s23;
	s6 =	sshll.u32 s6, $0x5;
	s0 =	sadd.s32 $0xA1A00, s0  }
0x16: {  	s19 =	simm.s32 $0x300;
	s1 =	sadd.s32 s1, s6;
	[dreg:$0xd] =	wrdreg s0  }
0x17: {  	s23 =	simm.s32 $0x2;
	s6 =	sadd.s32 $0x20, s1;
	[dreg:$0x9] =	wrdreg s1  }
0x18: {  	s5 =	simm.s32 @!p0 $0x1B;
	s21 =	sadd.s32 $0x40, s1;
	[dreg:$0xa] =	wrdreg s6  }
0x19: {  	s22 =	sadd.s32 $0x60, s1;
	s14 =	sadd.s32 $0x80, s1;
	[dreg:$0xb] =	wrdreg s21  }
0x1a: {  	[dreg:$0xc] =	wrdreg s22;
	s21 =	simm.s32 $0x40;
	s22 =	simm.s32 $0x400  }
.LBB2_1:
0x1b: {  	s0 =	rddreg [dreg:$0x8]  }
0x1c: {  	[spmem:s15], [sflag:s8] =	dma.local [hbm:s0], $0x2F00  }
0x1d: {  	_ =	swait.ge [sflag:s16], $0x2F00  }
0x1e: {  	[sflag:s16] =	ssyncset.done $0x0  }
0x1f: {  	[sflag:s16] =	ssyncadd.s32 $0xFFFFD100  }
0x20: {  	[bflag:$0x0] =	sbarrier.arrive $0xFFFF  }
0x21: {  	s1 =	rddreg [dreg:$0x9]  }
0x22: {  	[tilespmem:s3], [sflag:$0x1] =	stream.linear.gather [hbm4b:s1+s3], $0x100, $0x38;
	[tilespmem:$0x1FC00] =	vst v63  }
0x23: {  	s6 =	rddreg [dreg:$0xa]  }
0x24: {  	[tilespmem:s17], [sflag:$0x2] =	stream.linear.gather [hbm4b:s6+s3], $0x100, $0x38;
	[tilespmem:$0x1FC00] =	vst v63  }
0x25: {  	s7 =	rddreg [dreg:$0xb]  }
0x26: {  	[tilespmem:s18], [sflag:$0x3] =	stream.linear.gather [hbm4b:s7+s3], $0x100, $0x38;
	[tilespmem:$0x1FC00] =	vst v63  }
0x27: {  	s9 =	rddreg [dreg:$0xc]  }
0x28: {  	[tilespmem:s19], [sflag:$0x4] =	stream.linear.gather [hbm4b:s9+s3], $0x100, $0x38;
	[tilespmem:$0x1FC00] =	vst v63  }
0x29: {  	_ =	swait.ge [sflag:s20], $0x100  }
0x2a: {  	[sflag:s20] =	ssyncset.done $0x0  }
0x2b: {  	[sflag:s20] =	ssyncadd.s32 $0xFFFFFF00  }
0x2c: {  	[tilespmem:s22], [sflag:$0x5] =	stream.indirect.gather [hbm4b:s4+s21], $0x80, s3, s21, $0xb8;
	[tilespmem:$0x1FC00] =	vst v63  }
0x2d: {  	_ =	swait.ge [sflag:s23], $0x100  }
0x2e: {  	[sflag:s23] =	ssyncset.done $0x0  }
0x2f: {  	s10 =	rddreg [dreg:$0x4];
	[sflag:s23] =	ssyncadd.s32 $0xFFFFFF00  }
0x30: {  	[tilespmem:s10], [sflag:$0x6] =	stream.indirect.gather [hbm4b:s4+s21], $0x80, s17, s21, $0xb8;
	[tilespmem:$0x1FC00] =	vst v63  }
0x31: {  	_ =	swait.ge [sflag:s24], $0x100  }
0x32: {  	[sflag:s24] =	ssyncset.done $0x0  }
0x33: {  	[sflag:s24] =	ssyncadd.s32 $0xFFFFFF00  }
0x34: {  	[tilespmem:s25], [sflag:$0x7] =	stream.indirect.gather [hbm4b:s4+s21], $0x80, s18, s21, $0xb8;
	[tilespmem:$0x1FC00] =	vst v63  }
0x35: {  	_ =	swait.ge [sflag:s26], $0x100  }
0x36: {  	[sflag:s26] =	ssyncset.done $0x0  }
0x37: {  	s11 =	rddreg [dreg:$0x5];
	[sflag:s26] =	ssyncadd.s32 $0xFFFFFF00  }
0x38: {  	[tilespmem:s11], [sflag:$0x8] =	stream.indirect.gather [hbm4b:s4+s21], $0x80, s19, s21, $0xb8;
	[tilespmem:$0x1FC00] =	vst v63  }
0x39: {  	_ =	swait.ge [sflag:s28], $0x2000  }
0x3a: {  	[sflag:s28] =	ssyncset.done $0x0  }
0x3b: {  	s12 =	rddreg [dreg:$0x6];
	[sflag:s28] =	ssyncadd.s32 $0xFFFFE000  }
0x3c: {  	[spmem:s2] =	stream.indirect.scatter.add.f32 [tilespmem:s22], [sflag:$0x9], $0x80, s12, s21, $0xb8;
	[tilespmem:$0x1FC00] =	vst v63  }
0x3d: {  	_ =	swait.ge [sflag:s16], $0x2000  }
0x3e: {  	p0 =	sle.u32 s5, $0x1;
	[sflag:s16] =	ssyncset.done $0x0  }
0x3f: {  	s0 =	simm.s32 @p0 $0x6;
	[sflag:s16] =	ssyncadd.s32 $0xFFFFE000  }
0x40: {  	_ =	swait.ge @p0 [sflag:s0], $0x2000  }
0x41: {  	s1 =	simm.s32 @p0 $0x2400;
	s6 =	simm.s32 @p0 $0x9;
	[sflag:s0] =	ssyncset.done @p0 $0x0  }
0x42: {  	s9 =	simm.s32 @p0 $0x180;
	[sflag:s0] =	ssyncadd.s32 @p0 $0xFFFFE000;
	s0 =	simm.s32 @p0 $0x40  }
0x43: {  	[spmem:s2] =	stream.indirect.scatter.add.f32 @p0 [tilespmem:s1], [sflag:$0x9], $0x80, s9, s0, $0xb8;
	[tilespmem:$0x1FC00] =	vst v63  }
0x44: {  	_ =	swait.ge @p0 [sflag:s6], $0x2000  }
0x45: {  	[sflag:s6] =	ssyncset.done @p0 $0x0  }
0x46: {  	s1 =	simm.s32 @!p0 $0x0;
	s9 =	simm.s32 @!p0 $0x1;
	[sflag:s6] =	ssyncadd.s32 @p0 $0xFFFFE000  }
0x47: {  	[tilespmem:s1], [sflag:$0x1] =	stream.linear.gather @!p0 [hbm4b:s14+s1], $0x100, $0x38;
	[tilespmem:$0x1FC00] =	vst v63  }
0x48: {  	_ =	swait.ge @!p0 [sflag:s9], $0x100  }
0x49: {  	s10 =	simm.s32 @!p0 $0x6;
	[sflag:s9] =	ssyncset.done @!p0 $0x0  }
0x4a: {  	s11 =	simm.s32 @!p0 $0x400;
	[sflag:s9] =	ssyncadd.s32 @!p0 $0xFFFFFF00;
	s9 =	simm.s32 @!p0 $0x40  }
0x4b: {  	[tilespmem:s11], [sflag:$0x5] =	stream.indirect.gather @!p0 [hbm4b:s4+s9], $0x80, s1, s9, $0xb8;
	[tilespmem:$0x1FC00] =	vst v63  }
0x4c: {  	_ =	swait.ge @!p0 [sflag:s10], $0x2000  }
0x4d: {  	s12 =	simm.s32 @!p0 $0x2400;
	[sflag:s10] =	ssyncset.done @!p0 $0x0  }
0x4e: {  	s11 =	simm.s32 @!p0 $0x9;
	[sflag:s10] =	ssyncadd.s32 @!p0 $0xFFFFE000;
	s10 =	simm.s32 @!p0 $0x180  }
0x4f: {  	[spmem:s2] =	stream.indirect.scatter.add.f32 @!p0 [tilespmem:s12], [sflag:$0x9], $0x80, s10, s9, $0xb8;
	[tilespmem:$0x1FC00] =	vst v63  }
0x50: {  	_ =	swait.ge @!p0 [sflag:s11], $0x2000  }
0x51: {  	[sflag:s11] =	ssyncset.done @!p0 $0x0  }
0x52: {  	s10 =	sadd.s32 @!p0 $0x20, s14;
	s12 =	simm.s32 @!p0 $0x100;
	[sflag:s11] =	ssyncadd.s32 @!p0 $0xFFFFE000  }
0x53: {  	[tilespmem:s12], [sflag:$0x2] =	stream.linear.gather @!p0 [hbm4b:s10+s1], $0x100, $0x38;
	[tilespmem:$0x1FC00] =	vst v63  }
0x54: {  	_ =	swait.ge [sflag:s29], $0x2000  }
0x55: {  	[sflag:s29] =	ssyncset.done $0x0  }
0x56: {  	s13 =	rddreg [dreg:$0x7];
	[sflag:s29] =	ssyncadd.s32 $0xFFFFE000  }
0x57: {  	[spmem:s2] =	stream.indirect.scatter.add.f32 [tilespmem:s25], [sflag:$0x9], $0x80, s13, s21, $0xb8;
	[tilespmem:$0x1FC00] =	vst v63  }
0x58: {  	_ =	swait.ge [sflag:s16], $0x2000  }
0x59: {  	[sflag:s16] =	ssyncset.done $0x0  }
0x5a: {  	s10 =	simm.s32 @p0 $0x8;
	[sflag:s16] =	ssyncadd.s32 $0xFFFFE000  }
0x5b: {  	_ =	swait.ge @p0 [sflag:s10], $0x2000  }
0x5c: {  	[sflag:s10] =	ssyncset.done @p0 $0x0  }
0x5d: {  	s12 =	simm.s32 @p0 $0x6400;
	[sflag:s10] =	ssyncadd.s32 @p0 $0xFFFFE000;
	s10 =	simm.s32 @p0 $0x380  }
0x5e: {  	[spmem:s2] =	stream.indirect.scatter.add.f32 @p0 [tilespmem:s12], [sflag:$0x9], $0x80, s10, s0, $0xb8;
	[tilespmem:$0x1FC00] =	vst v63  }
0x5f: {  	_ =	swait.ge @p0 [sflag:s6], $0x2000  }
0x60: {  	[sflag:s6] =	ssyncset.done @p0 $0x0  }
0x61: {  	s0 =	sadd.s32 @!p0 $0x40, s14;
	[sflag:s6] =	ssyncadd.s32 @p0 $0xFFFFE000;
	s6 =	simm.s32 @!p0 $0x200  }
0x62: {  	[tilespmem:s6], [sflag:$0x3] =	stream.linear.gather @!p0 [hbm4b:s0+s1], $0x100, $0x38;
	[tilespmem:$0x1FC00] =	vst v63  }
0x63: {  	s0 =	simm.s32 @!p0 $0x8  }
0x64: {  	_ =	swait.ge @!p0 [sflag:s0], $0x2000  }
0x65: {  	p1 =	sne.s32 s5, $0x1;
	s6 =	simm.s32 @!p0 $0x6400;
	[sflag:s0] =	ssyncset.done @!p0 $0x0  }
.Ltmp0:
0x66: {  	[sflag:s0] =	ssyncadd.s32 @!p0 $0xFFFFE000;
	s0 =	simm.s32 @!p0 $0x380;
	(pc) =	sbr.rel @!p1 .LBB2_3-.Ltmp0, $4  }
0x67: {  	[spmem:s2] =	stream.indirect.scatter.add.f32 @!p0 [tilespmem:s6], [sflag:$0x9], $0x80, s0, s9, $0xb8;
	[tilespmem:$0x1FC00] =	vst v63  }
0x68: {  	_ =	swait.ge @!p0 [sflag:s11], $0x2000  }
0x69: {  	s31 =	simm.s32 $0x1;
	s0 =	sadd.s32 $0x80, s14;
	[sflag:s11] =	ssyncset.done @!p0 $0x0  }
0x6a: {  	s6 =	sadd.s32 @!p0 $0x60, s14;
	s9 =	simm.s32 @!p0 $0x300;
	[sflag:s11] =	ssyncadd.s32 @!p0 $0xFFFFE000  }
.LBB2_2:
0x6b: {  	[tilespmem:s9], [sflag:$0x4] =	stream.linear.gather @!p0 [hbm4b:s6+s1], $0x100, $0x38;
	[tilespmem:$0x1FC00] =	vst v63  }
0x6c: {  	_ =	swait.ge [sflag:s23], $0x100  }
0x6d: {  	[sflag:s23] =	ssyncset.done $0x0  }
0x6e: {  	s10 =	rddreg [dreg:$0x4];
	[sflag:s23] =	ssyncadd.s32 $0xFFFFFF00  }
0x6f: {  	[tilespmem:s10], [sflag:$0x6] =	stream.indirect.gather [hbm4b:s4+s21], $0x80, s17, s21, $0xb8;
	[tilespmem:$0x1FC00] =	vst v63  }
0x70: {  	_ =	swait.ge [sflag:s24], $0x100  }
0x71: {  	[sflag:s24] =	ssyncset.done $0x0  }
0x72: {  	[sflag:s24] =	ssyncadd.s32 $0xFFFFFF00  }
0x73: {  	[tilespmem:s25], [sflag:$0x7] =	stream.indirect.gather [hbm4b:s4+s21], $0x80, s18, s21, $0xb8;
	[tilespmem:$0x1FC00] =	vst v63  }
0x74: {  	_ =	swait.ge [sflag:s26], $0x100  }
0x75: {  	[sflag:s26] =	ssyncset.done $0x0  }
0x76: {  	s11 =	rddreg [dreg:$0x5];
	[sflag:s26] =	ssyncadd.s32 $0xFFFFFF00  }
0x77: {  	[tilespmem:s11], [sflag:$0x8] =	stream.indirect.gather [hbm4b:s4+s21], $0x80, s19, s21, $0xb8;
	[tilespmem:$0x1FC00] =	vst v63  }
0x78: {  	_ =	swait.ge [sflag:s28], $0x2000  }
0x79: {  	[sflag:s28] =	ssyncset.done $0x0  }
0x7a: {  	s12 =	rddreg [dreg:$0x6];
	[sflag:s28] =	ssyncadd.s32 $0xFFFFE000  }
0x7b: {  	[spmem:s2] =	stream.indirect.scatter.add.f32 [tilespmem:s22], [sflag:$0x9], $0x80, s12, s21, $0xb8;
	[tilespmem:$0x1FC00] =	vst v63  }
0x7c: {  	s31 =	sadd.s32 $0x1, s31;
	_ =	swait.ge [sflag:s16], $0x2000  }
0x7d: {  	p0 =	sge.u32 s31, s5;
	[sflag:s16] =	ssyncset.done $0x0  }
0x7e: {  	s1 =	simm.s32 @p0 $0x6;
	[sflag:s16] =	ssyncadd.s32 $0xFFFFE000  }
0x7f: {  	_ =	swait.ge @p0 [sflag:s1], $0x2000  }
0x80: {  	s9 =	simm.s32 @p0 $0x9;
	s10 =	simm.s32 @p0 $0x40;
	[sflag:s1] =	ssyncset.done @p0 $0x0  }
0x81: {  	s11 =	simm.s32 @p0 $0x2400;
	[sflag:s1] =	ssyncadd.s32 @p0 $0xFFFFE000;
	s1 =	simm.s32 @p0 $0x180  }
0x82: {  	[spmem:s2] =	stream.indirect.scatter.add.f32 @p0 [tilespmem:s11], [sflag:$0x9], $0x80, s1, s10, $0xb8;
	[tilespmem:$0x1FC00] =	vst v63  }
0x83: {  	_ =	swait.ge @p0 [sflag:s9], $0x2000  }
0x84: {  	[sflag:s9] =	ssyncset.done @p0 $0x0  }
0x85: {  	s1 =	simm.s32 @!p0 $0x0;
	s11 =	simm.s32 @!p0 $0x1;
	[sflag:s9] =	ssyncadd.s32 @p0 $0xFFFFE000  }
0x86: {  	[tilespmem:s1], [sflag:$0x1] =	stream.linear.gather @!p0 [hbm4b:s0+s1], $0x100, $0x38;
	[tilespmem:$0x1FC00] =	vst v63  }
0x87: {  	_ =	swait.ge @!p0 [sflag:s11], $0x100  }
0x88: {  	s13 =	simm.s32 @!p0 $0x6;
	[sflag:s11] =	ssyncset.done @!p0 $0x0  }
0x89: {  	s12 =	simm.s32 @!p0 $0x400;
	[sflag:s11] =	ssyncadd.s32 @!p0 $0xFFFFFF00;
	s11 =	simm.s32 @!p0 $0x40  }
0x8a: {  	[tilespmem:s12], [sflag:$0x5] =	stream.indirect.gather @!p0 [hbm4b:s4+s11], $0x80, s1, s11, $0xb8;
	[tilespmem:$0x1FC00] =	vst v63  }
0x8b: {  	_ =	swait.ge @!p0 [sflag:s13], $0x2000  }
0x8c: {  	s7 =	simm.s32 @!p0 $0x2400;
	[sflag:s13] =	ssyncset.done @!p0 $0x0  }
0x8d: {  	s12 =	simm.s32 @!p0 $0x9;
	[sflag:s13] =	ssyncadd.s32 @!p0 $0xFFFFE000;
	s13 =	simm.s32 @!p0 $0x180  }
0x8e: {  	[spmem:s2] =	stream.indirect.scatter.add.f32 @!p0 [tilespmem:s7], [sflag:$0x9], $0x80, s13, s11, $0xb8;
	[tilespmem:$0x1FC00] =	vst v63  }
0x8f: {  	_ =	swait.ge @!p0 [sflag:s12], $0x2000  }
0x90: {  	[sflag:s12] =	ssyncset.done @!p0 $0x0  }
0x91: {  	s7 =	sadd.s32 @!p0 $0x20, s0;
	s13 =	simm.s32 @!p0 $0x100;
	[sflag:s12] =	ssyncadd.s32 @!p0 $0xFFFFE000  }
0x92: {  	[tilespmem:s13], [sflag:$0x2] =	stream.linear.gather @!p0 [hbm4b:s7+s1], $0x100, $0x38;
	[tilespmem:$0x1FC00] =	vst v63  }
0x93: {  	_ =	swait.ge [sflag:s29], $0x2000  }
0x94: {  	[sflag:s29] =	ssyncset.done $0x0  }
0x95: {  	s13 =	rddreg [dreg:$0x7];
	[sflag:s29] =	ssyncadd.s32 $0xFFFFE000  }
0x96: {  	[spmem:s2] =	stream.indirect.scatter.add.f32 [tilespmem:s25], [sflag:$0x9], $0x80, s13, s21, $0xb8;
	[tilespmem:$0x1FC00] =	vst v63  }
0x97: {  	_ =	swait.ge [sflag:s16], $0x2000  }
0x98: {  	[sflag:s16] =	ssyncset.done $0x0  }
0x99: {  	s7 =	simm.s32 @p0 $0x8;
	[sflag:s16] =	ssyncadd.s32 $0xFFFFE000  }
0x9a: {  	_ =	swait.ge @p0 [sflag:s7], $0x2000  }
0x9b: {  	[sflag:s7] =	ssyncset.done @p0 $0x0  }
0x9c: {  	s13 =	simm.s32 @p0 $0x6400;
	[sflag:s7] =	ssyncadd.s32 @p0 $0xFFFFE000;
	s7 =	simm.s32 @p0 $0x380  }
0x9d: {  	[spmem:s2] =	stream.indirect.scatter.add.f32 @p0 [tilespmem:s13], [sflag:$0x9], $0x80, s7, s10, $0xb8;
	[tilespmem:$0x1FC00] =	vst v63  }
0x9e: {  	_ =	swait.ge @p0 [sflag:s9], $0x2000  }
0x9f: {  	s7 =	simm.s32 @!p0 $0x8;
	[sflag:s9] =	ssyncset.done @p0 $0x0  }
0xa0: {  	s10 =	simm.s32 @!p0 $0x200;
	[sflag:s9] =	ssyncadd.s32 @p0 $0xFFFFE000;
	s9 =	sadd.s32 @!p0 $0x40, s0  }
0xa1: {  	[tilespmem:s10], [sflag:$0x3] =	stream.linear.gather @!p0 [hbm4b:s9+s1], $0x100, $0x38;
	[tilespmem:$0x1FC00] =	vst v63  }
0xa2: {  	_ =	swait.ge @!p0 [sflag:s7], $0x2000  }
0xa3: {  	p1 =	sne.s32 s5, s31;
	s9 =	simm.s32 @!p0 $0x6400;
	[sflag:s7] =	ssyncset.done @!p0 $0x0  }
.Ltmp1:
0xa4: {  	[sflag:s7] =	ssyncadd.s32 @!p0 $0xFFFFE000;
	s7 =	simm.s32 @!p0 $0x380;
	(pc) =	sbr.rel @p1 .LBB2_2-.Ltmp1, $4  }
0xa5: {  	[spmem:s2] =	stream.indirect.scatter.add.f32 @!p0 [tilespmem:s9], [sflag:$0x9], $0x80, s7, s11, $0xb8;
	[tilespmem:$0x1FC00] =	vst v63  }
0xa6: {  	s6 =	smov.u32 s0;
	_ =	swait.ge @!p0 [sflag:s12], $0x2000  }
0xa7: {  	s6 =	sadd.s32 @!p0 $0x60, s6;
	[sflag:s12] =	ssyncset.done @!p0 $0x0  }
0xa8: {  	s0 =	sadd.s32 $0x80, s0;
	s9 =	simm.s32 @!p0 $0x300;
	[sflag:s12] =	ssyncadd.s32 @!p0 $0xFFFFE000  }
.LBB2_3:
0xa9: {  	[tilespmem:s9], [sflag:$0x4] =	stream.linear.gather @!p0 [hbm4b:s6+s1], $0x100, $0x38;
	[tilespmem:$0x1FC00] =	vst v63  }
0xaa: {  	[bflag:$0x0] =	sbarrier.arrive $0xFFFF  }
0xab: {  	s0 =	rddreg [dreg:$0xd]  }
0xac: {  	[hbm:s0], [sflag:s8] =	dma.local [spmem:s15], $0x2F00  }
0xad: {  	_ =	swait.ge [sflag:s16], $0x2F00  }
0xae: {  	s30 =	sadd.s32 $0x1, s30;
	s31 =	rddreg [dreg:$0xe]  }
0xaf: {  	p0 =	sne.s32 s30, s31  }
.Ltmp2:
0xb0: {  	_ = 	snop;
	(pc) =	sbr.rel @p0 .LBB2_1-.Ltmp2, $3  }
0xb1: {  	_ =	sdelay $0x1  }
0xb2: {  	[sflag:s16] =	ssyncset.done $0x0  }
0xb3: {  	[sflag:s16] =	ssyncadd.s32 $0xFFFFD100  }
0xb4: {  	_ =	sfence.sel $0x180000  }
0xb5: {  	[bflag:$0x0] =	sbarrier.arrive $0xFFFF  }
0xb6: {  	_ =	strace $0x9000004A  }
0xb7: {  	s0 =	stileid.u32;
	[bflag:$0x2] =	sbarrier.arrive $0xFFFF  }
0xb8: {  	p0 =	sne.s32 s0, $0x0;
	s0 =	rddreg [dreg:$0x3]  }
0xb9: {  	s0 =	sadd.s32 @!p0 $0x100000, s0  }
0xba: {  	[sflag:s0] =	ssyncadd.tile.s32 @!p0 $0x1;
	_ =	shalt  }
.Lfunc_end2:
_tile_overlayer_lowered:
.L_overlay_start_2:
0xbb: {  	(tag) =	ssettag $0x2  }
0xbc: {  	s0 =	rddreg [dreg:$0x0];
	s2 =	stileid.u32  }
0xbd: {  	s1 =	rddreg [dreg:$0x1];
	p0 =	sne.s32 s2, $0x0  }
0xbe: {  	s3 =	rddreg [dreg:$0x2];
	[bflag:$0x3] =	sbarrier.arrive $0xFFFF;
	s2 =	simm.s32 @!p0 $0x1C09  }
0xbf: {  	[timem:s3], [sflag:s2] =	dma.local @!p0 [hbm:s0], s1  }
0xc0: {  	s0 =	simm.s32 @!p0 $0x9  }
0xc1: {  	_ =	swait.ge @!p0 [sflag:s0], s1  }
0xc2: {  	s1 =	ssub.s32 @!p0 $0x0, s1;
	[sflag:s0] =	ssyncset.done @!p0 $0x0  }
0xc3: {  	[sflag:s0] =	ssyncadd.s32 @!p0 s1  }
0xc4: {  	[bflag:$0x3] =	sbarrier.arrive $0xFFFF  }
0xc5: {  	_ =	shalt  }

// kernel: kernel.16.cloned.1.call-start
scs
__scs_entry_jumppad:
0x0: {  	(pc) =	sbr.rel $0x88, $3  }
0x1: {  	(tag) =	ssettag $0x0;
	lr =	simm.s32 $0x1  }
0x2: {  	[smem:$0x3F9A] =	sst lr;
	_ =	strace $0xD0000000  }
0x3: {  	_ = 	snop  }
0x4: {  	_ = 	snop  }
0x5: {  	_ = 	snop  }
0x6: {  	_ = 	snop  }
0x7: {  	_ = 	snop  }
__scs_overlays_trampoline_lowered:
0x8: {  	[smem:$0x3FA9] =	sst s0  }
0x9: {  	[smem:$0x3FAA] =	sst s1  }
0xa: {  	[smem:$0x3FAB] =	sst s2  }
0xb: {  	[smem:$0x3FAC] =	sst s3  }
0xc: {  	[smem:$0x3FAD] =	sst s4  }
0xd: {  	[smem:$0x3FAE] =	sst s5  }
0xe: {  	[smem:$0x3FAF] =	sst s6  }
0xf: {  	[smem:$0x3FB0] =	sst s7  }
0x10: {  	[smem:$0x3FB1] =	sst s8  }
0x11: {  	[smem:$0x3FB2] =	sst s9;
	s0 =	simm.s32 @!p0 $0x0  }
0x12: {  	s1 =	sld [smem:$0x3F98];
	s0 =	simm.s32 @p0 $0x1  }
0x13: {  	[smem:$0x3FB3] =	sst s0;
	s0 =	simm.s32 @!p1 $0x0  }
0x14: {  	s2 =	sld [smem:$0x3F97];
	s0 =	simm.s32 @p1 $0x1  }
0x15: {  	[smem:$0x3FB4] =	sst s0;
	s0 =	simm.s32 @!p2 $0x0  }
0x16: {  	s3 =	sld [smem:$0x3FDB];
	s0 =	simm.s32 @p2 $0x1  }
0x17: {  	s4 =	simm.s32 $0x1BF5;
	[smem:$0x3FB6] =	sst s0  }
0x18: {  	s0 =	sld [smem:$0x3F99];
	_ =	swait.ge [sflag:s4], $0x0  }
0x19: {  	s7 =	sld [smem:$0x3F9A]  }
0x1a: {  	s8 =	sadd.s32 $0xFFFFE003, lr  }
0x1b: {  	s9 =	sadd.s32 $0xFFFFFEF7, lr;
	s5 =	simm.s32 $0xFFFFFFFF;
	p2 =	slt.u32 s8, $0xFFFFF086  }
0x1c: {  	p1 =	slt.u32 s9, $0xF7A;
	s5 =	simm.s32 @!p2 $0x0  }
0x1d: {  	s5 =	simm.s32 @p1 $0x1;
	p0 =	seq.s32 s7, s2  }
0x1e: {  	s7 =	smul.u32 @!p0 $0xF7A, s2;
	p2 =	seq.s32 @!p0 s5, $0x0  }
0x1f: {  	s9 =	smul.u32 $0xF7A, s1;
	s8 =	simm.s32 @!p0 $0x1BF5;
	p2 =	por !p2, p0  }
0x20: {  	[sflag:s8] =	ssyncset.s32 @!p0 $0xFFFFF086;
	s6 =	sadd.s32 @!p0 s3, s7;
	s7 =	simm.s32 @!p0 $0x108  }
0x21: {  	s3 =	sadd.s32 s3, s9;
	s6 =	sadd.s32 @!p0 $0x88, s6;
	s7 =	simm.s32 @p2 $0x1082  }
0x22: {  	[simem:s7], [sflag:s8] =	dma.local @!p0 [hbm:s6], $0xF7A  }
0x23: {  	s9 =	sor.u32 $0xD0000000, s2;
	s6 =	simm.s32 $0x108;
	_ =	swait.ge @!p0 [sflag:s8], $0x0  }
0x24: {  	s3 =	sadd.s32 $0x88, s3;
	s6 =	simm.s32 @!p1 $0x1082;
	[sflag:s4] =	ssyncset.s32 $0xFFFFF086  }
0x25: {  	[simem:s6], [sflag:s4] =	dma.local [hbm:s3], $0xF7A  }
0x26: {  	[smem:$0x3F9A] =	sst s1;
	(tag) =	ssettag s2;
	_ =	strace s9  }
0x27: {  	s1 =	sld [smem:$0x3FAA]  }
0x28: {  	s2 =	sld [smem:$0x3FAB]  }
0x29: {  	s4 =	sld [smem:$0x3FAD]  }
0x2a: {  	p0 =	seq.s32 s5, $0x0;
	s5 =	sld [smem:$0x3FAE]  }
0x2b: {  	s6 =	sld [smem:$0x3FAF]  }
0x2c: {  	s7 =	sld [smem:$0x3FB0]  }
0x2d: {  	s3 =	simm.s32 $0x108;
	s8 =	sld [smem:$0x3FB1]  }
0x2e: {  	s3 =	simm.s32 @!p0 $0x1082;
	s9 =	sld [smem:$0x3FB2]  }
0x2f: {  	lr =	sadd.s32 s0, s3;
	s0 =	sld [smem:$0x3FA9]  }
0x30: {  	s3 =	sld [smem:$0x3FAC]  }
0x31: {  	[smem:$0x3FB5] =	sst s10  }
0x32: {  	s10 =	sld [smem:$0x3FB3];
	_ =	sdelay $0x3  }
0x33: {  	p0 =	seq.s32 s10, $0x1;
	s10 =	sld [smem:$0x3FB5];
	_ =	sdelay $0x3  }
0x34: {  	[smem:$0x3FB5] =	sst s10  }
0x35: {  	s10 =	sld [smem:$0x3FB4];
	_ =	sdelay $0x3  }
0x36: {  	p1 =	seq.s32 s10, $0x1;
	s10 =	sld [smem:$0x3FB5];
	_ =	sdelay $0x3  }
0x37: {  	[smem:$0x3FB5] =	sst s10  }
0x38: {  	s10 =	sld [smem:$0x3FB6]  }
0x39: {  	_ = 	snop;
	(pc) =	sbr.ind lr, $3  }
0x3a: {  	_ = 	snop  }
0x3b: {  	_ = 	snop  }
0x3c: {  	p2 =	seq.s32 s10, $0x1;
	s10 =	sld [smem:$0x3FB5]  }
0x3d: {  	_ =	shalt  }
0x3e: {  	_ =	shalt  }
0x3f: {  	_ =	shalt  }
0x40: {  	_ =	shalt  }
0x41: {  	_ =	shalt  }
0x42: {  	_ =	shalt  }
0x43: {  	_ =	shalt  }
0x44: {  	_ =	shalt  }
0x45: {  	_ =	shalt  }
0x46: {  	_ =	shalt  }
0x47: {  	_ =	shalt  }
0x48: {  	_ =	shalt  }
0x49: {  	_ =	shalt  }
0x4a: {  	_ =	shalt  }
0x4b: {  	_ =	shalt  }
0x4c: {  	_ =	shalt  }
0x4d: {  	_ =	shalt  }
0x4e: {  	_ =	shalt  }
0x4f: {  	_ =	shalt  }
0x50: {  	_ =	shalt  }
0x51: {  	_ =	shalt  }
0x52: {  	_ =	shalt  }
0x53: {  	_ =	shalt  }
0x54: {  	_ =	shalt  }
0x55: {  	_ =	shalt  }
0x56: {  	_ =	shalt  }
0x57: {  	_ =	shalt  }
0x58: {  	_ =	shalt  }
0x59: {  	_ =	shalt  }
0x5a: {  	_ =	shalt  }
0x5b: {  	_ =	shalt  }
0x5c: {  	_ =	shalt  }
0x5d: {  	_ =	shalt  }
0x5e: {  	_ =	shalt  }
0x5f: {  	_ =	shalt  }
0x60: {  	_ =	shalt  }
0x61: {  	_ =	shalt  }
0x62: {  	_ =	shalt  }
0x63: {  	_ =	shalt  }
0x64: {  	_ =	shalt  }
0x65: {  	_ =	shalt  }
0x66: {  	_ =	shalt  }
0x67: {  	_ =	shalt  }
0x68: {  	_ =	shalt  }
0x69: {  	_ =	shalt  }
0x6a: {  	_ =	shalt  }
0x6b: {  	_ =	shalt  }
0x6c: {  	_ =	shalt  }
0x6d: {  	_ =	shalt  }
0x6e: {  	_ =	shalt  }
0x6f: {  	_ =	shalt  }
0x70: {  	_ =	shalt  }
0x71: {  	_ =	shalt  }
0x72: {  	_ =	shalt  }
0x73: {  	_ =	shalt  }
0x74: {  	_ =	shalt  }
0x75: {  	_ =	shalt  }
0x76: {  	_ =	shalt  }
0x77: {  	_ =	shalt  }
0x78: {  	_ =	shalt  }
0x79: {  	_ =	shalt  }
0x7a: {  	_ =	shalt  }
0x7b: {  	_ =	shalt  }
0x7c: {  	_ =	shalt  }
0x7d: {  	_ =	shalt  }
0x7e: {  	_ =	shalt  }
0x7f: {  	_ =	shalt  }
0x80: {  	_ =	shalt  }
0x81: {  	_ =	shalt  }
0x82: {  	_ =	shalt  }
0x83: {  	_ =	shalt  }
0x84: {  	_ =	shalt  }
0x85: {  	_ =	shalt  }
0x86: {  	_ =	shalt  }
0x87: {  	_ =	shalt  }
.Lfunc_end0:
.L_simem_size_0:
called_computation.2_lowered:
.L_overlay_start_0:
0x88: {  	s2 =	sld [smem:$0x3FD9]  }
0x89: {  	s3 =	sld [smem:$0x3FFE];
	_ =	sdelay $0x1  }
0x8a: {  	s1 =	srdreg.scid  }
0x8b: {  	s0 =	sand.u32 $0x1, s1  }
0x8c: {  	s16 =	sshll.u32 s0, $0xA;
	s2 =	sadd.s32 s3, s2  }
0x8d: {  	s2 =	sadd.s32 s2, s16  }
0x8e: {  	[smem:$0x3FC1] =	sst s2  }
0x8f: {  	_ = 	snop  }
0x90: {  	(tm) =	ssettm $0x1  }
0x91: {  	s17 =	sld [smem:$0x3FFB];
	_ =	sdelay $0x3  }
0x92: {  	_ =	strace s17  }
0x93: {  	s2 =	sld [smem:$0x3FFC];
	_ =	sdelay $0x3  }
0x94: {  	_ =	strace s2  }
0x95: {  	s2 =	sld [smem:$0x3FFD];
	_ =	sdelay $0x3  }
0x96: {  	_ =	strace s2  }
0x97: {  	_ =	strace $0x8FFFFFFF  }
0x98: {  	s18 =	sld [smem:$0x3FDB];
	_ =	sdelay $0x1  }
0x99: {  	s19 =	simm.s32 $_scs_section_size  }
0x9a: {  	s4 =	simm.s32 $_size__tile_overlayer_lowered;
	s5 =	simm.s32 $_tile_overlayer_lowered  }
0x9b: {  	s22 =	simm.s32 $0x1BFF;
	s21 =	sshll.u32 s5, $0x1;
	s2 =	sadd.s32 s19, s18  }
0x9c: {  	s6 =	simm.s32 $0x0;
	s20 =	sshll.u32 s4, $0x1;
	s4 =	sadd.s32 s21, s2  }
0x9d: {  	[timem:s6], [sflag:s22] =	dma.local [hbm:s4], s20  }
0x9e: {  	_ =	swait.ge [sflag:s22], s20  }
0x9f: {  	s3 =	ssub.s32 $0x0, s20;
	[sflag:s22] =	ssyncset.done $0x0  }
0xa0: {  	[sflag:s22] =	ssyncadd.s32 s3;
	_ =	sdelay $0x1  }
0xa1: {  	s23 =	simm.s32 $0x1B8B  }
0xa2: {  	_ =	swait.ge [sflag:s23], $0x1  }
0xa3: {  	[sflag:s23] =	ssyncset.done $0x0  }
0xa4: {  	s25 =	simm.s32 $0x1B8E;
	s24 =	sld [smem:$0x3FFE];
	[sflag:s23] =	ssyncadd.s32 $0xFFFFFFFF  }
0xa5: {  	s26 =	simm.s32 $execute0_lowered;
	[smem:$0x3FD2] =	sst s25  }
0xa6: {  	s4 =	sshll.u32 s26, $0x1;
	_ =	strace $0x8000004C;
	[dreg:$0x1] =	wrdreg $0xFFFFFFFF  }
0xa7: {  	s28 =	simm.s32 $_size_execute0_lowered;
	s2 =	sadd.s32 s2, s4;
	[dreg:$0x0] =	wrdreg $0x0  }
0xa8: {  	s4 =	sshll.u32 s28, $0x1;
	[dreg:$0x2] =	wrdreg s2  }
0xa9: {  	[dreg:$0x3] =	wrdreg s4  }
0xaa: {  	[dreg:$0x4] =	wrdreg $0xC0  }
0xab: {  	_ =	task [dreg:s6], $0x5FFFF  }
0xac: {  	[dreg:$0x1] =	wrdreg $0xFFFFFFFF  }
0xad: {  	[dreg:$0x0] =	wrdreg $0x60  }
0xae: {  	[dreg:$0x2] =	wrdreg s24  }
0xaf: {  	[dreg:$0x3] =	wrdreg $0x9  }
0xb0: {  	_ =	task.clear_ibuf [dreg:s6], $0x4FFFF;
	_ =	strace $0x9000004C  }
0xb1: {  	s29 =	simm.s32 $0x9;
	_ =	strace $0x8000004E  }
0xb2: {  	_ =	swait.ge [sflag:s29], $0x1  }
0xb3: {  	[sflag:s29] =	ssyncadd.s32 $0xFFFFFFFF  }
0xb4: {  	_ =	strace $0x9000004E  }
0xb5: {  	_ =	sfence  }
0xb6: {  	s30 =	sld [smem:$0x0];
	_ =	sdelay $0x2  }
0xb7: {  	s31 =	sshll.u32 s1, $0xD;
	s1 =	sshrl.u32 s1, $0x2  }
0xb8: {  	s3 =	sand.u32 $0x4000, s31;
	s1 =	sadd.s32 s1, s30  }
0xb9: {  	s0 =	sor.u32 s3, s0;
	s1 =	sshll.u32 s1, $0x11  }
0xba: {  	s0 =	sor.u32 s1, s0  }
0xbb: {  	s0 =	sadd.s32 $0x8F2B, s0  }
0xbc: {  	[sflag:s0] =	ssyncadd.remote.s32 $0x1  }
0xbd: {  	_ =	sfence.sel $0xFFFF  }
0xbe: {  	[dreg:$0x0] =	wrdreg $0xFFFFFFFF;
	(pc) =	sbr.abs _section_cstart, $3  }
0xbf: {  	[dreg:$0x1] =	wrdreg $0xFFFFFFFF  }
0xc0: {  	_ =	task.clear_ibuf [dreg:s6], $0x2FFFF;
	_ =	strace $0x9FFFFFFF  }
0xc1: {  	(tm) =	ssettm $0x7FFFFFFF  }
tec
execute0_lowered:
.L_overlay_start_1:
0x0: {  	(tag) =	ssettag $0x1  }
0x1: {  	s4 =	rddreg [dreg:$0x0];
	s2 =	srdreg.scid  }
0x2: {  	s0 =	rddreg [dreg:$0x1];
	s1 =	stileid.u32;
	s10 =	simm.s32 $0x200  }
0x3: {  	s11 =	simm.s32 $0x80;
	s12 =	simm.s32 $0x2A00;
	s13 =	simm.s32 $0x100  }
0x4: {  	s14 =	simm.s32 $0x5200;
	s15 =	simm.s32 $0x180;
	s16 =	simm.s32 $0x7A00  }
0x5: {  	s17 =	simm.s32 $0xA200;
	s18 =	simm.s32 $0x1;
	s19 =	simm.s32 $0x0  }
0x6: {  	s3 =	sand.u32 $0x1, s2;
	s2 =	simm.s32 $0x0;
	s5 =	sshll.u32 s1, $0x6  }
0x7: {  	s6 =	sshll.u32 s3, $0x4;
	[smem:$0x7FF] =	sst s2;
	s5 =	sand.u32 $0x40, s5  }
0x8: {  	s8 =	ssub.s32 $0x2, s3;
	s3 =	sadd.s32 $0x2AA00, s4;
	s6 =	sor.u32 s1, s6  }
0x9: {  	_ =	strace $0x8000004D;
	s5 =	sadd.s32 s5, s4;
	s9 =	sshrl.u32 s8, $0x1  }
0xa: {  	s7 =	sshll.u32 s6, $0x6;
	s6 =	smul.u32 $0x1400, s6;
	s31 =	ssub.s32 s8, s9  }
0xb: {  	s8 =	simm.s32 $0x2;
	s9 =	simm.s32 $0x50;
	s7 =	sand.u32 $0x780, s7  }
0xc: {  	s5 =	sadd.s32 s7, s5;
	s6 =	sadd.s32 s6, s4;
	s7 =	smax.u32 s31, $0x1  }
0xd: {  	s4 =	sadd.s32 $0x2A200, s5;
	s5 =	sadd.s32 $0x2200, s6;
	s6 =	sadd.s32 $0x59A00, s6  }
.LBB2_1:
0xe: {  	[tilespmem:s2], [sflag:$0x2] =	stream.linear.gather [hbm4b:s4+s2], $0x200, $0x38;
	[tilespmem:$0x14200] =	vst v63  }
0xf: {  	_ =	swait.ge [sflag:s8], $0x200  }
0x10: {  	[sflag:s8] =	ssyncset.done $0x0  }
0x11: {  	[sflag:s8] =	ssyncadd.s32 $0xFFFFFE00  }
0x12: {  	[tilespmem:s10], [sflag:$0x1] =	stream.indirect.gather [hbm4b:s3+s9], $0x80, s2, s9, $0xb8;
	[tilespmem:$0x14200] =	vst v63  }
0x13: {  	_ = 	snop  }
0x14: {  	[tilespmem:s12], [sflag:$0x1] =	stream.indirect.gather [hbm4b:s3+s9], $0x80, s11, s9, $0xb8;
	[tilespmem:$0x14200] =	vst v63  }
0x15: {  	_ = 	snop  }
0x16: {  	[tilespmem:s14], [sflag:$0x1] =	stream.indirect.gather [hbm4b:s3+s9], $0x80, s13, s9, $0xb8;
	[tilespmem:$0x14200] =	vst v63  }
0x17: {  	_ = 	snop  }
0x18: {  	[tilespmem:s16], [sflag:$0x1] =	stream.indirect.gather [hbm4b:s3+s9], $0x80, s15, s9, $0xb8;
	[tilespmem:$0x14200] =	vst v63  }
0x19: {  	_ = 	snop  }
0x1a: {  	[tilespmem:s17], [sflag:$0x1] =	stream.linear.gather [hbm4b:s5+s2], $0xA000, $0x38;
	[tilespmem:$0x14200] =	vst v63  }
0x1b: {  	_ =	swait.ge [sflag:s18], $0x2800  }
0x1c: {  	[sflag:s18] =	ssyncset.done $0x0  }
0x1d: {  	[sflag:s18] =	ssyncadd.s32 $0xFFFFD800  }
0x1e: {  	_ =	swait.ge [sflag:s18], $0x2800  }
0x1f: {  	[sflag:s18] =	ssyncset.done $0x0  }
0x20: {  	[sflag:s18] =	ssyncadd.s32 $0xFFFFD800  }
0x21: {  	_ =	swait.ge [sflag:s18], $0x2800  }
0x22: {  	[sflag:s18] =	ssyncset.done $0x0  }
0x23: {  	[sflag:s18] =	ssyncadd.s32 $0xFFFFD800  }
0x24: {  	_ =	swait.ge [sflag:s18], $0x2800  }
0x25: {  	[sflag:s18] =	ssyncset.done $0x0  }
0x26: {  	[sflag:s18] =	ssyncadd.s32 $0xFFFFD800  }
0x27: {  	_ =	swait.ge [sflag:s18], $0xA000  }
0x28: {  	[sflag:s18] =	ssyncset.done $0x0  }
0x29: {  	s20 =	simm.s32 $0x0;
	[sflag:s18] =	ssyncadd.s32 $0xFFFF6000  }
0x2a: {  	v7 =	vld [tilespmem:s20+$0xA200]  }
0x2b: {  	v11 =	vld [tilespmem:s20+$0xA210]  }
0x2c: {  	v5 =	vld [tilespmem:s20+$0xA220]  }
0x2d: {  	v4 =	vld [tilespmem:s20+$0xA230]  }
0x2e: {  	v3 =	vld [tilespmem:s20+$0xA240]  }
0x2f: {  	v2 =	vld [tilespmem:s20+$0xA250]  }
0x30: {  	v1 =	vld [tilespmem:s20+$0xA260]  }
0x31: {  	v0 =	vld [tilespmem:s20+$0xA270]  }
0x32: {  	v12 =	vld [tilespmem:s20+$0x200]  }
0x33: {  	v13 =	vld [tilespmem:s20+$0x210]  }
0x34: {  	v10 =	vld [tilespmem:s20+$0x220]  }
0x35: {  	v9 =	vld [tilespmem:s20+$0x230]  }
0x36: {  	v8 =	vld [tilespmem:s20+$0x240]  }
0x37: {  	v6 =	vld [tilespmem:s20+$0x250];
	v12 =	vadd.f32 v7, v12  }
0x38: {  	s21 =	simm.s32 $0x200;
	v11 =	vadd.f32 v11, v13;
	v7 =	vld [tilespmem:s20+$0x260]  }
.LBB2_2:
0x39: {  	s22 =	sshra.s32 s21, $0x2;
	p0 =	sne.s32 s21, $0x27E00;
	[tilespmem:s20+$0x200] =	vst v12;
	v5 =	vadd.f32 v5, v10;
	v10 =	vld [tilespmem:s20+$0x270]  }
0x3a: {  	v12 =	vld [tilespmem:s22+$0xA200];
	[tilespmem:s20+$0x210] =	vst v11;
	v4 =	vadd.f32 v4, v9  }
0x3b: {  	v11 =	vld [tilespmem:s22+$0xA210];
	[tilespmem:s20+$0x220] =	vst v5;
	v3 =	vadd.f32 v3, v8  }
0x3c: {  	v5 =	vld [tilespmem:s22+$0xA220];
	[tilespmem:s20+$0x230] =	vst v4;
	v2 =	vadd.f32 v2, v6  }
0x3d: {  	v4 =	vld [tilespmem:s22+$0xA230];
	[tilespmem:s20+$0x240] =	vst v3;
	v1 =	vadd.f32 v1, v7  }
0x3e: {  	v3 =	vld [tilespmem:s22+$0xA240];
	[tilespmem:s20+$0x250] =	vst v2;
	v0 =	vadd.f32 v0, v10  }
0x3f: {  	v2 =	vld [tilespmem:s22+$0xA250];
	[tilespmem:s20+$0x260] =	vst v1  }
0x40: {  	v1 =	vld [tilespmem:s22+$0xA260];
	[tilespmem:s20+$0x270] =	vst v0;
	s20 =	smov.u32 s22  }
0x41: {  	v0 =	vld [tilespmem:s20+$0xA270]  }
0x42: {  	v6 =	vld [tilespmem:s20+$0x200]  }
0x43: {  	v7 =	vld [tilespmem:s20+$0x210]  }
.Ltmp0:
0x44: {  	v10 =	vld [tilespmem:s20+$0x220];
	(pc) =	sbr.rel @p0 .LBB2_2-.Ltmp0, $4  }
0x45: {  	v9 =	vld [tilespmem:s20+$0x230]  }
0x46: {  	v8 =	vld [tilespmem:s20+$0x240]  }
0x47: {  	v12 =	vadd.f32 v12, v6;
	v6 =	vld [tilespmem:s20+$0x250]  }
0x48: {  	s21 =	sadd.s32 $0x200, s21;
	v11 =	vadd.f32 v11, v7;
	v7 =	vld [tilespmem:s20+$0x260]  }
0x49: {  	[tilespmem:s20+$0x200] =	vst v12;
	v5 =	vadd.f32 v5, v10;
	v63 =	vld [tilespmem:s20+$0x270]  }
0x4a: {  	[tilespmem:s20+$0x210] =	vst v11;
	v4 =	vadd.f32 v4, v9  }
0x4b: {  	[tilespmem:s20+$0x220] =	vst v5;
	v3 =	vadd.f32 v3, v8  }
0x4c: {  	[tilespmem:s20+$0x230] =	vst v4;
	v2 =	vadd.f32 v2, v6  }
0x4d: {  	[tilespmem:s20+$0x240] =	vst v3;
	v1 =	vadd.f32 v1, v7  }
0x4e: {  	s19 =	sadd.s32 $0x1, s19;
	[tilespmem:s20+$0x250] =	vst v2;
	v0 =	vadd.f32 v0, v63  }
0x4f: {  	p0 =	sne.s32 s19, s7;
	[tilespmem:s20+$0x260] =	vst v1  }
.Ltmp1:
0x50: {  	[tilespmem:s20+$0x270] =	vst v0;
	(pc) =	sbr.rel @p0 .LBB2_1-.Ltmp1, $4  }
0x51: {  	[hbm4b:s6+s2] =	stream.linear.scatter [tilespmem:s10], [sflag:$0x2], $0xA000, $0x38;
	[tilespmem:$0x14200] =	vst v63  }
0x52: {  	_ =	swait.ge [sflag:s8], $0xA000  }
0x53: {  	[sflag:s8] =	ssyncset.done $0x0  }
0x54: {  	[sflag:s8] =	ssyncadd.s32 $0xFFFF6000  }
0x55: {  	_ =	sfence.sel $0x180000  }
0x56: {  	[bflag:$0x0] =	sbarrier.arrive $0xFFFF  }
0x57: {  	p0 =	sne.s32 s1, $0x0;
	_ =	strace $0x9000004D  }
0x58: {  	s0 =	sadd.s32 @!p0 $0x100000, s0;
	[bflag:$0x2] =	sbarrier.arrive $0xFFFF  }
0x59: {  	[sflag:s0] =	ssyncadd.tile.s32 @!p0 $0x1;
	_ =	shalt  }
.Lfunc_end2:
_tile_overlayer_lowered:
.L_overlay_start_2:
0x5a: {  	(tag) =	ssettag $0x2  }
0x5b: {  	s0 =	rddreg [dreg:$0x0];
	s2 =	stileid.u32  }
0x5c: {  	s1 =	rddreg [dreg:$0x1];
	p0 =	sne.s32 s2, $0x0  }
0x5d: {  	s3 =	rddreg [dreg:$0x2];
	[bflag:$0x3] =	sbarrier.arrive $0xFFFF;
	s2 =	simm.s32 @!p0 $0x1C02  }
0x5e: {  	[timem:s3], [sflag:s2] =	dma.local @!p0 [hbm:s0], s1  }
0x5f: {  	s0 =	simm.s32 @!p0 $0x2  }
0x60: {  	_ =	swait.ge @!p0 [sflag:s0], s1  }
0x61: {  	s1 =	ssub.s32 @!p0 $0x0, s1;
	[sflag:s0] =	ssyncset.done @!p0 $0x0  }
0x62: {  	[sflag:s0] =	ssyncadd.s32 @!p0 s1  }
0x63: {  	[bflag:$0x3] =	sbarrier.arrive $0xFFFF  }
0x64: {  	_ =	shalt  }

</sc_bundles>
